<compile_context>
chip_gen: v7x
topology: tpu7x:2x2x1
jax: 0.10.2.dev20260603
libtpu: 0.0.44.dev20260713+nightly
codegen_flags: <defaults>
</compile_context>

<pallas_src>
import functools

import jax
import jax.numpy as jnp
import numpy as np
from jax import lax
from jax.experimental import pallas as pl
from jax.experimental.pallas import tpu as pltpu
from jax.experimental.pallas import tpu_sc as plsc

F = 26
V = 100000
D = 16
B = 4096
EPS = 1e-5
NPAIR = F * (F - 1) // 2
_ROWS_NP, _COLS_NP = np.triu_indices(F, k=1)

_NC = 2
_NS = 16
_NW = _NC * _NS
_BPW = B // _NW
_LPW = _BPW * F
_CHUNK = 256
_NCHUNK = _LPW // _CHUNK

_VPAD = 784 * 128


_ECHUNK = 16
_NECHUNK = _LPW // _ECHUNK
_VT = (V // 128) * 128


def _sc_gather_emb(etab, etail, r0a, c0a, lanea, taila, lanta):
    mesh = plsc.VectorSubcoreMesh(core_axis_name="c", subcore_axis_name="s")

    @functools.partial(
        pl.kernel,
        mesh=mesh,
        compiler_params=pltpu.CompilerParams(needs_layout_passes=False),
        out_type=jax.ShapeDtypeStruct((B * F * D,), jnp.float32),
        scratch_types=[
            pltpu.VMEM((_LPW,), jnp.int32),
            pltpu.VMEM((_LPW,), jnp.int32),
            pltpu.VMEM((_LPW,), jnp.int32),
            pltpu.VMEM((_LPW,), jnp.int32),
            pltpu.VMEM((_LPW,), jnp.int32),
            pltpu.VMEM((F * D, V - _VT), jnp.float32),
            pltpu.VMEM((_ECHUNK * D, 128), jnp.float32),
            pltpu.VMEM((_LPW * D // 2,), jnp.float32),
            pltpu.SemaphoreType.DMA,
        ],
    )
    def gather_kernel(etab_hbm, etail_hbm, r0_hbm, c0_hbm, lane_hbm,
                      tail_hbm, lant_hbm, e_out,
                      r0_v, c0_v, lane_v, tail_v, lant_v,
                      tailbuf_v, slab_v, nat_v, sem):
        wid = lax.axis_index("s") * _NC + lax.axis_index("c")
        base = wid * _LPW
        lane_iota = lax.iota(jnp.int32, 16)
        pltpu.sync_copy(etail_hbm, tailbuf_v)
        pltpu.sync_copy(r0_hbm.at[pl.ds(base, _LPW)], r0_v)
        pltpu.sync_copy(c0_hbm.at[pl.ds(base, _LPW)], c0_v)
        pltpu.sync_copy(lane_hbm.at[pl.ds(base, _LPW)], lane_v)
        pltpu.sync_copy(tail_hbm.at[pl.ds(base, _LPW)], tail_v)
        pltpu.sync_copy(lant_hbm.at[pl.ds(base, _LPW)], lant_v)

        def chunk_step(c, carry):
            cb = c * _ECHUNK
            nb = (c % (_NECHUNK // 2)) * _ECHUNK

            def fire(s, carry2):
                s16 = cb + s * 16
                r016 = r0_v[pl.ds(s16, 16)]
                c016 = c0_v[pl.ds(s16, 16)]
                for k in range(16):
                    r0 = pl.multiple_of(r016[k], D)
                    c0 = pl.multiple_of(c016[k], 128)
                    pltpu.async_copy(
                        etab_hbm.at[pl.ds(r0, D), pl.ds(c0, 128)],
                        slab_v.at[pl.ds((s * 16 + k) * D, D), :], sem)
                return carry2

            lax.fori_loop(0, _ECHUNK // 16, fire, 0)
            pltpu.make_async_copy(
                etab_hbm.at[pl.ds(0, _ECHUNK * D), pl.ds(0, 128)],
                slab_v, sem).wait()

            def select(s, carry2):
                s16 = cb + s * 16
                lane16 = lane_v[pl.ds(s16, 16)]
                r016 = r0_v[pl.ds(s16, 16)]
                tail16 = tail_v[pl.ds(s16, 16)]
                lant16 = lant_v[pl.ds(s16, 16)]
                for k in range(16):
                    rows = (s * 16 + k) * D + lane_iota
                    lanes = lane_iota * 0 + lane16[k]
                    vmain = plsc.load_gather(slab_v, [rows, lanes])
                    vtail = plsc.load_gather(
                        tailbuf_v,
                        [r016[k] + lane_iota, lane_iota * 0 + lant16[k]])
                    nat_v[pl.ds((nb + s * 16 + k) * D, D)] = jnp.where(
                        tail16[k] == 0, vmain, vtail)
                return carry2

            lax.fori_loop(0, _ECHUNK // 16, select, 0)
            return carry

        half = _LPW * D // 2
        for h in range(2):
            lax.fori_loop(h * (_NECHUNK // 2), (h + 1) * (_NECHUNK // 2),
                          chunk_step, 0)
            pltpu.sync_copy(nat_v, e_out.at[pl.ds(base * D + h * half, half)])

    return gather_kernel(etab, etail, r0a, c0a, lanea, taila, lanta)


def _sc_gather_lin(l128, xcols):
    mesh = plsc.VectorSubcoreMesh(core_axis_name="c", subcore_axis_name="s")

    @functools.partial(
        pl.kernel,
        mesh=mesh,
        compiler_params=pltpu.CompilerParams(needs_layout_passes=False),
        out_type=jax.ShapeDtypeStruct((F * B,), jnp.float32),
        scratch_types=[
            pltpu.VMEM((784, 128), jnp.float32),
            pltpu.VMEM((B,), jnp.int32),
            pltpu.VMEM((B,), jnp.float32),
        ],
    )
    def lin_kernel(l128_hbm, x_hbm, lt_out, slab_v, idx_v, val_v):
        wid = lax.axis_index("s") * _NC + lax.axis_index("c")

        @pl.when(wid < F)
        def _work():
            pltpu.sync_copy(l128_hbm.at[pl.ds(wid * 784, 784), :], slab_v)
            pltpu.sync_copy(x_hbm.at[wid], idx_v)

            def chunk(c, carry):
                b16 = c * 16
                v16 = idx_v[pl.ds(b16, 16)]
                vals = plsc.load_gather(
                    slab_v, [lax.shift_right_logical(v16, 7), v16 & 127])
                val_v[pl.ds(b16, 16)] = vals
                return carry

            lax.fori_loop(0, B // 16, chunk, 0)
            pltpu.sync_copy(val_v, lt_out.at[pl.ds(wid * B, B)])

    return lin_kernel(l128, xcols)


_BBLK = 128
_NBLK = B // _BBLK


def _dense_body(e2_ref, linT_ref, alpha_ref, beta_ref, out_ref, innerT_s):
    p = pl.program_id(0)
    lane0 = pl.multiple_of(p * _BBLK, _BBLK)

    eT_blk = lax.transpose(e2_ref[:, :], (1, 0))
    svals = []
    for q in range(NPAIR):
        i = int(_ROWS_NP[q]) * D
        j = int(_COLS_NP[q]) * D
        prod = eT_blk[i:i + D, :] * eT_blk[j:j + D, :]
        svals.append(jnp.sum(prod, axis=0, keepdims=True))
    innerT_s[:, pl.ds(lane0, _BBLK)] = jnp.concatenate(svals, axis=0)

    @pl.when(p == _NBLK - 1)
    def _stats():
        inner = innerT_s[:, :]
        m = jnp.mean(inner, axis=1, keepdims=True)
        ex2 = jnp.mean(inner * inner, axis=1, keepdims=True)
        w = jnp.tanh(beta_ref[:, :]) * lax.rsqrt(ex2 - m * m + EPS)
        fm = jnp.sum(w * (inner - m), axis=0, keepdims=True)

        lin = linT_ref[:, :]
        lm = jnp.mean(lin, axis=1, keepdims=True)
        lex2 = jnp.mean(lin * lin, axis=1, keepdims=True)
        la = jnp.tanh(alpha_ref[:, :]) * lax.rsqrt(lex2 - lm * lm + EPS)
        lout = jnp.sum(la * (lin - lm), axis=0, keepdims=True)

        out_ref[:, :] = lax.transpose(jax.nn.sigmoid(lout + fm), (1, 0))


def _dense(e2, linT, alpha_col, beta_col):
    return pl.pallas_call(
        _dense_body,
        grid=(_NBLK,),
        out_shape=jax.ShapeDtypeStruct((B, 1), jnp.float32),
        in_specs=[
            pl.BlockSpec((_BBLK, F * D), lambda p: (p, 0)),
            pl.BlockSpec((F, B), lambda p: (0, 0)),
            pl.BlockSpec((F, 1), lambda p: (0, 0)),
            pl.BlockSpec((NPAIR, 1), lambda p: (0, 0)),
        ],
        out_specs=pl.BlockSpec((B, 1), lambda p: (0, 0)),
        scratch_shapes=[
            pltpu.VMEM((NPAIR, B), jnp.float32),
        ],
    )(e2, linT, alpha_col, beta_col)


def kernel(x, lin_w, emb, alpha, beta):
    etab = emb.transpose(0, 2, 1).reshape(F * D, V)
    lpad = jnp.pad(lin_w.reshape(F, V), ((0, 0), (0, _VPAD - V)))
    l128 = lpad.reshape(F * 784, 128)

    xi = x.astype(jnp.int32)
    xflat = xi.reshape(-1)
    n = jnp.arange(B * F, dtype=jnp.int32)
    fld = n % F
    c0a = jnp.minimum(jax.lax.shift_right_logical(xflat, 7),
                      (_VT // 128) - 1) * 128
    e1d = _sc_gather_emb(
        etab, etab[:, _VT:], fld * D, c0a,
        jnp.minimum(xflat - c0a, 127),
        (xflat >= _VT).astype(jnp.int32),
        jnp.clip(xflat - _VT, 0, V - _VT - 1))
    e2 = e1d.reshape(B, F * D)
    lt_flat = _sc_gather_lin(l128, xi.T)
    linT = lt_flat.reshape(F, B)
    return _dense(e2, linT, alpha.reshape(F, 1), beta.reshape(NPAIR, 1))

# --- scband reference (transcript-rebuilt; emitter-appended) ---
"""Pipeline reference for scband-ex-fm-84335977824263 (READ-ONLY COPY).

The authoritative reference and input builder live on the scoring server;
editing this copy changes nothing except your own understanding.
"""

import jax, jax.numpy as jnp
import numpy as np

NUM_FIELDS = 26
VOCAB = 100000
EMBED_DIM = 16
BATCH = 4096
EPS = 1e-5


def setup_inputs(seed: int = 0) -> dict:
    key = jax.random.key(seed)
    k1, k2, k3, k4, k5 = jax.random.split(key, 5)
    # sparse feature indices, one column per field (forward takes these cast to long)
    x = jax.random.randint(k1, (BATCH, NUM_FIELDS), 0, VOCAB, dtype=jnp.int32)
    # per-field linear weight embedding tables (embedding_dim = 1), init_std = 1e-4
    lin_w = jax.random.normal(k2, (NUM_FIELDS, VOCAB, 1), dtype=jnp.float32) * 1e-4
    # per-field FM embedding tables, init_std = 1e-4
    emb = jax.random.normal(k3, (NUM_FIELDS, VOCAB, EMBED_DIM), dtype=jnp.float32) * 1e-4
    # alpha structure gates: uniform in [mean - radius, mean + radius] = [0.499, 0.501]
    alpha = 0.5 + (jax.random.uniform(k4, (NUM_FIELDS,), dtype=jnp.float32) * 2.0 - 1.0) * 0.001
    n_pairs = NUM_FIELDS * (NUM_FIELDS - 1) // 2
    # beta structure gates for every field pair
    beta = 0.5 + (jax.random.uniform(k5, (n_pairs,), dtype=jnp.float32) * 2.0 - 1.0) * 0.001
    return {"x": x, "lin_w": lin_w, "emb": emb, "alpha": alpha, "beta": beta}


def reference(x, lin_w, emb, alpha, beta):
    B, F = x.shape
    field_idx = jnp.arange(F)[None, :]
    # ---- NormalizedWeightedLinearLayer ----
    # per-field scalar weight lookup: [B, F]
    lin_terms = lin_w[field_idx, x][..., 0]
    # batch-normalize each field's linear term (BN, training-mode statistics)
    mean = jnp.mean(lin_terms, axis=0, keepdims=True)
    var = jnp.var(lin_terms, axis=0, keepdims=True)
    lin_norm = (lin_terms - mean) / jnp.sqrt(var + EPS)
    # gate with activated alpha (tanh) and reduce over fields
    alpha_act = jnp.tanh(alpha)
    linear_out = jnp.sum(lin_norm * alpha_act[None, :], axis=1, keepdims=True)
    # ---- NormalizedWeightedFMLayer ----
    # per-field embedding lookup: [B, F, D]
    e = emb[field_idx, x]
    rows, cols = np.triu_indices(F, k=1)
    # pairwise inner products over all selected pairs: [B, n_pairs]
    inner = jnp.sum(e[:, rows, :] * e[:, cols, :], axis=-1)
    m = jnp.mean(inner, axis=0, keepdims=True)
    v = jnp.var(inner, axis=0, keepdims=True)
    inner_norm = (inner - m) / jnp.sqrt(v + EPS)
    beta_act = jnp.tanh(beta)
    fm_out = jnp.sum(inner_norm * beta_act[None, :], axis=1, keepdims=True)
    return jax.nn.sigmoid(linear_out + fm_out)

if __name__ == "__main__":
    import jax
    _d = setup_inputs()
    print(jax.jit(kernel)(*tuple(_d.values())))

</pallas_src>

<mosaic_0001>
#map = affine_map<(d0, d1) -> (0, 0)>
#map1 = affine_map<(d0, d1) -> (0)>
module attributes {stable_mosaic.version = 14 : i64} {
  func.func @gather_kernel(%arg0: i32, %arg1: i32, %arg2: memref<416x100000xf32, #tpu.memory_space<hbm>>, %arg3: memref<416x32xf32, #tpu.memory_space<hbm>>, %arg4: memref<106496xi32, #tpu.memory_space<hbm>>, %arg5: memref<106496xi32, #tpu.memory_space<hbm>>, %arg6: memref<106496xi32, #tpu.memory_space<hbm>>, %arg7: memref<106496xi32, #tpu.memory_space<hbm>>, %arg8: memref<106496xi32, #tpu.memory_space<hbm>>, %arg9: memref<1703936xf32, #tpu.memory_space<hbm>>, %arg10: memref<3328xi32, #tpu.memory_space<vmem>>, %arg11: memref<3328xi32, #tpu.memory_space<vmem>>, %arg12: memref<3328xi32, #tpu.memory_space<vmem>>, %arg13: memref<3328xi32, #tpu.memory_space<vmem>>, %arg14: memref<3328xi32, #tpu.memory_space<vmem>>, %arg15: memref<416x32xf32, #tpu.memory_space<vmem>>, %arg16: memref<256x128xf32, #tpu.memory_space<vmem>>, %arg17: memref<26624xf32, #tpu.memory_space<vmem>>, %arg18: memref<!tpu.dma_semaphore, #tpu.memory_space<semaphore_mem>>) attributes {dimension_semantics = [#tpu.dimension_semantics<core_parallel>, #tpu.dimension_semantics<subcore_parallel>], iteration_bounds = array<i64: 2, 16>, scalar_prefetch = 0 : i64, scratch_operands = 9 : i64, tpu.core_type = #tpu.core_type<sc_vector_subcore>, window_params = [{transform_indices = #map}, {transform_indices = #map}, {transform_indices = #map1}, {transform_indices = #map1}, {transform_indices = #map1}, {transform_indices = #map1}, {transform_indices = #map1}, {transform_indices = #map1}]} {
    %mul3A = arith.constant 2 : i32
    %mul3A_0 = arith.muli %arg1, %mul3A : i32
    %add3A = arith.addi %mul3A_0, %arg0 : i32
    %mul3A_1 = arith.constant 3328 : i32
    %mul3A_2 = arith.muli %add3A, %mul3A_1 : i32
    %iota3A = tpu.iota {dimensions = array<i32: 0>} : vector<16xi32>
    "tpu.region"() ({
      %run_scoped3A = tpu.sem_alloc : memref<!tpu.dma_semaphore, #tpu.memory_space<semaphore_mem>>
      tpu.enqueue_dma source(%arg3 : memref<416x32xf32, #tpu.memory_space<hbm>>) target(%arg15 : memref<416x32xf32, #tpu.memory_space<vmem>>) target_semaphore(%run_scoped3A : memref<!tpu.dma_semaphore, #tpu.memory_space<semaphore_mem>>)
      tpu.wait_dma2 semaphore(%run_scoped3A : memref<!tpu.dma_semaphore, #tpu.memory_space<semaphore_mem>>) src(%arg3 : memref<416x32xf32, #tpu.memory_space<hbm>>) dst(%arg15 : memref<416x32xf32, #tpu.memory_space<vmem>>)
      tpu.yield
    }) : () -> ()
    "tpu.region"() ({
      %run_scoped3A = tpu.sem_alloc : memref<!tpu.dma_semaphore, #tpu.memory_space<semaphore_mem>>
      %dma_start3A = tpu.memref_slice %arg4[%mul3A_2] : memref<106496xi32, #tpu.memory_space<hbm>> -> memref<3328xi32, #tpu.memory_space<hbm>>
      %dma_start3A_22 = tpu.memref_slice %arg4[%mul3A_2] : memref<106496xi32, #tpu.memory_space<hbm>> -> memref<3328xi32, #tpu.memory_space<hbm>>
      tpu.enqueue_dma source(%dma_start3A_22 : memref<3328xi32, #tpu.memory_space<hbm>>) target(%arg10 : memref<3328xi32, #tpu.memory_space<vmem>>) target_semaphore(%run_scoped3A : memref<!tpu.dma_semaphore, #tpu.memory_space<semaphore_mem>>)
      %dma_wait3A = tpu.memref_slice %arg4[%mul3A_2] : memref<106496xi32, #tpu.memory_space<hbm>> -> memref<3328xi32, #tpu.memory_space<hbm>>
      %dma_wait3A_23 = tpu.memref_slice %arg4[%mul3A_2] : memref<106496xi32, #tpu.memory_space<hbm>> -> memref<3328xi32, #tpu.memory_space<hbm>>
      tpu.wait_dma2 semaphore(%run_scoped3A : memref<!tpu.dma_semaphore, #tpu.memory_space<semaphore_mem>>) src(%dma_wait3A_23 : memref<3328xi32, #tpu.memory_space<hbm>>) dst(%arg10 : memref<3328xi32, #tpu.memory_space<vmem>>)
      tpu.yield
    }) : () -> ()
    "tpu.region"() ({
      %run_scoped3A = tpu.sem_alloc : memref<!tpu.dma_semaphore, #tpu.memory_space<semaphore_mem>>
      %dma_start3A = tpu.memref_slice %arg5[%mul3A_2] : memref<106496xi32, #tpu.memory_space<hbm>> -> memref<3328xi32, #tpu.memory_space<hbm>>
      %dma_start3A_22 = tpu.memref_slice %arg5[%mul3A_2] : memref<106496xi32, #tpu.memory_space<hbm>> -> memref<3328xi32, #tpu.memory_space<hbm>>
      tpu.enqueue_dma source(%dma_start3A_22 : memref<3328xi32, #tpu.memory_space<hbm>>) target(%arg11 : memref<3328xi32, #tpu.memory_space<vmem>>) target_semaphore(%run_scoped3A : memref<!tpu.dma_semaphore, #tpu.memory_space<semaphore_mem>>)
      %dma_wait3A = tpu.memref_slice %arg5[%mul3A_2] : memref<106496xi32, #tpu.memory_space<hbm>> -> memref<3328xi32, #tpu.memory_space<hbm>>
      %dma_wait3A_23 = tpu.memref_slice %arg5[%mul3A_2] : memref<106496xi32, #tpu.memory_space<hbm>> -> memref<3328xi32, #tpu.memory_space<hbm>>
      tpu.wait_dma2 semaphore(%run_scoped3A : memref<!tpu.dma_semaphore, #tpu.memory_space<semaphore_mem>>) src(%dma_wait3A_23 : memref<3328xi32, #tpu.memory_space<hbm>>) dst(%arg11 : memref<3328xi32, #tpu.memory_space<vmem>>)
      tpu.yield
    }) : () -> ()
    "tpu.region"() ({
      %run_scoped3A = tpu.sem_alloc : memref<!tpu.dma_semaphore, #tpu.memory_space<semaphore_mem>>
      %dma_start3A = tpu.memref_slice %arg6[%mul3A_2] : memref<106496xi32, #tpu.memory_space<hbm>> -> memref<3328xi32, #tpu.memory_space<hbm>>
      %dma_start3A_22 = tpu.memref_slice %arg6[%mul3A_2] : memref<106496xi32, #tpu.memory_space<hbm>> -> memref<3328xi32, #tpu.memory_space<hbm>>
      tpu.enqueue_dma source(%dma_start3A_22 : memref<3328xi32, #tpu.memory_space<hbm>>) target(%arg12 : memref<3328xi32, #tpu.memory_space<vmem>>) target_semaphore(%run_scoped3A : memref<!tpu.dma_semaphore, #tpu.memory_space<semaphore_mem>>)
      %dma_wait3A = tpu.memref_slice %arg6[%mul3A_2] : memref<106496xi32, #tpu.memory_space<hbm>> -> memref<3328xi32, #tpu.memory_space<hbm>>
      %dma_wait3A_23 = tpu.memref_slice %arg6[%mul3A_2] : memref<106496xi32, #tpu.memory_space<hbm>> -> memref<3328xi32, #tpu.memory_space<hbm>>
      tpu.wait_dma2 semaphore(%run_scoped3A : memref<!tpu.dma_semaphore, #tpu.memory_space<semaphore_mem>>) src(%dma_wait3A_23 : memref<3328xi32, #tpu.memory_space<hbm>>) dst(%arg12 : memref<3328xi32, #tpu.memory_space<vmem>>)
      tpu.yield
    }) : () -> ()
    "tpu.region"() ({
      %run_scoped3A = tpu.sem_alloc : memref<!tpu.dma_semaphore, #tpu.memory_space<semaphore_mem>>
      %dma_start3A = tpu.memref_slice %arg7[%mul3A_2] : memref<106496xi32, #tpu.memory_space<hbm>> -> memref<3328xi32, #tpu.memory_space<hbm>>
      %dma_start3A_22 = tpu.memref_slice %arg7[%mul3A_2] : memref<106496xi32, #tpu.memory_space<hbm>> -> memref<3328xi32, #tpu.memory_space<hbm>>
      tpu.enqueue_dma source(%dma_start3A_22 : memref<3328xi32, #tpu.memory_space<hbm>>) target(%arg13 : memref<3328xi32, #tpu.memory_space<vmem>>) target_semaphore(%run_scoped3A : memref<!tpu.dma_semaphore, #tpu.memory_space<semaphore_mem>>)
      %dma_wait3A = tpu.memref_slice %arg7[%mul3A_2] : memref<106496xi32, #tpu.memory_space<hbm>> -> memref<3328xi32, #tpu.memory_space<hbm>>
      %dma_wait3A_23 = tpu.memref_slice %arg7[%mul3A_2] : memref<106496xi32, #tpu.memory_space<hbm>> -> memref<3328xi32, #tpu.memory_space<hbm>>
      tpu.wait_dma2 semaphore(%run_scoped3A : memref<!tpu.dma_semaphore, #tpu.memory_space<semaphore_mem>>) src(%dma_wait3A_23 : memref<3328xi32, #tpu.memory_space<hbm>>) dst(%arg13 : memref<3328xi32, #tpu.memory_space<vmem>>)
      tpu.yield
    }) : () -> ()
    "tpu.region"() ({
      %run_scoped3A = tpu.sem_alloc : memref<!tpu.dma_semaphore, #tpu.memory_space<semaphore_mem>>
      %dma_start3A = tpu.memref_slice %arg8[%mul3A_2] : memref<106496xi32, #tpu.memory_space<hbm>> -> memref<3328xi32, #tpu.memory_space<hbm>>
      %dma_start3A_22 = tpu.memref_slice %arg8[%mul3A_2] : memref<106496xi32, #tpu.memory_space<hbm>> -> memref<3328xi32, #tpu.memory_space<hbm>>
      tpu.enqueue_dma source(%dma_start3A_22 : memref<3328xi32, #tpu.memory_space<hbm>>) target(%arg14 : memref<3328xi32, #tpu.memory_space<vmem>>) target_semaphore(%run_scoped3A : memref<!tpu.dma_semaphore, #tpu.memory_space<semaphore_mem>>)
      %dma_wait3A = tpu.memref_slice %arg8[%mul3A_2] : memref<106496xi32, #tpu.memory_space<hbm>> -> memref<3328xi32, #tpu.memory_space<hbm>>
      %dma_wait3A_23 = tpu.memref_slice %arg8[%mul3A_2] : memref<106496xi32, #tpu.memory_space<hbm>> -> memref<3328xi32, #tpu.memory_space<hbm>>
      tpu.wait_dma2 semaphore(%run_scoped3A : memref<!tpu.dma_semaphore, #tpu.memory_space<semaphore_mem>>) src(%dma_wait3A_23 : memref<3328xi32, #tpu.memory_space<hbm>>) dst(%arg14 : memref<3328xi32, #tpu.memory_space<vmem>>)
      tpu.yield
    }) : () -> ()
    %scan3A = arith.constant 0 : i32
    %scan3A_3 = arith.constant 0 : i32
    %scan3A_4 = arith.constant 104 : i32
    %scan3A_5 = arith.addi %scan3A_3, %scan3A_4 : i32
    %scan3A_6 = arith.constant 1 : i32
    scf.for %scan3A_22 = %scan3A_3 to %scan3A_5 step %scan3A_6  : i32 {
      %mul3A_23 = arith.constant 16 : i32
      %mul3A_24 = arith.muli %scan3A_22, %mul3A_23 : i32
      %jit3A = arith.constant 104 : i32
      %eq3A = arith.constant 0 : i32
      %eq3A_25 = arith.cmpi eq, %jit3A, %eq3A : i32
      %jit3A_26 = arith.constant 1 : i32
      %select_n3A = arith.select %eq3A_25, %jit3A_26, %jit3A : i32
      %rem3A = arith.remsi %scan3A_22, %select_n3A : i32
      %ne3A = arith.constant 0 : i32
      %ne3A_27 = arith.cmpi ne, %rem3A, %ne3A : i32
      %lt3A = arith.constant 0 : i32
      %lt3A_28 = arith.cmpi slt, %rem3A, %lt3A : i32
      %lt3A_29 = arith.constant 0 : i32
      %lt3A_30 = arith.cmpi slt, %select_n3A, %lt3A_29 : i32
      %ne3A_31 = arith.xori %lt3A_28, %lt3A_30 : i1
      %and3A = arith.andi %ne3A_31, %ne3A_27 : i1
      %add3A_32 = arith.addi %rem3A, %select_n3A : i32
      %select_n3A_33 = arith.select %and3A, %add3A_32, %rem3A : i32
      %mul3A_34 = arith.constant 16 : i32
      %mul3A_35 = arith.muli %select_n3A_33, %mul3A_34 : i32
      %scan3A_36 = arith.constant 0 : i32
      %scan3A_37 = arith.constant 0 : i32
      %mul3A_38 = arith.constant 16 : i32
      %mul3A_39 = arith.muli %scan3A_37, %mul3A_38 : i32
      %add3A_40 = arith.addi %mul3A_24, %mul3A_39 : i32
      %get3A = arith.index_cast %add3A_40 : i32 to index
      %get3A_41 = tpu.vector_load %arg10[%get3A] {strides = array<i32>} : memref<3328xi32, #tpu.memory_space<vmem>>, vector<16xi32>,
      %get3A_42 = arith.index_cast %add3A_40 : i32 to index
      %get3A_43 = tpu.vector_load %arg11[%get3A_42] {strides = array<i32>} : memref<3328xi32, #tpu.memory_space<vmem>>, vector<16xi32>,
      %slice3A = vector.extract_strided_slice %get3A_41 {offsets = [0], sizes = [1], strides = [1]} : vector<16xi32> to vector<1xi32>
      %squeeze3A = vector.extract %slice3A[0] : i32 from vector<1xi32>
      %multiple_of3A = tpu.assume_multiple %squeeze3A, 16 : i32
      %slice3A_44 = vector.extract_strided_slice %get3A_43 {offsets = [0], sizes = [1], strides = [1]} : vector<16xi32> to vector<1xi32>
      %squeeze3A_45 = vector.extract %slice3A_44[0] : i32 from vector<1xi32>
      %multiple_of3A_46 = tpu.assume_multiple %squeeze3A_45, 128 : i32
      %mul3A_47 = arith.constant 16 : i32
      %mul3A_48 = arith.muli %scan3A_37, %mul3A_47 : i32
      %add3A_49 = arith.constant 0 : i32
      %add3A_50 = arith.addi %mul3A_48, %add3A_49 : i32
      %mul3A_51 = arith.constant 16 : i32
      %mul3A_52 = arith.muli %add3A_50, %mul3A_51 : i32
      %dma_start3A = arith.constant 0 : i32
      %dma_start3A_53 = tpu.memref_slice %arg16[%mul3A_52, %dma_start3A] : memref<256x128xf32, #tpu.memory_space<vmem>> -> memref<16x128xf32, #tpu.memory_space<vmem>>
      %dma_start3A_54 = tpu.memref_slice %arg2[%multiple_of3A, %multiple_of3A_46] : memref<416x100000xf32, #tpu.memory_space<hbm>> -> memref<16x128xf32, #tpu.memory_space<hbm>>
      %dma_start3A_55 = arith.constant 0 : i32
      %dma_start3A_56 = tpu.memref_slice %arg16[%mul3A_52, %dma_start3A_55] : memref<256x128xf32, #tpu.memory_space<vmem>> -> memref<16x128xf32, #tpu.memory_space<vmem>>
      %dma_start3A_57 = tpu.memref_slice %arg2[%multiple_of3A, %multiple_of3A_46] : memref<416x100000xf32, #tpu.memory_space<hbm>> -> memref<16x128xf32, #tpu.memory_space<hbm>>
      tpu.enqueue_dma source(%dma_start3A_57 : memref<16x128xf32, #tpu.memory_space<hbm>>) target(%dma_start3A_56 : memref<16x128xf32, #tpu.memory_space<vmem>>) target_semaphore(%arg18 : memref<!tpu.dma_semaphore, #tpu.memory_space<semaphore_mem>>)
      %slice3A_58 = vector.extract_strided_slice %get3A_41 {offsets = [1], sizes = [1], strides = [1]} : vector<16xi32> to vector<1xi32>
      %squeeze3A_59 = vector.extract %slice3A_58[0] : i32 from vector<1xi32>
      %multiple_of3A_60 = tpu.assume_multiple %squeeze3A_59, 16 : i32
      %slice3A_61 = vector.extract_strided_slice %get3A_43 {offsets = [1], sizes = [1], strides = [1]} : vector<16xi32> to vector<1xi32>
      %squeeze3A_62 = vector.extract %slice3A_61[0] : i32 from vector<1xi32>
      %multiple_of3A_63 = tpu.assume_multiple %squeeze3A_62, 128 : i32
      %mul3A_64 = arith.constant 16 : i32
      %mul3A_65 = arith.muli %scan3A_37, %mul3A_64 : i32
      %add3A_66 = arith.constant 1 : i32
      %add3A_67 = arith.addi %mul3A_65, %add3A_66 : i32
      %mul3A_68 = arith.constant 16 : i32
      %mul3A_69 = arith.muli %add3A_67, %mul3A_68 : i32
      %dma_start3A_70 = arith.constant 0 : i32
      %dma_start3A_71 = tpu.memref_slice %arg16[%mul3A_69, %dma_start3A_70] : memref<256x128xf32, #tpu.memory_space<vmem>> -> memref<16x128xf32, #tpu.memory_space<vmem>>
      %dma_start3A_72 = tpu.memref_slice %arg2[%multiple_of3A_60, %multiple_of3A_63] : memref<416x100000xf32, #tpu.memory_space<hbm>> -> memref<16x128xf32, #tpu.memory_space<hbm>>
      %dma_start3A_73 = arith.constant 0 : i32
      %dma_start3A_74 = tpu.memref_slice %arg16[%mul3A_69, %dma_start3A_73] : memref<256x128xf32, #tpu.memory_space<vmem>> -> memref<16x128xf32, #tpu.memory_space<vmem>>
      %dma_start3A_75 = tpu.memref_slice %arg2[%multiple_of3A_60, %multiple_of3A_63] : memref<416x100000xf32, #tpu.memory_space<hbm>> -> memref<16x128xf32, #tpu.memory_space<hbm>>
      tpu.enqueue_dma source(%dma_start3A_75 : memref<16x128xf32, #tpu.memory_space<hbm>>) target(%dma_start3A_74 : memref<16x128xf32, #tpu.memory_space<vmem>>) target_semaphore(%arg18 : memref<!tpu.dma_semaphore, #tpu.memory_space<semaphore_mem>>)
      %slice3A_76 = vector.extract_strided_slice %get3A_41 {offsets = [2], sizes = [1], strides = [1]} : vector<16xi32> to vector<1xi32>
      %squeeze3A_77 = vector.extract %slice3A_76[0] : i32 from vector<1xi32>
      %multiple_of3A_78 = tpu.assume_multiple %squeeze3A_77, 16 : i32
      %slice3A_79 = vector.extract_strided_slice %get3A_43 {offsets = [2], sizes = [1], strides = [1]} : vector<16xi32> to vector<1xi32>
      %squeeze3A_80 = vector.extract %slice3A_79[0] : i32 from vector<1xi32>
      %multiple_of3A_81 = tpu.assume_multiple %squeeze3A_80, 128 : i32
      %mul3A_82 = arith.constant 16 : i32
      %mul3A_83 = arith.muli %scan3A_37, %mul3A_82 : i32
      %add3A_84 = arith.constant 2 : i32
      %add3A_85 = arith.addi %mul3A_83, %add3A_84 : i32
      %mul3A_86 = arith.constant 16 : i32
      %mul3A_87 = arith.muli %add3A_85, %mul3A_86 : i32
      %dma_start3A_88 = arith.constant 0 : i32
      %dma_start3A_89 = tpu.memref_slice %arg16[%mul3A_87, %dma_start3A_88] : memref<256x128xf32, #tpu.memory_space<vmem>> -> memref<16x128xf32, #tpu.memory_space<vmem>>
      %dma_start3A_90 = tpu.memref_slice %arg2[%multiple_of3A_78, %multiple_of3A_81] : memref<416x100000xf32, #tpu.memory_space<hbm>> -> memref<16x128xf32, #tpu.memory_space<hbm>>
      %dma_start3A_91 = arith.constant 0 : i32
      %dma_start3A_92 = tpu.memref_slice %arg16[%mul3A_87, %dma_start3A_91] : memref<256x128xf32, #tpu.memory_space<vmem>> -> memref<16x128xf32, #tpu.memory_space<vmem>>
      %dma_start3A_93 = tpu.memref_slice %arg2[%multiple_of3A_78, %multiple_of3A_81] : memref<416x100000xf32, #tpu.memory_space<hbm>> -> memref<16x128xf32, #tpu.memory_space<hbm>>
      tpu.enqueue_dma source(%dma_start3A_93 : memref<16x128xf32, #tpu.memory_space<hbm>>) target(%dma_start3A_92 : memref<16x128xf32, #tpu.memory_space<vmem>>) target_semaphore(%arg18 : memref<!tpu.dma_semaphore, #tpu.memory_space<semaphore_mem>>)
      %slice3A_94 = vector.extract_strided_slice %get3A_41 {offsets = [3], sizes = [1], strides = [1]} : vector<16xi32> to vector<1xi32>
      %squeeze3A_95 = vector.extract %slice3A_94[0] : i32 from vector<1xi32>
      %multiple_of3A_96 = tpu.assume_multiple %squeeze3A_95, 16 : i32
      %slice3A_97 = vector.extract_strided_slice %get3A_43 {offsets = [3], sizes = [1], strides = [1]} : vector<16xi32> to vector<1xi32>
      %squeeze3A_98 = vector.extract %slice3A_97[0] : i32 from vector<1xi32>
      %multiple_of3A_99 = tpu.assume_multiple %squeeze3A_98, 128 : i32
      %mul3A_100 = arith.constant 16 : i32
      %mul3A_101 = arith.muli %scan3A_37, %mul3A_100 : i32
      %add3A_102 = arith.constant 3 : i32
      %add3A_103 = arith.addi %mul3A_101, %add3A_102 : i32
      %mul3A_104 = arith.constant 16 : i32
      %mul3A_105 = arith.muli %add3A_103, %mul3A_104 : i32
      %dma_start3A_106 = arith.constant 0 : i32
      %dma_start3A_107 = tpu.memref_slice %arg16[%mul3A_105, %dma_start3A_106] : memref<256x128xf32, #tpu.memory_space<vmem>> -> memref<16x128xf32, #tpu.memory_space<vmem>>
      %dma_start3A_108 = tpu.memref_slice %arg2[%multiple_of3A_96, %multiple_of3A_99] : memref<416x100000xf32, #tpu.memory_space<hbm>> -> memref<16x128xf32, #tpu.memory_space<hbm>>
      %dma_start3A_109 = arith.constant 0 : i32
      %dma_start3A_110 = tpu.memref_slice %arg16[%mul3A_105, %dma_start3A_109] : memref<256x128xf32, #tpu.memory_space<vmem>> -> memref<16x128xf32, #tpu.memory_space<vmem>>
      %dma_start3A_111 = tpu.memref_slice %arg2[%multiple_of3A_96, %multiple_of3A_99] : memref<416x100000xf32, #tpu.memory_space<hbm>> -> memref<16x128xf32, #tpu.memory_space<hbm>>
      tpu.enqueue_dma source(%dma_start3A_111 : memref<16x128xf32, #tpu.memory_space<hbm>>) target(%dma_start3A_110 : memref<16x128xf32, #tpu.memory_space<vmem>>) target_semaphore(%arg18 : memref<!tpu.dma_semaphore, #tpu.memory_space<semaphore_mem>>)
      %slice3A_112 = vector.extract_strided_slice %get3A_41 {offsets = [4], sizes = [1], strides = [1]} : vector<16xi32> to vector<1xi32>
      %squeeze3A_113 = vector.extract %slice3A_112[0] : i32 from vector<1xi32>
      %multiple_of3A_114 = tpu.assume_multiple %squeeze3A_113, 16 : i32
      %slice3A_115 = vector.extract_strided_slice %get3A_43 {offsets = [4], sizes = [1], strides = [1]} : vector<16xi32> to vector<1xi32>
      %squeeze3A_116 = vector.extract %slice3A_115[0] : i32 from vector<1xi32>
      %multiple_of3A_117 = tpu.assume_multiple %squeeze3A_116, 128 : i32
      %mul3A_118 = arith.constant 16 : i32
      %mul3A_119 = arith.muli %scan3A_37, %mul3A_118 : i32
      %add3A_120 = arith.constant 4 : i32
      %add3A_121 = arith.addi %mul3A_119, %add3A_120 : i32
      %mul3A_122 = arith.constant 16 : i32
      %mul3A_123 = arith.muli %add3A_121, %mul3A_122 : i32
      %dma_start3A_124 = arith.constant 0 : i32
      %dma_start3A_125 = tpu.memref_slice %arg16[%mul3A_123, %dma_start3A_124] : memref<256x128xf32, #tpu.memory_space<vmem>> -> memref<16x128xf32, #tpu.memory_space<vmem>>
      %dma_start3A_126 = tpu.memref_slice %arg2[%multiple_of3A_114, %multiple_of3A_117] : memref<416x100000xf32, #tpu.memory_space<hbm>> -> memref<16x128xf32, #tpu.memory_space<hbm>>
      %dma_start3A_127 = arith.constant 0 : i32
      %dma_start3A_128 = tpu.memref_slice %arg16[%mul3A_123, %dma_start3A_127] : memref<256x128xf32, #tpu.memory_space<vmem>> -> memref<16x128xf32, #tpu.memory_space<vmem>>
      %dma_start3A_129 = tpu.memref_slice %arg2[%multiple_of3A_114, %multiple_of3A_117] : memref<416x100000xf32, #tpu.memory_space<hbm>> -> memref<16x128xf32, #tpu.memory_space<hbm>>
      tpu.enqueue_dma source(%dma_start3A_129 : memref<16x128xf32, #tpu.memory_space<hbm>>) target(%dma_start3A_128 : memref<16x128xf32, #tpu.memory_space<vmem>>) target_semaphore(%arg18 : memref<!tpu.dma_semaphore, #tpu.memory_space<semaphore_mem>>)
      %slice3A_130 = vector.extract_strided_slice %get3A_41 {offsets = [5], sizes = [1], strides = [1]} : vector<16xi32> to vector<1xi32>
      %squeeze3A_131 = vector.extract %slice3A_130[0] : i32 from vector<1xi32>
      %multiple_of3A_132 = tpu.assume_multiple %squeeze3A_131, 16 : i32
      %slice3A_133 = vector.extract_strided_slice %get3A_43 {offsets = [5], sizes = [1], strides = [1]} : vector<16xi32> to vector<1xi32>
      %squeeze3A_134 = vector.extract %slice3A_133[0] : i32 from vector<1xi32>
      %multiple_of3A_135 = tpu.assume_multiple %squeeze3A_134, 128 : i32
      %mul3A_136 = arith.constant 16 : i32
      %mul3A_137 = arith.muli %scan3A_37, %mul3A_136 : i32
      %add3A_138 = arith.constant 5 : i32
      %add3A_139 = arith.addi %mul3A_137, %add3A_138 : i32
      %mul3A_140 = arith.constant 16 : i32
      %mul3A_141 = arith.muli %add3A_139, %mul3A_140 : i32
      %dma_start3A_142 = arith.constant 0 : i32
      %dma_start3A_143 = tpu.memref_slice %arg16[%mul3A_141, %dma_start3A_142] : memref<256x128xf32, #tpu.memory_space<vmem>> -> memref<16x128xf32, #tpu.memory_space<vmem>>
      %dma_start3A_144 = tpu.memref_slice %arg2[%multiple_of3A_132, %multiple_of3A_135] : memref<416x100000xf32, #tpu.memory_space<hbm>> -> memref<16x128xf32, #tpu.memory_space<hbm>>
      %dma_start3A_145 = arith.constant 0 : i32
      %dma_start3A_146 = tpu.memref_slice %arg16[%mul3A_141, %dma_start3A_145] : memref<256x128xf32, #tpu.memory_space<vmem>> -> memref<16x128xf32, #tpu.memory_space<vmem>>
      %dma_start3A_147 = tpu.memref_slice %arg2[%multiple_of3A_132, %multiple_of3A_135] : memref<416x100000xf32, #tpu.memory_space<hbm>> -> memref<16x128xf32, #tpu.memory_space<hbm>>
      tpu.enqueue_dma source(%dma_start3A_147 : memref<16x128xf32, #tpu.memory_space<hbm>>) target(%dma_start3A_146 : memref<16x128xf32, #tpu.memory_space<vmem>>) target_semaphore(%arg18 : memref<!tpu.dma_semaphore, #tpu.memory_space<semaphore_mem>>)
      %slice3A_148 = vector.extract_strided_slice %get3A_41 {offsets = [6], sizes = [1], strides = [1]} : vector<16xi32> to vector<1xi32>
      %squeeze3A_149 = vector.extract %slice3A_148[0] : i32 from vector<1xi32>
      %multiple_of3A_150 = tpu.assume_multiple %squeeze3A_149, 16 : i32
      %slice3A_151 = vector.extract_strided_slice %get3A_43 {offsets = [6], sizes = [1], strides = [1]} : vector<16xi32> to vector<1xi32>
      %squeeze3A_152 = vector.extract %slice3A_151[0] : i32 from vector<1xi32>
      %multiple_of3A_153 = tpu.assume_multiple %squeeze3A_152, 128 : i32
      %mul3A_154 = arith.constant 16 : i32
      %mul3A_155 = arith.muli %scan3A_37, %mul3A_154 : i32
      %add3A_156 = arith.constant 6 : i32
      %add3A_157 = arith.addi %mul3A_155, %add3A_156 : i32
      %mul3A_158 = arith.constant 16 : i32
      %mul3A_159 = arith.muli %add3A_157, %mul3A_158 : i32
      %dma_start3A_160 = arith.constant 0 : i32
      %dma_start3A_161 = tpu.memref_slice %arg16[%mul3A_159, %dma_start3A_160] : memref<256x128xf32, #tpu.memory_space<vmem>> -> memref<16x128xf32, #tpu.memory_space<vmem>>
      %dma_start3A_162 = tpu.memref_slice %arg2[%multiple_of3A_150, %multiple_of3A_153] : memref<416x100000xf32, #tpu.memory_space<hbm>> -> memref<16x128xf32, #tpu.memory_space<hbm>>
      %dma_start3A_163 = arith.constant 0 : i32
      %dma_start3A_164 = tpu.memref_slice %arg16[%mul3A_159, %dma_start3A_163] : memref<256x128xf32, #tpu.memory_space<vmem>> -> memref<16x128xf32, #tpu.memory_space<vmem>>
      %dma_start3A_165 = tpu.memref_slice %arg2[%multiple_of3A_150, %multiple_of3A_153] : memref<416x100000xf32, #tpu.memory_space<hbm>> -> memref<16x128xf32, #tpu.memory_space<hbm>>
      tpu.enqueue_dma source(%dma_start3A_165 : memref<16x128xf32, #tpu.memory_space<hbm>>) target(%dma_start3A_164 : memref<16x128xf32, #tpu.memory_space<vmem>>) target_semaphore(%arg18 : memref<!tpu.dma_semaphore, #tpu.memory_space<semaphore_mem>>)
      %slice3A_166 = vector.extract_strided_slice %get3A_41 {offsets = [7], sizes = [1], strides = [1]} : vector<16xi32> to vector<1xi32>
      %squeeze3A_167 = vector.extract %slice3A_166[0] : i32 from vector<1xi32>
      %multiple_of3A_168 = tpu.assume_multiple %squeeze3A_167, 16 : i32
      %slice3A_169 = vector.extract_strided_slice %get3A_43 {offsets = [7], sizes = [1], strides = [1]} : vector<16xi32> to vector<1xi32>
      %squeeze3A_170 = vector.extract %slice3A_169[0] : i32 from vector<1xi32>
      %multiple_of3A_171 = tpu.assume_multiple %squeeze3A_170, 128 : i32
      %mul3A_172 = arith.constant 16 : i32
      %mul3A_173 = arith.muli %scan3A_37, %mul3A_172 : i32
      %add3A_174 = arith.constant 7 : i32
      %add3A_175 = arith.addi %mul3A_173, %add3A_174 : i32
      %mul3A_176 = arith.constant 16 : i32
      %mul3A_177 = arith.muli %add3A_175, %mul3A_176 : i32
      %dma_start3A_178 = arith.constant 0 : i32
      %dma_start3A_179 = tpu.memref_slice %arg16[%mul3A_177, %dma_start3A_178] : memref<256x128xf32, #tpu.memory_space<vmem>> -> memref<16x128xf32, #tpu.memory_space<vmem>>
      %dma_start3A_180 = tpu.memref_slice %arg2[%multiple_of3A_168, %multiple_of3A_171] : memref<416x100000xf32, #tpu.memory_space<hbm>> -> memref<16x128xf32, #tpu.memory_space<hbm>>
      %dma_start3A_181 = arith.constant 0 : i32
      %dma_start3A_182 = tpu.memref_slice %arg16[%mul3A_177, %dma_start3A_181] : memref<256x128xf32, #tpu.memory_space<vmem>> -> memref<16x128xf32, #tpu.memory_space<vmem>>
      %dma_start3A_183 = tpu.memref_slice %arg2[%multiple_of3A_168, %multiple_of3A_171] : memref<416x100000xf32, #tpu.memory_space<hbm>> -> memref<16x128xf32, #tpu.memory_space<hbm>>
      tpu.enqueue_dma source(%dma_start3A_183 : memref<16x128xf32, #tpu.memory_space<hbm>>) target(%dma_start3A_182 : memref<16x128xf32, #tpu.memory_space<vmem>>) target_semaphore(%arg18 : memref<!tpu.dma_semaphore, #tpu.memory_space<semaphore_mem>>)
      %slice3A_184 = vector.extract_strided_slice %get3A_41 {offsets = [8], sizes = [1], strides = [1]} : vector<16xi32> to vector<1xi32>
      %squeeze3A_185 = vector.extract %slice3A_184[0] : i32 from vector<1xi32>
      %multiple_of3A_186 = tpu.assume_multiple %squeeze3A_185, 16 : i32
      %slice3A_187 = vector.extract_strided_slice %get3A_43 {offsets = [8], sizes = [1], strides = [1]} : vector<16xi32> to vector<1xi32>
      %squeeze3A_188 = vector.extract %slice3A_187[0] : i32 from vector<1xi32>
      %multiple_of3A_189 = tpu.assume_multiple %squeeze3A_188, 128 : i32
      %mul3A_190 = arith.constant 16 : i32
      %mul3A_191 = arith.muli %scan3A_37, %mul3A_190 : i32
      %add3A_192 = arith.constant 8 : i32
      %add3A_193 = arith.addi %mul3A_191, %add3A_192 : i32
      %mul3A_194 = arith.constant 16 : i32
      %mul3A_195 = arith.muli %add3A_193, %mul3A_194 : i32
      %dma_start3A_196 = arith.constant 0 : i32
      %dma_start3A_197 = tpu.memref_slice %arg16[%mul3A_195, %dma_start3A_196] : memref<256x128xf32, #tpu.memory_space<vmem>> -> memref<16x128xf32, #tpu.memory_space<vmem>>
      %dma_start3A_198 = tpu.memref_slice %arg2[%multiple_of3A_186, %multiple_of3A_189] : memref<416x100000xf32, #tpu.memory_space<hbm>> -> memref<16x128xf32, #tpu.memory_space<hbm>>
      %dma_start3A_199 = arith.constant 0 : i32
      %dma_start3A_200 = tpu.memref_slice %arg16[%mul3A_195, %dma_start3A_199] : memref<256x128xf32, #tpu.memory_space<vmem>> -> memref<16x128xf32, #tpu.memory_space<vmem>>
      %dma_start3A_201 = tpu.memref_slice %arg2[%multiple_of3A_186, %multiple_of3A_189] : memref<416x100000xf32, #tpu.memory_space<hbm>> -> memref<16x128xf32, #tpu.memory_space<hbm>>
      tpu.enqueue_dma source(%dma_start3A_201 : memref<16x128xf32, #tpu.memory_space<hbm>>) target(%dma_start3A_200 : memref<16x128xf32, #tpu.memory_space<vmem>>) target_semaphore(%arg18 : memref<!tpu.dma_semaphore, #tpu.memory_space<semaphore_mem>>)
      %slice3A_202 = vector.extract_strided_slice %get3A_41 {offsets = [9], sizes = [1], strides = [1]} : vector<16xi32> to vector<1xi32>
      %squeeze3A_203 = vector.extract %slice3A_202[0] : i32 from vector<1xi32>
      %multiple_of3A_204 = tpu.assume_multiple %squeeze3A_203, 16 : i32
      %slice3A_205 = vector.extract_strided_slice %get3A_43 {offsets = [9], sizes = [1], strides = [1]} : vector<16xi32> to vector<1xi32>
      %squeeze3A_206 = vector.extract %slice3A_205[0] : i32 from vector<1xi32>
      %multiple_of3A_207 = tpu.assume_multiple %squeeze3A_206, 128 : i32
      %mul3A_208 = arith.constant 16 : i32
      %mul3A_209 = arith.muli %scan3A_37, %mul3A_208 : i32
      %add3A_210 = arith.constant 9 : i32
      %add3A_211 = arith.addi %mul3A_209, %add3A_210 : i32
      %mul3A_212 = arith.constant 16 : i32
      %mul3A_213 = arith.muli %add3A_211, %mul3A_212 : i32
      %dma_start3A_214 = arith.constant 0 : i32
      %dma_start3A_215 = tpu.memref_slice %arg16[%mul3A_213, %dma_start3A_214] : memref<256x128xf32, #tpu.memory_space<vmem>> -> memref<16x128xf32, #tpu.memory_space<vmem>>
      %dma_start3A_216 = tpu.memref_slice %arg2[%multiple_of3A_204, %multiple_of3A_207] : memref<416x100000xf32, #tpu.memory_space<hbm>> -> memref<16x128xf32, #tpu.memory_space<hbm>>
      %dma_start3A_217 = arith.constant 0 : i32
      %dma_start3A_218 = tpu.memref_slice %arg16[%mul3A_213, %dma_start3A_217] : memref<256x128xf32, #tpu.memory_space<vmem>> -> memref<16x128xf32, #tpu.memory_space<vmem>>
      %dma_start3A_219 = tpu.memref_slice %arg2[%multiple_of3A_204, %multiple_of3A_207] : memref<416x100000xf32, #tpu.memory_space<hbm>> -> memref<16x128xf32, #tpu.memory_space<hbm>>
      tpu.enqueue_dma source(%dma_start3A_219 : memref<16x128xf32, #tpu.memory_space<hbm>>) target(%dma_start3A_218 : memref<16x128xf32, #tpu.memory_space<vmem>>) target_semaphore(%arg18 : memref<!tpu.dma_semaphore, #tpu.memory_space<semaphore_mem>>)
      %slice3A_220 = vector.extract_strided_slice %get3A_41 {offsets = [10], sizes = [1], strides = [1]} : vector<16xi32> to vector<1xi32>
      %squeeze3A_221 = vector.extract %slice3A_220[0] : i32 from vector<1xi32>
      %multiple_of3A_222 = tpu.assume_multiple %squeeze3A_221, 16 : i32
      %slice3A_223 = vector.extract_strided_slice %get3A_43 {offsets = [10], sizes = [1], strides = [1]} : vector<16xi32> to vector<1xi32>
      %squeeze3A_224 = vector.extract %slice3A_223[0] : i32 from vector<1xi32>
      %multiple_of3A_225 = tpu.assume_multiple %squeeze3A_224, 128 : i32
      %mul3A_226 = arith.constant 16 : i32
      %mul3A_227 = arith.muli %scan3A_37, %mul3A_226 : i32
      %add3A_228 = arith.constant 10 : i32
      %add3A_229 = arith.addi %mul3A_227, %add3A_228 : i32
      %mul3A_230 = arith.constant 16 : i32
      %mul3A_231 = arith.muli %add3A_229, %mul3A_230 : i32
      %dma_start3A_232 = arith.constant 0 : i32
      %dma_start3A_233 = tpu.memref_slice %arg16[%mul3A_231, %dma_start3A_232] : memref<256x128xf32, #tpu.memory_space<vmem>> -> memref<16x128xf32, #tpu.memory_space<vmem>>
      %dma_start3A_234 = tpu.memref_slice %arg2[%multiple_of3A_222, %multiple_of3A_225] : memref<416x100000xf32, #tpu.memory_space<hbm>> -> memref<16x128xf32, #tpu.memory_space<hbm>>
      %dma_start3A_235 = arith.constant 0 : i32
      %dma_start3A_236 = tpu.memref_slice %arg16[%mul3A_231, %dma_start3A_235] : memref<256x128xf32, #tpu.memory_space<vmem>> -> memref<16x128xf32, #tpu.memory_space<vmem>>
      %dma_start3A_237 = tpu.memref_slice %arg2[%multiple_of3A_222, %multiple_of3A_225] : memref<416x100000xf32, #tpu.memory_space<hbm>> -> memref<16x128xf32, #tpu.memory_space<hbm>>
      tpu.enqueue_dma source(%dma_start3A_237 : memref<16x128xf32, #tpu.memory_space<hbm>>) target(%dma_start3A_236 : memref<16x128xf32, #tpu.memory_space<vmem>>) target_semaphore(%arg18 : memref<!tpu.dma_semaphore, #tpu.memory_space<semaphore_mem>>)
      %slice3A_238 = vector.extract_strided_slice %get3A_41 {offsets = [11], sizes = [1], strides = [1]} : vector<16xi32> to vector<1xi32>
      %squeeze3A_239 = vector.extract %slice3A_238[0] : i32 from vector<1xi32>
      %multiple_of3A_240 = tpu.assume_multiple %squeeze3A_239, 16 : i32
      %slice3A_241 = vector.extract_strided_slice %get3A_43 {offsets = [11], sizes = [1], strides = [1]} : vector<16xi32> to vector<1xi32>
      %squeeze3A_242 = vector.extract %slice3A_241[0] : i32 from vector<1xi32>
      %multiple_of3A_243 = tpu.assume_multiple %squeeze3A_242, 128 : i32
      %mul3A_244 = arith.constant 16 : i32
      %mul3A_245 = arith.muli %scan3A_37, %mul3A_244 : i32
      %add3A_246 = arith.constant 11 : i32
      %add3A_247 = arith.addi %mul3A_245, %add3A_246 : i32
      %mul3A_248 = arith.constant 16 : i32
      %mul3A_249 = arith.muli %add3A_247, %mul3A_248 : i32
      %dma_start3A_250 = arith.constant 0 : i32
      %dma_start3A_251 = tpu.memref_slice %arg16[%mul3A_249, %dma_start3A_250] : memref<256x128xf32, #tpu.memory_space<vmem>> -> memref<16x128xf32, #tpu.memory_space<vmem>>
      %dma_start3A_252 = tpu.memref_slice %arg2[%multiple_of3A_240, %multiple_of3A_243] : memref<416x100000xf32, #tpu.memory_space<hbm>> -> memref<16x128xf32, #tpu.memory_space<hbm>>
      %dma_start3A_253 = arith.constant 0 : i32
      %dma_start3A_254 = tpu.memref_slice %arg16[%mul3A_249, %dma_start3A_253] : memref<256x128xf32, #tpu.memory_space<vmem>> -> memref<16x128xf32, #tpu.memory_space<vmem>>
      %dma_start3A_255 = tpu.memref_slice %arg2[%multiple_of3A_240, %multiple_of3A_243] : memref<416x100000xf32, #tpu.memory_space<hbm>> -> memref<16x128xf32, #tpu.memory_space<hbm>>
      tpu.enqueue_dma source(%dma_start3A_255 : memref<16x128xf32, #tpu.memory_space<hbm>>) target(%dma_start3A_254 : memref<16x128xf32, #tpu.memory_space<vmem>>) target_semaphore(%arg18 : memref<!tpu.dma_semaphore, #tpu.memory_space<semaphore_mem>>)
      %slice3A_256 = vector.extract_strided_slice %get3A_41 {offsets = [12], sizes = [1], strides = [1]} : vector<16xi32> to vector<1xi32>
      %squeeze3A_257 = vector.extract %slice3A_256[0] : i32 from vector<1xi32>
      %multiple_of3A_258 = tpu.assume_multiple %squeeze3A_257, 16 : i32
      %slice3A_259 = vector.extract_strided_slice %get3A_43 {offsets = [12], sizes = [1], strides = [1]} : vector<16xi32> to vector<1xi32>
      %squeeze3A_260 = vector.extract %slice3A_259[0] : i32 from vector<1xi32>
      %multiple_of3A_261 = tpu.assume_multiple %squeeze3A_260, 128 : i32
      %mul3A_262 = arith.constant 16 : i32
      %mul3A_263 = arith.muli %scan3A_37, %mul3A_262 : i32
      %add3A_264 = arith.constant 12 : i32
      %add3A_265 = arith.addi %mul3A_263, %add3A_264 : i32
      %mul3A_266 = arith.constant 16 : i32
      %mul3A_267 = arith.muli %add3A_265, %mul3A_266 : i32
      %dma_start3A_268 = arith.constant 0 : i32
      %dma_start3A_269 = tpu.memref_slice %arg16[%mul3A_267, %dma_start3A_268] : memref<256x128xf32, #tpu.memory_space<vmem>> -> memref<16x128xf32, #tpu.memory_space<vmem>>
      %dma_start3A_270 = tpu.memref_slice %arg2[%multiple_of3A_258, %multiple_of3A_261] : memref<416x100000xf32, #tpu.memory_space<hbm>> -> memref<16x128xf32, #tpu.memory_space<hbm>>
      %dma_start3A_271 = arith.constant 0 : i32
      %dma_start3A_272 = tpu.memref_slice %arg16[%mul3A_267, %dma_start3A_271] : memref<256x128xf32, #tpu.memory_space<vmem>> -> memref<16x128xf32, #tpu.memory_space<vmem>>
      %dma_start3A_273 = tpu.memref_slice %arg2[%multiple_of3A_258, %multiple_of3A_261] : memref<416x100000xf32, #tpu.memory_space<hbm>> -> memref<16x128xf32, #tpu.memory_space<hbm>>
      tpu.enqueue_dma source(%dma_start3A_273 : memref<16x128xf32, #tpu.memory_space<hbm>>) target(%dma_start3A_272 : memref<16x128xf32, #tpu.memory_space<vmem>>) target_semaphore(%arg18 : memref<!tpu.dma_semaphore, #tpu.memory_space<semaphore_mem>>)
      %slice3A_274 = vector.extract_strided_slice %get3A_41 {offsets = [13], sizes = [1], strides = [1]} : vector<16xi32> to vector<1xi32>
      %squeeze3A_275 = vector.extract %slice3A_274[0] : i32 from vector<1xi32>
      %multiple_of3A_276 = tpu.assume_multiple %squeeze3A_275, 16 : i32
      %slice3A_277 = vector.extract_strided_slice %get3A_43 {offsets = [13], sizes = [1], strides = [1]} : vector<16xi32> to vector<1xi32>
      %squeeze3A_278 = vector.extract %slice3A_277[0] : i32 from vector<1xi32>
      %multiple_of3A_279 = tpu.assume_multiple %squeeze3A_278, 128 : i32
      %mul3A_280 = arith.constant 16 : i32
      %mul3A_281 = arith.muli %scan3A_37, %mul3A_280 : i32
      %add3A_282 = arith.constant 13 : i32
      %add3A_283 = arith.addi %mul3A_281, %add3A_282 : i32
      %mul3A_284 = arith.constant 16 : i32
      %mul3A_285 = arith.muli %add3A_283, %mul3A_284 : i32
      %dma_start3A_286 = arith.constant 0 : i32
      %dma_start3A_287 = tpu.memref_slice %arg16[%mul3A_285, %dma_start3A_286] : memref<256x128xf32, #tpu.memory_space<vmem>> -> memref<16x128xf32, #tpu.memory_space<vmem>>
      %dma_start3A_288 = tpu.memref_slice %arg2[%multiple_of3A_276, %multiple_of3A_279] : memref<416x100000xf32, #tpu.memory_space<hbm>> -> memref<16x128xf32, #tpu.memory_space<hbm>>
      %dma_start3A_289 = arith.constant 0 : i32
      %dma_start3A_290 = tpu.memref_slice %arg16[%mul3A_285, %dma_start3A_289] : memref<256x128xf32, #tpu.memory_space<vmem>> -> memref<16x128xf32, #tpu.memory_space<vmem>>
      %dma_start3A_291 = tpu.memref_slice %arg2[%multiple_of3A_276, %multiple_of3A_279] : memref<416x100000xf32, #tpu.memory_space<hbm>> -> memref<16x128xf32, #tpu.memory_space<hbm>>
      tpu.enqueue_dma source(%dma_start3A_291 : memref<16x128xf32, #tpu.memory_space<hbm>>) target(%dma_start3A_290 : memref<16x128xf32, #tpu.memory_space<vmem>>) target_semaphore(%arg18 : memref<!tpu.dma_semaphore, #tpu.memory_space<semaphore_mem>>)
      %slice3A_292 = vector.extract_strided_slice %get3A_41 {offsets = [14], sizes = [1], strides = [1]} : vector<16xi32> to vector<1xi32>
      %squeeze3A_293 = vector.extract %slice3A_292[0] : i32 from vector<1xi32>
      %multiple_of3A_294 = tpu.assume_multiple %squeeze3A_293, 16 : i32
      %slice3A_295 = vector.extract_strided_slice %get3A_43 {offsets = [14], sizes = [1], strides = [1]} : vector<16xi32> to vector<1xi32>
      %squeeze3A_296 = vector.extract %slice3A_295[0] : i32 from vector<1xi32>
      %multiple_of3A_297 = tpu.assume_multiple %squeeze3A_296, 128 : i32
      %mul3A_298 = arith.constant 16 : i32
      %mul3A_299 = arith.muli %scan3A_37, %mul3A_298 : i32
      %add3A_300 = arith.constant 14 : i32
      %add3A_301 = arith.addi %mul3A_299, %add3A_300 : i32
      %mul3A_302 = arith.constant 16 : i32
      %mul3A_303 = arith.muli %add3A_301, %mul3A_302 : i32
      %dma_start3A_304 = arith.constant 0 : i32
      %dma_start3A_305 = tpu.memref_slice %arg16[%mul3A_303, %dma_start3A_304] : memref<256x128xf32, #tpu.memory_space<vmem>> -> memref<16x128xf32, #tpu.memory_space<vmem>>
      %dma_start3A_306 = tpu.memref_slice %arg2[%multiple_of3A_294, %multiple_of3A_297] : memref<416x100000xf32, #tpu.memory_space<hbm>> -> memref<16x128xf32, #tpu.memory_space<hbm>>
      %dma_start3A_307 = arith.constant 0 : i32
      %dma_start3A_308 = tpu.memref_slice %arg16[%mul3A_303, %dma_start3A_307] : memref<256x128xf32, #tpu.memory_space<vmem>> -> memref<16x128xf32, #tpu.memory_space<vmem>>
      %dma_start3A_309 = tpu.memref_slice %arg2[%multiple_of3A_294, %multiple_of3A_297] : memref<416x100000xf32, #tpu.memory_space<hbm>> -> memref<16x128xf32, #tpu.memory_space<hbm>>
      tpu.enqueue_dma source(%dma_start3A_309 : memref<16x128xf32, #tpu.memory_space<hbm>>) target(%dma_start3A_308 : memref<16x128xf32, #tpu.memory_space<vmem>>) target_semaphore(%arg18 : memref<!tpu.dma_semaphore, #tpu.memory_space<semaphore_mem>>)
      %slice3A_310 = vector.extract_strided_slice %get3A_41 {offsets = [15], sizes = [1], strides = [1]} : vector<16xi32> to vector<1xi32>
      %squeeze3A_311 = vector.extract %slice3A_310[0] : i32 from vector<1xi32>
      %multiple_of3A_312 = tpu.assume_multiple %squeeze3A_311, 16 : i32
      %slice3A_313 = vector.extract_strided_slice %get3A_43 {offsets = [15], sizes = [1], strides = [1]} : vector<16xi32> to vector<1xi32>
      %squeeze3A_314 = vector.extract %slice3A_313[0] : i32 from vector<1xi32>
      %multiple_of3A_315 = tpu.assume_multiple %squeeze3A_314, 128 : i32
      %mul3A_316 = arith.constant 16 : i32
      %mul3A_317 = arith.muli %scan3A_37, %mul3A_316 : i32
      %add3A_318 = arith.constant 15 : i32
      %add3A_319 = arith.addi %mul3A_317, %add3A_318 : i32
      %mul3A_320 = arith.constant 16 : i32
      %mul3A_321 = arith.muli %add3A_319, %mul3A_320 : i32
      %dma_start3A_322 = arith.constant 0 : i32
      %dma_start3A_323 = tpu.memref_slice %arg16[%mul3A_321, %dma_start3A_322] : memref<256x128xf32, #tpu.memory_space<vmem>> -> memref<16x128xf32, #tpu.memory_space<vmem>>
      %dma_start3A_324 = tpu.memref_slice %arg2[%multiple_of3A_312, %multiple_of3A_315] : memref<416x100000xf32, #tpu.memory_space<hbm>> -> memref<16x128xf32, #tpu.memory_space<hbm>>
      %dma_start3A_325 = arith.constant 0 : i32
      %dma_start3A_326 = tpu.memref_slice %arg16[%mul3A_321, %dma_start3A_325] : memref<256x128xf32, #tpu.memory_space<vmem>> -> memref<16x128xf32, #tpu.memory_space<vmem>>
      %dma_start3A_327 = tpu.memref_slice %arg2[%multiple_of3A_312, %multiple_of3A_315] : memref<416x100000xf32, #tpu.memory_space<hbm>> -> memref<16x128xf32, #tpu.memory_space<hbm>>
      tpu.enqueue_dma source(%dma_start3A_327 : memref<16x128xf32, #tpu.memory_space<hbm>>) target(%dma_start3A_326 : memref<16x128xf32, #tpu.memory_space<vmem>>) target_semaphore(%arg18 : memref<!tpu.dma_semaphore, #tpu.memory_space<semaphore_mem>>)
      %scan3A_328 = arith.constant 1 : i32
      %dma_wait3A = arith.constant 0 : i32
      %dma_wait3A_329 = arith.constant 0 : i32
      %dma_wait3A_330 = tpu.memref_slice %arg2[%dma_wait3A, %dma_wait3A_329] : memref<416x100000xf32, #tpu.memory_space<hbm>> -> memref<256x128xf32, #tpu.memory_space<hbm>>
      %dma_wait3A_331 = arith.constant 0 : i32
      %dma_wait3A_332 = arith.constant 0 : i32
      %dma_wait3A_333 = tpu.memref_slice %arg2[%dma_wait3A_331, %dma_wait3A_332] : memref<416x100000xf32, #tpu.memory_space<hbm>> -> memref<256x128xf32, #tpu.memory_space<hbm>>
      tpu.wait_dma2 semaphore(%arg18 : memref<!tpu.dma_semaphore, #tpu.memory_space<semaphore_mem>>) src(%dma_wait3A_333 : memref<256x128xf32, #tpu.memory_space<hbm>>) dst(%arg16 : memref<256x128xf32, #tpu.memory_space<vmem>>)
      %scan3A_334 = arith.constant 0 : i32
      %scan3A_335 = arith.constant 0 : i32
      %mul3A_336 = arith.constant 16 : i32
      %mul3A_337 = arith.muli %scan3A_335, %mul3A_336 : i32
      %add3A_338 = arith.addi %mul3A_24, %mul3A_337 : i32
      %get3A_339 = arith.index_cast %add3A_338 : i32 to index
      %get3A_340 = tpu.vector_load %arg12[%get3A_339] {strides = array<i32>} : memref<3328xi32, #tpu.memory_space<vmem>>, vector<16xi32>,
      %get3A_341 = arith.index_cast %add3A_338 : i32 to index
      %get3A_342 = tpu.vector_load %arg10[%get3A_341] {strides = array<i32>} : memref<3328xi32, #tpu.memory_space<vmem>>, vector<16xi32>,
      %get3A_343 = arith.index_cast %add3A_338 : i32 to index
      %get3A_344 = tpu.vector_load %arg13[%get3A_343] {strides = array<i32>} : memref<3328xi32, #tpu.memory_space<vmem>>, vector<16xi32>,
      %get3A_345 = arith.index_cast %add3A_338 : i32 to index
      %get3A_346 = tpu.vector_load %arg14[%get3A_345] {strides = array<i32>} : memref<3328xi32, #tpu.memory_space<vmem>>, vector<16xi32>,
      %mul3A_347 = arith.constant 16 : i32
      %mul3A_348 = arith.muli %scan3A_335, %mul3A_347 : i32
      %add3A_349 = arith.constant 0 : i32
      %add3A_350 = arith.addi %mul3A_348, %add3A_349 : i32
      %mul3A_351 = arith.constant 16 : i32
      %mul3A_352 = arith.muli %add3A_350, %mul3A_351 : i32
      %add3A_353 = vector.broadcast %mul3A_352 : i32 to vector<16xi32>
      %add3A_354 = arith.addi %add3A_353, %iota3A : vector<16xi32>
      %mul3A_355 = arith.constant 0 : i32
      %mul3A_356 = vector.broadcast %mul3A_355 : i32 to vector<16xi32>
      %mul3A_357 = arith.muli %iota3A, %mul3A_356 : vector<16xi32>
      %slice3A_358 = vector.extract_strided_slice %get3A_340 {offsets = [0], sizes = [1], strides = [1]} : vector<16xi32> to vector<1xi32>
      %squeeze3A_359 = vector.extract %slice3A_358[0] : i32 from vector<1xi32>
      %add3A_360 = vector.broadcast %squeeze3A_359 : i32 to vector<16xi32>
      %add3A_361 = arith.addi %mul3A_357, %add3A_360 : vector<16xi32>
      %gather3A = tpu.vector_load_idx %arg16[%add3A_354, %add3A_361] : memref<256x128xf32, #tpu.memory_space<vmem>>[vector<16xi32>, vector<16xi32>], vector<16xf32>,
      %slice3A_362 = vector.extract_strided_slice %get3A_342 {offsets = [0], sizes = [1], strides = [1]} : vector<16xi32> to vector<1xi32>
      %squeeze3A_363 = vector.extract %slice3A_362[0] : i32 from vector<1xi32>
      %add3A_364 = vector.broadcast %squeeze3A_363 : i32 to vector<16xi32>
      %add3A_365 = arith.addi %add3A_364, %iota3A : vector<16xi32>
      %mul3A_366 = arith.constant 0 : i32
      %mul3A_367 = vector.broadcast %mul3A_366 : i32 to vector<16xi32>
      %mul3A_368 = arith.muli %iota3A, %mul3A_367 : vector<16xi32>
      %slice3A_369 = vector.extract_strided_slice %get3A_346 {offsets = [0], sizes = [1], strides = [1]} : vector<16xi32> to vector<1xi32>
      %squeeze3A_370 = vector.extract %slice3A_369[0] : i32 from vector<1xi32>
      %add3A_371 = vector.broadcast %squeeze3A_370 : i32 to vector<16xi32>
      %add3A_372 = arith.addi %mul3A_368, %add3A_371 : vector<16xi32>
      %gather3A_373 = tpu.vector_load_idx %arg15[%add3A_365, %add3A_372] : memref<416x32xf32, #tpu.memory_space<vmem>>[vector<16xi32>, vector<16xi32>], vector<16xf32>,
      %slice3A_374 = vector.extract_strided_slice %get3A_344 {offsets = [0], sizes = [1], strides = [1]} : vector<16xi32> to vector<1xi32>
      %squeeze3A_375 = vector.extract %slice3A_374[0] : i32 from vector<1xi32>
      %eq3A_376 = arith.constant 0 : i32
      %eq3A_377 = arith.cmpi eq, %squeeze3A_375, %eq3A_376 : i32
      %select_n3A_378 = arith.select %eq3A_377, %gather3A, %gather3A_373 : vector<16xf32>
      %mul3A_379 = arith.constant 16 : i32
      %mul3A_380 = arith.muli %scan3A_335, %mul3A_379 : i32
      %add3A_381 = arith.addi %mul3A_35, %mul3A_380 : i32
      %add3A_382 = arith.constant 0 : i32
      %add3A_383 = arith.addi %add3A_381, %add3A_382 : i32
      %mul3A_384 = arith.constant 16 : i32
      %mul3A_385 = arith.muli %add3A_383, %mul3A_384 : i32
      %swap3A = arith.index_cast %mul3A_385 : i32 to index
      %swap3A_386 = tpu.vector_load %arg17[%swap3A] {strides = array<i32>} : memref<26624xf32, #tpu.memory_space<vmem>>, vector<16xf32>,
      tpu.vector_store %arg17[%swap3A], %select_n3A_378 {strides = array<i32>} : memref<26624xf32, #tpu.memory_space<vmem>>, vector<16xf32>,
      %mul3A_387 = arith.constant 16 : i32
      %mul3A_388 = arith.muli %scan3A_335, %mul3A_387 : i32
      %add3A_389 = arith.constant 1 : i32
      %add3A_390 = arith.addi %mul3A_388, %add3A_389 : i32
      %mul3A_391 = arith.constant 16 : i32
      %mul3A_392 = arith.muli %add3A_390, %mul3A_391 : i32
      %add3A_393 = vector.broadcast %mul3A_392 : i32 to vector<16xi32>
      %add3A_394 = arith.addi %add3A_393, %iota3A : vector<16xi32>
      %mul3A_395 = arith.constant 0 : i32
      %mul3A_396 = vector.broadcast %mul3A_395 : i32 to vector<16xi32>
      %mul3A_397 = arith.muli %iota3A, %mul3A_396 : vector<16xi32>
      %slice3A_398 = vector.extract_strided_slice %get3A_340 {offsets = [1], sizes = [1], strides = [1]} : vector<16xi32> to vector<1xi32>
      %squeeze3A_399 = vector.extract %slice3A_398[0] : i32 from vector<1xi32>
      %add3A_400 = vector.broadcast %squeeze3A_399 : i32 to vector<16xi32>
      %add3A_401 = arith.addi %mul3A_397, %add3A_400 : vector<16xi32>
      %gather3A_402 = tpu.vector_load_idx %arg16[%add3A_394, %add3A_401] : memref<256x128xf32, #tpu.memory_space<vmem>>[vector<16xi32>, vector<16xi32>], vector<16xf32>,
      %slice3A_403 = vector.extract_strided_slice %get3A_342 {offsets = [1], sizes = [1], strides = [1]} : vector<16xi32> to vector<1xi32>
      %squeeze3A_404 = vector.extract %slice3A_403[0] : i32 from vector<1xi32>
      %add3A_405 = vector.broadcast %squeeze3A_404 : i32 to vector<16xi32>
      %add3A_406 = arith.addi %add3A_405, %iota3A : vector<16xi32>
      %mul3A_407 = arith.constant 0 : i32
      %mul3A_408 = vector.broadcast %mul3A_407 : i32 to vector<16xi32>
      %mul3A_409 = arith.muli %iota3A, %mul3A_408 : vector<16xi32>
      %slice3A_410 = vector.extract_strided_slice %get3A_346 {offsets = [1], sizes = [1], strides = [1]} : vector<16xi32> to vector<1xi32>
      %squeeze3A_411 = vector.extract %slice3A_410[0] : i32 from vector<1xi32>
      %add3A_412 = vector.broadcast %squeeze3A_411 : i32 to vector<16xi32>
      %add3A_413 = arith.addi %mul3A_409, %add3A_412 : vector<16xi32>
      %gather3A_414 = tpu.vector_load_idx %arg15[%add3A_406, %add3A_413] : memref<416x32xf32, #tpu.memory_space<vmem>>[vector<16xi32>, vector<16xi32>], vector<16xf32>,
      %slice3A_415 = vector.extract_strided_slice %get3A_344 {offsets = [1], sizes = [1], strides = [1]} : vector<16xi32> to vector<1xi32>
      %squeeze3A_416 = vector.extract %slice3A_415[0] : i32 from vector<1xi32>
      %eq3A_417 = arith.constant 0 : i32
      %eq3A_418 = arith.cmpi eq, %squeeze3A_416, %eq3A_417 : i32
      %select_n3A_419 = arith.select %eq3A_418, %gather3A_402, %gather3A_414 : vector<16xf32>
      %mul3A_420 = arith.constant 16 : i32
      %mul3A_421 = arith.muli %scan3A_335, %mul3A_420 : i32
      %add3A_422 = arith.addi %mul3A_35, %mul3A_421 : i32
      %add3A_423 = arith.constant 1 : i32
      %add3A_424 = arith.addi %add3A_422, %add3A_423 : i32
      %mul3A_425 = arith.constant 16 : i32
      %mul3A_426 = arith.muli %add3A_424, %mul3A_425 : i32
      %swap3A_427 = arith.index_cast %mul3A_426 : i32 to index
      %swap3A_428 = tpu.vector_load %arg17[%swap3A_427] {strides = array<i32>} : memref<26624xf32, #tpu.memory_space<vmem>>, vector<16xf32>,
      tpu.vector_store %arg17[%swap3A_427], %select_n3A_419 {strides = array<i32>} : memref<26624xf32, #tpu.memory_space<vmem>>, vector<16xf32>,
      %mul3A_429 = arith.constant 16 : i32
      %mul3A_430 = arith.muli %scan3A_335, %mul3A_429 : i32
      %add3A_431 = arith.constant 2 : i32
      %add3A_432 = arith.addi %mul3A_430, %add3A_431 : i32
      %mul3A_433 = arith.constant 16 : i32
      %mul3A_434 = arith.muli %add3A_432, %mul3A_433 : i32
      %add3A_435 = vector.broadcast %mul3A_434 : i32 to vector<16xi32>
      %add3A_436 = arith.addi %add3A_435, %iota3A : vector<16xi32>
      %mul3A_437 = arith.constant 0 : i32
      %mul3A_438 = vector.broadcast %mul3A_437 : i32 to vector<16xi32>
      %mul3A_439 = arith.muli %iota3A, %mul3A_438 : vector<16xi32>
      %slice3A_440 = vector.extract_strided_slice %get3A_340 {offsets = [2], sizes = [1], strides = [1]} : vector<16xi32> to vector<1xi32>
      %squeeze3A_441 = vector.extract %slice3A_440[0] : i32 from vector<1xi32>
      %add3A_442 = vector.broadcast %squeeze3A_441 : i32 to vector<16xi32>
      %add3A_443 = arith.addi %mul3A_439, %add3A_442 : vector<16xi32>
      %gather3A_444 = tpu.vector_load_idx %arg16[%add3A_436, %add3A_443] : memref<256x128xf32, #tpu.memory_space<vmem>>[vector<16xi32>, vector<16xi32>], vector<16xf32>,
      %slice3A_445 = vector.extract_strided_slice %get3A_342 {offsets = [2], sizes = [1], strides = [1]} : vector<16xi32> to vector<1xi32>
      %squeeze3A_446 = vector.extract %slice3A_445[0] : i32 from vector<1xi32>
      %add3A_447 = vector.broadcast %squeeze3A_446 : i32 to vector<16xi32>
      %add3A_448 = arith.addi %add3A_447, %iota3A : vector<16xi32>
      %mul3A_449 = arith.constant 0 : i32
      %mul3A_450 = vector.broadcast %mul3A_449 : i32 to vector<16xi32>
      %mul3A_451 = arith.muli %iota3A, %mul3A_450 : vector<16xi32>
      %slice3A_452 = vector.extract_strided_slice %get3A_346 {offsets = [2], sizes = [1], strides = [1]} : vector<16xi32> to vector<1xi32>
      %squeeze3A_453 = vector.extract %slice3A_452[0] : i32 from vector<1xi32>
      %add3A_454 = vector.broadcast %squeeze3A_453 : i32 to vector<16xi32>
      %add3A_455 = arith.addi %mul3A_451, %add3A_454 : vector<16xi32>
      %gather3A_456 = tpu.vector_load_idx %arg15[%add3A_448, %add3A_455] : memref<416x32xf32, #tpu.memory_space<vmem>>[vector<16xi32>, vector<16xi32>], vector<16xf32>,
      %slice3A_457 = vector.extract_strided_slice %get3A_344 {offsets = [2], sizes = [1], strides = [1]} : vector<16xi32> to vector<1xi32>
      %squeeze3A_458 = vector.extract %slice3A_457[0] : i32 from vector<1xi32>
      %eq3A_459 = arith.constant 0 : i32
      %eq3A_460 = arith.cmpi eq, %squeeze3A_458, %eq3A_459 : i32
      %select_n3A_461 = arith.select %eq3A_460, %gather3A_444, %gather3A_456 : vector<16xf32>
      %mul3A_462 = arith.constant 16 : i32
      %mul3A_463 = arith.muli %scan3A_335, %mul3A_462 : i32
      %add3A_464 = arith.addi %mul3A_35, %mul3A_463 : i32
      %add3A_465 = arith.constant 2 : i32
      %add3A_466 = arith.addi %add3A_464, %add3A_465 : i32
      %mul3A_467 = arith.constant 16 : i32
      %mul3A_468 = arith.muli %add3A_466, %mul3A_467 : i32
      %swap3A_469 = arith.index_cast %mul3A_468 : i32 to index
      %swap3A_470 = tpu.vector_load %arg17[%swap3A_469] {strides = array<i32>} : memref<26624xf32, #tpu.memory_space<vmem>>, vector<16xf32>,
      tpu.vector_store %arg17[%swap3A_469], %select_n3A_461 {strides = array<i32>} : memref<26624xf32, #tpu.memory_space<vmem>>, vector<16xf32>,
      %mul3A_471 = arith.constant 16 : i32
      %mul3A_472 = arith.muli %scan3A_335, %mul3A_471 : i32
      %add3A_473 = arith.constant 3 : i32
      %add3A_474 = arith.addi %mul3A_472, %add3A_473 : i32
      %mul3A_475 = arith.constant 16 : i32
      %mul3A_476 = arith.muli %add3A_474, %mul3A_475 : i32
      %add3A_477 = vector.broadcast %mul3A_476 : i32 to vector<16xi32>
      %add3A_478 = arith.addi %add3A_477, %iota3A : vector<16xi32>
      %mul3A_479 = arith.constant 0 : i32
      %mul3A_480 = vector.broadcast %mul3A_479 : i32 to vector<16xi32>
      %mul3A_481 = arith.muli %iota3A, %mul3A_480 : vector<16xi32>
      %slice3A_482 = vector.extract_strided_slice %get3A_340 {offsets = [3], sizes = [1], strides = [1]} : vector<16xi32> to vector<1xi32>
      %squeeze3A_483 = vector.extract %slice3A_482[0] : i32 from vector<1xi32>
      %add3A_484 = vector.broadcast %squeeze3A_483 : i32 to vector<16xi32>
      %add3A_485 = arith.addi %mul3A_481, %add3A_484 : vector<16xi32>
      %gather3A_486 = tpu.vector_load_idx %arg16[%add3A_478, %add3A_485] : memref<256x128xf32, #tpu.memory_space<vmem>>[vector<16xi32>, vector<16xi32>], vector<16xf32>,
      %slice3A_487 = vector.extract_strided_slice %get3A_342 {offsets = [3], sizes = [1], strides = [1]} : vector<16xi32> to vector<1xi32>
      %squeeze3A_488 = vector.extract %slice3A_487[0] : i32 from vector<1xi32>
      %add3A_489 = vector.broadcast %squeeze3A_488 : i32 to vector<16xi32>
      %add3A_490 = arith.addi %add3A_489, %iota3A : vector<16xi32>
      %mul3A_491 = arith.constant 0 : i32
      %mul3A_492 = vector.broadcast %mul3A_491 : i32 to vector<16xi32>
      %mul3A_493 = arith.muli %iota3A, %mul3A_492 : vector<16xi32>
      %slice3A_494 = vector.extract_strided_slice %get3A_346 {offsets = [3], sizes = [1], strides = [1]} : vector<16xi32> to vector<1xi32>
      %squeeze3A_495 = vector.extract %slice3A_494[0] : i32 from vector<1xi32>
      %add3A_496 = vector.broadcast %squeeze3A_495 : i32 to vector<16xi32>
      %add3A_497 = arith.addi %mul3A_493, %add3A_496 : vector<16xi32>
      %gather3A_498 = tpu.vector_load_idx %arg15[%add3A_490, %add3A_497] : memref<416x32xf32, #tpu.memory_space<vmem>>[vector<16xi32>, vector<16xi32>], vector<16xf32>,
      %slice3A_499 = vector.extract_strided_slice %get3A_344 {offsets = [3], sizes = [1], strides = [1]} : vector<16xi32> to vector<1xi32>
      %squeeze3A_500 = vector.extract %slice3A_499[0] : i32 from vector<1xi32>
      %eq3A_501 = arith.constant 0 : i32
      %eq3A_502 = arith.cmpi eq, %squeeze3A_500, %eq3A_501 : i32
      %select_n3A_503 = arith.select %eq3A_502, %gather3A_486, %gather3A_498 : vector<16xf32>
      %mul3A_504 = arith.constant 16 : i32
      %mul3A_505 = arith.muli %scan3A_335, %mul3A_504 : i32
      %add3A_506 = arith.addi %mul3A_35, %mul3A_505 : i32
      %add3A_507 = arith.constant 3 : i32
      %add3A_508 = arith.addi %add3A_506, %add3A_507 : i32
      %mul3A_509 = arith.constant 16 : i32
      %mul3A_510 = arith.muli %add3A_508, %mul3A_509 : i32
      %swap3A_511 = arith.index_cast %mul3A_510 : i32 to index
      %swap3A_512 = tpu.vector_load %arg17[%swap3A_511] {strides = array<i32>} : memref<26624xf32, #tpu.memory_space<vmem>>, vector<16xf32>,
      tpu.vector_store %arg17[%swap3A_511], %select_n3A_503 {strides = array<i32>} : memref<26624xf32, #tpu.memory_space<vmem>>, vector<16xf32>,
      %mul3A_513 = arith.constant 16 : i32
      %mul3A_514 = arith.muli %scan3A_335, %mul3A_513 : i32
      %add3A_515 = arith.constant 4 : i32
      %add3A_516 = arith.addi %mul3A_514, %add3A_515 : i32
      %mul3A_517 = arith.constant 16 : i32
      %mul3A_518 = arith.muli %add3A_516, %mul3A_517 : i32
      %add3A_519 = vector.broadcast %mul3A_518 : i32 to vector<16xi32>
      %add3A_520 = arith.addi %add3A_519, %iota3A : vector<16xi32>
      %mul3A_521 = arith.constant 0 : i32
      %mul3A_522 = vector.broadcast %mul3A_521 : i32 to vector<16xi32>
      %mul3A_523 = arith.muli %iota3A, %mul3A_522 : vector<16xi32>
      %slice3A_524 = vector.extract_strided_slice %get3A_340 {offsets = [4], sizes = [1], strides = [1]} : vector<16xi32> to vector<1xi32>
      %squeeze3A_525 = vector.extract %slice3A_524[0] : i32 from vector<1xi32>
      %add3A_526 = vector.broadcast %squeeze3A_525 : i32 to vector<16xi32>
      %add3A_527 = arith.addi %mul3A_523, %add3A_526 : vector<16xi32>
      %gather3A_528 = tpu.vector_load_idx %arg16[%add3A_520, %add3A_527] : memref<256x128xf32, #tpu.memory_space<vmem>>[vector<16xi32>, vector<16xi32>], vector<16xf32>,
      %slice3A_529 = vector.extract_strided_slice %get3A_342 {offsets = [4], sizes = [1], strides = [1]} : vector<16xi32> to vector<1xi32>
      %squeeze3A_530 = vector.extract %slice3A_529[0] : i32 from vector<1xi32>
      %add3A_531 = vector.broadcast %squeeze3A_530 : i32 to vector<16xi32>
      %add3A_532 = arith.addi %add3A_531, %iota3A : vector<16xi32>
      %mul3A_533 = arith.constant 0 : i32
      %mul3A_534 = vector.broadcast %mul3A_533 : i32 to vector<16xi32>
      %mul3A_535 = arith.muli %iota3A, %mul3A_534 : vector<16xi32>
      %slice3A_536 = vector.extract_strided_slice %get3A_346 {offsets = [4], sizes = [1], strides = [1]} : vector<16xi32> to vector<1xi32>
      %squeeze3A_537 = vector.extract %slice3A_536[0] : i32 from vector<1xi32>
      %add3A_538 = vector.broadcast %squeeze3A_537 : i32 to vector<16xi32>
      %add3A_539 = arith.addi %mul3A_535, %add3A_538 : vector<16xi32>
      %gather3A_540 = tpu.vector_load_idx %arg15[%add3A_532, %add3A_539] : memref<416x32xf32, #tpu.memory_space<vmem>>[vector<16xi32>, vector<16xi32>], vector<16xf32>,
      %slice3A_541 = vector.extract_strided_slice %get3A_344 {offsets = [4], sizes = [1], strides = [1]} : vector<16xi32> to vector<1xi32>
      %squeeze3A_542 = vector.extract %slice3A_541[0] : i32 from vector<1xi32>
      %eq3A_543 = arith.constant 0 : i32
      %eq3A_544 = arith.cmpi eq, %squeeze3A_542, %eq3A_543 : i32
      %select_n3A_545 = arith.select %eq3A_544, %gather3A_528, %gather3A_540 : vector<16xf32>
      %mul3A_546 = arith.constant 16 : i32
      %mul3A_547 = arith.muli %scan3A_335, %mul3A_546 : i32
      %add3A_548 = arith.addi %mul3A_35, %mul3A_547 : i32
      %add3A_549 = arith.constant 4 : i32
      %add3A_550 = arith.addi %add3A_548, %add3A_549 : i32
      %mul3A_551 = arith.constant 16 : i32
      %mul3A_552 = arith.muli %add3A_550, %mul3A_551 : i32
      %swap3A_553 = arith.index_cast %mul3A_552 : i32 to index
      %swap3A_554 = tpu.vector_load %arg17[%swap3A_553] {strides = array<i32>} : memref<26624xf32, #tpu.memory_space<vmem>>, vector<16xf32>,
      tpu.vector_store %arg17[%swap3A_553], %select_n3A_545 {strides = array<i32>} : memref<26624xf32, #tpu.memory_space<vmem>>, vector<16xf32>,
      %mul3A_555 = arith.constant 16 : i32
      %mul3A_556 = arith.muli %scan3A_335, %mul3A_555 : i32
      %add3A_557 = arith.constant 5 : i32
      %add3A_558 = arith.addi %mul3A_556, %add3A_557 : i32
      %mul3A_559 = arith.constant 16 : i32
      %mul3A_560 = arith.muli %add3A_558, %mul3A_559 : i32
      %add3A_561 = vector.broadcast %mul3A_560 : i32 to vector<16xi32>
      %add3A_562 = arith.addi %add3A_561, %iota3A : vector<16xi32>
      %mul3A_563 = arith.constant 0 : i32
      %mul3A_564 = vector.broadcast %mul3A_563 : i32 to vector<16xi32>
      %mul3A_565 = arith.muli %iota3A, %mul3A_564 : vector<16xi32>
      %slice3A_566 = vector.extract_strided_slice %get3A_340 {offsets = [5], sizes = [1], strides = [1]} : vector<16xi32> to vector<1xi32>
      %squeeze3A_567 = vector.extract %slice3A_566[0] : i32 from vector<1xi32>
      %add3A_568 = vector.broadcast %squeeze3A_567 : i32 to vector<16xi32>
      %add3A_569 = arith.addi %mul3A_565, %add3A_568 : vector<16xi32>
      %gather3A_570 = tpu.vector_load_idx %arg16[%add3A_562, %add3A_569] : memref<256x128xf32, #tpu.memory_space<vmem>>[vector<16xi32>, vector<16xi32>], vector<16xf32>,
      %slice3A_571 = vector.extract_strided_slice %get3A_342 {offsets = [5], sizes = [1], strides = [1]} : vector<16xi32> to vector<1xi32>
      %squeeze3A_572 = vector.extract %slice3A_571[0] : i32 from vector<1xi32>
      %add3A_573 = vector.broadcast %squeeze3A_572 : i32 to vector<16xi32>
      %add3A_574 = arith.addi %add3A_573, %iota3A : vector<16xi32>
      %mul3A_575 = arith.constant 0 : i32
      %mul3A_576 = vector.broadcast %mul3A_575 : i32 to vector<16xi32>
      %mul3A_577 = arith.muli %iota3A, %mul3A_576 : vector<16xi32>
      %slice3A_578 = vector.extract_strided_slice %get3A_346 {offsets = [5], sizes = [1], strides = [1]} : vector<16xi32> to vector<1xi32>
      %squeeze3A_579 = vector.extract %slice3A_578[0] : i32 from vector<1xi32>
      %add3A_580 = vector.broadcast %squeeze3A_579 : i32 to vector<16xi32>
      %add3A_581 = arith.addi %mul3A_577, %add3A_580 : vector<16xi32>
      %gather3A_582 = tpu.vector_load_idx %arg15[%add3A_574, %add3A_581] : memref<416x32xf32, #tpu.memory_space<vmem>>[vector<16xi32>, vector<16xi32>], vector<16xf32>,
      %slice3A_583 = vector.extract_strided_slice %get3A_344 {offsets = [5], sizes = [1], strides = [1]} : vector<16xi32> to vector<1xi32>
      %squeeze3A_584 = vector.extract %slice3A_583[0] : i32 from vector<1xi32>
      %eq3A_585 = arith.constant 0 : i32
      %eq3A_586 = arith.cmpi eq, %squeeze3A_584, %eq3A_585 : i32
      %select_n3A_587 = arith.select %eq3A_586, %gather3A_570, %gather3A_582 : vector<16xf32>
      %mul3A_588 = arith.constant 16 : i32
      %mul3A_589 = arith.muli %scan3A_335, %mul3A_588 : i32
      %add3A_590 = arith.addi %mul3A_35, %mul3A_589 : i32
      %add3A_591 = arith.constant 5 : i32
      %add3A_592 = arith.addi %add3A_590, %add3A_591 : i32
      %mul3A_593 = arith.constant 16 : i32
      %mul3A_594 = arith.muli %add3A_592, %mul3A_593 : i32
      %swap3A_595 = arith.index_cast %mul3A_594 : i32 to index
      %swap3A_596 = tpu.vector_load %arg17[%swap3A_595] {strides = array<i32>} : memref<26624xf32, #tpu.memory_space<vmem>>, vector<16xf32>,
      tpu.vector_store %arg17[%swap3A_595], %select_n3A_587 {strides = array<i32>} : memref<26624xf32, #tpu.memory_space<vmem>>, vector<16xf32>,
      %mul3A_597 = arith.constant 16 : i32
      %mul3A_598 = arith.muli %scan3A_335, %mul3A_597 : i32
      %add3A_599 = arith.constant 6 : i32
      %add3A_600 = arith.addi %mul3A_598, %add3A_599 : i32
      %mul3A_601 = arith.constant 16 : i32
      %mul3A_602 = arith.muli %add3A_600, %mul3A_601 : i32
      %add3A_603 = vector.broadcast %mul3A_602 : i32 to vector<16xi32>
      %add3A_604 = arith.addi %add3A_603, %iota3A : vector<16xi32>
      %mul3A_605 = arith.constant 0 : i32
      %mul3A_606 = vector.broadcast %mul3A_605 : i32 to vector<16xi32>
      %mul3A_607 = arith.muli %iota3A, %mul3A_606 : vector<16xi32>
      %slice3A_608 = vector.extract_strided_slice %get3A_340 {offsets = [6], sizes = [1], strides = [1]} : vector<16xi32> to vector<1xi32>
      %squeeze3A_609 = vector.extract %slice3A_608[0] : i32 from vector<1xi32>
      %add3A_610 = vector.broadcast %squeeze3A_609 : i32 to vector<16xi32>
      %add3A_611 = arith.addi %mul3A_607, %add3A_610 : vector<16xi32>
      %gather3A_612 = tpu.vector_load_idx %arg16[%add3A_604, %add3A_611] : memref<256x128xf32, #tpu.memory_space<vmem>>[vector<16xi32>, vector<16xi32>], vector<16xf32>,
      %slice3A_613 = vector.extract_strided_slice %get3A_342 {offsets = [6], sizes = [1], strides = [1]} : vector<16xi32> to vector<1xi32>
      %squeeze3A_614 = vector.extract %slice3A_613[0] : i32 from vector<1xi32>
      %add3A_615 = vector.broadcast %squeeze3A_614 : i32 to vector<16xi32>
      %add3A_616 = arith.addi %add3A_615, %iota3A : vector<16xi32>
      %mul3A_617 = arith.constant 0 : i32
      %mul3A_618 = vector.broadcast %mul3A_617 : i32 to vector<16xi32>
      %mul3A_619 = arith.muli %iota3A, %mul3A_618 : vector<16xi32>
      %slice3A_620 = vector.extract_strided_slice %get3A_346 {offsets = [6], sizes = [1], strides = [1]} : vector<16xi32> to vector<1xi32>
      %squeeze3A_621 = vector.extract %slice3A_620[0] : i32 from vector<1xi32>
      %add3A_622 = vector.broadcast %squeeze3A_621 : i32 to vector<16xi32>
      %add3A_623 = arith.addi %mul3A_619, %add3A_622 : vector<16xi32>
      %gather3A_624 = tpu.vector_load_idx %arg15[%add3A_616, %add3A_623] : memref<416x32xf32, #tpu.memory_space<vmem>>[vector<16xi32>, vector<16xi32>], vector<16xf32>,
      %slice3A_625 = vector.extract_strided_slice %get3A_344 {offsets = [6], sizes = [1], strides = [1]} : vector<16xi32> to vector<1xi32>
      %squeeze3A_626 = vector.extract %slice3A_625[0] : i32 from vector<1xi32>
      %eq3A_627 = arith.constant 0 : i32
      %eq3A_628 = arith.cmpi eq, %squeeze3A_626, %eq3A_627 : i32
      %select_n3A_629 = arith.select %eq3A_628, %gather3A_612, %gather3A_624 : vector<16xf32>
      %mul3A_630 = arith.constant 16 : i32
      %mul3A_631 = arith.muli %scan3A_335, %mul3A_630 : i32
      %add3A_632 = arith.addi %mul3A_35, %mul3A_631 : i32
      %add3A_633 = arith.constant 6 : i32
      %add3A_634 = arith.addi %add3A_632, %add3A_633 : i32
      %mul3A_635 = arith.constant 16 : i32
      %mul3A_636 = arith.muli %add3A_634, %mul3A_635 : i32
      %swap3A_637 = arith.index_cast %mul3A_636 : i32 to index
      %swap3A_638 = tpu.vector_load %arg17[%swap3A_637] {strides = array<i32>} : memref<26624xf32, #tpu.memory_space<vmem>>, vector<16xf32>,
      tpu.vector_store %arg17[%swap3A_637], %select_n3A_629 {strides = array<i32>} : memref<26624xf32, #tpu.memory_space<vmem>>, vector<16xf32>,
      %mul3A_639 = arith.constant 16 : i32
      %mul3A_640 = arith.muli %scan3A_335, %mul3A_639 : i32
      %add3A_641 = arith.constant 7 : i32
      %add3A_642 = arith.addi %mul3A_640, %add3A_641 : i32
      %mul3A_643 = arith.constant 16 : i32
      %mul3A_644 = arith.muli %add3A_642, %mul3A_643 : i32
      %add3A_645 = vector.broadcast %mul3A_644 : i32 to vector<16xi32>
      %add3A_646 = arith.addi %add3A_645, %iota3A : vector<16xi32>
      %mul3A_647 = arith.constant 0 : i32
      %mul3A_648 = vector.broadcast %mul3A_647 : i32 to vector<16xi32>
      %mul3A_649 = arith.muli %iota3A, %mul3A_648 : vector<16xi32>
      %slice3A_650 = vector.extract_strided_slice %get3A_340 {offsets = [7], sizes = [1], strides = [1]} : vector<16xi32> to vector<1xi32>
      %squeeze3A_651 = vector.extract %slice3A_650[0] : i32 from vector<1xi32>
      %add3A_652 = vector.broadcast %squeeze3A_651 : i32 to vector<16xi32>
      %add3A_653 = arith.addi %mul3A_649, %add3A_652 : vector<16xi32>
      %gather3A_654 = tpu.vector_load_idx %arg16[%add3A_646, %add3A_653] : memref<256x128xf32, #tpu.memory_space<vmem>>[vector<16xi32>, vector<16xi32>], vector<16xf32>,
      %slice3A_655 = vector.extract_strided_slice %get3A_342 {offsets = [7], sizes = [1], strides = [1]} : vector<16xi32> to vector<1xi32>
      %squeeze3A_656 = vector.extract %slice3A_655[0] : i32 from vector<1xi32>
      %add3A_657 = vector.broadcast %squeeze3A_656 : i32 to vector<16xi32>
      %add3A_658 = arith.addi %add3A_657, %iota3A : vector<16xi32>
      %mul3A_659 = arith.constant 0 : i32
      %mul3A_660 = vector.broadcast %mul3A_659 : i32 to vector<16xi32>
      %mul3A_661 = arith.muli %iota3A, %mul3A_660 : vector<16xi32>
      %slice3A_662 = vector.extract_strided_slice %get3A_346 {offsets = [7], sizes = [1], strides = [1]} : vector<16xi32> to vector<1xi32>
      %squeeze3A_663 = vector.extract %slice3A_662[0] : i32 from vector<1xi32>
      %add3A_664 = vector.broadcast %squeeze3A_663 : i32 to vector<16xi32>
      %add3A_665 = arith.addi %mul3A_661, %add3A_664 : vector<16xi32>
      %gather3A_666 = tpu.vector_load_idx %arg15[%add3A_658, %add3A_665] : memref<416x32xf32, #tpu.memory_space<vmem>>[vector<16xi32>, vector<16xi32>], vector<16xf32>,
      %slice3A_667 = vector.extract_strided_slice %get3A_344 {offsets = [7], sizes = [1], strides = [1]} : vector<16xi32> to vector<1xi32>
      %squeeze3A_668 = vector.extract %slice3A_667[0] : i32 from vector<1xi32>
      %eq3A_669 = arith.constant 0 : i32
      %eq3A_670 = arith.cmpi eq, %squeeze3A_668, %eq3A_669 : i32
      %select_n3A_671 = arith.select %eq3A_670, %gather3A_654, %gather3A_666 : vector<16xf32>
      %mul3A_672 = arith.constant 16 : i32
      %mul3A_673 = arith.muli %scan3A_335, %mul3A_672 : i32
      %add3A_674 = arith.addi %mul3A_35, %mul3A_673 : i32
      %add3A_675 = arith.constant 7 : i32
      %add3A_676 = arith.addi %add3A_674, %add3A_675 : i32
      %mul3A_677 = arith.constant 16 : i32
      %mul3A_678 = arith.muli %add3A_676, %mul3A_677 : i32
      %swap3A_679 = arith.index_cast %mul3A_678 : i32 to index
      %swap3A_680 = tpu.vector_load %arg17[%swap3A_679] {strides = array<i32>} : memref<26624xf32, #tpu.memory_space<vmem>>, vector<16xf32>,
      tpu.vector_store %arg17[%swap3A_679], %select_n3A_671 {strides = array<i32>} : memref<26624xf32, #tpu.memory_space<vmem>>, vector<16xf32>,
      %mul3A_681 = arith.constant 16 : i32
      %mul3A_682 = arith.muli %scan3A_335, %mul3A_681 : i32
      %add3A_683 = arith.constant 8 : i32
      %add3A_684 = arith.addi %mul3A_682, %add3A_683 : i32
      %mul3A_685 = arith.constant 16 : i32
      %mul3A_686 = arith.muli %add3A_684, %mul3A_685 : i32
      %add3A_687 = vector.broadcast %mul3A_686 : i32 to vector<16xi32>
      %add3A_688 = arith.addi %add3A_687, %iota3A : vector<16xi32>
      %mul3A_689 = arith.constant 0 : i32
      %mul3A_690 = vector.broadcast %mul3A_689 : i32 to vector<16xi32>
      %mul3A_691 = arith.muli %iota3A, %mul3A_690 : vector<16xi32>
      %slice3A_692 = vector.extract_strided_slice %get3A_340 {offsets = [8], sizes = [1], strides = [1]} : vector<16xi32> to vector<1xi32>
      %squeeze3A_693 = vector.extract %slice3A_692[0] : i32 from vector<1xi32>
      %add3A_694 = vector.broadcast %squeeze3A_693 : i32 to vector<16xi32>
      %add3A_695 = arith.addi %mul3A_691, %add3A_694 : vector<16xi32>
      %gather3A_696 = tpu.vector_load_idx %arg16[%add3A_688, %add3A_695] : memref<256x128xf32, #tpu.memory_space<vmem>>[vector<16xi32>, vector<16xi32>], vector<16xf32>,
      %slice3A_697 = vector.extract_strided_slice %get3A_342 {offsets = [8], sizes = [1], strides = [1]} : vector<16xi32> to vector<1xi32>
      %squeeze3A_698 = vector.extract %slice3A_697[0] : i32 from vector<1xi32>
      %add3A_699 = vector.broadcast %squeeze3A_698 : i32 to vector<16xi32>
      %add3A_700 = arith.addi %add3A_699, %iota3A : vector<16xi32>
      %mul3A_701 = arith.constant 0 : i32
      %mul3A_702 = vector.broadcast %mul3A_701 : i32 to vector<16xi32>
      %mul3A_703 = arith.muli %iota3A, %mul3A_702 : vector<16xi32>
      %slice3A_704 = vector.extract_strided_slice %get3A_346 {offsets = [8], sizes = [1], strides = [1]} : vector<16xi32> to vector<1xi32>
      %squeeze3A_705 = vector.extract %slice3A_704[0] : i32 from vector<1xi32>
      %add3A_706 = vector.broadcast %squeeze3A_705 : i32 to vector<16xi32>
      %add3A_707 = arith.addi %mul3A_703, %add3A_706 : vector<16xi32>
      %gather3A_708 = tpu.vector_load_idx %arg15[%add3A_700, %add3A_707] : memref<416x32xf32, #tpu.memory_space<vmem>>[vector<16xi32>, vector<16xi32>], vector<16xf32>,
      %slice3A_709 = vector.extract_strided_slice %get3A_344 {offsets = [8], sizes = [1], strides = [1]} : vector<16xi32> to vector<1xi32>
      %squeeze3A_710 = vector.extract %slice3A_709[0] : i32 from vector<1xi32>
      %eq3A_711 = arith.constant 0 : i32
      %eq3A_712 = arith.cmpi eq, %squeeze3A_710, %eq3A_711 : i32
      %select_n3A_713 = arith.select %eq3A_712, %gather3A_696, %gather3A_708 : vector<16xf32>
      %mul3A_714 = arith.constant 16 : i32
      %mul3A_715 = arith.muli %scan3A_335, %mul3A_714 : i32
      %add3A_716 = arith.addi %mul3A_35, %mul3A_715 : i32
      %add3A_717 = arith.constant 8 : i32
      %add3A_718 = arith.addi %add3A_716, %add3A_717 : i32
      %mul3A_719 = arith.constant 16 : i32
      %mul3A_720 = arith.muli %add3A_718, %mul3A_719 : i32
      %swap3A_721 = arith.index_cast %mul3A_720 : i32 to index
      %swap3A_722 = tpu.vector_load %arg17[%swap3A_721] {strides = array<i32>} : memref<26624xf32, #tpu.memory_space<vmem>>, vector<16xf32>,
      tpu.vector_store %arg17[%swap3A_721], %select_n3A_713 {strides = array<i32>} : memref<26624xf32, #tpu.memory_space<vmem>>, vector<16xf32>,
      %mul3A_723 = arith.constant 16 : i32
      %mul3A_724 = arith.muli %scan3A_335, %mul3A_723 : i32
      %add3A_725 = arith.constant 9 : i32
      %add3A_726 = arith.addi %mul3A_724, %add3A_725 : i32
      %mul3A_727 = arith.constant 16 : i32
      %mul3A_728 = arith.muli %add3A_726, %mul3A_727 : i32
      %add3A_729 = vector.broadcast %mul3A_728 : i32 to vector<16xi32>
      %add3A_730 = arith.addi %add3A_729, %iota3A : vector<16xi32>
      %mul3A_731 = arith.constant 0 : i32
      %mul3A_732 = vector.broadcast %mul3A_731 : i32 to vector<16xi32>
      %mul3A_733 = arith.muli %iota3A, %mul3A_732 : vector<16xi32>
      %slice3A_734 = vector.extract_strided_slice %get3A_340 {offsets = [9], sizes = [1], strides = [1]} : vector<16xi32> to vector<1xi32>
      %squeeze3A_735 = vector.extract %slice3A_734[0] : i32 from vector<1xi32>
      %add3A_736 = vector.broadcast %squeeze3A_735 : i32 to vector<16xi32>
      %add3A_737 = arith.addi %mul3A_733, %add3A_736 : vector<16xi32>
      %gather3A_738 = tpu.vector_load_idx %arg16[%add3A_730, %add3A_737] : memref<256x128xf32, #tpu.memory_space<vmem>>[vector<16xi32>, vector<16xi32>], vector<16xf32>,
      %slice3A_739 = vector.extract_strided_slice %get3A_342 {offsets = [9], sizes = [1], strides = [1]} : vector<16xi32> to vector<1xi32>
      %squeeze3A_740 = vector.extract %slice3A_739[0] : i32 from vector<1xi32>
      %add3A_741 = vector.broadcast %squeeze3A_740 : i32 to vector<16xi32>
      %add3A_742 = arith.addi %add3A_741, %iota3A : vector<16xi32>
      %mul3A_743 = arith.constant 0 : i32
      %mul3A_744 = vector.broadcast %mul3A_743 : i32 to vector<16xi32>
      %mul3A_745 = arith.muli %iota3A, %mul3A_744 : vector<16xi32>
      %slice3A_746 = vector.extract_strided_slice %get3A_346 {offsets = [9], sizes = [1], strides = [1]} : vector<16xi32> to vector<1xi32>
      %squeeze3A_747 = vector.extract %slice3A_746[0] : i32 from vector<1xi32>
      %add3A_748 = vector.broadcast %squeeze3A_747 : i32 to vector<16xi32>
      %add3A_749 = arith.addi %mul3A_745, %add3A_748 : vector<16xi32>
      %gather3A_750 = tpu.vector_load_idx %arg15[%add3A_742, %add3A_749] : memref<416x32xf32, #tpu.memory_space<vmem>>[vector<16xi32>, vector<16xi32>], vector<16xf32>,
      %slice3A_751 = vector.extract_strided_slice %get3A_344 {offsets = [9], sizes = [1], strides = [1]} : vector<16xi32> to vector<1xi32>
      %squeeze3A_752 = vector.extract %slice3A_751[0] : i32 from vector<1xi32>
      %eq3A_753 = arith.constant 0 : i32
      %eq3A_754 = arith.cmpi eq, %squeeze3A_752, %eq3A_753 : i32
      %select_n3A_755 = arith.select %eq3A_754, %gather3A_738, %gather3A_750 : vector<16xf32>
      %mul3A_756 = arith.constant 16 : i32
      %mul3A_757 = arith.muli %scan3A_335, %mul3A_756 : i32
      %add3A_758 = arith.addi %mul3A_35, %mul3A_757 : i32
      %add3A_759 = arith.constant 9 : i32
      %add3A_760 = arith.addi %add3A_758, %add3A_759 : i32
      %mul3A_761 = arith.constant 16 : i32
      %mul3A_762 = arith.muli %add3A_760, %mul3A_761 : i32
      %swap3A_763 = arith.index_cast %mul3A_762 : i32 to index
      %swap3A_764 = tpu.vector_load %arg17[%swap3A_763] {strides = array<i32>} : memref<26624xf32, #tpu.memory_space<vmem>>, vector<16xf32>,
      tpu.vector_store %arg17[%swap3A_763], %select_n3A_755 {strides = array<i32>} : memref<26624xf32, #tpu.memory_space<vmem>>, vector<16xf32>,
      %mul3A_765 = arith.constant 16 : i32
      %mul3A_766 = arith.muli %scan3A_335, %mul3A_765 : i32
      %add3A_767 = arith.constant 10 : i32
      %add3A_768 = arith.addi %mul3A_766, %add3A_767 : i32
      %mul3A_769 = arith.constant 16 : i32
      %mul3A_770 = arith.muli %add3A_768, %mul3A_769 : i32
      %add3A_771 = vector.broadcast %mul3A_770 : i32 to vector<16xi32>
      %add3A_772 = arith.addi %add3A_771, %iota3A : vector<16xi32>
      %mul3A_773 = arith.constant 0 : i32
      %mul3A_774 = vector.broadcast %mul3A_773 : i32 to vector<16xi32>
      %mul3A_775 = arith.muli %iota3A, %mul3A_774 : vector<16xi32>
      %slice3A_776 = vector.extract_strided_slice %get3A_340 {offsets = [10], sizes = [1], strides = [1]} : vector<16xi32> to vector<1xi32>
      %squeeze3A_777 = vector.extract %slice3A_776[0] : i32 from vector<1xi32>
      %add3A_778 = vector.broadcast %squeeze3A_777 : i32 to vector<16xi32>
      %add3A_779 = arith.addi %mul3A_775, %add3A_778 : vector<16xi32>
      %gather3A_780 = tpu.vector_load_idx %arg16[%add3A_772, %add3A_779] : memref<256x128xf32, #tpu.memory_space<vmem>>[vector<16xi32>, vector<16xi32>], vector<16xf32>,
      %slice3A_781 = vector.extract_strided_slice %get3A_342 {offsets = [10], sizes = [1], strides = [1]} : vector<16xi32> to vector<1xi32>
      %squeeze3A_782 = vector.extract %slice3A_781[0] : i32 from vector<1xi32>
      %add3A_783 = vector.broadcast %squeeze3A_782 : i32 to vector<16xi32>
      %add3A_784 = arith.addi %add3A_783, %iota3A : vector<16xi32>
      %mul3A_785 = arith.constant 0 : i32
      %mul3A_786 = vector.broadcast %mul3A_785 : i32 to vector<16xi32>
      %mul3A_787 = arith.muli %iota3A, %mul3A_786 : vector<16xi32>
      %slice3A_788 = vector.extract_strided_slice %get3A_346 {offsets = [10], sizes = [1], strides = [1]} : vector<16xi32> to vector<1xi32>
      %squeeze3A_789 = vector.extract %slice3A_788[0] : i32 from vector<1xi32>
      %add3A_790 = vector.broadcast %squeeze3A_789 : i32 to vector<16xi32>
      %add3A_791 = arith.addi %mul3A_787, %add3A_790 : vector<16xi32>
      %gather3A_792 = tpu.vector_load_idx %arg15[%add3A_784, %add3A_791] : memref<416x32xf32, #tpu.memory_space<vmem>>[vector<16xi32>, vector<16xi32>], vector<16xf32>,
      %slice3A_793 = vector.extract_strided_slice %get3A_344 {offsets = [10], sizes = [1], strides = [1]} : vector<16xi32> to vector<1xi32>
      %squeeze3A_794 = vector.extract %slice3A_793[0] : i32 from vector<1xi32>
      %eq3A_795 = arith.constant 0 : i32
      %eq3A_796 = arith.cmpi eq, %squeeze3A_794, %eq3A_795 : i32
      %select_n3A_797 = arith.select %eq3A_796, %gather3A_780, %gather3A_792 : vector<16xf32>
      %mul3A_798 = arith.constant 16 : i32
      %mul3A_799 = arith.muli %scan3A_335, %mul3A_798 : i32
      %add3A_800 = arith.addi %mul3A_35, %mul3A_799 : i32
      %add3A_801 = arith.constant 10 : i32
      %add3A_802 = arith.addi %add3A_800, %add3A_801 : i32
      %mul3A_803 = arith.constant 16 : i32
      %mul3A_804 = arith.muli %add3A_802, %mul3A_803 : i32
      %swap3A_805 = arith.index_cast %mul3A_804 : i32 to index
      %swap3A_806 = tpu.vector_load %arg17[%swap3A_805] {strides = array<i32>} : memref<26624xf32, #tpu.memory_space<vmem>>, vector<16xf32>,
      tpu.vector_store %arg17[%swap3A_805], %select_n3A_797 {strides = array<i32>} : memref<26624xf32, #tpu.memory_space<vmem>>, vector<16xf32>,
      %mul3A_807 = arith.constant 16 : i32
      %mul3A_808 = arith.muli %scan3A_335, %mul3A_807 : i32
      %add3A_809 = arith.constant 11 : i32
      %add3A_810 = arith.addi %mul3A_808, %add3A_809 : i32
      %mul3A_811 = arith.constant 16 : i32
      %mul3A_812 = arith.muli %add3A_810, %mul3A_811 : i32
      %add3A_813 = vector.broadcast %mul3A_812 : i32 to vector<16xi32>
      %add3A_814 = arith.addi %add3A_813, %iota3A : vector<16xi32>
      %mul3A_815 = arith.constant 0 : i32
      %mul3A_816 = vector.broadcast %mul3A_815 : i32 to vector<16xi32>
      %mul3A_817 = arith.muli %iota3A, %mul3A_816 : vector<16xi32>
      %slice3A_818 = vector.extract_strided_slice %get3A_340 {offsets = [11], sizes = [1], strides = [1]} : vector<16xi32> to vector<1xi32>
      %squeeze3A_819 = vector.extract %slice3A_818[0] : i32 from vector<1xi32>
      %add3A_820 = vector.broadcast %squeeze3A_819 : i32 to vector<16xi32>
      %add3A_821 = arith.addi %mul3A_817, %add3A_820 : vector<16xi32>
      %gather3A_822 = tpu.vector_load_idx %arg16[%add3A_814, %add3A_821] : memref<256x128xf32, #tpu.memory_space<vmem>>[vector<16xi32>, vector<16xi32>], vector<16xf32>,
      %slice3A_823 = vector.extract_strided_slice %get3A_342 {offsets = [11], sizes = [1], strides = [1]} : vector<16xi32> to vector<1xi32>
      %squeeze3A_824 = vector.extract %slice3A_823[0] : i32 from vector<1xi32>
      %add3A_825 = vector.broadcast %squeeze3A_824 : i32 to vector<16xi32>
      %add3A_826 = arith.addi %add3A_825, %iota3A : vector<16xi32>
      %mul3A_827 = arith.constant 0 : i32
      %mul3A_828 = vector.broadcast %mul3A_827 : i32 to vector<16xi32>
      %mul3A_829 = arith.muli %iota3A, %mul3A_828 : vector<16xi32>
      %slice3A_830 = vector.extract_strided_slice %get3A_346 {offsets = [11], sizes = [1], strides = [1]} : vector<16xi32> to vector<1xi32>
      %squeeze3A_831 = vector.extract %slice3A_830[0] : i32 from vector<1xi32>
      %add3A_832 = vector.broadcast %squeeze3A_831 : i32 to vector<16xi32>
      %add3A_833 = arith.addi %mul3A_829, %add3A_832 : vector<16xi32>
      %gather3A_834 = tpu.vector_load_idx %arg15[%add3A_826, %add3A_833] : memref<416x32xf32, #tpu.memory_space<vmem>>[vector<16xi32>, vector<16xi32>], vector<16xf32>,
      %slice3A_835 = vector.extract_strided_slice %get3A_344 {offsets = [11], sizes = [1], strides = [1]} : vector<16xi32> to vector<1xi32>
      %squeeze3A_836 = vector.extract %slice3A_835[0] : i32 from vector<1xi32>
      %eq3A_837 = arith.constant 0 : i32
      %eq3A_838 = arith.cmpi eq, %squeeze3A_836, %eq3A_837 : i32
      %select_n3A_839 = arith.select %eq3A_838, %gather3A_822, %gather3A_834 : vector<16xf32>
      %mul3A_840 = arith.constant 16 : i32
      %mul3A_841 = arith.muli %scan3A_335, %mul3A_840 : i32
      %add3A_842 = arith.addi %mul3A_35, %mul3A_841 : i32
      %add3A_843 = arith.constant 11 : i32
      %add3A_844 = arith.addi %add3A_842, %add3A_843 : i32
      %mul3A_845 = arith.constant 16 : i32
      %mul3A_846 = arith.muli %add3A_844, %mul3A_845 : i32
      %swap3A_847 = arith.index_cast %mul3A_846 : i32 to index
      %swap3A_848 = tpu.vector_load %arg17[%swap3A_847] {strides = array<i32>} : memref<26624xf32, #tpu.memory_space<vmem>>, vector<16xf32>,
      tpu.vector_store %arg17[%swap3A_847], %select_n3A_839 {strides = array<i32>} : memref<26624xf32, #tpu.memory_space<vmem>>, vector<16xf32>,
      %mul3A_849 = arith.constant 16 : i32
      %mul3A_850 = arith.muli %scan3A_335, %mul3A_849 : i32
      %add3A_851 = arith.constant 12 : i32
      %add3A_852 = arith.addi %mul3A_850, %add3A_851 : i32
      %mul3A_853 = arith.constant 16 : i32
      %mul3A_854 = arith.muli %add3A_852, %mul3A_853 : i32
      %add3A_855 = vector.broadcast %mul3A_854 : i32 to vector<16xi32>
      %add3A_856 = arith.addi %add3A_855, %iota3A : vector<16xi32>
      %mul3A_857 = arith.constant 0 : i32
      %mul3A_858 = vector.broadcast %mul3A_857 : i32 to vector<16xi32>
      %mul3A_859 = arith.muli %iota3A, %mul3A_858 : vector<16xi32>
      %slice3A_860 = vector.extract_strided_slice %get3A_340 {offsets = [12], sizes = [1], strides = [1]} : vector<16xi32> to vector<1xi32>
      %squeeze3A_861 = vector.extract %slice3A_860[0] : i32 from vector<1xi32>
      %add3A_862 = vector.broadcast %squeeze3A_861 : i32 to vector<16xi32>
      %add3A_863 = arith.addi %mul3A_859, %add3A_862 : vector<16xi32>
      %gather3A_864 = tpu.vector_load_idx %arg16[%add3A_856, %add3A_863] : memref<256x128xf32, #tpu.memory_space<vmem>>[vector<16xi32>, vector<16xi32>], vector<16xf32>,
      %slice3A_865 = vector.extract_strided_slice %get3A_342 {offsets = [12], sizes = [1], strides = [1]} : vector<16xi32> to vector<1xi32>
      %squeeze3A_866 = vector.extract %slice3A_865[0] : i32 from vector<1xi32>
      %add3A_867 = vector.broadcast %squeeze3A_866 : i32 to vector<16xi32>
      %add3A_868 = arith.addi %add3A_867, %iota3A : vector<16xi32>
      %mul3A_869 = arith.constant 0 : i32
      %mul3A_870 = vector.broadcast %mul3A_869 : i32 to vector<16xi32>
      %mul3A_871 = arith.muli %iota3A, %mul3A_870 : vector<16xi32>
      %slice3A_872 = vector.extract_strided_slice %get3A_346 {offsets = [12], sizes = [1], strides = [1]} : vector<16xi32> to vector<1xi32>
      %squeeze3A_873 = vector.extract %slice3A_872[0] : i32 from vector<1xi32>
      %add3A_874 = vector.broadcast %squeeze3A_873 : i32 to vector<16xi32>
      %add3A_875 = arith.addi %mul3A_871, %add3A_874 : vector<16xi32>
      %gather3A_876 = tpu.vector_load_idx %arg15[%add3A_868, %add3A_875] : memref<416x32xf32, #tpu.memory_space<vmem>>[vector<16xi32>, vector<16xi32>], vector<16xf32>,
      %slice3A_877 = vector.extract_strided_slice %get3A_344 {offsets = [12], sizes = [1], strides = [1]} : vector<16xi32> to vector<1xi32>
      %squeeze3A_878 = vector.extract %slice3A_877[0] : i32 from vector<1xi32>
      %eq3A_879 = arith.constant 0 : i32
      %eq3A_880 = arith.cmpi eq, %squeeze3A_878, %eq3A_879 : i32
      %select_n3A_881 = arith.select %eq3A_880, %gather3A_864, %gather3A_876 : vector<16xf32>
      %mul3A_882 = arith.constant 16 : i32
      %mul3A_883 = arith.muli %scan3A_335, %mul3A_882 : i32
      %add3A_884 = arith.addi %mul3A_35, %mul3A_883 : i32
      %add3A_885 = arith.constant 12 : i32
      %add3A_886 = arith.addi %add3A_884, %add3A_885 : i32
      %mul3A_887 = arith.constant 16 : i32
      %mul3A_888 = arith.muli %add3A_886, %mul3A_887 : i32
      %swap3A_889 = arith.index_cast %mul3A_888 : i32 to index
      %swap3A_890 = tpu.vector_load %arg17[%swap3A_889] {strides = array<i32>} : memref<26624xf32, #tpu.memory_space<vmem>>, vector<16xf32>,
      tpu.vector_store %arg17[%swap3A_889], %select_n3A_881 {strides = array<i32>} : memref<26624xf32, #tpu.memory_space<vmem>>, vector<16xf32>,
      %mul3A_891 = arith.constant 16 : i32
      %mul3A_892 = arith.muli %scan3A_335, %mul3A_891 : i32
      %add3A_893 = arith.constant 13 : i32
      %add3A_894 = arith.addi %mul3A_892, %add3A_893 : i32
      %mul3A_895 = arith.constant 16 : i32
      %mul3A_896 = arith.muli %add3A_894, %mul3A_895 : i32
      %add3A_897 = vector.broadcast %mul3A_896 : i32 to vector<16xi32>
      %add3A_898 = arith.addi %add3A_897, %iota3A : vector<16xi32>
      %mul3A_899 = arith.constant 0 : i32
      %mul3A_900 = vector.broadcast %mul3A_899 : i32 to vector<16xi32>
      %mul3A_901 = arith.muli %iota3A, %mul3A_900 : vector<16xi32>
      %slice3A_902 = vector.extract_strided_slice %get3A_340 {offsets = [13], sizes = [1], strides = [1]} : vector<16xi32> to vector<1xi32>
      %squeeze3A_903 = vector.extract %slice3A_902[0] : i32 from vector<1xi32>
      %add3A_904 = vector.broadcast %squeeze3A_903 : i32 to vector<16xi32>
      %add3A_905 = arith.addi %mul3A_901, %add3A_904 : vector<16xi32>
      %gather3A_906 = tpu.vector_load_idx %arg16[%add3A_898, %add3A_905] : memref<256x128xf32, #tpu.memory_space<vmem>>[vector<16xi32>, vector<16xi32>], vector<16xf32>,
      %slice3A_907 = vector.extract_strided_slice %get3A_342 {offsets = [13], sizes = [1], strides = [1]} : vector<16xi32> to vector<1xi32>
      %squeeze3A_908 = vector.extract %slice3A_907[0] : i32 from vector<1xi32>
      %add3A_909 = vector.broadcast %squeeze3A_908 : i32 to vector<16xi32>
      %add3A_910 = arith.addi %add3A_909, %iota3A : vector<16xi32>
      %mul3A_911 = arith.constant 0 : i32
      %mul3A_912 = vector.broadcast %mul3A_911 : i32 to vector<16xi32>
      %mul3A_913 = arith.muli %iota3A, %mul3A_912 : vector<16xi32>
      %slice3A_914 = vector.extract_strided_slice %get3A_346 {offsets = [13], sizes = [1], strides = [1]} : vector<16xi32> to vector<1xi32>
      %squeeze3A_915 = vector.extract %slice3A_914[0] : i32 from vector<1xi32>
      %add3A_916 = vector.broadcast %squeeze3A_915 : i32 to vector<16xi32>
      %add3A_917 = arith.addi %mul3A_913, %add3A_916 : vector<16xi32>
      %gather3A_918 = tpu.vector_load_idx %arg15[%add3A_910, %add3A_917] : memref<416x32xf32, #tpu.memory_space<vmem>>[vector<16xi32>, vector<16xi32>], vector<16xf32>,
      %slice3A_919 = vector.extract_strided_slice %get3A_344 {offsets = [13], sizes = [1], strides = [1]} : vector<16xi32> to vector<1xi32>
      %squeeze3A_920 = vector.extract %slice3A_919[0] : i32 from vector<1xi32>
      %eq3A_921 = arith.constant 0 : i32
      %eq3A_922 = arith.cmpi eq, %squeeze3A_920, %eq3A_921 : i32
      %select_n3A_923 = arith.select %eq3A_922, %gather3A_906, %gather3A_918 : vector<16xf32>
      %mul3A_924 = arith.constant 16 : i32
      %mul3A_925 = arith.muli %scan3A_335, %mul3A_924 : i32
      %add3A_926 = arith.addi %mul3A_35, %mul3A_925 : i32
      %add3A_927 = arith.constant 13 : i32
      %add3A_928 = arith.addi %add3A_926, %add3A_927 : i32
      %mul3A_929 = arith.constant 16 : i32
      %mul3A_930 = arith.muli %add3A_928, %mul3A_929 : i32
      %swap3A_931 = arith.index_cast %mul3A_930 : i32 to index
      %swap3A_932 = tpu.vector_load %arg17[%swap3A_931] {strides = array<i32>} : memref<26624xf32, #tpu.memory_space<vmem>>, vector<16xf32>,
      tpu.vector_store %arg17[%swap3A_931], %select_n3A_923 {strides = array<i32>} : memref<26624xf32, #tpu.memory_space<vmem>>, vector<16xf32>,
      %mul3A_933 = arith.constant 16 : i32
      %mul3A_934 = arith.muli %scan3A_335, %mul3A_933 : i32
      %add3A_935 = arith.constant 14 : i32
      %add3A_936 = arith.addi %mul3A_934, %add3A_935 : i32
      %mul3A_937 = arith.constant 16 : i32
      %mul3A_938 = arith.muli %add3A_936, %mul3A_937 : i32
      %add3A_939 = vector.broadcast %mul3A_938 : i32 to vector<16xi32>
      %add3A_940 = arith.addi %add3A_939, %iota3A : vector<16xi32>
      %mul3A_941 = arith.constant 0 : i32
      %mul3A_942 = vector.broadcast %mul3A_941 : i32 to vector<16xi32>
      %mul3A_943 = arith.muli %iota3A, %mul3A_942 : vector<16xi32>
      %slice3A_944 = vector.extract_strided_slice %get3A_340 {offsets = [14], sizes = [1], strides = [1]} : vector<16xi32> to vector<1xi32>
      %squeeze3A_945 = vector.extract %slice3A_944[0] : i32 from vector<1xi32>
      %add3A_946 = vector.broadcast %squeeze3A_945 : i32 to vector<16xi32>
      %add3A_947 = arith.addi %mul3A_943, %add3A_946 : vector<16xi32>
      %gather3A_948 = tpu.vector_load_idx %arg16[%add3A_940, %add3A_947] : memref<256x128xf32, #tpu.memory_space<vmem>>[vector<16xi32>, vector<16xi32>], vector<16xf32>,
      %slice3A_949 = vector.extract_strided_slice %get3A_342 {offsets = [14], sizes = [1], strides = [1]} : vector<16xi32> to vector<1xi32>
      %squeeze3A_950 = vector.extract %slice3A_949[0] : i32 from vector<1xi32>
      %add3A_951 = vector.broadcast %squeeze3A_950 : i32 to vector<16xi32>
      %add3A_952 = arith.addi %add3A_951, %iota3A : vector<16xi32>
      %mul3A_953 = arith.constant 0 : i32
      %mul3A_954 = vector.broadcast %mul3A_953 : i32 to vector<16xi32>
      %mul3A_955 = arith.muli %iota3A, %mul3A_954 : vector<16xi32>
      %slice3A_956 = vector.extract_strided_slice %get3A_346 {offsets = [14], sizes = [1], strides = [1]} : vector<16xi32> to vector<1xi32>
      %squeeze3A_957 = vector.extract %slice3A_956[0] : i32 from vector<1xi32>
      %add3A_958 = vector.broadcast %squeeze3A_957 : i32 to vector<16xi32>
      %add3A_959 = arith.addi %mul3A_955, %add3A_958 : vector<16xi32>
      %gather3A_960 = tpu.vector_load_idx %arg15[%add3A_952, %add3A_959] : memref<416x32xf32, #tpu.memory_space<vmem>>[vector<16xi32>, vector<16xi32>], vector<16xf32>,
      %slice3A_961 = vector.extract_strided_slice %get3A_344 {offsets = [14], sizes = [1], strides = [1]} : vector<16xi32> to vector<1xi32>
      %squeeze3A_962 = vector.extract %slice3A_961[0] : i32 from vector<1xi32>
      %eq3A_963 = arith.constant 0 : i32
      %eq3A_964 = arith.cmpi eq, %squeeze3A_962, %eq3A_963 : i32
      %select_n3A_965 = arith.select %eq3A_964, %gather3A_948, %gather3A_960 : vector<16xf32>
      %mul3A_966 = arith.constant 16 : i32
      %mul3A_967 = arith.muli %scan3A_335, %mul3A_966 : i32
      %add3A_968 = arith.addi %mul3A_35, %mul3A_967 : i32
      %add3A_969 = arith.constant 14 : i32
      %add3A_970 = arith.addi %add3A_968, %add3A_969 : i32
      %mul3A_971 = arith.constant 16 : i32
      %mul3A_972 = arith.muli %add3A_970, %mul3A_971 : i32
      %swap3A_973 = arith.index_cast %mul3A_972 : i32 to index
      %swap3A_974 = tpu.vector_load %arg17[%swap3A_973] {strides = array<i32>} : memref<26624xf32, #tpu.memory_space<vmem>>, vector<16xf32>,
      tpu.vector_store %arg17[%swap3A_973], %select_n3A_965 {strides = array<i32>} : memref<26624xf32, #tpu.memory_space<vmem>>, vector<16xf32>,
      %mul3A_975 = arith.constant 16 : i32
      %mul3A_976 = arith.muli %scan3A_335, %mul3A_975 : i32
      %add3A_977 = arith.constant 15 : i32
      %add3A_978 = arith.addi %mul3A_976, %add3A_977 : i32
      %mul3A_979 = arith.constant 16 : i32
      %mul3A_980 = arith.muli %add3A_978, %mul3A_979 : i32
      %add3A_981 = vector.broadcast %mul3A_980 : i32 to vector<16xi32>
      %add3A_982 = arith.addi %add3A_981, %iota3A : vector<16xi32>
      %mul3A_983 = arith.constant 0 : i32
      %mul3A_984 = vector.broadcast %mul3A_983 : i32 to vector<16xi32>
      %mul3A_985 = arith.muli %iota3A, %mul3A_984 : vector<16xi32>
      %slice3A_986 = vector.extract_strided_slice %get3A_340 {offsets = [15], sizes = [1], strides = [1]} : vector<16xi32> to vector<1xi32>
      %squeeze3A_987 = vector.extract %slice3A_986[0] : i32 from vector<1xi32>
      %add3A_988 = vector.broadcast %squeeze3A_987 : i32 to vector<16xi32>
      %add3A_989 = arith.addi %mul3A_985, %add3A_988 : vector<16xi32>
      %gather3A_990 = tpu.vector_load_idx %arg16[%add3A_982, %add3A_989] : memref<256x128xf32, #tpu.memory_space<vmem>>[vector<16xi32>, vector<16xi32>], vector<16xf32>,
      %slice3A_991 = vector.extract_strided_slice %get3A_342 {offsets = [15], sizes = [1], strides = [1]} : vector<16xi32> to vector<1xi32>
      %squeeze3A_992 = vector.extract %slice3A_991[0] : i32 from vector<1xi32>
      %add3A_993 = vector.broadcast %squeeze3A_992 : i32 to vector<16xi32>
      %add3A_994 = arith.addi %add3A_993, %iota3A : vector<16xi32>
      %mul3A_995 = arith.constant 0 : i32
      %mul3A_996 = vector.broadcast %mul3A_995 : i32 to vector<16xi32>
      %mul3A_997 = arith.muli %iota3A, %mul3A_996 : vector<16xi32>
      %slice3A_998 = vector.extract_strided_slice %get3A_346 {offsets = [15], sizes = [1], strides = [1]} : vector<16xi32> to vector<1xi32>
      %squeeze3A_999 = vector.extract %slice3A_998[0] : i32 from vector<1xi32>
      %add3A_1000 = vector.broadcast %squeeze3A_999 : i32 to vector<16xi32>
      %add3A_1001 = arith.addi %mul3A_997, %add3A_1000 : vector<16xi32>
      %gather3A_1002 = tpu.vector_load_idx %arg15[%add3A_994, %add3A_1001] : memref<416x32xf32, #tpu.memory_space<vmem>>[vector<16xi32>, vector<16xi32>], vector<16xf32>,
      %slice3A_1003 = vector.extract_strided_slice %get3A_344 {offsets = [15], sizes = [1], strides = [1]} : vector<16xi32> to vector<1xi32>
      %squeeze3A_1004 = vector.extract %slice3A_1003[0] : i32 from vector<1xi32>
      %eq3A_1005 = arith.constant 0 : i32
      %eq3A_1006 = arith.cmpi eq, %squeeze3A_1004, %eq3A_1005 : i32
      %select_n3A_1007 = arith.select %eq3A_1006, %gather3A_990, %gather3A_1002 : vector<16xf32>
      %mul3A_1008 = arith.constant 16 : i32
      %mul3A_1009 = arith.muli %scan3A_335, %mul3A_1008 : i32
      %add3A_1010 = arith.addi %mul3A_35, %mul3A_1009 : i32
      %add3A_1011 = arith.constant 15 : i32
      %add3A_1012 = arith.addi %add3A_1010, %add3A_1011 : i32
      %mul3A_1013 = arith.constant 16 : i32
      %mul3A_1014 = arith.muli %add3A_1012, %mul3A_1013 : i32
      %swap3A_1015 = arith.index_cast %mul3A_1014 : i32 to index
      %swap3A_1016 = tpu.vector_load %arg17[%swap3A_1015] {strides = array<i32>} : memref<26624xf32, #tpu.memory_space<vmem>>, vector<16xf32>,
      tpu.vector_store %arg17[%swap3A_1015], %select_n3A_1007 {strides = array<i32>} : memref<26624xf32, #tpu.memory_space<vmem>>, vector<16xf32>,
      %scan3A_1017 = arith.constant 1 : i32
    }
    %scan3A_7 = arith.constant 104 : i32
    %mul3A_8 = arith.constant 16 : i32
    %mul3A_9 = arith.muli %mul3A_2, %mul3A_8 : i32
    %add3A_10 = arith.constant 0 : i32
    %add3A_11 = arith.addi %mul3A_9, %add3A_10 : i32
    "tpu.region"() ({
      %run_scoped3A = tpu.sem_alloc : memref<!tpu.dma_semaphore, #tpu.memory_space<semaphore_mem>>
      %dma_start3A = tpu.memref_slice %arg9[%add3A_11] : memref<1703936xf32, #tpu.memory_space<hbm>> -> memref<26624xf32, #tpu.memory_space<hbm>>
      %dma_start3A_22 = tpu.memref_slice %arg9[%add3A_11] : memref<1703936xf32, #tpu.memory_space<hbm>> -> memref<26624xf32, #tpu.memory_space<hbm>>
      tpu.enqueue_dma source(%arg17 : memref<26624xf32, #tpu.memory_space<vmem>>) target(%dma_start3A_22 : memref<26624xf32, #tpu.memory_space<hbm>>) target_semaphore(%run_scoped3A : memref<!tpu.dma_semaphore, #tpu.memory_space<semaphore_mem>>)
      %dma_wait3A = tpu.memref_slice %arg9[%add3A_11] : memref<1703936xf32, #tpu.memory_space<hbm>> -> memref<26624xf32, #tpu.memory_space<hbm>>
      %dma_wait3A_23 = tpu.memref_slice %arg9[%add3A_11] : memref<1703936xf32, #tpu.memory_space<hbm>> -> memref<26624xf32, #tpu.memory_space<hbm>>
      tpu.wait_dma2 semaphore(%run_scoped3A : memref<!tpu.dma_semaphore, #tpu.memory_space<semaphore_mem>>) src(%arg17 : memref<26624xf32, #tpu.memory_space<vmem>>) dst(%dma_wait3A_23 : memref<26624xf32, #tpu.memory_space<hbm>>)
      tpu.yield
    }) : () -> ()
    %scan3A_12 = arith.constant 0 : i32
    %scan3A_13 = arith.constant 104 : i32
    %scan3A_14 = arith.constant 104 : i32
    %scan3A_15 = arith.addi %scan3A_13, %scan3A_14 : i32
    %scan3A_16 = arith.constant 1 : i32
    scf.for %scan3A_22 = %scan3A_13 to %scan3A_15 step %scan3A_16  : i32 {
      %mul3A_23 = arith.constant 16 : i32
      %mul3A_24 = arith.muli %scan3A_22, %mul3A_23 : i32
      %jit3A = arith.constant 104 : i32
      %eq3A = arith.constant 0 : i32
      %eq3A_25 = arith.cmpi eq, %jit3A, %eq3A : i32
      %jit3A_26 = arith.constant 1 : i32
      %select_n3A = arith.select %eq3A_25, %jit3A_26, %jit3A : i32
      %rem3A = arith.remsi %scan3A_22, %select_n3A : i32
      %ne3A = arith.constant 0 : i32
      %ne3A_27 = arith.cmpi ne, %rem3A, %ne3A : i32
      %lt3A = arith.constant 0 : i32
      %lt3A_28 = arith.cmpi slt, %rem3A, %lt3A : i32
      %lt3A_29 = arith.constant 0 : i32
      %lt3A_30 = arith.cmpi slt, %select_n3A, %lt3A_29 : i32
      %ne3A_31 = arith.xori %lt3A_28, %lt3A_30 : i1
      %and3A = arith.andi %ne3A_31, %ne3A_27 : i1
      %add3A_32 = arith.addi %rem3A, %select_n3A : i32
      %select_n3A_33 = arith.select %and3A, %add3A_32, %rem3A : i32
      %mul3A_34 = arith.constant 16 : i32
      %mul3A_35 = arith.muli %select_n3A_33, %mul3A_34 : i32
      %scan3A_36 = arith.constant 0 : i32
      %scan3A_37 = arith.constant 0 : i32
      %mul3A_38 = arith.constant 16 : i32
      %mul3A_39 = arith.muli %scan3A_37, %mul3A_38 : i32
      %add3A_40 = arith.addi %mul3A_24, %mul3A_39 : i32
      %get3A = arith.index_cast %add3A_40 : i32 to index
      %get3A_41 = tpu.vector_load %arg10[%get3A] {strides = array<i32>} : memref<3328xi32, #tpu.memory_space<vmem>>, vector<16xi32>,
      %get3A_42 = arith.index_cast %add3A_40 : i32 to index
      %get3A_43 = tpu.vector_load %arg11[%get3A_42] {strides = array<i32>} : memref<3328xi32, #tpu.memory_space<vmem>>, vector<16xi32>,
      %slice3A = vector.extract_strided_slice %get3A_41 {offsets = [0], sizes = [1], strides = [1]} : vector<16xi32> to vector<1xi32>
      %squeeze3A = vector.extract %slice3A[0] : i32 from vector<1xi32>
      %multiple_of3A = tpu.assume_multiple %squeeze3A, 16 : i32
      %slice3A_44 = vector.extract_strided_slice %get3A_43 {offsets = [0], sizes = [1], strides = [1]} : vector<16xi32> to vector<1xi32>
      %squeeze3A_45 = vector.extract %slice3A_44[0] : i32 from vector<1xi32>
      %multiple_of3A_46 = tpu.assume_multiple %squeeze3A_45, 128 : i32
      %mul3A_47 = arith.constant 16 : i32
      %mul3A_48 = arith.muli %scan3A_37, %mul3A_47 : i32
      %add3A_49 = arith.constant 0 : i32
      %add3A_50 = arith.addi %mul3A_48, %add3A_49 : i32
      %mul3A_51 = arith.constant 16 : i32
      %mul3A_52 = arith.muli %add3A_50, %mul3A_51 : i32
      %dma_start3A = arith.constant 0 : i32
      %dma_start3A_53 = tpu.memref_slice %arg16[%mul3A_52, %dma_start3A] : memref<256x128xf32, #tpu.memory_space<vmem>> -> memref<16x128xf32, #tpu.memory_space<vmem>>
      %dma_start3A_54 = tpu.memref_slice %arg2[%multiple_of3A, %multiple_of3A_46] : memref<416x100000xf32, #tpu.memory_space<hbm>> -> memref<16x128xf32, #tpu.memory_space<hbm>>
      %dma_start3A_55 = arith.constant 0 : i32
      %dma_start3A_56 = tpu.memref_slice %arg16[%mul3A_52, %dma_start3A_55] : memref<256x128xf32, #tpu.memory_space<vmem>> -> memref<16x128xf32, #tpu.memory_space<vmem>>
      %dma_start3A_57 = tpu.memref_slice %arg2[%multiple_of3A, %multiple_of3A_46] : memref<416x100000xf32, #tpu.memory_space<hbm>> -> memref<16x128xf32, #tpu.memory_space<hbm>>
      tpu.enqueue_dma source(%dma_start3A_57 : memref<16x128xf32, #tpu.memory_space<hbm>>) target(%dma_start3A_56 : memref<16x128xf32, #tpu.memory_space<vmem>>) target_semaphore(%arg18 : memref<!tpu.dma_semaphore, #tpu.memory_space<semaphore_mem>>)
      %slice3A_58 = vector.extract_strided_slice %get3A_41 {offsets = [1], sizes = [1], strides = [1]} : vector<16xi32> to vector<1xi32>
      %squeeze3A_59 = vector.extract %slice3A_58[0] : i32 from vector<1xi32>
      %multiple_of3A_60 = tpu.assume_multiple %squeeze3A_59, 16 : i32
      %slice3A_61 = vector.extract_strided_slice %get3A_43 {offsets = [1], sizes = [1], strides = [1]} : vector<16xi32> to vector<1xi32>
      %squeeze3A_62 = vector.extract %slice3A_61[0] : i32 from vector<1xi32>
      %multiple_of3A_63 = tpu.assume_multiple %squeeze3A_62, 128 : i32
      %mul3A_64 = arith.constant 16 : i32
      %mul3A_65 = arith.muli %scan3A_37, %mul3A_64 : i32
      %add3A_66 = arith.constant 1 : i32
      %add3A_67 = arith.addi %mul3A_65, %add3A_66 : i32
      %mul3A_68 = arith.constant 16 : i32
      %mul3A_69 = arith.muli %add3A_67, %mul3A_68 : i32
      %dma_start3A_70 = arith.constant 0 : i32
      %dma_start3A_71 = tpu.memref_slice %arg16[%mul3A_69, %dma_start3A_70] : memref<256x128xf32, #tpu.memory_space<vmem>> -> memref<16x128xf32, #tpu.memory_space<vmem>>
      %dma_start3A_72 = tpu.memref_slice %arg2[%multiple_of3A_60, %multiple_of3A_63] : memref<416x100000xf32, #tpu.memory_space<hbm>> -> memref<16x128xf32, #tpu.memory_space<hbm>>
      %dma_start3A_73 = arith.constant 0 : i32
      %dma_start3A_74 = tpu.memref_slice %arg16[%mul3A_69, %dma_start3A_73] : memref<256x128xf32, #tpu.memory_space<vmem>> -> memref<16x128xf32, #tpu.memory_space<vmem>>
      %dma_start3A_75 = tpu.memref_slice %arg2[%multiple_of3A_60, %multiple_of3A_63] : memref<416x100000xf32, #tpu.memory_space<hbm>> -> memref<16x128xf32, #tpu.memory_space<hbm>>
      tpu.enqueue_dma source(%dma_start3A_75 : memref<16x128xf32, #tpu.memory_space<hbm>>) target(%dma_start3A_74 : memref<16x128xf32, #tpu.memory_space<vmem>>) target_semaphore(%arg18 : memref<!tpu.dma_semaphore, #tpu.memory_space<semaphore_mem>>)
      %slice3A_76 = vector.extract_strided_slice %get3A_41 {offsets = [2], sizes = [1], strides = [1]} : vector<16xi32> to vector<1xi32>
      %squeeze3A_77 = vector.extract %slice3A_76[0] : i32 from vector<1xi32>
      %multiple_of3A_78 = tpu.assume_multiple %squeeze3A_77, 16 : i32
      %slice3A_79 = vector.extract_strided_slice %get3A_43 {offsets = [2], sizes = [1], strides = [1]} : vector<16xi32> to vector<1xi32>
      %squeeze3A_80 = vector.extract %slice3A_79[0] : i32 from vector<1xi32>
      %multiple_of3A_81 = tpu.assume_multiple %squeeze3A_80, 128 : i32
      %mul3A_82 = arith.constant 16 : i32
      %mul3A_83 = arith.muli %scan3A_37, %mul3A_82 : i32
      %add3A_84 = arith.constant 2 : i32
      %add3A_85 = arith.addi %mul3A_83, %add3A_84 : i32
      %mul3A_86 = arith.constant 16 : i32
      %mul3A_87 = arith.muli %add3A_85, %mul3A_86 : i32
      %dma_start3A_88 = arith.constant 0 : i32
      %dma_start3A_89 = tpu.memref_slice %arg16[%mul3A_87, %dma_start3A_88] : memref<256x128xf32, #tpu.memory_space<vmem>> -> memref<16x128xf32, #tpu.memory_space<vmem>>
      %dma_start3A_90 = tpu.memref_slice %arg2[%multiple_of3A_78, %multiple_of3A_81] : memref<416x100000xf32, #tpu.memory_space<hbm>> -> memref<16x128xf32, #tpu.memory_space<hbm>>
      %dma_start3A_91 = arith.constant 0 : i32
      %dma_start3A_92 = tpu.memref_slice %arg16[%mul3A_87, %dma_start3A_91] : memref<256x128xf32, #tpu.memory_space<vmem>> -> memref<16x128xf32, #tpu.memory_space<vmem>>
      %dma_start3A_93 = tpu.memref_slice %arg2[%multiple_of3A_78, %multiple_of3A_81] : memref<416x100000xf32, #tpu.memory_space<hbm>> -> memref<16x128xf32, #tpu.memory_space<hbm>>
      tpu.enqueue_dma source(%dma_start3A_93 : memref<16x128xf32, #tpu.memory_space<hbm>>) target(%dma_start3A_92 : memref<16x128xf32, #tpu.memory_space<vmem>>) target_semaphore(%arg18 : memref<!tpu.dma_semaphore, #tpu.memory_space<semaphore_mem>>)
      %slice3A_94 = vector.extract_strided_slice %get3A_41 {offsets = [3], sizes = [1], strides = [1]} : vector<16xi32> to vector<1xi32>
      %squeeze3A_95 = vector.extract %slice3A_94[0] : i32 from vector<1xi32>
      %multiple_of3A_96 = tpu.assume_multiple %squeeze3A_95, 16 : i32
      %slice3A_97 = vector.extract_strided_slice %get3A_43 {offsets = [3], sizes = [1], strides = [1]} : vector<16xi32> to vector<1xi32>
      %squeeze3A_98 = vector.extract %slice3A_97[0] : i32 from vector<1xi32>
      %multiple_of3A_99 = tpu.assume_multiple %squeeze3A_98, 128 : i32
      %mul3A_100 = arith.constant 16 : i32
      %mul3A_101 = arith.muli %scan3A_37, %mul3A_100 : i32
      %add3A_102 = arith.constant 3 : i32
      %add3A_103 = arith.addi %mul3A_101, %add3A_102 : i32
      %mul3A_104 = arith.constant 16 : i32
      %mul3A_105 = arith.muli %add3A_103, %mul3A_104 : i32
      %dma_start3A_106 = arith.constant 0 : i32
      %dma_start3A_107 = tpu.memref_slice %arg16[%mul3A_105, %dma_start3A_106] : memref<256x128xf32, #tpu.memory_space<vmem>> -> memref<16x128xf32, #tpu.memory_space<vmem>>
      %dma_start3A_108 = tpu.memref_slice %arg2[%multiple_of3A_96, %multiple_of3A_99] : memref<416x100000xf32, #tpu.memory_space<hbm>> -> memref<16x128xf32, #tpu.memory_space<hbm>>
      %dma_start3A_109 = arith.constant 0 : i32
      %dma_start3A_110 = tpu.memref_slice %arg16[%mul3A_105, %dma_start3A_109] : memref<256x128xf32, #tpu.memory_space<vmem>> -> memref<16x128xf32, #tpu.memory_space<vmem>>
      %dma_start3A_111 = tpu.memref_slice %arg2[%multiple_of3A_96, %multiple_of3A_99] : memref<416x100000xf32, #tpu.memory_space<hbm>> -> memref<16x128xf32, #tpu.memory_space<hbm>>
      tpu.enqueue_dma source(%dma_start3A_111 : memref<16x128xf32, #tpu.memory_space<hbm>>) target(%dma_start3A_110 : memref<16x128xf32, #tpu.memory_space<vmem>>) target_semaphore(%arg18 : memref<!tpu.dma_semaphore, #tpu.memory_space<semaphore_mem>>)
      %slice3A_112 = vector.extract_strided_slice %get3A_41 {offsets = [4], sizes = [1], strides = [1]} : vector<16xi32> to vector<1xi32>
      %squeeze3A_113 = vector.extract %slice3A_112[0] : i32 from vector<1xi32>
      %multiple_of3A_114 = tpu.assume_multiple %squeeze3A_113, 16 : i32
      %slice3A_115 = vector.extract_strided_slice %get3A_43 {offsets = [4], sizes = [1], strides = [1]} : vector<16xi32> to vector<1xi32>
      %squeeze3A_116 = vector.extract %slice3A_115[0] : i32 from vector<1xi32>
      %multiple_of3A_117 = tpu.assume_multiple %squeeze3A_116, 128 : i32
      %mul3A_118 = arith.constant 16 : i32
      %mul3A_119 = arith.muli %scan3A_37, %mul3A_118 : i32
      %add3A_120 = arith.constant 4 : i32
      %add3A_121 = arith.addi %mul3A_119, %add3A_120 : i32
      %mul3A_122 = arith.constant 16 : i32
      %mul3A_123 = arith.muli %add3A_121, %mul3A_122 : i32
      %dma_start3A_124 = arith.constant 0 : i32
      %dma_start3A_125 = tpu.memref_slice %arg16[%mul3A_123, %dma_start3A_124] : memref<256x128xf32, #tpu.memory_space<vmem>> -> memref<16x128xf32, #tpu.memory_space<vmem>>
      %dma_start3A_126 = tpu.memref_slice %arg2[%multiple_of3A_114, %multiple_of3A_117] : memref<416x100000xf32, #tpu.memory_space<hbm>> -> memref<16x128xf32, #tpu.memory_space<hbm>>
      %dma_start3A_127 = arith.constant 0 : i32
      %dma_start3A_128 = tpu.memref_slice %arg16[%mul3A_123, %dma_start3A_127] : memref<256x128xf32, #tpu.memory_space<vmem>> -> memref<16x128xf32, #tpu.memory_space<vmem>>
      %dma_start3A_129 = tpu.memref_slice %arg2[%multiple_of3A_114, %multiple_of3A_117] : memref<416x100000xf32, #tpu.memory_space<hbm>> -> memref<16x128xf32, #tpu.memory_space<hbm>>
      tpu.enqueue_dma source(%dma_start3A_129 : memref<16x128xf32, #tpu.memory_space<hbm>>) target(%dma_start3A_128 : memref<16x128xf32, #tpu.memory_space<vmem>>) target_semaphore(%arg18 : memref<!tpu.dma_semaphore, #tpu.memory_space<semaphore_mem>>)
      %slice3A_130 = vector.extract_strided_slice %get3A_41 {offsets = [5], sizes = [1], strides = [1]} : vector<16xi32> to vector<1xi32>
      %squeeze3A_131 = vector.extract %slice3A_130[0] : i32 from vector<1xi32>
      %multiple_of3A_132 = tpu.assume_multiple %squeeze3A_131, 16 : i32
      %slice3A_133 = vector.extract_strided_slice %get3A_43 {offsets = [5], sizes = [1], strides = [1]} : vector<16xi32> to vector<1xi32>
      %squeeze3A_134 = vector.extract %slice3A_133[0] : i32 from vector<1xi32>
      %multiple_of3A_135 = tpu.assume_multiple %squeeze3A_134, 128 : i32
      %mul3A_136 = arith.constant 16 : i32
      %mul3A_137 = arith.muli %scan3A_37, %mul3A_136 : i32
      %add3A_138 = arith.constant 5 : i32
      %add3A_139 = arith.addi %mul3A_137, %add3A_138 : i32
      %mul3A_140 = arith.constant 16 : i32
      %mul3A_141 = arith.muli %add3A_139, %mul3A_140 : i32
      %dma_start3A_142 = arith.constant 0 : i32
      %dma_start3A_143 = tpu.memref_slice %arg16[%mul3A_141, %dma_start3A_142] : memref<256x128xf32, #tpu.memory_space<vmem>> -> memref<16x128xf32, #tpu.memory_space<vmem>>
      %dma_start3A_144 = tpu.memref_slice %arg2[%multiple_of3A_132, %multiple_of3A_135] : memref<416x100000xf32, #tpu.memory_space<hbm>> -> memref<16x128xf32, #tpu.memory_space<hbm>>
      %dma_start3A_145 = arith.constant 0 : i32
      %dma_start3A_146 = tpu.memref_slice %arg16[%mul3A_141, %dma_start3A_145] : memref<256x128xf32, #tpu.memory_space<vmem>> -> memref<16x128xf32, #tpu.memory_space<vmem>>
      %dma_start3A_147 = tpu.memref_slice %arg2[%multiple_of3A_132, %multiple_of3A_135] : memref<416x100000xf32, #tpu.memory_space<hbm>> -> memref<16x128xf32, #tpu.memory_space<hbm>>
      tpu.enqueue_dma source(%dma_start3A_147 : memref<16x128xf32, #tpu.memory_space<hbm>>) target(%dma_start3A_146 : memref<16x128xf32, #tpu.memory_space<vmem>>) target_semaphore(%arg18 : memref<!tpu.dma_semaphore, #tpu.memory_space<semaphore_mem>>)
      %slice3A_148 = vector.extract_strided_slice %get3A_41 {offsets = [6], sizes = [1], strides = [1]} : vector<16xi32> to vector<1xi32>
      %squeeze3A_149 = vector.extract %slice3A_148[0] : i32 from vector<1xi32>
      %multiple_of3A_150 = tpu.assume_multiple %squeeze3A_149, 16 : i32
      %slice3A_151 = vector.extract_strided_slice %get3A_43 {offsets = [6], sizes = [1], strides = [1]} : vector<16xi32> to vector<1xi32>
      %squeeze3A_152 = vector.extract %slice3A_151[0] : i32 from vector<1xi32>
      %multiple_of3A_153 = tpu.assume_multiple %squeeze3A_152, 128 : i32
      %mul3A_154 = arith.constant 16 : i32
      %mul3A_155 = arith.muli %scan3A_37, %mul3A_154 : i32
      %add3A_156 = arith.constant 6 : i32
      %add3A_157 = arith.addi %mul3A_155, %add3A_156 : i32
      %mul3A_158 = arith.constant 16 : i32
      %mul3A_159 = arith.muli %add3A_157, %mul3A_158 : i32
      %dma_start3A_160 = arith.constant 0 : i32
      %dma_start3A_161 = tpu.memref_slice %arg16[%mul3A_159, %dma_start3A_160] : memref<256x128xf32, #tpu.memory_space<vmem>> -> memref<16x128xf32, #tpu.memory_space<vmem>>
      %dma_start3A_162 = tpu.memref_slice %arg2[%multiple_of3A_150, %multiple_of3A_153] : memref<416x100000xf32, #tpu.memory_space<hbm>> -> memref<16x128xf32, #tpu.memory_space<hbm>>
      %dma_start3A_163 = arith.constant 0 : i32
      %dma_start3A_164 = tpu.memref_slice %arg16[%mul3A_159, %dma_start3A_163] : memref<256x128xf32, #tpu.memory_space<vmem>> -> memref<16x128xf32, #tpu.memory_space<vmem>>
      %dma_start3A_165 = tpu.memref_slice %arg2[%multiple_of3A_150, %multiple_of3A_153] : memref<416x100000xf32, #tpu.memory_space<hbm>> -> memref<16x128xf32, #tpu.memory_space<hbm>>
      tpu.enqueue_dma source(%dma_start3A_165 : memref<16x128xf32, #tpu.memory_space<hbm>>) target(%dma_start3A_164 : memref<16x128xf32, #tpu.memory_space<vmem>>) target_semaphore(%arg18 : memref<!tpu.dma_semaphore, #tpu.memory_space<semaphore_mem>>)
      %slice3A_166 = vector.extract_strided_slice %get3A_41 {offsets = [7], sizes = [1], strides = [1]} : vector<16xi32> to vector<1xi32>
      %squeeze3A_167 = vector.extract %slice3A_166[0] : i32 from vector<1xi32>
      %multiple_of3A_168 = tpu.assume_multiple %squeeze3A_167, 16 : i32
      %slice3A_169 = vector.extract_strided_slice %get3A_43 {offsets = [7], sizes = [1], strides = [1]} : vector<16xi32> to vector<1xi32>
      %squeeze3A_170 = vector.extract %slice3A_169[0] : i32 from vector<1xi32>
      %multiple_of3A_171 = tpu.assume_multiple %squeeze3A_170, 128 : i32
      %mul3A_172 = arith.constant 16 : i32
      %mul3A_173 = arith.muli %scan3A_37, %mul3A_172 : i32
      %add3A_174 = arith.constant 7 : i32
      %add3A_175 = arith.addi %mul3A_173, %add3A_174 : i32
      %mul3A_176 = arith.constant 16 : i32
      %mul3A_177 = arith.muli %add3A_175, %mul3A_176 : i32
      %dma_start3A_178 = arith.constant 0 : i32
      %dma_start3A_179 = tpu.memref_slice %arg16[%mul3A_177, %dma_start3A_178] : memref<256x128xf32, #tpu.memory_space<vmem>> -> memref<16x128xf32, #tpu.memory_space<vmem>>
      %dma_start3A_180 = tpu.memref_slice %arg2[%multiple_of3A_168, %multiple_of3A_171] : memref<416x100000xf32, #tpu.memory_space<hbm>> -> memref<16x128xf32, #tpu.memory_space<hbm>>
      %dma_start3A_181 = arith.constant 0 : i32
      %dma_start3A_182 = tpu.memref_slice %arg16[%mul3A_177, %dma_start3A_181] : memref<256x128xf32, #tpu.memory_space<vmem>> -> memref<16x128xf32, #tpu.memory_space<vmem>>
      %dma_start3A_183 = tpu.memref_slice %arg2[%multiple_of3A_168, %multiple_of3A_171] : memref<416x100000xf32, #tpu.memory_space<hbm>> -> memref<16x128xf32, #tpu.memory_space<hbm>>
      tpu.enqueue_dma source(%dma_start3A_183 : memref<16x128xf32, #tpu.memory_space<hbm>>) target(%dma_start3A_182 : memref<16x128xf32, #tpu.memory_space<vmem>>) target_semaphore(%arg18 : memref<!tpu.dma_semaphore, #tpu.memory_space<semaphore_mem>>)
      %slice3A_184 = vector.extract_strided_slice %get3A_41 {offsets = [8], sizes = [1], strides = [1]} : vector<16xi32> to vector<1xi32>
      %squeeze3A_185 = vector.extract %slice3A_184[0] : i32 from vector<1xi32>
      %multiple_of3A_186 = tpu.assume_multiple %squeeze3A_185, 16 : i32
      %slice3A_187 = vector.extract_strided_slice %get3A_43 {offsets = [8], sizes = [1], strides = [1]} : vector<16xi32> to vector<1xi32>
      %squeeze3A_188 = vector.extract %slice3A_187[0] : i32 from vector<1xi32>
      %multiple_of3A_189 = tpu.assume_multiple %squeeze3A_188, 128 : i32
      %mul3A_190 = arith.constant 16 : i32
      %mul3A_191 = arith.muli %scan3A_37, %mul3A_190 : i32
      %add3A_192 = arith.constant 8 : i32
      %add3A_193 = arith.addi %mul3A_191, %add3A_192 : i32
      %mul3A_194 = arith.constant 16 : i32
      %mul3A_195 = arith.muli %add3A_193, %mul3A_194 : i32
      %dma_start3A_196 = arith.constant 0 : i32
      %dma_start3A_197 = tpu.memref_slice %arg16[%mul3A_195, %dma_start3A_196] : memref<256x128xf32, #tpu.memory_space<vmem>> -> memref<16x128xf32, #tpu.memory_space<vmem>>
      %dma_start3A_198 = tpu.memref_slice %arg2[%multiple_of3A_186, %multiple_of3A_189] : memref<416x100000xf32, #tpu.memory_space<hbm>> -> memref<16x128xf32, #tpu.memory_space<hbm>>
      %dma_start3A_199 = arith.constant 0 : i32
      %dma_start3A_200 = tpu.memref_slice %arg16[%mul3A_195, %dma_start3A_199] : memref<256x128xf32, #tpu.memory_space<vmem>> -> memref<16x128xf32, #tpu.memory_space<vmem>>
      %dma_start3A_201 = tpu.memref_slice %arg2[%multiple_of3A_186, %multiple_of3A_189] : memref<416x100000xf32, #tpu.memory_space<hbm>> -> memref<16x128xf32, #tpu.memory_space<hbm>>
      tpu.enqueue_dma source(%dma_start3A_201 : memref<16x128xf32, #tpu.memory_space<hbm>>) target(%dma_start3A_200 : memref<16x128xf32, #tpu.memory_space<vmem>>) target_semaphore(%arg18 : memref<!tpu.dma_semaphore, #tpu.memory_space<semaphore_mem>>)
      %slice3A_202 = vector.extract_strided_slice %get3A_41 {offsets = [9], sizes = [1], strides = [1]} : vector<16xi32> to vector<1xi32>
      %squeeze3A_203 = vector.extract %slice3A_202[0] : i32 from vector<1xi32>
      %multiple_of3A_204 = tpu.assume_multiple %squeeze3A_203, 16 : i32
      %slice3A_205 = vector.extract_strided_slice %get3A_43 {offsets = [9], sizes = [1], strides = [1]} : vector<16xi32> to vector<1xi32>
      %squeeze3A_206 = vector.extract %slice3A_205[0] : i32 from vector<1xi32>
      %multiple_of3A_207 = tpu.assume_multiple %squeeze3A_206, 128 : i32
      %mul3A_208 = arith.constant 16 : i32
      %mul3A_209 = arith.muli %scan3A_37, %mul3A_208 : i32
      %add3A_210 = arith.constant 9 : i32
      %add3A_211 = arith.addi %mul3A_209, %add3A_210 : i32
      %mul3A_212 = arith.constant 16 : i32
      %mul3A_213 = arith.muli %add3A_211, %mul3A_212 : i32
      %dma_start3A_214 = arith.constant 0 : i32
      %dma_start3A_215 = tpu.memref_slice %arg16[%mul3A_213, %dma_start3A_214] : memref<256x128xf32, #tpu.memory_space<vmem>> -> memref<16x128xf32, #tpu.memory_space<vmem>>
      %dma_start3A_216 = tpu.memref_slice %arg2[%multiple_of3A_204, %multiple_of3A_207] : memref<416x100000xf32, #tpu.memory_space<hbm>> -> memref<16x128xf32, #tpu.memory_space<hbm>>
      %dma_start3A_217 = arith.constant 0 : i32
      %dma_start3A_218 = tpu.memref_slice %arg16[%mul3A_213, %dma_start3A_217] : memref<256x128xf32, #tpu.memory_space<vmem>> -> memref<16x128xf32, #tpu.memory_space<vmem>>
      %dma_start3A_219 = tpu.memref_slice %arg2[%multiple_of3A_204, %multiple_of3A_207] : memref<416x100000xf32, #tpu.memory_space<hbm>> -> memref<16x128xf32, #tpu.memory_space<hbm>>
      tpu.enqueue_dma source(%dma_start3A_219 : memref<16x128xf32, #tpu.memory_space<hbm>>) target(%dma_start3A_218 : memref<16x128xf32, #tpu.memory_space<vmem>>) target_semaphore(%arg18 : memref<!tpu.dma_semaphore, #tpu.memory_space<semaphore_mem>>)
      %slice3A_220 = vector.extract_strided_slice %get3A_41 {offsets = [10], sizes = [1], strides = [1]} : vector<16xi32> to vector<1xi32>
      %squeeze3A_221 = vector.extract %slice3A_220[0] : i32 from vector<1xi32>
      %multiple_of3A_222 = tpu.assume_multiple %squeeze3A_221, 16 : i32
      %slice3A_223 = vector.extract_strided_slice %get3A_43 {offsets = [10], sizes = [1], strides = [1]} : vector<16xi32> to vector<1xi32>
      %squeeze3A_224 = vector.extract %slice3A_223[0] : i32 from vector<1xi32>
      %multiple_of3A_225 = tpu.assume_multiple %squeeze3A_224, 128 : i32
      %mul3A_226 = arith.constant 16 : i32
      %mul3A_227 = arith.muli %scan3A_37, %mul3A_226 : i32
      %add3A_228 = arith.constant 10 : i32
      %add3A_229 = arith.addi %mul3A_227, %add3A_228 : i32
      %mul3A_230 = arith.constant 16 : i32
      %mul3A_231 = arith.muli %add3A_229, %mul3A_230 : i32
      %dma_start3A_232 = arith.constant 0 : i32
      %dma_start3A_233 = tpu.memref_slice %arg16[%mul3A_231, %dma_start3A_232] : memref<256x128xf32, #tpu.memory_space<vmem>> -> memref<16x128xf32, #tpu.memory_space<vmem>>
      %dma_start3A_234 = tpu.memref_slice %arg2[%multiple_of3A_222, %multiple_of3A_225] : memref<416x100000xf32, #tpu.memory_space<hbm>> -> memref<16x128xf32, #tpu.memory_space<hbm>>
      %dma_start3A_235 = arith.constant 0 : i32
      %dma_start3A_236 = tpu.memref_slice %arg16[%mul3A_231, %dma_start3A_235] : memref<256x128xf32, #tpu.memory_space<vmem>> -> memref<16x128xf32, #tpu.memory_space<vmem>>
      %dma_start3A_237 = tpu.memref_slice %arg2[%multiple_of3A_222, %multiple_of3A_225] : memref<416x100000xf32, #tpu.memory_space<hbm>> -> memref<16x128xf32, #tpu.memory_space<hbm>>
      tpu.enqueue_dma source(%dma_start3A_237 : memref<16x128xf32, #tpu.memory_space<hbm>>) target(%dma_start3A_236 : memref<16x128xf32, #tpu.memory_space<vmem>>) target_semaphore(%arg18 : memref<!tpu.dma_semaphore, #tpu.memory_space<semaphore_mem>>)
      %slice3A_238 = vector.extract_strided_slice %get3A_41 {offsets = [11], sizes = [1], strides = [1]} : vector<16xi32> to vector<1xi32>
      %squeeze3A_239 = vector.extract %slice3A_238[0] : i32 from vector<1xi32>
      %multiple_of3A_240 = tpu.assume_multiple %squeeze3A_239, 16 : i32
      %slice3A_241 = vector.extract_strided_slice %get3A_43 {offsets = [11], sizes = [1], strides = [1]} : vector<16xi32> to vector<1xi32>
      %squeeze3A_242 = vector.extract %slice3A_241[0] : i32 from vector<1xi32>
      %multiple_of3A_243 = tpu.assume_multiple %squeeze3A_242, 128 : i32
      %mul3A_244 = arith.constant 16 : i32
      %mul3A_245 = arith.muli %scan3A_37, %mul3A_244 : i32
      %add3A_246 = arith.constant 11 : i32
      %add3A_247 = arith.addi %mul3A_245, %add3A_246 : i32
      %mul3A_248 = arith.constant 16 : i32
      %mul3A_249 = arith.muli %add3A_247, %mul3A_248 : i32
      %dma_start3A_250 = arith.constant 0 : i32
      %dma_start3A_251 = tpu.memref_slice %arg16[%mul3A_249, %dma_start3A_250] : memref<256x128xf32, #tpu.memory_space<vmem>> -> memref<16x128xf32, #tpu.memory_space<vmem>>
      %dma_start3A_252 = tpu.memref_slice %arg2[%multiple_of3A_240, %multiple_of3A_243] : memref<416x100000xf32, #tpu.memory_space<hbm>> -> memref<16x128xf32, #tpu.memory_space<hbm>>
      %dma_start3A_253 = arith.constant 0 : i32
      %dma_start3A_254 = tpu.memref_slice %arg16[%mul3A_249, %dma_start3A_253] : memref<256x128xf32, #tpu.memory_space<vmem>> -> memref<16x128xf32, #tpu.memory_space<vmem>>
      %dma_start3A_255 = tpu.memref_slice %arg2[%multiple_of3A_240, %multiple_of3A_243] : memref<416x100000xf32, #tpu.memory_space<hbm>> -> memref<16x128xf32, #tpu.memory_space<hbm>>
      tpu.enqueue_dma source(%dma_start3A_255 : memref<16x128xf32, #tpu.memory_space<hbm>>) target(%dma_start3A_254 : memref<16x128xf32, #tpu.memory_space<vmem>>) target_semaphore(%arg18 : memref<!tpu.dma_semaphore, #tpu.memory_space<semaphore_mem>>)
      %slice3A_256 = vector.extract_strided_slice %get3A_41 {offsets = [12], sizes = [1], strides = [1]} : vector<16xi32> to vector<1xi32>
      %squeeze3A_257 = vector.extract %slice3A_256[0] : i32 from vector<1xi32>
      %multiple_of3A_258 = tpu.assume_multiple %squeeze3A_257, 16 : i32
      %slice3A_259 = vector.extract_strided_slice %get3A_43 {offsets = [12], sizes = [1], strides = [1]} : vector<16xi32> to vector<1xi32>
      %squeeze3A_260 = vector.extract %slice3A_259[0] : i32 from vector<1xi32>
      %multiple_of3A_261 = tpu.assume_multiple %squeeze3A_260, 128 : i32
      %mul3A_262 = arith.constant 16 : i32
      %mul3A_263 = arith.muli %scan3A_37, %mul3A_262 : i32
      %add3A_264 = arith.constant 12 : i32
      %add3A_265 = arith.addi %mul3A_263, %add3A_264 : i32
      %mul3A_266 = arith.constant 16 : i32
      %mul3A_267 = arith.muli %add3A_265, %mul3A_266 : i32
      %dma_start3A_268 = arith.constant 0 : i32
      %dma_start3A_269 = tpu.memref_slice %arg16[%mul3A_267, %dma_start3A_268] : memref<256x128xf32, #tpu.memory_space<vmem>> -> memref<16x128xf32, #tpu.memory_space<vmem>>
      %dma_start3A_270 = tpu.memref_slice %arg2[%multiple_of3A_258, %multiple_of3A_261] : memref<416x100000xf32, #tpu.memory_space<hbm>> -> memref<16x128xf32, #tpu.memory_space<hbm>>
      %dma_start3A_271 = arith.constant 0 : i32
      %dma_start3A_272 = tpu.memref_slice %arg16[%mul3A_267, %dma_start3A_271] : memref<256x128xf32, #tpu.memory_space<vmem>> -> memref<16x128xf32, #tpu.memory_space<vmem>>
      %dma_start3A_273 = tpu.memref_slice %arg2[%multiple_of3A_258, %multiple_of3A_261] : memref<416x100000xf32, #tpu.memory_space<hbm>> -> memref<16x128xf32, #tpu.memory_space<hbm>>
      tpu.enqueue_dma source(%dma_start3A_273 : memref<16x128xf32, #tpu.memory_space<hbm>>) target(%dma_start3A_272 : memref<16x128xf32, #tpu.memory_space<vmem>>) target_semaphore(%arg18 : memref<!tpu.dma_semaphore, #tpu.memory_space<semaphore_mem>>)
      %slice3A_274 = vector.extract_strided_slice %get3A_41 {offsets = [13], sizes = [1], strides = [1]} : vector<16xi32> to vector<1xi32>
      %squeeze3A_275 = vector.extract %slice3A_274[0] : i32 from vector<1xi32>
      %multiple_of3A_276 = tpu.assume_multiple %squeeze3A_275, 16 : i32
      %slice3A_277 = vector.extract_strided_slice %get3A_43 {offsets = [13], sizes = [1], strides = [1]} : vector<16xi32> to vector<1xi32>
      %squeeze3A_278 = vector.extract %slice3A_277[0] : i32 from vector<1xi32>
      %multiple_of3A_279 = tpu.assume_multiple %squeeze3A_278, 128 : i32
      %mul3A_280 = arith.constant 16 : i32
      %mul3A_281 = arith.muli %scan3A_37, %mul3A_280 : i32
      %add3A_282 = arith.constant 13 : i32
      %add3A_283 = arith.addi %mul3A_281, %add3A_282 : i32
      %mul3A_284 = arith.constant 16 : i32
      %mul3A_285 = arith.muli %add3A_283, %mul3A_284 : i32
      %dma_start3A_286 = arith.constant 0 : i32
      %dma_start3A_287 = tpu.memref_slice %arg16[%mul3A_285, %dma_start3A_286] : memref<256x128xf32, #tpu.memory_space<vmem>> -> memref<16x128xf32, #tpu.memory_space<vmem>>
      %dma_start3A_288 = tpu.memref_slice %arg2[%multiple_of3A_276, %multiple_of3A_279] : memref<416x100000xf32, #tpu.memory_space<hbm>> -> memref<16x128xf32, #tpu.memory_space<hbm>>
      %dma_start3A_289 = arith.constant 0 : i32
      %dma_start3A_290 = tpu.memref_slice %arg16[%mul3A_285, %dma_start3A_289] : memref<256x128xf32, #tpu.memory_space<vmem>> -> memref<16x128xf32, #tpu.memory_space<vmem>>
      %dma_start3A_291 = tpu.memref_slice %arg2[%multiple_of3A_276, %multiple_of3A_279] : memref<416x100000xf32, #tpu.memory_space<hbm>> -> memref<16x128xf32, #tpu.memory_space<hbm>>
      tpu.enqueue_dma source(%dma_start3A_291 : memref<16x128xf32, #tpu.memory_space<hbm>>) target(%dma_start3A_290 : memref<16x128xf32, #tpu.memory_space<vmem>>) target_semaphore(%arg18 : memref<!tpu.dma_semaphore, #tpu.memory_space<semaphore_mem>>)
      %slice3A_292 = vector.extract_strided_slice %get3A_41 {offsets = [14], sizes = [1], strides = [1]} : vector<16xi32> to vector<1xi32>
      %squeeze3A_293 = vector.extract %slice3A_292[0] : i32 from vector<1xi32>
      %multiple_of3A_294 = tpu.assume_multiple %squeeze3A_293, 16 : i32
      %slice3A_295 = vector.extract_strided_slice %get3A_43 {offsets = [14], sizes = [1], strides = [1]} : vector<16xi32> to vector<1xi32>
      %squeeze3A_296 = vector.extract %slice3A_295[0] : i32 from vector<1xi32>
      %multiple_of3A_297 = tpu.assume_multiple %squeeze3A_296, 128 : i32
      %mul3A_298 = arith.constant 16 : i32
      %mul3A_299 = arith.muli %scan3A_37, %mul3A_298 : i32
      %add3A_300 = arith.constant 14 : i32
      %add3A_301 = arith.addi %mul3A_299, %add3A_300 : i32
      %mul3A_302 = arith.constant 16 : i32
      %mul3A_303 = arith.muli %add3A_301, %mul3A_302 : i32
      %dma_start3A_304 = arith.constant 0 : i32
      %dma_start3A_305 = tpu.memref_slice %arg16[%mul3A_303, %dma_start3A_304] : memref<256x128xf32, #tpu.memory_space<vmem>> -> memref<16x128xf32, #tpu.memory_space<vmem>>
      %dma_start3A_306 = tpu.memref_slice %arg2[%multiple_of3A_294, %multiple_of3A_297] : memref<416x100000xf32, #tpu.memory_space<hbm>> -> memref<16x128xf32, #tpu.memory_space<hbm>>
      %dma_start3A_307 = arith.constant 0 : i32
      %dma_start3A_308 = tpu.memref_slice %arg16[%mul3A_303, %dma_start3A_307] : memref<256x128xf32, #tpu.memory_space<vmem>> -> memref<16x128xf32, #tpu.memory_space<vmem>>
      %dma_start3A_309 = tpu.memref_slice %arg2[%multiple_of3A_294, %multiple_of3A_297] : memref<416x100000xf32, #tpu.memory_space<hbm>> -> memref<16x128xf32, #tpu.memory_space<hbm>>
      tpu.enqueue_dma source(%dma_start3A_309 : memref<16x128xf32, #tpu.memory_space<hbm>>) target(%dma_start3A_308 : memref<16x128xf32, #tpu.memory_space<vmem>>) target_semaphore(%arg18 : memref<!tpu.dma_semaphore, #tpu.memory_space<semaphore_mem>>)
      %slice3A_310 = vector.extract_strided_slice %get3A_41 {offsets = [15], sizes = [1], strides = [1]} : vector<16xi32> to vector<1xi32>
      %squeeze3A_311 = vector.extract %slice3A_310[0] : i32 from vector<1xi32>
      %multiple_of3A_312 = tpu.assume_multiple %squeeze3A_311, 16 : i32
      %slice3A_313 = vector.extract_strided_slice %get3A_43 {offsets = [15], sizes = [1], strides = [1]} : vector<16xi32> to vector<1xi32>
      %squeeze3A_314 = vector.extract %slice3A_313[0] : i32 from vector<1xi32>
      %multiple_of3A_315 = tpu.assume_multiple %squeeze3A_314, 128 : i32
      %mul3A_316 = arith.constant 16 : i32
      %mul3A_317 = arith.muli %scan3A_37, %mul3A_316 : i32
      %add3A_318 = arith.constant 15 : i32
      %add3A_319 = arith.addi %mul3A_317, %add3A_318 : i32
      %mul3A_320 = arith.constant 16 : i32
      %mul3A_321 = arith.muli %add3A_319, %mul3A_320 : i32
      %dma_start3A_322 = arith.constant 0 : i32
      %dma_start3A_323 = tpu.memref_slice %arg16[%mul3A_321, %dma_start3A_322] : memref<256x128xf32, #tpu.memory_space<vmem>> -> memref<16x128xf32, #tpu.memory_space<vmem>>
      %dma_start3A_324 = tpu.memref_slice %arg2[%multiple_of3A_312, %multiple_of3A_315] : memref<416x100000xf32, #tpu.memory_space<hbm>> -> memref<16x128xf32, #tpu.memory_space<hbm>>
      %dma_start3A_325 = arith.constant 0 : i32
      %dma_start3A_326 = tpu.memref_slice %arg16[%mul3A_321, %dma_start3A_325] : memref<256x128xf32, #tpu.memory_space<vmem>> -> memref<16x128xf32, #tpu.memory_space<vmem>>
      %dma_start3A_327 = tpu.memref_slice %arg2[%multiple_of3A_312, %multiple_of3A_315] : memref<416x100000xf32, #tpu.memory_space<hbm>> -> memref<16x128xf32, #tpu.memory_space<hbm>>
      tpu.enqueue_dma source(%dma_start3A_327 : memref<16x128xf32, #tpu.memory_space<hbm>>) target(%dma_start3A_326 : memref<16x128xf32, #tpu.memory_space<vmem>>) target_semaphore(%arg18 : memref<!tpu.dma_semaphore, #tpu.memory_space<semaphore_mem>>)
      %scan3A_328 = arith.constant 1 : i32
      %dma_wait3A = arith.constant 0 : i32
      %dma_wait3A_329 = arith.constant 0 : i32
      %dma_wait3A_330 = tpu.memref_slice %arg2[%dma_wait3A, %dma_wait3A_329] : memref<416x100000xf32, #tpu.memory_space<hbm>> -> memref<256x128xf32, #tpu.memory_space<hbm>>
      %dma_wait3A_331 = arith.constant 0 : i32
      %dma_wait3A_332 = arith.constant 0 : i32
      %dma_wait3A_333 = tpu.memref_slice %arg2[%dma_wait3A_331, %dma_wait3A_332] : memref<416x100000xf32, #tpu.memory_space<hbm>> -> memref<256x128xf32, #tpu.memory_space<hbm>>
      tpu.wait_dma2 semaphore(%arg18 : memref<!tpu.dma_semaphore, #tpu.memory_space<semaphore_mem>>) src(%dma_wait3A_333 : memref<256x128xf32, #tpu.memory_space<hbm>>) dst(%arg16 : memref<256x128xf32, #tpu.memory_space<vmem>>)
      %scan3A_334 = arith.constant 0 : i32
      %scan3A_335 = arith.constant 0 : i32
      %mul3A_336 = arith.constant 16 : i32
      %mul3A_337 = arith.muli %scan3A_335, %mul3A_336 : i32
      %add3A_338 = arith.addi %mul3A_24, %mul3A_337 : i32
      %get3A_339 = arith.index_cast %add3A_338 : i32 to index
      %get3A_340 = tpu.vector_load %arg12[%get3A_339] {strides = array<i32>} : memref<3328xi32, #tpu.memory_space<vmem>>, vector<16xi32>,
      %get3A_341 = arith.index_cast %add3A_338 : i32 to index
      %get3A_342 = tpu.vector_load %arg10[%get3A_341] {strides = array<i32>} : memref<3328xi32, #tpu.memory_space<vmem>>, vector<16xi32>,
      %get3A_343 = arith.index_cast %add3A_338 : i32 to index
      %get3A_344 = tpu.vector_load %arg13[%get3A_343] {strides = array<i32>} : memref<3328xi32, #tpu.memory_space<vmem>>, vector<16xi32>,
      %get3A_345 = arith.index_cast %add3A_338 : i32 to index
      %get3A_346 = tpu.vector_load %arg14[%get3A_345] {strides = array<i32>} : memref<3328xi32, #tpu.memory_space<vmem>>, vector<16xi32>,
      %mul3A_347 = arith.constant 16 : i32
      %mul3A_348 = arith.muli %scan3A_335, %mul3A_347 : i32
      %add3A_349 = arith.constant 0 : i32
      %add3A_350 = arith.addi %mul3A_348, %add3A_349 : i32
      %mul3A_351 = arith.constant 16 : i32
      %mul3A_352 = arith.muli %add3A_350, %mul3A_351 : i32
      %add3A_353 = vector.broadcast %mul3A_352 : i32 to vector<16xi32>
      %add3A_354 = arith.addi %add3A_353, %iota3A : vector<16xi32>
      %mul3A_355 = arith.constant 0 : i32
      %mul3A_356 = vector.broadcast %mul3A_355 : i32 to vector<16xi32>
      %mul3A_357 = arith.muli %iota3A, %mul3A_356 : vector<16xi32>
      %slice3A_358 = vector.extract_strided_slice %get3A_340 {offsets = [0], sizes = [1], strides = [1]} : vector<16xi32> to vector<1xi32>
      %squeeze3A_359 = vector.extract %slice3A_358[0] : i32 from vector<1xi32>
      %add3A_360 = vector.broadcast %squeeze3A_359 : i32 to vector<16xi32>
      %add3A_361 = arith.addi %mul3A_357, %add3A_360 : vector<16xi32>
      %gather3A = tpu.vector_load_idx %arg16[%add3A_354, %add3A_361] : memref<256x128xf32, #tpu.memory_space<vmem>>[vector<16xi32>, vector<16xi32>], vector<16xf32>,
      %slice3A_362 = vector.extract_strided_slice %get3A_342 {offsets = [0], sizes = [1], strides = [1]} : vector<16xi32> to vector<1xi32>
      %squeeze3A_363 = vector.extract %slice3A_362[0] : i32 from vector<1xi32>
      %add3A_364 = vector.broadcast %squeeze3A_363 : i32 to vector<16xi32>
      %add3A_365 = arith.addi %add3A_364, %iota3A : vector<16xi32>
      %mul3A_366 = arith.constant 0 : i32
      %mul3A_367 = vector.broadcast %mul3A_366 : i32 to vector<16xi32>
      %mul3A_368 = arith.muli %iota3A, %mul3A_367 : vector<16xi32>
      %slice3A_369 = vector.extract_strided_slice %get3A_346 {offsets = [0], sizes = [1], strides = [1]} : vector<16xi32> to vector<1xi32>
      %squeeze3A_370 = vector.extract %slice3A_369[0] : i32 from vector<1xi32>
      %add3A_371 = vector.broadcast %squeeze3A_370 : i32 to vector<16xi32>
      %add3A_372 = arith.addi %mul3A_368, %add3A_371 : vector<16xi32>
      %gather3A_373 = tpu.vector_load_idx %arg15[%add3A_365, %add3A_372] : memref<416x32xf32, #tpu.memory_space<vmem>>[vector<16xi32>, vector<16xi32>], vector<16xf32>,
      %slice3A_374 = vector.extract_strided_slice %get3A_344 {offsets = [0], sizes = [1], strides = [1]} : vector<16xi32> to vector<1xi32>
      %squeeze3A_375 = vector.extract %slice3A_374[0] : i32 from vector<1xi32>
      %eq3A_376 = arith.constant 0 : i32
      %eq3A_377 = arith.cmpi eq, %squeeze3A_375, %eq3A_376 : i32
      %select_n3A_378 = arith.select %eq3A_377, %gather3A, %gather3A_373 : vector<16xf32>
      %mul3A_379 = arith.constant 16 : i32
      %mul3A_380 = arith.muli %scan3A_335, %mul3A_379 : i32
      %add3A_381 = arith.addi %mul3A_35, %mul3A_380 : i32
      %add3A_382 = arith.constant 0 : i32
      %add3A_383 = arith.addi %add3A_381, %add3A_382 : i32
      %mul3A_384 = arith.constant 16 : i32
      %mul3A_385 = arith.muli %add3A_383, %mul3A_384 : i32
      %swap3A = arith.index_cast %mul3A_385 : i32 to index
      %swap3A_386 = tpu.vector_load %arg17[%swap3A] {strides = array<i32>} : memref<26624xf32, #tpu.memory_space<vmem>>, vector<16xf32>,
      tpu.vector_store %arg17[%swap3A], %select_n3A_378 {strides = array<i32>} : memref<26624xf32, #tpu.memory_space<vmem>>, vector<16xf32>,
      %mul3A_387 = arith.constant 16 : i32
      %mul3A_388 = arith.muli %scan3A_335, %mul3A_387 : i32
      %add3A_389 = arith.constant 1 : i32
      %add3A_390 = arith.addi %mul3A_388, %add3A_389 : i32
      %mul3A_391 = arith.constant 16 : i32
      %mul3A_392 = arith.muli %add3A_390, %mul3A_391 : i32
      %add3A_393 = vector.broadcast %mul3A_392 : i32 to vector<16xi32>
      %add3A_394 = arith.addi %add3A_393, %iota3A : vector<16xi32>
      %mul3A_395 = arith.constant 0 : i32
      %mul3A_396 = vector.broadcast %mul3A_395 : i32 to vector<16xi32>
      %mul3A_397 = arith.muli %iota3A, %mul3A_396 : vector<16xi32>
      %slice3A_398 = vector.extract_strided_slice %get3A_340 {offsets = [1], sizes = [1], strides = [1]} : vector<16xi32> to vector<1xi32>
      %squeeze3A_399 = vector.extract %slice3A_398[0] : i32 from vector<1xi32>
      %add3A_400 = vector.broadcast %squeeze3A_399 : i32 to vector<16xi32>
      %add3A_401 = arith.addi %mul3A_397, %add3A_400 : vector<16xi32>
      %gather3A_402 = tpu.vector_load_idx %arg16[%add3A_394, %add3A_401] : memref<256x128xf32, #tpu.memory_space<vmem>>[vector<16xi32>, vector<16xi32>], vector<16xf32>,
      %slice3A_403 = vector.extract_strided_slice %get3A_342 {offsets = [1], sizes = [1], strides = [1]} : vector<16xi32> to vector<1xi32>
      %squeeze3A_404 = vector.extract %slice3A_403[0] : i32 from vector<1xi32>
      %add3A_405 = vector.broadcast %squeeze3A_404 : i32 to vector<16xi32>
      %add3A_406 = arith.addi %add3A_405, %iota3A : vector<16xi32>
      %mul3A_407 = arith.constant 0 : i32
      %mul3A_408 = vector.broadcast %mul3A_407 : i32 to vector<16xi32>
      %mul3A_409 = arith.muli %iota3A, %mul3A_408 : vector<16xi32>
      %slice3A_410 = vector.extract_strided_slice %get3A_346 {offsets = [1], sizes = [1], strides = [1]} : vector<16xi32> to vector<1xi32>
      %squeeze3A_411 = vector.extract %slice3A_410[0] : i32 from vector<1xi32>
      %add3A_412 = vector.broadcast %squeeze3A_411 : i32 to vector<16xi32>
      %add3A_413 = arith.addi %mul3A_409, %add3A_412 : vector<16xi32>
      %gather3A_414 = tpu.vector_load_idx %arg15[%add3A_406, %add3A_413] : memref<416x32xf32, #tpu.memory_space<vmem>>[vector<16xi32>, vector<16xi32>], vector<16xf32>,
      %slice3A_415 = vector.extract_strided_slice %get3A_344 {offsets = [1], sizes = [1], strides = [1]} : vector<16xi32> to vector<1xi32>
      %squeeze3A_416 = vector.extract %slice3A_415[0] : i32 from vector<1xi32>
      %eq3A_417 = arith.constant 0 : i32
      %eq3A_418 = arith.cmpi eq, %squeeze3A_416, %eq3A_417 : i32
      %select_n3A_419 = arith.select %eq3A_418, %gather3A_402, %gather3A_414 : vector<16xf32>
      %mul3A_420 = arith.constant 16 : i32
      %mul3A_421 = arith.muli %scan3A_335, %mul3A_420 : i32
      %add3A_422 = arith.addi %mul3A_35, %mul3A_421 : i32
      %add3A_423 = arith.constant 1 : i32
      %add3A_424 = arith.addi %add3A_422, %add3A_423 : i32
      %mul3A_425 = arith.constant 16 : i32
      %mul3A_426 = arith.muli %add3A_424, %mul3A_425 : i32
      %swap3A_427 = arith.index_cast %mul3A_426 : i32 to index
      %swap3A_428 = tpu.vector_load %arg17[%swap3A_427] {strides = array<i32>} : memref<26624xf32, #tpu.memory_space<vmem>>, vector<16xf32>,
      tpu.vector_store %arg17[%swap3A_427], %select_n3A_419 {strides = array<i32>} : memref<26624xf32, #tpu.memory_space<vmem>>, vector<16xf32>,
      %mul3A_429 = arith.constant 16 : i32
      %mul3A_430 = arith.muli %scan3A_335, %mul3A_429 : i32
      %add3A_431 = arith.constant 2 : i32
      %add3A_432 = arith.addi %mul3A_430, %add3A_431 : i32
      %mul3A_433 = arith.constant 16 : i32
      %mul3A_434 = arith.muli %add3A_432, %mul3A_433 : i32
      %add3A_435 = vector.broadcast %mul3A_434 : i32 to vector<16xi32>
      %add3A_436 = arith.addi %add3A_435, %iota3A : vector<16xi32>
      %mul3A_437 = arith.constant 0 : i32
      %mul3A_438 = vector.broadcast %mul3A_437 : i32 to vector<16xi32>
      %mul3A_439 = arith.muli %iota3A, %mul3A_438 : vector<16xi32>
      %slice3A_440 = vector.extract_strided_slice %get3A_340 {offsets = [2], sizes = [1], strides = [1]} : vector<16xi32> to vector<1xi32>
      %squeeze3A_441 = vector.extract %slice3A_440[0] : i32 from vector<1xi32>
      %add3A_442 = vector.broadcast %squeeze3A_441 : i32 to vector<16xi32>
      %add3A_443 = arith.addi %mul3A_439, %add3A_442 : vector<16xi32>
      %gather3A_444 = tpu.vector_load_idx %arg16[%add3A_436, %add3A_443] : memref<256x128xf32, #tpu.memory_space<vmem>>[vector<16xi32>, vector<16xi32>], vector<16xf32>,
      %slice3A_445 = vector.extract_strided_slice %get3A_342 {offsets = [2], sizes = [1], strides = [1]} : vector<16xi32> to vector<1xi32>
      %squeeze3A_446 = vector.extract %slice3A_445[0] : i32 from vector<1xi32>
      %add3A_447 = vector.broadcast %squeeze3A_446 : i32 to vector<16xi32>
      %add3A_448 = arith.addi %add3A_447, %iota3A : vector<16xi32>
      %mul3A_449 = arith.constant 0 : i32
      %mul3A_450 = vector.broadcast %mul3A_449 : i32 to vector<16xi32>
      %mul3A_451 = arith.muli %iota3A, %mul3A_450 : vector<16xi32>
      %slice3A_452 = vector.extract_strided_slice %get3A_346 {offsets = [2], sizes = [1], strides = [1]} : vector<16xi32> to vector<1xi32>
      %squeeze3A_453 = vector.extract %slice3A_452[0] : i32 from vector<1xi32>
      %add3A_454 = vector.broadcast %squeeze3A_453 : i32 to vector<16xi32>
      %add3A_455 = arith.addi %mul3A_451, %add3A_454 : vector<16xi32>
      %gather3A_456 = tpu.vector_load_idx %arg15[%add3A_448, %add3A_455] : memref<416x32xf32, #tpu.memory_space<vmem>>[vector<16xi32>, vector<16xi32>], vector<16xf32>,
      %slice3A_457 = vector.extract_strided_slice %get3A_344 {offsets = [2], sizes = [1], strides = [1]} : vector<16xi32> to vector<1xi32>
      %squeeze3A_458 = vector.extract %slice3A_457[0] : i32 from vector<1xi32>
      %eq3A_459 = arith.constant 0 : i32
      %eq3A_460 = arith.cmpi eq, %squeeze3A_458, %eq3A_459 : i32
      %select_n3A_461 = arith.select %eq3A_460, %gather3A_444, %gather3A_456 : vector<16xf32>
      %mul3A_462 = arith.constant 16 : i32
      %mul3A_463 = arith.muli %scan3A_335, %mul3A_462 : i32
      %add3A_464 = arith.addi %mul3A_35, %mul3A_463 : i32
      %add3A_465 = arith.constant 2 : i32
      %add3A_466 = arith.addi %add3A_464, %add3A_465 : i32
      %mul3A_467 = arith.constant 16 : i32
      %mul3A_468 = arith.muli %add3A_466, %mul3A_467 : i32
      %swap3A_469 = arith.index_cast %mul3A_468 : i32 to index
      %swap3A_470 = tpu.vector_load %arg17[%swap3A_469] {strides = array<i32>} : memref<26624xf32, #tpu.memory_space<vmem>>, vector<16xf32>,
      tpu.vector_store %arg17[%swap3A_469], %select_n3A_461 {strides = array<i32>} : memref<26624xf32, #tpu.memory_space<vmem>>, vector<16xf32>,
      %mul3A_471 = arith.constant 16 : i32
      %mul3A_472 = arith.muli %scan3A_335, %mul3A_471 : i32
      %add3A_473 = arith.constant 3 : i32
      %add3A_474 = arith.addi %mul3A_472, %add3A_473 : i32
      %mul3A_475 = arith.constant 16 : i32
      %mul3A_476 = arith.muli %add3A_474, %mul3A_475 : i32
      %add3A_477 = vector.broadcast %mul3A_476 : i32 to vector<16xi32>
      %add3A_478 = arith.addi %add3A_477, %iota3A : vector<16xi32>
      %mul3A_479 = arith.constant 0 : i32
      %mul3A_480 = vector.broadcast %mul3A_479 : i32 to vector<16xi32>
      %mul3A_481 = arith.muli %iota3A, %mul3A_480 : vector<16xi32>
      %slice3A_482 = vector.extract_strided_slice %get3A_340 {offsets = [3], sizes = [1], strides = [1]} : vector<16xi32> to vector<1xi32>
      %squeeze3A_483 = vector.extract %slice3A_482[0] : i32 from vector<1xi32>
      %add3A_484 = vector.broadcast %squeeze3A_483 : i32 to vector<16xi32>
      %add3A_485 = arith.addi %mul3A_481, %add3A_484 : vector<16xi32>
      %gather3A_486 = tpu.vector_load_idx %arg16[%add3A_478, %add3A_485] : memref<256x128xf32, #tpu.memory_space<vmem>>[vector<16xi32>, vector<16xi32>], vector<16xf32>,
      %slice3A_487 = vector.extract_strided_slice %get3A_342 {offsets = [3], sizes = [1], strides = [1]} : vector<16xi32> to vector<1xi32>
      %squeeze3A_488 = vector.extract %slice3A_487[0] : i32 from vector<1xi32>
      %add3A_489 = vector.broadcast %squeeze3A_488 : i32 to vector<16xi32>
      %add3A_490 = arith.addi %add3A_489, %iota3A : vector<16xi32>
      %mul3A_491 = arith.constant 0 : i32
      %mul3A_492 = vector.broadcast %mul3A_491 : i32 to vector<16xi32>
      %mul3A_493 = arith.muli %iota3A, %mul3A_492 : vector<16xi32>
      %slice3A_494 = vector.extract_strided_slice %get3A_346 {offsets = [3], sizes = [1], strides = [1]} : vector<16xi32> to vector<1xi32>
      %squeeze3A_495 = vector.extract %slice3A_494[0] : i32 from vector<1xi32>
      %add3A_496 = vector.broadcast %squeeze3A_495 : i32 to vector<16xi32>
      %add3A_497 = arith.addi %mul3A_493, %add3A_496 : vector<16xi32>
      %gather3A_498 = tpu.vector_load_idx %arg15[%add3A_490, %add3A_497] : memref<416x32xf32, #tpu.memory_space<vmem>>[vector<16xi32>, vector<16xi32>], vector<16xf32>,
      %slice3A_499 = vector.extract_strided_slice %get3A_344 {offsets = [3], sizes = [1], strides = [1]} : vector<16xi32> to vector<1xi32>
      %squeeze3A_500 = vector.extract %slice3A_499[0] : i32 from vector<1xi32>
      %eq3A_501 = arith.constant 0 : i32
      %eq3A_502 = arith.cmpi eq, %squeeze3A_500, %eq3A_501 : i32
      %select_n3A_503 = arith.select %eq3A_502, %gather3A_486, %gather3A_498 : vector<16xf32>
      %mul3A_504 = arith.constant 16 : i32
      %mul3A_505 = arith.muli %scan3A_335, %mul3A_504 : i32
      %add3A_506 = arith.addi %mul3A_35, %mul3A_505 : i32
      %add3A_507 = arith.constant 3 : i32
      %add3A_508 = arith.addi %add3A_506, %add3A_507 : i32
      %mul3A_509 = arith.constant 16 : i32
      %mul3A_510 = arith.muli %add3A_508, %mul3A_509 : i32
      %swap3A_511 = arith.index_cast %mul3A_510 : i32 to index
      %swap3A_512 = tpu.vector_load %arg17[%swap3A_511] {strides = array<i32>} : memref<26624xf32, #tpu.memory_space<vmem>>, vector<16xf32>,
      tpu.vector_store %arg17[%swap3A_511], %select_n3A_503 {strides = array<i32>} : memref<26624xf32, #tpu.memory_space<vmem>>, vector<16xf32>,
      %mul3A_513 = arith.constant 16 : i32
      %mul3A_514 = arith.muli %scan3A_335, %mul3A_513 : i32
      %add3A_515 = arith.constant 4 : i32
      %add3A_516 = arith.addi %mul3A_514, %add3A_515 : i32
      %mul3A_517 = arith.constant 16 : i32
      %mul3A_518 = arith.muli %add3A_516, %mul3A_517 : i32
      %add3A_519 = vector.broadcast %mul3A_518 : i32 to vector<16xi32>
      %add3A_520 = arith.addi %add3A_519, %iota3A : vector<16xi32>
      %mul3A_521 = arith.constant 0 : i32
      %mul3A_522 = vector.broadcast %mul3A_521 : i32 to vector<16xi32>
      %mul3A_523 = arith.muli %iota3A, %mul3A_522 : vector<16xi32>
      %slice3A_524 = vector.extract_strided_slice %get3A_340 {offsets = [4], sizes = [1], strides = [1]} : vector<16xi32> to vector<1xi32>
      %squeeze3A_525 = vector.extract %slice3A_524[0] : i32 from vector<1xi32>
      %add3A_526 = vector.broadcast %squeeze3A_525 : i32 to vector<16xi32>
      %add3A_527 = arith.addi %mul3A_523, %add3A_526 : vector<16xi32>
      %gather3A_528 = tpu.vector_load_idx %arg16[%add3A_520, %add3A_527] : memref<256x128xf32, #tpu.memory_space<vmem>>[vector<16xi32>, vector<16xi32>], vector<16xf32>,
      %slice3A_529 = vector.extract_strided_slice %get3A_342 {offsets = [4], sizes = [1], strides = [1]} : vector<16xi32> to vector<1xi32>
      %squeeze3A_530 = vector.extract %slice3A_529[0] : i32 from vector<1xi32>
      %add3A_531 = vector.broadcast %squeeze3A_530 : i32 to vector<16xi32>
      %add3A_532 = arith.addi %add3A_531, %iota3A : vector<16xi32>
      %mul3A_533 = arith.constant 0 : i32
      %mul3A_534 = vector.broadcast %mul3A_533 : i32 to vector<16xi32>
      %mul3A_535 = arith.muli %iota3A, %mul3A_534 : vector<16xi32>
      %slice3A_536 = vector.extract_strided_slice %get3A_346 {offsets = [4], sizes = [1], strides = [1]} : vector<16xi32> to vector<1xi32>
      %squeeze3A_537 = vector.extract %slice3A_536[0] : i32 from vector<1xi32>
      %add3A_538 = vector.broadcast %squeeze3A_537 : i32 to vector<16xi32>
      %add3A_539 = arith.addi %mul3A_535, %add3A_538 : vector<16xi32>
      %gather3A_540 = tpu.vector_load_idx %arg15[%add3A_532, %add3A_539] : memref<416x32xf32, #tpu.memory_space<vmem>>[vector<16xi32>, vector<16xi32>], vector<16xf32>,
      %slice3A_541 = vector.extract_strided_slice %get3A_344 {offsets = [4], sizes = [1], strides = [1]} : vector<16xi32> to vector<1xi32>
      %squeeze3A_542 = vector.extract %slice3A_541[0] : i32 from vector<1xi32>
      %eq3A_543 = arith.constant 0 : i32
      %eq3A_544 = arith.cmpi eq, %squeeze3A_542, %eq3A_543 : i32
      %select_n3A_545 = arith.select %eq3A_544, %gather3A_528, %gather3A_540 : vector<16xf32>
      %mul3A_546 = arith.constant 16 : i32
      %mul3A_547 = arith.muli %scan3A_335, %mul3A_546 : i32
      %add3A_548 = arith.addi %mul3A_35, %mul3A_547 : i32
      %add3A_549 = arith.constant 4 : i32
      %add3A_550 = arith.addi %add3A_548, %add3A_549 : i32
      %mul3A_551 = arith.constant 16 : i32
      %mul3A_552 = arith.muli %add3A_550, %mul3A_551 : i32
      %swap3A_553 = arith.index_cast %mul3A_552 : i32 to index
      %swap3A_554 = tpu.vector_load %arg17[%swap3A_553] {strides = array<i32>} : memref<26624xf32, #tpu.memory_space<vmem>>, vector<16xf32>,
      tpu.vector_store %arg17[%swap3A_553], %select_n3A_545 {strides = array<i32>} : memref<26624xf32, #tpu.memory_space<vmem>>, vector<16xf32>,
      %mul3A_555 = arith.constant 16 : i32
      %mul3A_556 = arith.muli %scan3A_335, %mul3A_555 : i32
      %add3A_557 = arith.constant 5 : i32
      %add3A_558 = arith.addi %mul3A_556, %add3A_557 : i32
      %mul3A_559 = arith.constant 16 : i32
      %mul3A_560 = arith.muli %add3A_558, %mul3A_559 : i32
      %add3A_561 = vector.broadcast %mul3A_560 : i32 to vector<16xi32>
      %add3A_562 = arith.addi %add3A_561, %iota3A : vector<16xi32>
      %mul3A_563 = arith.constant 0 : i32
      %mul3A_564 = vector.broadcast %mul3A_563 : i32 to vector<16xi32>
      %mul3A_565 = arith.muli %iota3A, %mul3A_564 : vector<16xi32>
      %slice3A_566 = vector.extract_strided_slice %get3A_340 {offsets = [5], sizes = [1], strides = [1]} : vector<16xi32> to vector<1xi32>
      %squeeze3A_567 = vector.extract %slice3A_566[0] : i32 from vector<1xi32>
      %add3A_568 = vector.broadcast %squeeze3A_567 : i32 to vector<16xi32>
      %add3A_569 = arith.addi %mul3A_565, %add3A_568 : vector<16xi32>
      %gather3A_570 = tpu.vector_load_idx %arg16[%add3A_562, %add3A_569] : memref<256x128xf32, #tpu.memory_space<vmem>>[vector<16xi32>, vector<16xi32>], vector<16xf32>,
      %slice3A_571 = vector.extract_strided_slice %get3A_342 {offsets = [5], sizes = [1], strides = [1]} : vector<16xi32> to vector<1xi32>
      %squeeze3A_572 = vector.extract %slice3A_571[0] : i32 from vector<1xi32>
      %add3A_573 = vector.broadcast %squeeze3A_572 : i32 to vector<16xi32>
      %add3A_574 = arith.addi %add3A_573, %iota3A : vector<16xi32>
      %mul3A_575 = arith.constant 0 : i32
      %mul3A_576 = vector.broadcast %mul3A_575 : i32 to vector<16xi32>
      %mul3A_577 = arith.muli %iota3A, %mul3A_576 : vector<16xi32>
      %slice3A_578 = vector.extract_strided_slice %get3A_346 {offsets = [5], sizes = [1], strides = [1]} : vector<16xi32> to vector<1xi32>
      %squeeze3A_579 = vector.extract %slice3A_578[0] : i32 from vector<1xi32>
      %add3A_580 = vector.broadcast %squeeze3A_579 : i32 to vector<16xi32>
      %add3A_581 = arith.addi %mul3A_577, %add3A_580 : vector<16xi32>
      %gather3A_582 = tpu.vector_load_idx %arg15[%add3A_574, %add3A_581] : memref<416x32xf32, #tpu.memory_space<vmem>>[vector<16xi32>, vector<16xi32>], vector<16xf32>,
      %slice3A_583 = vector.extract_strided_slice %get3A_344 {offsets = [5], sizes = [1], strides = [1]} : vector<16xi32> to vector<1xi32>
      %squeeze3A_584 = vector.extract %slice3A_583[0] : i32 from vector<1xi32>
      %eq3A_585 = arith.constant 0 : i32
      %eq3A_586 = arith.cmpi eq, %squeeze3A_584, %eq3A_585 : i32
      %select_n3A_587 = arith.select %eq3A_586, %gather3A_570, %gather3A_582 : vector<16xf32>
      %mul3A_588 = arith.constant 16 : i32
      %mul3A_589 = arith.muli %scan3A_335, %mul3A_588 : i32
      %add3A_590 = arith.addi %mul3A_35, %mul3A_589 : i32
      %add3A_591 = arith.constant 5 : i32
      %add3A_592 = arith.addi %add3A_590, %add3A_591 : i32
      %mul3A_593 = arith.constant 16 : i32
      %mul3A_594 = arith.muli %add3A_592, %mul3A_593 : i32
      %swap3A_595 = arith.index_cast %mul3A_594 : i32 to index
      %swap3A_596 = tpu.vector_load %arg17[%swap3A_595] {strides = array<i32>} : memref<26624xf32, #tpu.memory_space<vmem>>, vector<16xf32>,
      tpu.vector_store %arg17[%swap3A_595], %select_n3A_587 {strides = array<i32>} : memref<26624xf32, #tpu.memory_space<vmem>>, vector<16xf32>,
      %mul3A_597 = arith.constant 16 : i32
      %mul3A_598 = arith.muli %scan3A_335, %mul3A_597 : i32
      %add3A_599 = arith.constant 6 : i32
      %add3A_600 = arith.addi %mul3A_598, %add3A_599 : i32
      %mul3A_601 = arith.constant 16 : i32
      %mul3A_602 = arith.muli %add3A_600, %mul3A_601 : i32
      %add3A_603 = vector.broadcast %mul3A_602 : i32 to vector<16xi32>
      %add3A_604 = arith.addi %add3A_603, %iota3A : vector<16xi32>
      %mul3A_605 = arith.constant 0 : i32
      %mul3A_606 = vector.broadcast %mul3A_605 : i32 to vector<16xi32>
      %mul3A_607 = arith.muli %iota3A, %mul3A_606 : vector<16xi32>
      %slice3A_608 = vector.extract_strided_slice %get3A_340 {offsets = [6], sizes = [1], strides = [1]} : vector<16xi32> to vector<1xi32>
      %squeeze3A_609 = vector.extract %slice3A_608[0] : i32 from vector<1xi32>
      %add3A_610 = vector.broadcast %squeeze3A_609 : i32 to vector<16xi32>
      %add3A_611 = arith.addi %mul3A_607, %add3A_610 : vector<16xi32>
      %gather3A_612 = tpu.vector_load_idx %arg16[%add3A_604, %add3A_611] : memref<256x128xf32, #tpu.memory_space<vmem>>[vector<16xi32>, vector<16xi32>], vector<16xf32>,
      %slice3A_613 = vector.extract_strided_slice %get3A_342 {offsets = [6], sizes = [1], strides = [1]} : vector<16xi32> to vector<1xi32>
      %squeeze3A_614 = vector.extract %slice3A_613[0] : i32 from vector<1xi32>
      %add3A_615 = vector.broadcast %squeeze3A_614 : i32 to vector<16xi32>
      %add3A_616 = arith.addi %add3A_615, %iota3A : vector<16xi32>
      %mul3A_617 = arith.constant 0 : i32
      %mul3A_618 = vector.broadcast %mul3A_617 : i32 to vector<16xi32>
      %mul3A_619 = arith.muli %iota3A, %mul3A_618 : vector<16xi32>
      %slice3A_620 = vector.extract_strided_slice %get3A_346 {offsets = [6], sizes = [1], strides = [1]} : vector<16xi32> to vector<1xi32>
      %squeeze3A_621 = vector.extract %slice3A_620[0] : i32 from vector<1xi32>
      %add3A_622 = vector.broadcast %squeeze3A_621 : i32 to vector<16xi32>
      %add3A_623 = arith.addi %mul3A_619, %add3A_622 : vector<16xi32>
      %gather3A_624 = tpu.vector_load_idx %arg15[%add3A_616, %add3A_623] : memref<416x32xf32, #tpu.memory_space<vmem>>[vector<16xi32>, vector<16xi32>], vector<16xf32>,
      %slice3A_625 = vector.extract_strided_slice %get3A_344 {offsets = [6], sizes = [1], strides = [1]} : vector<16xi32> to vector<1xi32>
      %squeeze3A_626 = vector.extract %slice3A_625[0] : i32 from vector<1xi32>
      %eq3A_627 = arith.constant 0 : i32
      %eq3A_628 = arith.cmpi eq, %squeeze3A_626, %eq3A_627 : i32
      %select_n3A_629 = arith.select %eq3A_628, %gather3A_612, %gather3A_624 : vector<16xf32>
      %mul3A_630 = arith.constant 16 : i32
      %mul3A_631 = arith.muli %scan3A_335, %mul3A_630 : i32
      %add3A_632 = arith.addi %mul3A_35, %mul3A_631 : i32
      %add3A_633 = arith.constant 6 : i32
      %add3A_634 = arith.addi %add3A_632, %add3A_633 : i32
      %mul3A_635 = arith.constant 16 : i32
      %mul3A_636 = arith.muli %add3A_634, %mul3A_635 : i32
      %swap3A_637 = arith.index_cast %mul3A_636 : i32 to index
      %swap3A_638 = tpu.vector_load %arg17[%swap3A_637] {strides = array<i32>} : memref<26624xf32, #tpu.memory_space<vmem>>, vector<16xf32>,
      tpu.vector_store %arg17[%swap3A_637], %select_n3A_629 {strides = array<i32>} : memref<26624xf32, #tpu.memory_space<vmem>>, vector<16xf32>,
      %mul3A_639 = arith.constant 16 : i32
      %mul3A_640 = arith.muli %scan3A_335, %mul3A_639 : i32
      %add3A_641 = arith.constant 7 : i32
      %add3A_642 = arith.addi %mul3A_640, %add3A_641 : i32
      %mul3A_643 = arith.constant 16 : i32
      %mul3A_644 = arith.muli %add3A_642, %mul3A_643 : i32
      %add3A_645 = vector.broadcast %mul3A_644 : i32 to vector<16xi32>
      %add3A_646 = arith.addi %add3A_645, %iota3A : vector<16xi32>
      %mul3A_647 = arith.constant 0 : i32
      %mul3A_648 = vector.broadcast %mul3A_647 : i32 to vector<16xi32>
      %mul3A_649 = arith.muli %iota3A, %mul3A_648 : vector<16xi32>
      %slice3A_650 = vector.extract_strided_slice %get3A_340 {offsets = [7], sizes = [1], strides = [1]} : vector<16xi32> to vector<1xi32>
      %squeeze3A_651 = vector.extract %slice3A_650[0] : i32 from vector<1xi32>
      %add3A_652 = vector.broadcast %squeeze3A_651 : i32 to vector<16xi32>
      %add3A_653 = arith.addi %mul3A_649, %add3A_652 : vector<16xi32>
      %gather3A_654 = tpu.vector_load_idx %arg16[%add3A_646, %add3A_653] : memref<256x128xf32, #tpu.memory_space<vmem>>[vector<16xi32>, vector<16xi32>], vector<16xf32>,
      %slice3A_655 = vector.extract_strided_slice %get3A_342 {offsets = [7], sizes = [1], strides = [1]} : vector<16xi32> to vector<1xi32>
      %squeeze3A_656 = vector.extract %slice3A_655[0] : i32 from vector<1xi32>
      %add3A_657 = vector.broadcast %squeeze3A_656 : i32 to vector<16xi32>
      %add3A_658 = arith.addi %add3A_657, %iota3A : vector<16xi32>
      %mul3A_659 = arith.constant 0 : i32
      %mul3A_660 = vector.broadcast %mul3A_659 : i32 to vector<16xi32>
      %mul3A_661 = arith.muli %iota3A, %mul3A_660 : vector<16xi32>
      %slice3A_662 = vector.extract_strided_slice %get3A_346 {offsets = [7], sizes = [1], strides = [1]} : vector<16xi32> to vector<1xi32>
      %squeeze3A_663 = vector.extract %slice3A_662[0] : i32 from vector<1xi32>
      %add3A_664 = vector.broadcast %squeeze3A_663 : i32 to vector<16xi32>
      %add3A_665 = arith.addi %mul3A_661, %add3A_664 : vector<16xi32>
      %gather3A_666 = tpu.vector_load_idx %arg15[%add3A_658, %add3A_665] : memref<416x32xf32, #tpu.memory_space<vmem>>[vector<16xi32>, vector<16xi32>], vector<16xf32>,
      %slice3A_667 = vector.extract_strided_slice %get3A_344 {offsets = [7], sizes = [1], strides = [1]} : vector<16xi32> to vector<1xi32>
      %squeeze3A_668 = vector.extract %slice3A_667[0] : i32 from vector<1xi32>
      %eq3A_669 = arith.constant 0 : i32
      %eq3A_670 = arith.cmpi eq, %squeeze3A_668, %eq3A_669 : i32
      %select_n3A_671 = arith.select %eq3A_670, %gather3A_654, %gather3A_666 : vector<16xf32>
      %mul3A_672 = arith.constant 16 : i32
      %mul3A_673 = arith.muli %scan3A_335, %mul3A_672 : i32
      %add3A_674 = arith.addi %mul3A_35, %mul3A_673 : i32
      %add3A_675 = arith.constant 7 : i32
      %add3A_676 = arith.addi %add3A_674, %add3A_675 : i32
      %mul3A_677 = arith.constant 16 : i32
      %mul3A_678 = arith.muli %add3A_676, %mul3A_677 : i32
      %swap3A_679 = arith.index_cast %mul3A_678 : i32 to index
      %swap3A_680 = tpu.vector_load %arg17[%swap3A_679] {strides = array<i32>} : memref<26624xf32, #tpu.memory_space<vmem>>, vector<16xf32>,
      tpu.vector_store %arg17[%swap3A_679], %select_n3A_671 {strides = array<i32>} : memref<26624xf32, #tpu.memory_space<vmem>>, vector<16xf32>,
      %mul3A_681 = arith.constant 16 : i32
      %mul3A_682 = arith.muli %scan3A_335, %mul3A_681 : i32
      %add3A_683 = arith.constant 8 : i32
      %add3A_684 = arith.addi %mul3A_682, %add3A_683 : i32
      %mul3A_685 = arith.constant 16 : i32
      %mul3A_686 = arith.muli %add3A_684, %mul3A_685 : i32
      %add3A_687 = vector.broadcast %mul3A_686 : i32 to vector<16xi32>
      %add3A_688 = arith.addi %add3A_687, %iota3A : vector<16xi32>
      %mul3A_689 = arith.constant 0 : i32
      %mul3A_690 = vector.broadcast %mul3A_689 : i32 to vector<16xi32>
      %mul3A_691 = arith.muli %iota3A, %mul3A_690 : vector<16xi32>
      %slice3A_692 = vector.extract_strided_slice %get3A_340 {offsets = [8], sizes = [1], strides = [1]} : vector<16xi32> to vector<1xi32>
      %squeeze3A_693 = vector.extract %slice3A_692[0] : i32 from vector<1xi32>
      %add3A_694 = vector.broadcast %squeeze3A_693 : i32 to vector<16xi32>
      %add3A_695 = arith.addi %mul3A_691, %add3A_694 : vector<16xi32>
      %gather3A_696 = tpu.vector_load_idx %arg16[%add3A_688, %add3A_695] : memref<256x128xf32, #tpu.memory_space<vmem>>[vector<16xi32>, vector<16xi32>], vector<16xf32>,
      %slice3A_697 = vector.extract_strided_slice %get3A_342 {offsets = [8], sizes = [1], strides = [1]} : vector<16xi32> to vector<1xi32>
      %squeeze3A_698 = vector.extract %slice3A_697[0] : i32 from vector<1xi32>
      %add3A_699 = vector.broadcast %squeeze3A_698 : i32 to vector<16xi32>
      %add3A_700 = arith.addi %add3A_699, %iota3A : vector<16xi32>
      %mul3A_701 = arith.constant 0 : i32
      %mul3A_702 = vector.broadcast %mul3A_701 : i32 to vector<16xi32>
      %mul3A_703 = arith.muli %iota3A, %mul3A_702 : vector<16xi32>
      %slice3A_704 = vector.extract_strided_slice %get3A_346 {offsets = [8], sizes = [1], strides = [1]} : vector<16xi32> to vector<1xi32>
      %squeeze3A_705 = vector.extract %slice3A_704[0] : i32 from vector<1xi32>
      %add3A_706 = vector.broadcast %squeeze3A_705 : i32 to vector<16xi32>
      %add3A_707 = arith.addi %mul3A_703, %add3A_706 : vector<16xi32>
      %gather3A_708 = tpu.vector_load_idx %arg15[%add3A_700, %add3A_707] : memref<416x32xf32, #tpu.memory_space<vmem>>[vector<16xi32>, vector<16xi32>], vector<16xf32>,
      %slice3A_709 = vector.extract_strided_slice %get3A_344 {offsets = [8], sizes = [1], strides = [1]} : vector<16xi32> to vector<1xi32>
      %squeeze3A_710 = vector.extract %slice3A_709[0] : i32 from vector<1xi32>
      %eq3A_711 = arith.constant 0 : i32
      %eq3A_712 = arith.cmpi eq, %squeeze3A_710, %eq3A_711 : i32
      %select_n3A_713 = arith.select %eq3A_712, %gather3A_696, %gather3A_708 : vector<16xf32>
      %mul3A_714 = arith.constant 16 : i32
      %mul3A_715 = arith.muli %scan3A_335, %mul3A_714 : i32
      %add3A_716 = arith.addi %mul3A_35, %mul3A_715 : i32
      %add3A_717 = arith.constant 8 : i32
      %add3A_718 = arith.addi %add3A_716, %add3A_717 : i32
      %mul3A_719 = arith.constant 16 : i32
      %mul3A_720 = arith.muli %add3A_718, %mul3A_719 : i32
      %swap3A_721 = arith.index_cast %mul3A_720 : i32 to index
      %swap3A_722 = tpu.vector_load %arg17[%swap3A_721] {strides = array<i32>} : memref<26624xf32, #tpu.memory_space<vmem>>, vector<16xf32>,
      tpu.vector_store %arg17[%swap3A_721], %select_n3A_713 {strides = array<i32>} : memref<26624xf32, #tpu.memory_space<vmem>>, vector<16xf32>,
      %mul3A_723 = arith.constant 16 : i32
      %mul3A_724 = arith.muli %scan3A_335, %mul3A_723 : i32
      %add3A_725 = arith.constant 9 : i32
      %add3A_726 = arith.addi %mul3A_724, %add3A_725 : i32
      %mul3A_727 = arith.constant 16 : i32
      %mul3A_728 = arith.muli %add3A_726, %mul3A_727 : i32
      %add3A_729 = vector.broadcast %mul3A_728 : i32 to vector<16xi32>
      %add3A_730 = arith.addi %add3A_729, %iota3A : vector<16xi32>
      %mul3A_731 = arith.constant 0 : i32
      %mul3A_732 = vector.broadcast %mul3A_731 : i32 to vector<16xi32>
      %mul3A_733 = arith.muli %iota3A, %mul3A_732 : vector<16xi32>
      %slice3A_734 = vector.extract_strided_slice %get3A_340 {offsets = [9], sizes = [1], strides = [1]} : vector<16xi32> to vector<1xi32>
      %squeeze3A_735 = vector.extract %slice3A_734[0] : i32 from vector<1xi32>
      %add3A_736 = vector.broadcast %squeeze3A_735 : i32 to vector<16xi32>
      %add3A_737 = arith.addi %mul3A_733, %add3A_736 : vector<16xi32>
      %gather3A_738 = tpu.vector_load_idx %arg16[%add3A_730, %add3A_737] : memref<256x128xf32, #tpu.memory_space<vmem>>[vector<16xi32>, vector<16xi32>], vector<16xf32>,
      %slice3A_739 = vector.extract_strided_slice %get3A_342 {offsets = [9], sizes = [1], strides = [1]} : vector<16xi32> to vector<1xi32>
      %squeeze3A_740 = vector.extract %slice3A_739[0] : i32 from vector<1xi32>
      %add3A_741 = vector.broadcast %squeeze3A_740 : i32 to vector<16xi32>
      %add3A_742 = arith.addi %add3A_741, %iota3A : vector<16xi32>
      %mul3A_743 = arith.constant 0 : i32
      %mul3A_744 = vector.broadcast %mul3A_743 : i32 to vector<16xi32>
      %mul3A_745 = arith.muli %iota3A, %mul3A_744 : vector<16xi32>
      %slice3A_746 = vector.extract_strided_slice %get3A_346 {offsets = [9], sizes = [1], strides = [1]} : vector<16xi32> to vector<1xi32>
      %squeeze3A_747 = vector.extract %slice3A_746[0] : i32 from vector<1xi32>
      %add3A_748 = vector.broadcast %squeeze3A_747 : i32 to vector<16xi32>
      %add3A_749 = arith.addi %mul3A_745, %add3A_748 : vector<16xi32>
      %gather3A_750 = tpu.vector_load_idx %arg15[%add3A_742, %add3A_749] : memref<416x32xf32, #tpu.memory_space<vmem>>[vector<16xi32>, vector<16xi32>], vector<16xf32>,
      %slice3A_751 = vector.extract_strided_slice %get3A_344 {offsets = [9], sizes = [1], strides = [1]} : vector<16xi32> to vector<1xi32>
      %squeeze3A_752 = vector.extract %slice3A_751[0] : i32 from vector<1xi32>
      %eq3A_753 = arith.constant 0 : i32
      %eq3A_754 = arith.cmpi eq, %squeeze3A_752, %eq3A_753 : i32
      %select_n3A_755 = arith.select %eq3A_754, %gather3A_738, %gather3A_750 : vector<16xf32>
      %mul3A_756 = arith.constant 16 : i32
      %mul3A_757 = arith.muli %scan3A_335, %mul3A_756 : i32
      %add3A_758 = arith.addi %mul3A_35, %mul3A_757 : i32
      %add3A_759 = arith.constant 9 : i32
      %add3A_760 = arith.addi %add3A_758, %add3A_759 : i32
      %mul3A_761 = arith.constant 16 : i32
      %mul3A_762 = arith.muli %add3A_760, %mul3A_761 : i32
      %swap3A_763 = arith.index_cast %mul3A_762 : i32 to index
      %swap3A_764 = tpu.vector_load %arg17[%swap3A_763] {strides = array<i32>} : memref<26624xf32, #tpu.memory_space<vmem>>, vector<16xf32>,
      tpu.vector_store %arg17[%swap3A_763], %select_n3A_755 {strides = array<i32>} : memref<26624xf32, #tpu.memory_space<vmem>>, vector<16xf32>,
      %mul3A_765 = arith.constant 16 : i32
      %mul3A_766 = arith.muli %scan3A_335, %mul3A_765 : i32
      %add3A_767 = arith.constant 10 : i32
      %add3A_768 = arith.addi %mul3A_766, %add3A_767 : i32
      %mul3A_769 = arith.constant 16 : i32
      %mul3A_770 = arith.muli %add3A_768, %mul3A_769 : i32
      %add3A_771 = vector.broadcast %mul3A_770 : i32 to vector<16xi32>
      %add3A_772 = arith.addi %add3A_771, %iota3A : vector<16xi32>
      %mul3A_773 = arith.constant 0 : i32
      %mul3A_774 = vector.broadcast %mul3A_773 : i32 to vector<16xi32>
      %mul3A_775 = arith.muli %iota3A, %mul3A_774 : vector<16xi32>
      %slice3A_776 = vector.extract_strided_slice %get3A_340 {offsets = [10], sizes = [1], strides = [1]} : vector<16xi32> to vector<1xi32>
      %squeeze3A_777 = vector.extract %slice3A_776[0] : i32 from vector<1xi32>
      %add3A_778 = vector.broadcast %squeeze3A_777 : i32 to vector<16xi32>
      %add3A_779 = arith.addi %mul3A_775, %add3A_778 : vector<16xi32>
      %gather3A_780 = tpu.vector_load_idx %arg16[%add3A_772, %add3A_779] : memref<256x128xf32, #tpu.memory_space<vmem>>[vector<16xi32>, vector<16xi32>], vector<16xf32>,
      %slice3A_781 = vector.extract_strided_slice %get3A_342 {offsets = [10], sizes = [1], strides = [1]} : vector<16xi32> to vector<1xi32>
      %squeeze3A_782 = vector.extract %slice3A_781[0] : i32 from vector<1xi32>
      %add3A_783 = vector.broadcast %squeeze3A_782 : i32 to vector<16xi32>
      %add3A_784 = arith.addi %add3A_783, %iota3A : vector<16xi32>
      %mul3A_785 = arith.constant 0 : i32
      %mul3A_786 = vector.broadcast %mul3A_785 : i32 to vector<16xi32>
      %mul3A_787 = arith.muli %iota3A, %mul3A_786 : vector<16xi32>
      %slice3A_788 = vector.extract_strided_slice %get3A_346 {offsets = [10], sizes = [1], strides = [1]} : vector<16xi32> to vector<1xi32>
      %squeeze3A_789 = vector.extract %slice3A_788[0] : i32 from vector<1xi32>
      %add3A_790 = vector.broadcast %squeeze3A_789 : i32 to vector<16xi32>
      %add3A_791 = arith.addi %mul3A_787, %add3A_790 : vector<16xi32>
      %gather3A_792 = tpu.vector_load_idx %arg15[%add3A_784, %add3A_791] : memref<416x32xf32, #tpu.memory_space<vmem>>[vector<16xi32>, vector<16xi32>], vector<16xf32>,
      %slice3A_793 = vector.extract_strided_slice %get3A_344 {offsets = [10], sizes = [1], strides = [1]} : vector<16xi32> to vector<1xi32>
      %squeeze3A_794 = vector.extract %slice3A_793[0] : i32 from vector<1xi32>
      %eq3A_795 = arith.constant 0 : i32
      %eq3A_796 = arith.cmpi eq, %squeeze3A_794, %eq3A_795 : i32
      %select_n3A_797 = arith.select %eq3A_796, %gather3A_780, %gather3A_792 : vector<16xf32>
      %mul3A_798 = arith.constant 16 : i32
      %mul3A_799 = arith.muli %scan3A_335, %mul3A_798 : i32
      %add3A_800 = arith.addi %mul3A_35, %mul3A_799 : i32
      %add3A_801 = arith.constant 10 : i32
      %add3A_802 = arith.addi %add3A_800, %add3A_801 : i32
      %mul3A_803 = arith.constant 16 : i32
      %mul3A_804 = arith.muli %add3A_802, %mul3A_803 : i32
      %swap3A_805 = arith.index_cast %mul3A_804 : i32 to index
      %swap3A_806 = tpu.vector_load %arg17[%swap3A_805] {strides = array<i32>} : memref<26624xf32, #tpu.memory_space<vmem>>, vector<16xf32>,
      tpu.vector_store %arg17[%swap3A_805], %select_n3A_797 {strides = array<i32>} : memref<26624xf32, #tpu.memory_space<vmem>>, vector<16xf32>,
      %mul3A_807 = arith.constant 16 : i32
      %mul3A_808 = arith.muli %scan3A_335, %mul3A_807 : i32
      %add3A_809 = arith.constant 11 : i32
      %add3A_810 = arith.addi %mul3A_808, %add3A_809 : i32
      %mul3A_811 = arith.constant 16 : i32
      %mul3A_812 = arith.muli %add3A_810, %mul3A_811 : i32
      %add3A_813 = vector.broadcast %mul3A_812 : i32 to vector<16xi32>
      %add3A_814 = arith.addi %add3A_813, %iota3A : vector<16xi32>
      %mul3A_815 = arith.constant 0 : i32
      %mul3A_816 = vector.broadcast %mul3A_815 : i32 to vector<16xi32>
      %mul3A_817 = arith.muli %iota3A, %mul3A_816 : vector<16xi32>
      %slice3A_818 = vector.extract_strided_slice %get3A_340 {offsets = [11], sizes = [1], strides = [1]} : vector<16xi32> to vector<1xi32>
      %squeeze3A_819 = vector.extract %slice3A_818[0] : i32 from vector<1xi32>
      %add3A_820 = vector.broadcast %squeeze3A_819 : i32 to vector<16xi32>
      %add3A_821 = arith.addi %mul3A_817, %add3A_820 : vector<16xi32>
      %gather3A_822 = tpu.vector_load_idx %arg16[%add3A_814, %add3A_821] : memref<256x128xf32, #tpu.memory_space<vmem>>[vector<16xi32>, vector<16xi32>], vector<16xf32>,
      %slice3A_823 = vector.extract_strided_slice %get3A_342 {offsets = [11], sizes = [1], strides = [1]} : vector<16xi32> to vector<1xi32>
      %squeeze3A_824 = vector.extract %slice3A_823[0] : i32 from vector<1xi32>
      %add3A_825 = vector.broadcast %squeeze3A_824 : i32 to vector<16xi32>
      %add3A_826 = arith.addi %add3A_825, %iota3A : vector<16xi32>
      %mul3A_827 = arith.constant 0 : i32
      %mul3A_828 = vector.broadcast %mul3A_827 : i32 to vector<16xi32>
      %mul3A_829 = arith.muli %iota3A, %mul3A_828 : vector<16xi32>
      %slice3A_830 = vector.extract_strided_slice %get3A_346 {offsets = [11], sizes = [1], strides = [1]} : vector<16xi32> to vector<1xi32>
      %squeeze3A_831 = vector.extract %slice3A_830[0] : i32 from vector<1xi32>
      %add3A_832 = vector.broadcast %squeeze3A_831 : i32 to vector<16xi32>
      %add3A_833 = arith.addi %mul3A_829, %add3A_832 : vector<16xi32>
      %gather3A_834 = tpu.vector_load_idx %arg15[%add3A_826, %add3A_833] : memref<416x32xf32, #tpu.memory_space<vmem>>[vector<16xi32>, vector<16xi32>], vector<16xf32>,
      %slice3A_835 = vector.extract_strided_slice %get3A_344 {offsets = [11], sizes = [1], strides = [1]} : vector<16xi32> to vector<1xi32>
      %squeeze3A_836 = vector.extract %slice3A_835[0] : i32 from vector<1xi32>
      %eq3A_837 = arith.constant 0 : i32
      %eq3A_838 = arith.cmpi eq, %squeeze3A_836, %eq3A_837 : i32
      %select_n3A_839 = arith.select %eq3A_838, %gather3A_822, %gather3A_834 : vector<16xf32>
      %mul3A_840 = arith.constant 16 : i32
      %mul3A_841 = arith.muli %scan3A_335, %mul3A_840 : i32
      %add3A_842 = arith.addi %mul3A_35, %mul3A_841 : i32
      %add3A_843 = arith.constant 11 : i32
      %add3A_844 = arith.addi %add3A_842, %add3A_843 : i32
      %mul3A_845 = arith.constant 16 : i32
      %mul3A_846 = arith.muli %add3A_844, %mul3A_845 : i32
      %swap3A_847 = arith.index_cast %mul3A_846 : i32 to index
      %swap3A_848 = tpu.vector_load %arg17[%swap3A_847] {strides = array<i32>} : memref<26624xf32, #tpu.memory_space<vmem>>, vector<16xf32>,
      tpu.vector_store %arg17[%swap3A_847], %select_n3A_839 {strides = array<i32>} : memref<26624xf32, #tpu.memory_space<vmem>>, vector<16xf32>,
      %mul3A_849 = arith.constant 16 : i32
      %mul3A_850 = arith.muli %scan3A_335, %mul3A_849 : i32
      %add3A_851 = arith.constant 12 : i32
      %add3A_852 = arith.addi %mul3A_850, %add3A_851 : i32
      %mul3A_853 = arith.constant 16 : i32
      %mul3A_854 = arith.muli %add3A_852, %mul3A_853 : i32
      %add3A_855 = vector.broadcast %mul3A_854 : i32 to vector<16xi32>
      %add3A_856 = arith.addi %add3A_855, %iota3A : vector<16xi32>
      %mul3A_857 = arith.constant 0 : i32
      %mul3A_858 = vector.broadcast %mul3A_857 : i32 to vector<16xi32>
      %mul3A_859 = arith.muli %iota3A, %mul3A_858 : vector<16xi32>
      %slice3A_860 = vector.extract_strided_slice %get3A_340 {offsets = [12], sizes = [1], strides = [1]} : vector<16xi32> to vector<1xi32>
      %squeeze3A_861 = vector.extract %slice3A_860[0] : i32 from vector<1xi32>
      %add3A_862 = vector.broadcast %squeeze3A_861 : i32 to vector<16xi32>
      %add3A_863 = arith.addi %mul3A_859, %add3A_862 : vector<16xi32>
      %gather3A_864 = tpu.vector_load_idx %arg16[%add3A_856, %add3A_863] : memref<256x128xf32, #tpu.memory_space<vmem>>[vector<16xi32>, vector<16xi32>], vector<16xf32>,
      %slice3A_865 = vector.extract_strided_slice %get3A_342 {offsets = [12], sizes = [1], strides = [1]} : vector<16xi32> to vector<1xi32>
      %squeeze3A_866 = vector.extract %slice3A_865[0] : i32 from vector<1xi32>
      %add3A_867 = vector.broadcast %squeeze3A_866 : i32 to vector<16xi32>
      %add3A_868 = arith.addi %add3A_867, %iota3A : vector<16xi32>
      %mul3A_869 = arith.constant 0 : i32
      %mul3A_870 = vector.broadcast %mul3A_869 : i32 to vector<16xi32>
      %mul3A_871 = arith.muli %iota3A, %mul3A_870 : vector<16xi32>
      %slice3A_872 = vector.extract_strided_slice %get3A_346 {offsets = [12], sizes = [1], strides = [1]} : vector<16xi32> to vector<1xi32>
      %squeeze3A_873 = vector.extract %slice3A_872[0] : i32 from vector<1xi32>
      %add3A_874 = vector.broadcast %squeeze3A_873 : i32 to vector<16xi32>
      %add3A_875 = arith.addi %mul3A_871, %add3A_874 : vector<16xi32>
      %gather3A_876 = tpu.vector_load_idx %arg15[%add3A_868, %add3A_875] : memref<416x32xf32, #tpu.memory_space<vmem>>[vector<16xi32>, vector<16xi32>], vector<16xf32>,
      %slice3A_877 = vector.extract_strided_slice %get3A_344 {offsets = [12], sizes = [1], strides = [1]} : vector<16xi32> to vector<1xi32>
      %squeeze3A_878 = vector.extract %slice3A_877[0] : i32 from vector<1xi32>
      %eq3A_879 = arith.constant 0 : i32
      %eq3A_880 = arith.cmpi eq, %squeeze3A_878, %eq3A_879 : i32
      %select_n3A_881 = arith.select %eq3A_880, %gather3A_864, %gather3A_876 : vector<16xf32>
      %mul3A_882 = arith.constant 16 : i32
      %mul3A_883 = arith.muli %scan3A_335, %mul3A_882 : i32
      %add3A_884 = arith.addi %mul3A_35, %mul3A_883 : i32
      %add3A_885 = arith.constant 12 : i32
      %add3A_886 = arith.addi %add3A_884, %add3A_885 : i32
      %mul3A_887 = arith.constant 16 : i32
      %mul3A_888 = arith.muli %add3A_886, %mul3A_887 : i32
      %swap3A_889 = arith.index_cast %mul3A_888 : i32 to index
      %swap3A_890 = tpu.vector_load %arg17[%swap3A_889] {strides = array<i32>} : memref<26624xf32, #tpu.memory_space<vmem>>, vector<16xf32>,
      tpu.vector_store %arg17[%swap3A_889], %select_n3A_881 {strides = array<i32>} : memref<26624xf32, #tpu.memory_space<vmem>>, vector<16xf32>,
      %mul3A_891 = arith.constant 16 : i32
      %mul3A_892 = arith.muli %scan3A_335, %mul3A_891 : i32
      %add3A_893 = arith.constant 13 : i32
      %add3A_894 = arith.addi %mul3A_892, %add3A_893 : i32
      %mul3A_895 = arith.constant 16 : i32
      %mul3A_896 = arith.muli %add3A_894, %mul3A_895 : i32
      %add3A_897 = vector.broadcast %mul3A_896 : i32 to vector<16xi32>
      %add3A_898 = arith.addi %add3A_897, %iota3A : vector<16xi32>
      %mul3A_899 = arith.constant 0 : i32
      %mul3A_900 = vector.broadcast %mul3A_899 : i32 to vector<16xi32>
      %mul3A_901 = arith.muli %iota3A, %mul3A_900 : vector<16xi32>
      %slice3A_902 = vector.extract_strided_slice %get3A_340 {offsets = [13], sizes = [1], strides = [1]} : vector<16xi32> to vector<1xi32>
      %squeeze3A_903 = vector.extract %slice3A_902[0] : i32 from vector<1xi32>
      %add3A_904 = vector.broadcast %squeeze3A_903 : i32 to vector<16xi32>
      %add3A_905 = arith.addi %mul3A_901, %add3A_904 : vector<16xi32>
      %gather3A_906 = tpu.vector_load_idx %arg16[%add3A_898, %add3A_905] : memref<256x128xf32, #tpu.memory_space<vmem>>[vector<16xi32>, vector<16xi32>], vector<16xf32>,
      %slice3A_907 = vector.extract_strided_slice %get3A_342 {offsets = [13], sizes = [1], strides = [1]} : vector<16xi32> to vector<1xi32>
      %squeeze3A_908 = vector.extract %slice3A_907[0] : i32 from vector<1xi32>
      %add3A_909 = vector.broadcast %squeeze3A_908 : i32 to vector<16xi32>
      %add3A_910 = arith.addi %add3A_909, %iota3A : vector<16xi32>
      %mul3A_911 = arith.constant 0 : i32
      %mul3A_912 = vector.broadcast %mul3A_911 : i32 to vector<16xi32>
      %mul3A_913 = arith.muli %iota3A, %mul3A_912 : vector<16xi32>
      %slice3A_914 = vector.extract_strided_slice %get3A_346 {offsets = [13], sizes = [1], strides = [1]} : vector<16xi32> to vector<1xi32>
      %squeeze3A_915 = vector.extract %slice3A_914[0] : i32 from vector<1xi32>
      %add3A_916 = vector.broadcast %squeeze3A_915 : i32 to vector<16xi32>
      %add3A_917 = arith.addi %mul3A_913, %add3A_916 : vector<16xi32>
      %gather3A_918 = tpu.vector_load_idx %arg15[%add3A_910, %add3A_917] : memref<416x32xf32, #tpu.memory_space<vmem>>[vector<16xi32>, vector<16xi32>], vector<16xf32>,
      %slice3A_919 = vector.extract_strided_slice %get3A_344 {offsets = [13], sizes = [1], strides = [1]} : vector<16xi32> to vector<1xi32>
      %squeeze3A_920 = vector.extract %slice3A_919[0] : i32 from vector<1xi32>
      %eq3A_921 = arith.constant 0 : i32
      %eq3A_922 = arith.cmpi eq, %squeeze3A_920, %eq3A_921 : i32
      %select_n3A_923 = arith.select %eq3A_922, %gather3A_906, %gather3A_918 : vector<16xf32>
      %mul3A_924 = arith.constant 16 : i32
      %mul3A_925 = arith.muli %scan3A_335, %mul3A_924 : i32
      %add3A_926 = arith.addi %mul3A_35, %mul3A_925 : i32
      %add3A_927 = arith.constant 13 : i32
      %add3A_928 = arith.addi %add3A_926, %add3A_927 : i32
      %mul3A_929 = arith.constant 16 : i32
      %mul3A_930 = arith.muli %add3A_928, %mul3A_929 : i32
      %swap3A_931 = arith.index_cast %mul3A_930 : i32 to index
      %swap3A_932 = tpu.vector_load %arg17[%swap3A_931] {strides = array<i32>} : memref<26624xf32, #tpu.memory_space<vmem>>, vector<16xf32>,
      tpu.vector_store %arg17[%swap3A_931], %select_n3A_923 {strides = array<i32>} : memref<26624xf32, #tpu.memory_space<vmem>>, vector<16xf32>,
      %mul3A_933 = arith.constant 16 : i32
      %mul3A_934 = arith.muli %scan3A_335, %mul3A_933 : i32
      %add3A_935 = arith.constant 14 : i32
      %add3A_936 = arith.addi %mul3A_934, %add3A_935 : i32
      %mul3A_937 = arith.constant 16 : i32
      %mul3A_938 = arith.muli %add3A_936, %mul3A_937 : i32
      %add3A_939 = vector.broadcast %mul3A_938 : i32 to vector<16xi32>
      %add3A_940 = arith.addi %add3A_939, %iota3A : vector<16xi32>
      %mul3A_941 = arith.constant 0 : i32
      %mul3A_942 = vector.broadcast %mul3A_941 : i32 to vector<16xi32>
      %mul3A_943 = arith.muli %iota3A, %mul3A_942 : vector<16xi32>
      %slice3A_944 = vector.extract_strided_slice %get3A_340 {offsets = [14], sizes = [1], strides = [1]} : vector<16xi32> to vector<1xi32>
      %squeeze3A_945 = vector.extract %slice3A_944[0] : i32 from vector<1xi32>
      %add3A_946 = vector.broadcast %squeeze3A_945 : i32 to vector<16xi32>
      %add3A_947 = arith.addi %mul3A_943, %add3A_946 : vector<16xi32>
      %gather3A_948 = tpu.vector_load_idx %arg16[%add3A_940, %add3A_947] : memref<256x128xf32, #tpu.memory_space<vmem>>[vector<16xi32>, vector<16xi32>], vector<16xf32>,
      %slice3A_949 = vector.extract_strided_slice %get3A_342 {offsets = [14], sizes = [1], strides = [1]} : vector<16xi32> to vector<1xi32>
      %squeeze3A_950 = vector.extract %slice3A_949[0] : i32 from vector<1xi32>
      %add3A_951 = vector.broadcast %squeeze3A_950 : i32 to vector<16xi32>
      %add3A_952 = arith.addi %add3A_951, %iota3A : vector<16xi32>
      %mul3A_953 = arith.constant 0 : i32
      %mul3A_954 = vector.broadcast %mul3A_953 : i32 to vector<16xi32>
      %mul3A_955 = arith.muli %iota3A, %mul3A_954 : vector<16xi32>
      %slice3A_956 = vector.extract_strided_slice %get3A_346 {offsets = [14], sizes = [1], strides = [1]} : vector<16xi32> to vector<1xi32>
      %squeeze3A_957 = vector.extract %slice3A_956[0] : i32 from vector<1xi32>
      %add3A_958 = vector.broadcast %squeeze3A_957 : i32 to vector<16xi32>
      %add3A_959 = arith.addi %mul3A_955, %add3A_958 : vector<16xi32>
      %gather3A_960 = tpu.vector_load_idx %arg15[%add3A_952, %add3A_959] : memref<416x32xf32, #tpu.memory_space<vmem>>[vector<16xi32>, vector<16xi32>], vector<16xf32>,
      %slice3A_961 = vector.extract_strided_slice %get3A_344 {offsets = [14], sizes = [1], strides = [1]} : vector<16xi32> to vector<1xi32>
      %squeeze3A_962 = vector.extract %slice3A_961[0] : i32 from vector<1xi32>
      %eq3A_963 = arith.constant 0 : i32
      %eq3A_964 = arith.cmpi eq, %squeeze3A_962, %eq3A_963 : i32
      %select_n3A_965 = arith.select %eq3A_964, %gather3A_948, %gather3A_960 : vector<16xf32>
      %mul3A_966 = arith.constant 16 : i32
      %mul3A_967 = arith.muli %scan3A_335, %mul3A_966 : i32
      %add3A_968 = arith.addi %mul3A_35, %mul3A_967 : i32
      %add3A_969 = arith.constant 14 : i32
      %add3A_970 = arith.addi %add3A_968, %add3A_969 : i32
      %mul3A_971 = arith.constant 16 : i32
      %mul3A_972 = arith.muli %add3A_970, %mul3A_971 : i32
      %swap3A_973 = arith.index_cast %mul3A_972 : i32 to index
      %swap3A_974 = tpu.vector_load %arg17[%swap3A_973] {strides = array<i32>} : memref<26624xf32, #tpu.memory_space<vmem>>, vector<16xf32>,
      tpu.vector_store %arg17[%swap3A_973], %select_n3A_965 {strides = array<i32>} : memref<26624xf32, #tpu.memory_space<vmem>>, vector<16xf32>,
      %mul3A_975 = arith.constant 16 : i32
      %mul3A_976 = arith.muli %scan3A_335, %mul3A_975 : i32
      %add3A_977 = arith.constant 15 : i32
      %add3A_978 = arith.addi %mul3A_976, %add3A_977 : i32
      %mul3A_979 = arith.constant 16 : i32
      %mul3A_980 = arith.muli %add3A_978, %mul3A_979 : i32
      %add3A_981 = vector.broadcast %mul3A_980 : i32 to vector<16xi32>
      %add3A_982 = arith.addi %add3A_981, %iota3A : vector<16xi32>
      %mul3A_983 = arith.constant 0 : i32
      %mul3A_984 = vector.broadcast %mul3A_983 : i32 to vector<16xi32>
      %mul3A_985 = arith.muli %iota3A, %mul3A_984 : vector<16xi32>
      %slice3A_986 = vector.extract_strided_slice %get3A_340 {offsets = [15], sizes = [1], strides = [1]} : vector<16xi32> to vector<1xi32>
      %squeeze3A_987 = vector.extract %slice3A_986[0] : i32 from vector<1xi32>
      %add3A_988 = vector.broadcast %squeeze3A_987 : i32 to vector<16xi32>
      %add3A_989 = arith.addi %mul3A_985, %add3A_988 : vector<16xi32>
      %gather3A_990 = tpu.vector_load_idx %arg16[%add3A_982, %add3A_989] : memref<256x128xf32, #tpu.memory_space<vmem>>[vector<16xi32>, vector<16xi32>], vector<16xf32>,
      %slice3A_991 = vector.extract_strided_slice %get3A_342 {offsets = [15], sizes = [1], strides = [1]} : vector<16xi32> to vector<1xi32>
      %squeeze3A_992 = vector.extract %slice3A_991[0] : i32 from vector<1xi32>
      %add3A_993 = vector.broadcast %squeeze3A_992 : i32 to vector<16xi32>
      %add3A_994 = arith.addi %add3A_993, %iota3A : vector<16xi32>
      %mul3A_995 = arith.constant 0 : i32
      %mul3A_996 = vector.broadcast %mul3A_995 : i32 to vector<16xi32>
      %mul3A_997 = arith.muli %iota3A, %mul3A_996 : vector<16xi32>
      %slice3A_998 = vector.extract_strided_slice %get3A_346 {offsets = [15], sizes = [1], strides = [1]} : vector<16xi32> to vector<1xi32>
      %squeeze3A_999 = vector.extract %slice3A_998[0] : i32 from vector<1xi32>
      %add3A_1000 = vector.broadcast %squeeze3A_999 : i32 to vector<16xi32>
      %add3A_1001 = arith.addi %mul3A_997, %add3A_1000 : vector<16xi32>
      %gather3A_1002 = tpu.vector_load_idx %arg15[%add3A_994, %add3A_1001] : memref<416x32xf32, #tpu.memory_space<vmem>>[vector<16xi32>, vector<16xi32>], vector<16xf32>,
      %slice3A_1003 = vector.extract_strided_slice %get3A_344 {offsets = [15], sizes = [1], strides = [1]} : vector<16xi32> to vector<1xi32>
      %squeeze3A_1004 = vector.extract %slice3A_1003[0] : i32 from vector<1xi32>
      %eq3A_1005 = arith.constant 0 : i32
      %eq3A_1006 = arith.cmpi eq, %squeeze3A_1004, %eq3A_1005 : i32
      %select_n3A_1007 = arith.select %eq3A_1006, %gather3A_990, %gather3A_1002 : vector<16xf32>
      %mul3A_1008 = arith.constant 16 : i32
      %mul3A_1009 = arith.muli %scan3A_335, %mul3A_1008 : i32
      %add3A_1010 = arith.addi %mul3A_35, %mul3A_1009 : i32
      %add3A_1011 = arith.constant 15 : i32
      %add3A_1012 = arith.addi %add3A_1010, %add3A_1011 : i32
      %mul3A_1013 = arith.constant 16 : i32
      %mul3A_1014 = arith.muli %add3A_1012, %mul3A_1013 : i32
      %swap3A_1015 = arith.index_cast %mul3A_1014 : i32 to index
      %swap3A_1016 = tpu.vector_load %arg17[%swap3A_1015] {strides = array<i32>} : memref<26624xf32, #tpu.memory_space<vmem>>, vector<16xf32>,
      tpu.vector_store %arg17[%swap3A_1015], %select_n3A_1007 {strides = array<i32>} : memref<26624xf32, #tpu.memory_space<vmem>>, vector<16xf32>,
      %scan3A_1017 = arith.constant 1 : i32
    }
    %scan3A_17 = arith.constant 104 : i32
    %mul3A_18 = arith.constant 16 : i32
    %mul3A_19 = arith.muli %mul3A_2, %mul3A_18 : i32
    %add3A_20 = arith.constant 26624 : i32
    %add3A_21 = arith.addi %mul3A_19, %add3A_20 : i32
    "tpu.region"() ({
      %run_scoped3A = tpu.sem_alloc : memref<!tpu.dma_semaphore, #tpu.memory_space<semaphore_mem>>
      %dma_start3A = tpu.memref_slice %arg9[%add3A_21] : memref<1703936xf32, #tpu.memory_space<hbm>> -> memref<26624xf32, #tpu.memory_space<hbm>>
      %dma_start3A_22 = tpu.memref_slice %arg9[%add3A_21] : memref<1703936xf32, #tpu.memory_space<hbm>> -> memref<26624xf32, #tpu.memory_space<hbm>>
      tpu.enqueue_dma source(%arg17 : memref<26624xf32, #tpu.memory_space<vmem>>) target(%dma_start3A_22 : memref<26624xf32, #tpu.memory_space<hbm>>) target_semaphore(%run_scoped3A : memref<!tpu.dma_semaphore, #tpu.memory_space<semaphore_mem>>)
      %dma_wait3A = tpu.memref_slice %arg9[%add3A_21] : memref<1703936xf32, #tpu.memory_space<hbm>> -> memref<26624xf32, #tpu.memory_space<hbm>>
      %dma_wait3A_23 = tpu.memref_slice %arg9[%add3A_21] : memref<1703936xf32, #tpu.memory_space<hbm>> -> memref<26624xf32, #tpu.memory_space<hbm>>
      tpu.wait_dma2 semaphore(%run_scoped3A : memref<!tpu.dma_semaphore, #tpu.memory_space<semaphore_mem>>) src(%arg17 : memref<26624xf32, #tpu.memory_space<vmem>>) dst(%dma_wait3A_23 : memref<26624xf32, #tpu.memory_space<hbm>>)
      tpu.yield
    }) : () -> ()
    return
  }
}

#map = affine_map<(d0, d1) -> (0, 0)>
#map1 = affine_map<(d0, d1) -> (0)>
module attributes {stable_mosaic.version = 14 : i64} {
  func.func @lin_kernel(%arg0: i32, %arg1: i32, %arg2: memref<20384x128xf32, #tpu.memory_space<hbm>>, %arg3: memref<26x4096xi32, #tpu.memory_space<hbm>>, %arg4: memref<106496xf32, #tpu.memory_space<hbm>>, %arg5: memref<784x128xf32, #tpu.memory_space<vmem>>, %arg6: memref<4096xi32, #tpu.memory_space<vmem>>, %arg7: memref<4096xf32, #tpu.memory_space<vmem>>) attributes {dimension_semantics = [#tpu.dimension_semantics<core_parallel>, #tpu.dimension_semantics<subcore_parallel>], iteration_bounds = array<i64: 2, 16>, scalar_prefetch = 0 : i64, scratch_operands = 3 : i64, tpu.core_type = #tpu.core_type<sc_vector_subcore>, window_params = [{transform_indices = #map}, {transform_indices = #map}, {transform_indices = #map1}]} {
    %mul3A = arith.constant 2 : i32
    %mul3A_0 = arith.muli %arg1, %mul3A : i32
    %add3A = arith.addi %mul3A_0, %arg0 : i32
    %lt3A = arith.constant 26 : i32
    %lt3A_1 = arith.cmpi slt, %add3A, %lt3A : i32
    %convert_element_type3A = arith.extui %lt3A_1 : i1 to i32
    %cond3A = arith.constant 0 : i32
    %cond3A_2 = arith.cmpi ne, %convert_element_type3A, %cond3A : i32
    scf.if %cond3A_2 {
      %mul3A_3 = arith.constant 784 : i32
      %mul3A_4 = arith.muli %add3A, %mul3A_3 : i32
      "tpu.region"() ({
        %run_scoped3A = tpu.sem_alloc : memref<!tpu.dma_semaphore, #tpu.memory_space<semaphore_mem>>
        %dma_start3A = arith.constant 0 : i32
        %dma_start3A_12 = tpu.memref_slice %arg2[%mul3A_4, %dma_start3A] : memref<20384x128xf32, #tpu.memory_space<hbm>> -> memref<784x128xf32, #tpu.memory_space<hbm>>
        %dma_start3A_13 = arith.constant 0 : i32
        %dma_start3A_14 = tpu.memref_slice %arg2[%mul3A_4, %dma_start3A_13] : memref<20384x128xf32, #tpu.memory_space<hbm>> -> memref<784x128xf32, #tpu.memory_space<hbm>>
        tpu.enqueue_dma source(%dma_start3A_14 : memref<784x128xf32, #tpu.memory_space<hbm>>) target(%arg5 : memref<784x128xf32, #tpu.memory_space<vmem>>) target_semaphore(%run_scoped3A : memref<!tpu.dma_semaphore, #tpu.memory_space<semaphore_mem>>)
        %dma_wait3A = arith.constant 0 : i32
        %dma_wait3A_15 = tpu.memref_slice %arg2[%mul3A_4, %dma_wait3A] : memref<20384x128xf32, #tpu.memory_space<hbm>> -> memref<784x128xf32, #tpu.memory_space<hbm>>
        %dma_wait3A_16 = arith.constant 0 : i32
        %dma_wait3A_17 = tpu.memref_slice %arg2[%mul3A_4, %dma_wait3A_16] : memref<20384x128xf32, #tpu.memory_space<hbm>> -> memref<784x128xf32, #tpu.memory_space<hbm>>
        tpu.wait_dma2 semaphore(%run_scoped3A : memref<!tpu.dma_semaphore, #tpu.memory_space<semaphore_mem>>) src(%dma_wait3A_17 : memref<784x128xf32, #tpu.memory_space<hbm>>) dst(%arg5 : memref<784x128xf32, #tpu.memory_space<vmem>>)
        tpu.yield
      }) : () -> ()
      "tpu.region"() ({
        %run_scoped3A = tpu.sem_alloc : memref<!tpu.dma_semaphore, #tpu.memory_space<semaphore_mem>>
        %dma_start3A = arith.constant 0 : i32
        %dma_start3A_12 = tpu.memref_slice %arg3[%add3A, %dma_start3A] : memref<26x4096xi32, #tpu.memory_space<hbm>> -> memref<1x4096xi32, #tpu.memory_space<hbm>>
        %dma_start3A_13 = tpu.memref_squeeze %dma_start3A_12 : memref<1x4096xi32, #tpu.memory_space<hbm>> -> memref<4096xi32, #tpu.memory_space<hbm>>
        %dma_start3A_14 = arith.constant 0 : i32
        %dma_start3A_15 = tpu.memref_slice %arg3[%add3A, %dma_start3A_14] : memref<26x4096xi32, #tpu.memory_space<hbm>> -> memref<1x4096xi32, #tpu.memory_space<hbm>>
        %dma_start3A_16 = tpu.memref_squeeze %dma_start3A_15 : memref<1x4096xi32, #tpu.memory_space<hbm>> -> memref<4096xi32, #tpu.memory_space<hbm>>
        tpu.enqueue_dma source(%dma_start3A_16 : memref<4096xi32, #tpu.memory_space<hbm>>) target(%arg6 : memref<4096xi32, #tpu.memory_space<vmem>>) target_semaphore(%run_scoped3A : memref<!tpu.dma_semaphore, #tpu.memory_space<semaphore_mem>>)
        %dma_wait3A = arith.constant 0 : i32
        %dma_wait3A_17 = tpu.memref_slice %arg3[%add3A, %dma_wait3A] : memref<26x4096xi32, #tpu.memory_space<hbm>> -> memref<1x4096xi32, #tpu.memory_space<hbm>>
        %dma_wait3A_18 = tpu.memref_squeeze %dma_wait3A_17 : memref<1x4096xi32, #tpu.memory_space<hbm>> -> memref<4096xi32, #tpu.memory_space<hbm>>
        %dma_wait3A_19 = arith.constant 0 : i32
        %dma_wait3A_20 = tpu.memref_slice %arg3[%add3A, %dma_wait3A_19] : memref<26x4096xi32, #tpu.memory_space<hbm>> -> memref<1x4096xi32, #tpu.memory_space<hbm>>
        %dma_wait3A_21 = tpu.memref_squeeze %dma_wait3A_20 : memref<1x4096xi32, #tpu.memory_space<hbm>> -> memref<4096xi32, #tpu.memory_space<hbm>>
        tpu.wait_dma2 semaphore(%run_scoped3A : memref<!tpu.dma_semaphore, #tpu.memory_space<semaphore_mem>>) src(%dma_wait3A_21 : memref<4096xi32, #tpu.memory_space<hbm>>) dst(%arg6 : memref<4096xi32, #tpu.memory_space<vmem>>)
        tpu.yield
      }) : () -> ()
      %scan3A = arith.constant 0 : i32
      %scan3A_5 = arith.constant 0 : i32
      %scan3A_6 = arith.constant 256 : i32
      %scan3A_7 = arith.addi %scan3A_5, %scan3A_6 : i32
      %scan3A_8 = arith.constant 1 : i32
      scf.for %scan3A_12 = %scan3A_5 to %scan3A_7 step %scan3A_8  : i32 {
        %mul3A_13 = arith.constant 16 : i32
        %mul3A_14 = arith.muli %scan3A_12, %mul3A_13 : i32
        %get3A = arith.index_cast %mul3A_14 : i32 to index
        %get3A_15 = tpu.vector_load %arg6[%get3A] {strides = array<i32>} : memref<4096xi32, #tpu.memory_space<vmem>>, vector<16xi32>,
        %shift_right_logical3A = arith.constant 7 : i32
        %shift_right_logical3A_16 = vector.broadcast %shift_right_logical3A : i32 to vector<16xi32>
        %shift_right_logical3A_17 = arith.shrui %get3A_15, %shift_right_logical3A_16 : vector<16xi32>
        %and3A = arith.constant 127 : i32
        %and3A_18 = vector.broadcast %and3A : i32 to vector<16xi32>
        %and3A_19 = arith.andi %get3A_15, %and3A_18 : vector<16xi32>
        %gather3A = tpu.vector_load_idx %arg5[%shift_right_logical3A_17, %and3A_19] : memref<784x128xf32, #tpu.memory_space<vmem>>[vector<16xi32>, vector<16xi32>], vector<16xf32>,
        %swap3A = arith.index_cast %mul3A_14 : i32 to index
        %swap3A_20 = tpu.vector_load %arg7[%swap3A] {strides = array<i32>} : memref<4096xf32, #tpu.memory_space<vmem>>, vector<16xf32>,
        tpu.vector_store %arg7[%swap3A], %gather3A {strides = array<i32>} : memref<4096xf32, #tpu.memory_space<vmem>>, vector<16xf32>,
      }
      %scan3A_9 = arith.constant 256 : i32
      %mul3A_10 = arith.constant 4096 : i32
      %mul3A_11 = arith.muli %add3A, %mul3A_10 : i32
      "tpu.region"() ({
        %run_scoped3A = tpu.sem_alloc : memref<!tpu.dma_semaphore, #tpu.memory_space<semaphore_mem>>
        %dma_start3A = tpu.memref_slice %arg4[%mul3A_11] : memref<106496xf32, #tpu.memory_space<hbm>> -> memref<4096xf32, #tpu.memory_space<hbm>>
        %dma_start3A_12 = tpu.memref_slice %arg4[%mul3A_11] : memref<106496xf32, #tpu.memory_space<hbm>> -> memref<4096xf32, #tpu.memory_space<hbm>>
        tpu.enqueue_dma source(%arg7 : memref<4096xf32, #tpu.memory_space<vmem>>) target(%dma_start3A_12 : memref<4096xf32, #tpu.memory_space<hbm>>) target_semaphore(%run_scoped3A : memref<!tpu.dma_semaphore, #tpu.memory_space<semaphore_mem>>)
        %dma_wait3A = tpu.memref_slice %arg4[%mul3A_11] : memref<106496xf32, #tpu.memory_space<hbm>> -> memref<4096xf32, #tpu.memory_space<hbm>>
        %dma_wait3A_13 = tpu.memref_slice %arg4[%mul3A_11] : memref<106496xf32, #tpu.memory_space<hbm>> -> memref<4096xf32, #tpu.memory_space<hbm>>
        tpu.wait_dma2 semaphore(%run_scoped3A : memref<!tpu.dma_semaphore, #tpu.memory_space<semaphore_mem>>) src(%arg7 : memref<4096xf32, #tpu.memory_space<vmem>>) dst(%dma_wait3A_13 : memref<4096xf32, #tpu.memory_space<hbm>>)
        tpu.yield
      }) : () -> ()
    } else {
    }
    return
  }
}

module attributes {stable_mosaic.version = 14 : i64} {
  func.func @_dense_body(%arg0: i32, %arg1: memref<128x416xf32, #tpu.memory_space<vmem>>, %arg2: memref<26x4096xf32, #tpu.memory_space<vmem>>, %arg3: memref<26x1xf32, #tpu.memory_space<vmem>>, %arg4: memref<325x1xf32, #tpu.memory_space<vmem>>, %arg5: memref<4096x1xf32, #tpu.memory_space<vmem>>, %arg6: memref<325x4096xf32, #tpu.memory_space<vmem>>) attributes {dimension_semantics = [#tpu.dimension_semantics<arbitrary>], iteration_bounds = array<i64: 32>, scalar_prefetch = 0 : i64, scratch_operands = 1 : i64, tpu.core_type = #tpu.core_type<tc>, window_params = [{transform_indices = @transform_0, window_bounds = array<i64: 128, 416>}, {pipeline_mode = #tpu.pipeline_mode<synchronous>, transform_indices = @transform_1, window_bounds = array<i64: 26, 4096>}, {pipeline_mode = #tpu.pipeline_mode<synchronous>, transform_indices = @transform_2, window_bounds = array<i64: 26, 1>}, {pipeline_mode = #tpu.pipeline_mode<synchronous>, transform_indices = @transform_3, window_bounds = array<i64: 325, 1>}, {pipeline_mode = #tpu.pipeline_mode<synchronous>, transform_indices = @transform_4, window_bounds = array<i64: 4096, 1>}]} {
    %mul3A = arith.constant 128 : i32
    %mul3A_0 = arith.muli %arg0, %mul3A : i32
    %multiple_of3A = tpu.assume_multiple %mul3A_0, 128 : i32
    %get3A = arith.constant 0 : index
    %get3A_1 = arith.constant 0 : index
    %get3A_2 = vector.load %arg1[%get3A, %get3A_1] : memref<128x416xf32, #tpu.memory_space<vmem>>, vector<128x416xf32>
    %transpose3A = tpu.transpose %get3A_2, [1, 0] : vector<128x416xf32> -> vector<416x128xf32>
    %slice3A = vector.extract_strided_slice %transpose3A {offsets = [0, 0], sizes = [16, 128], strides = [1, 1]} : vector<416x128xf32> to vector<16x128xf32>
    %slice3A_3 = vector.extract_strided_slice %transpose3A {offsets = [16, 0], sizes = [16, 128], strides = [1, 1]} : vector<416x128xf32> to vector<16x128xf32>
    %mul3A_4 = arith.mulf %slice3A, %slice3A_3 : vector<16x128xf32>
    %reduce_sum3A = arith.constant dense<0.000000e+00> : vector<128xf32>
    %reduce_sum3A_5 = vector.multi_reduction <add>, %mul3A_4, %reduce_sum3A [0] : vector<16x128xf32> to vector<128xf32>
    %broadcast_in_dim3A = vector.shape_cast %reduce_sum3A_5 : vector<128xf32> to vector<1x128xf32>
    %slice3A_6 = vector.extract_strided_slice %transpose3A {offsets = [0, 0], sizes = [16, 128], strides = [1, 1]} : vector<416x128xf32> to vector<16x128xf32>
    %slice3A_7 = vector.extract_strided_slice %transpose3A {offsets = [32, 0], sizes = [16, 128], strides = [1, 1]} : vector<416x128xf32> to vector<16x128xf32>
    %mul3A_8 = arith.mulf %slice3A_6, %slice3A_7 : vector<16x128xf32>
    %reduce_sum3A_9 = arith.constant dense<0.000000e+00> : vector<128xf32>
    %reduce_sum3A_10 = vector.multi_reduction <add>, %mul3A_8, %reduce_sum3A_9 [0] : vector<16x128xf32> to vector<128xf32>
    %broadcast_in_dim3A_11 = vector.shape_cast %reduce_sum3A_10 : vector<128xf32> to vector<1x128xf32>
    %slice3A_12 = vector.extract_strided_slice %transpose3A {offsets = [0, 0], sizes = [16, 128], strides = [1, 1]} : vector<416x128xf32> to vector<16x128xf32>
    %slice3A_13 = vector.extract_strided_slice %transpose3A {offsets = [48, 0], sizes = [16, 128], strides = [1, 1]} : vector<416x128xf32> to vector<16x128xf32>
    %mul3A_14 = arith.mulf %slice3A_12, %slice3A_13 : vector<16x128xf32>
    %reduce_sum3A_15 = arith.constant dense<0.000000e+00> : vector<128xf32>
    %reduce_sum3A_16 = vector.multi_reduction <add>, %mul3A_14, %reduce_sum3A_15 [0] : vector<16x128xf32> to vector<128xf32>
    %broadcast_in_dim3A_17 = vector.shape_cast %reduce_sum3A_16 : vector<128xf32> to vector<1x128xf32>
    %slice3A_18 = vector.extract_strided_slice %transpose3A {offsets = [0, 0], sizes = [16, 128], strides = [1, 1]} : vector<416x128xf32> to vector<16x128xf32>
    %slice3A_19 = vector.extract_strided_slice %transpose3A {offsets = [64, 0], sizes = [16, 128], strides = [1, 1]} : vector<416x128xf32> to vector<16x128xf32>
    %mul3A_20 = arith.mulf %slice3A_18, %slice3A_19 : vector<16x128xf32>
    %reduce_sum3A_21 = arith.constant dense<0.000000e+00> : vector<128xf32>
    %reduce_sum3A_22 = vector.multi_reduction <add>, %mul3A_20, %reduce_sum3A_21 [0] : vector<16x128xf32> to vector<128xf32>
    %broadcast_in_dim3A_23 = vector.shape_cast %reduce_sum3A_22 : vector<128xf32> to vector<1x128xf32>
    %slice3A_24 = vector.extract_strided_slice %transpose3A {offsets = [0, 0], sizes = [16, 128], strides = [1, 1]} : vector<416x128xf32> to vector<16x128xf32>
    %slice3A_25 = vector.extract_strided_slice %transpose3A {offsets = [80, 0], sizes = [16, 128], strides = [1, 1]} : vector<416x128xf32> to vector<16x128xf32>
    %mul3A_26 = arith.mulf %slice3A_24, %slice3A_25 : vector<16x128xf32>
    %reduce_sum3A_27 = arith.constant dense<0.000000e+00> : vector<128xf32>
    %reduce_sum3A_28 = vector.multi_reduction <add>, %mul3A_26, %reduce_sum3A_27 [0] : vector<16x128xf32> to vector<128xf32>
    %broadcast_in_dim3A_29 = vector.shape_cast %reduce_sum3A_28 : vector<128xf32> to vector<1x128xf32>
    %slice3A_30 = vector.extract_strided_slice %transpose3A {offsets = [0, 0], sizes = [16, 128], strides = [1, 1]} : vector<416x128xf32> to vector<16x128xf32>
    %slice3A_31 = vector.extract_strided_slice %transpose3A {offsets = [96, 0], sizes = [16, 128], strides = [1, 1]} : vector<416x128xf32> to vector<16x128xf32>
    %mul3A_32 = arith.mulf %slice3A_30, %slice3A_31 : vector<16x128xf32>
    %reduce_sum3A_33 = arith.constant dense<0.000000e+00> : vector<128xf32>
    %reduce_sum3A_34 = vector.multi_reduction <add>, %mul3A_32, %reduce_sum3A_33 [0] : vector<16x128xf32> to vector<128xf32>
    %broadcast_in_dim3A_35 = vector.shape_cast %reduce_sum3A_34 : vector<128xf32> to vector<1x128xf32>
    %slice3A_36 = vector.extract_strided_slice %transpose3A {offsets = [0, 0], sizes = [16, 128], strides = [1, 1]} : vector<416x128xf32> to vector<16x128xf32>
    %slice3A_37 = vector.extract_strided_slice %transpose3A {offsets = [112, 0], sizes = [16, 128], strides = [1, 1]} : vector<416x128xf32> to vector<16x128xf32>
    %mul3A_38 = arith.mulf %slice3A_36, %slice3A_37 : vector<16x128xf32>
    %reduce_sum3A_39 = arith.constant dense<0.000000e+00> : vector<128xf32>
    %reduce_sum3A_40 = vector.multi_reduction <add>, %mul3A_38, %reduce_sum3A_39 [0] : vector<16x128xf32> to vector<128xf32>
    %broadcast_in_dim3A_41 = vector.shape_cast %reduce_sum3A_40 : vector<128xf32> to vector<1x128xf32>
    %slice3A_42 = vector.extract_strided_slice %transpose3A {offsets = [0, 0], sizes = [16, 128], strides = [1, 1]} : vector<416x128xf32> to vector<16x128xf32>
    %slice3A_43 = vector.extract_strided_slice %transpose3A {offsets = [128, 0], sizes = [16, 128], strides = [1, 1]} : vector<416x128xf32> to vector<16x128xf32>
    %mul3A_44 = arith.mulf %slice3A_42, %slice3A_43 : vector<16x128xf32>
    %reduce_sum3A_45 = arith.constant dense<0.000000e+00> : vector<128xf32>
    %reduce_sum3A_46 = vector.multi_reduction <add>, %mul3A_44, %reduce_sum3A_45 [0] : vector<16x128xf32> to vector<128xf32>
    %broadcast_in_dim3A_47 = vector.shape_cast %reduce_sum3A_46 : vector<128xf32> to vector<1x128xf32>
    %slice3A_48 = vector.extract_strided_slice %transpose3A {offsets = [0, 0], sizes = [16, 128], strides = [1, 1]} : vector<416x128xf32> to vector<16x128xf32>
    %slice3A_49 = vector.extract_strided_slice %transpose3A {offsets = [144, 0], sizes = [16, 128], strides = [1, 1]} : vector<416x128xf32> to vector<16x128xf32>
    %mul3A_50 = arith.mulf %slice3A_48, %slice3A_49 : vector<16x128xf32>
    %reduce_sum3A_51 = arith.constant dense<0.000000e+00> : vector<128xf32>
    %reduce_sum3A_52 = vector.multi_reduction <add>, %mul3A_50, %reduce_sum3A_51 [0] : vector<16x128xf32> to vector<128xf32>
    %broadcast_in_dim3A_53 = vector.shape_cast %reduce_sum3A_52 : vector<128xf32> to vector<1x128xf32>
    %slice3A_54 = vector.extract_strided_slice %transpose3A {offsets = [0, 0], sizes = [16, 128], strides = [1, 1]} : vector<416x128xf32> to vector<16x128xf32>
    %slice3A_55 = vector.extract_strided_slice %transpose3A {offsets = [160, 0], sizes = [16, 128], strides = [1, 1]} : vector<416x128xf32> to vector<16x128xf32>
    %mul3A_56 = arith.mulf %slice3A_54, %slice3A_55 : vector<16x128xf32>
    %reduce_sum3A_57 = arith.constant dense<0.000000e+00> : vector<128xf32>
    %reduce_sum3A_58 = vector.multi_reduction <add>, %mul3A_56, %reduce_sum3A_57 [0] : vector<16x128xf32> to vector<128xf32>
    %broadcast_in_dim3A_59 = vector.shape_cast %reduce_sum3A_58 : vector<128xf32> to vector<1x128xf32>
    %slice3A_60 = vector.extract_strided_slice %transpose3A {offsets = [0, 0], sizes = [16, 128], strides = [1, 1]} : vector<416x128xf32> to vector<16x128xf32>
    %slice3A_61 = vector.extract_strided_slice %transpose3A {offsets = [176, 0], sizes = [16, 128], strides = [1, 1]} : vector<416x128xf32> to vector<16x128xf32>
    %mul3A_62 = arith.mulf %slice3A_60, %slice3A_61 : vector<16x128xf32>
    %reduce_sum3A_63 = arith.constant dense<0.000000e+00> : vector<128xf32>
    %reduce_sum3A_64 = vector.multi_reduction <add>, %mul3A_62, %reduce_sum3A_63 [0] : vector<16x128xf32> to vector<128xf32>
    %broadcast_in_dim3A_65 = vector.shape_cast %reduce_sum3A_64 : vector<128xf32> to vector<1x128xf32>
    %slice3A_66 = vector.extract_strided_slice %transpose3A {offsets = [0, 0], sizes = [16, 128], strides = [1, 1]} : vector<416x128xf32> to vector<16x128xf32>
    %slice3A_67 = vector.extract_strided_slice %transpose3A {offsets = [192, 0], sizes = [16, 128], strides = [1, 1]} : vector<416x128xf32> to vector<16x128xf32>
    %mul3A_68 = arith.mulf %slice3A_66, %slice3A_67 : vector<16x128xf32>
    %reduce_sum3A_69 = arith.constant dense<0.000000e+00> : vector<128xf32>
    %reduce_sum3A_70 = vector.multi_reduction <add>, %mul3A_68, %reduce_sum3A_69 [0] : vector<16x128xf32> to vector<128xf32>
    %broadcast_in_dim3A_71 = vector.shape_cast %reduce_sum3A_70 : vector<128xf32> to vector<1x128xf32>
    %slice3A_72 = vector.extract_strided_slice %transpose3A {offsets = [0, 0], sizes = [16, 128], strides = [1, 1]} : vector<416x128xf32> to vector<16x128xf32>
    %slice3A_73 = vector.extract_strided_slice %transpose3A {offsets = [208, 0], sizes = [16, 128], strides = [1, 1]} : vector<416x128xf32> to vector<16x128xf32>
    %mul3A_74 = arith.mulf %slice3A_72, %slice3A_73 : vector<16x128xf32>
    %reduce_sum3A_75 = arith.constant dense<0.000000e+00> : vector<128xf32>
    %reduce_sum3A_76 = vector.multi_reduction <add>, %mul3A_74, %reduce_sum3A_75 [0] : vector<16x128xf32> to vector<128xf32>
    %broadcast_in_dim3A_77 = vector.shape_cast %reduce_sum3A_76 : vector<128xf32> to vector<1x128xf32>
    %slice3A_78 = vector.extract_strided_slice %transpose3A {offsets = [0, 0], sizes = [16, 128], strides = [1, 1]} : vector<416x128xf32> to vector<16x128xf32>
    %slice3A_79 = vector.extract_strided_slice %transpose3A {offsets = [224, 0], sizes = [16, 128], strides = [1, 1]} : vector<416x128xf32> to vector<16x128xf32>
    %mul3A_80 = arith.mulf %slice3A_78, %slice3A_79 : vector<16x128xf32>
    %reduce_sum3A_81 = arith.constant dense<0.000000e+00> : vector<128xf32>
    %reduce_sum3A_82 = vector.multi_reduction <add>, %mul3A_80, %reduce_sum3A_81 [0] : vector<16x128xf32> to vector<128xf32>
    %broadcast_in_dim3A_83 = vector.shape_cast %reduce_sum3A_82 : vector<128xf32> to vector<1x128xf32>
    %slice3A_84 = vector.extract_strided_slice %transpose3A {offsets = [0, 0], sizes = [16, 128], strides = [1, 1]} : vector<416x128xf32> to vector<16x128xf32>
    %slice3A_85 = vector.extract_strided_slice %transpose3A {offsets = [240, 0], sizes = [16, 128], strides = [1, 1]} : vector<416x128xf32> to vector<16x128xf32>
    %mul3A_86 = arith.mulf %slice3A_84, %slice3A_85 : vector<16x128xf32>
    %reduce_sum3A_87 = arith.constant dense<0.000000e+00> : vector<128xf32>
    %reduce_sum3A_88 = vector.multi_reduction <add>, %mul3A_86, %reduce_sum3A_87 [0] : vector<16x128xf32> to vector<128xf32>
    %broadcast_in_dim3A_89 = vector.shape_cast %reduce_sum3A_88 : vector<128xf32> to vector<1x128xf32>
    %slice3A_90 = vector.extract_strided_slice %transpose3A {offsets = [0, 0], sizes = [16, 128], strides = [1, 1]} : vector<416x128xf32> to vector<16x128xf32>
    %slice3A_91 = vector.extract_strided_slice %transpose3A {offsets = [256, 0], sizes = [16, 128], strides = [1, 1]} : vector<416x128xf32> to vector<16x128xf32>
    %mul3A_92 = arith.mulf %slice3A_90, %slice3A_91 : vector<16x128xf32>
    %reduce_sum3A_93 = arith.constant dense<0.000000e+00> : vector<128xf32>
    %reduce_sum3A_94 = vector.multi_reduction <add>, %mul3A_92, %reduce_sum3A_93 [0] : vector<16x128xf32> to vector<128xf32>
    %broadcast_in_dim3A_95 = vector.shape_cast %reduce_sum3A_94 : vector<128xf32> to vector<1x128xf32>
    %slice3A_96 = vector.extract_strided_slice %transpose3A {offsets = [0, 0], sizes = [16, 128], strides = [1, 1]} : vector<416x128xf32> to vector<16x128xf32>
    %slice3A_97 = vector.extract_strided_slice %transpose3A {offsets = [272, 0], sizes = [16, 128], strides = [1, 1]} : vector<416x128xf32> to vector<16x128xf32>
    %mul3A_98 = arith.mulf %slice3A_96, %slice3A_97 : vector<16x128xf32>
    %reduce_sum3A_99 = arith.constant dense<0.000000e+00> : vector<128xf32>
    %reduce_sum3A_100 = vector.multi_reduction <add>, %mul3A_98, %reduce_sum3A_99 [0] : vector<16x128xf32> to vector<128xf32>
    %broadcast_in_dim3A_101 = vector.shape_cast %reduce_sum3A_100 : vector<128xf32> to vector<1x128xf32>
    %slice3A_102 = vector.extract_strided_slice %transpose3A {offsets = [0, 0], sizes = [16, 128], strides = [1, 1]} : vector<416x128xf32> to vector<16x128xf32>
    %slice3A_103 = vector.extract_strided_slice %transpose3A {offsets = [288, 0], sizes = [16, 128], strides = [1, 1]} : vector<416x128xf32> to vector<16x128xf32>
    %mul3A_104 = arith.mulf %slice3A_102, %slice3A_103 : vector<16x128xf32>
    %reduce_sum3A_105 = arith.constant dense<0.000000e+00> : vector<128xf32>
    %reduce_sum3A_106 = vector.multi_reduction <add>, %mul3A_104, %reduce_sum3A_105 [0] : vector<16x128xf32> to vector<128xf32>
    %broadcast_in_dim3A_107 = vector.shape_cast %reduce_sum3A_106 : vector<128xf32> to vector<1x128xf32>
    %slice3A_108 = vector.extract_strided_slice %transpose3A {offsets = [0, 0], sizes = [16, 128], strides = [1, 1]} : vector<416x128xf32> to vector<16x128xf32>
    %slice3A_109 = vector.extract_strided_slice %transpose3A {offsets = [304, 0], sizes = [16, 128], strides = [1, 1]} : vector<416x128xf32> to vector<16x128xf32>
    %mul3A_110 = arith.mulf %slice3A_108, %slice3A_109 : vector<16x128xf32>
    %reduce_sum3A_111 = arith.constant dense<0.000000e+00> : vector<128xf32>
    %reduce_sum3A_112 = vector.multi_reduction <add>, %mul3A_110, %reduce_sum3A_111 [0] : vector<16x128xf32> to vector<128xf32>
    %broadcast_in_dim3A_113 = vector.shape_cast %reduce_sum3A_112 : vector<128xf32> to vector<1x128xf32>
    %slice3A_114 = vector.extract_strided_slice %transpose3A {offsets = [0, 0], sizes = [16, 128], strides = [1, 1]} : vector<416x128xf32> to vector<16x128xf32>
    %slice3A_115 = vector.extract_strided_slice %transpose3A {offsets = [320, 0], sizes = [16, 128], strides = [1, 1]} : vector<416x128xf32> to vector<16x128xf32>
    %mul3A_116 = arith.mulf %slice3A_114, %slice3A_115 : vector<16x128xf32>
    %reduce_sum3A_117 = arith.constant dense<0.000000e+00> : vector<128xf32>
    %reduce_sum3A_118 = vector.multi_reduction <add>, %mul3A_116, %reduce_sum3A_117 [0] : vector<16x128xf32> to vector<128xf32>
    %broadcast_in_dim3A_119 = vector.shape_cast %reduce_sum3A_118 : vector<128xf32> to vector<1x128xf32>
    %slice3A_120 = vector.extract_strided_slice %transpose3A {offsets = [0, 0], sizes = [16, 128], strides = [1, 1]} : vector<416x128xf32> to vector<16x128xf32>
    %slice3A_121 = vector.extract_strided_slice %transpose3A {offsets = [336, 0], sizes = [16, 128], strides = [1, 1]} : vector<416x128xf32> to vector<16x128xf32>
    %mul3A_122 = arith.mulf %slice3A_120, %slice3A_121 : vector<16x128xf32>
    %reduce_sum3A_123 = arith.constant dense<0.000000e+00> : vector<128xf32>
    %reduce_sum3A_124 = vector.multi_reduction <add>, %mul3A_122, %reduce_sum3A_123 [0] : vector<16x128xf32> to vector<128xf32>
    %broadcast_in_dim3A_125 = vector.shape_cast %reduce_sum3A_124 : vector<128xf32> to vector<1x128xf32>
    %slice3A_126 = vector.extract_strided_slice %transpose3A {offsets = [0, 0], sizes = [16, 128], strides = [1, 1]} : vector<416x128xf32> to vector<16x128xf32>
    %slice3A_127 = vector.extract_strided_slice %transpose3A {offsets = [352, 0], sizes = [16, 128], strides = [1, 1]} : vector<416x128xf32> to vector<16x128xf32>
    %mul3A_128 = arith.mulf %slice3A_126, %slice3A_127 : vector<16x128xf32>
    %reduce_sum3A_129 = arith.constant dense<0.000000e+00> : vector<128xf32>
    %reduce_sum3A_130 = vector.multi_reduction <add>, %mul3A_128, %reduce_sum3A_129 [0] : vector<16x128xf32> to vector<128xf32>
    %broadcast_in_dim3A_131 = vector.shape_cast %reduce_sum3A_130 : vector<128xf32> to vector<1x128xf32>
    %slice3A_132 = vector.extract_strided_slice %transpose3A {offsets = [0, 0], sizes = [16, 128], strides = [1, 1]} : vector<416x128xf32> to vector<16x128xf32>
    %slice3A_133 = vector.extract_strided_slice %transpose3A {offsets = [368, 0], sizes = [16, 128], strides = [1, 1]} : vector<416x128xf32> to vector<16x128xf32>
    %mul3A_134 = arith.mulf %slice3A_132, %slice3A_133 : vector<16x128xf32>
    %reduce_sum3A_135 = arith.constant dense<0.000000e+00> : vector<128xf32>
    %reduce_sum3A_136 = vector.multi_reduction <add>, %mul3A_134, %reduce_sum3A_135 [0] : vector<16x128xf32> to vector<128xf32>
    %broadcast_in_dim3A_137 = vector.shape_cast %reduce_sum3A_136 : vector<128xf32> to vector<1x128xf32>
    %slice3A_138 = vector.extract_strided_slice %transpose3A {offsets = [0, 0], sizes = [16, 128], strides = [1, 1]} : vector<416x128xf32> to vector<16x128xf32>
    %slice3A_139 = vector.extract_strided_slice %transpose3A {offsets = [384, 0], sizes = [16, 128], strides = [1, 1]} : vector<416x128xf32> to vector<16x128xf32>
    %mul3A_140 = arith.mulf %slice3A_138, %slice3A_139 : vector<16x128xf32>
    %reduce_sum3A_141 = arith.constant dense<0.000000e+00> : vector<128xf32>
    %reduce_sum3A_142 = vector.multi_reduction <add>, %mul3A_140, %reduce_sum3A_141 [0] : vector<16x128xf32> to vector<128xf32>
    %broadcast_in_dim3A_143 = vector.shape_cast %reduce_sum3A_142 : vector<128xf32> to vector<1x128xf32>
    %slice3A_144 = vector.extract_strided_slice %transpose3A {offsets = [0, 0], sizes = [16, 128], strides = [1, 1]} : vector<416x128xf32> to vector<16x128xf32>
    %slice3A_145 = vector.extract_strided_slice %transpose3A {offsets = [400, 0], sizes = [16, 128], strides = [1, 1]} : vector<416x128xf32> to vector<16x128xf32>
    %mul3A_146 = arith.mulf %slice3A_144, %slice3A_145 : vector<16x128xf32>
    %reduce_sum3A_147 = arith.constant dense<0.000000e+00> : vector<128xf32>
    %reduce_sum3A_148 = vector.multi_reduction <add>, %mul3A_146, %reduce_sum3A_147 [0] : vector<16x128xf32> to vector<128xf32>
    %broadcast_in_dim3A_149 = vector.shape_cast %reduce_sum3A_148 : vector<128xf32> to vector<1x128xf32>
    %slice3A_150 = vector.extract_strided_slice %transpose3A {offsets = [16, 0], sizes = [16, 128], strides = [1, 1]} : vector<416x128xf32> to vector<16x128xf32>
    %slice3A_151 = vector.extract_strided_slice %transpose3A {offsets = [32, 0], sizes = [16, 128], strides = [1, 1]} : vector<416x128xf32> to vector<16x128xf32>
    %mul3A_152 = arith.mulf %slice3A_150, %slice3A_151 : vector<16x128xf32>
    %reduce_sum3A_153 = arith.constant dense<0.000000e+00> : vector<128xf32>
    %reduce_sum3A_154 = vector.multi_reduction <add>, %mul3A_152, %reduce_sum3A_153 [0] : vector<16x128xf32> to vector<128xf32>
    %broadcast_in_dim3A_155 = vector.shape_cast %reduce_sum3A_154 : vector<128xf32> to vector<1x128xf32>
    %slice3A_156 = vector.extract_strided_slice %transpose3A {offsets = [16, 0], sizes = [16, 128], strides = [1, 1]} : vector<416x128xf32> to vector<16x128xf32>
    %slice3A_157 = vector.extract_strided_slice %transpose3A {offsets = [48, 0], sizes = [16, 128], strides = [1, 1]} : vector<416x128xf32> to vector<16x128xf32>
    %mul3A_158 = arith.mulf %slice3A_156, %slice3A_157 : vector<16x128xf32>
    %reduce_sum3A_159 = arith.constant dense<0.000000e+00> : vector<128xf32>
    %reduce_sum3A_160 = vector.multi_reduction <add>, %mul3A_158, %reduce_sum3A_159 [0] : vector<16x128xf32> to vector<128xf32>
    %broadcast_in_dim3A_161 = vector.shape_cast %reduce_sum3A_160 : vector<128xf32> to vector<1x128xf32>
    %slice3A_162 = vector.extract_strided_slice %transpose3A {offsets = [16, 0], sizes = [16, 128], strides = [1, 1]} : vector<416x128xf32> to vector<16x128xf32>
    %slice3A_163 = vector.extract_strided_slice %transpose3A {offsets = [64, 0], sizes = [16, 128], strides = [1, 1]} : vector<416x128xf32> to vector<16x128xf32>
    %mul3A_164 = arith.mulf %slice3A_162, %slice3A_163 : vector<16x128xf32>
    %reduce_sum3A_165 = arith.constant dense<0.000000e+00> : vector<128xf32>
    %reduce_sum3A_166 = vector.multi_reduction <add>, %mul3A_164, %reduce_sum3A_165 [0] : vector<16x128xf32> to vector<128xf32>
    %broadcast_in_dim3A_167 = vector.shape_cast %reduce_sum3A_166 : vector<128xf32> to vector<1x128xf32>
    %slice3A_168 = vector.extract_strided_slice %transpose3A {offsets = [16, 0], sizes = [16, 128], strides = [1, 1]} : vector<416x128xf32> to vector<16x128xf32>
    %slice3A_169 = vector.extract_strided_slice %transpose3A {offsets = [80, 0], sizes = [16, 128], strides = [1, 1]} : vector<416x128xf32> to vector<16x128xf32>
    %mul3A_170 = arith.mulf %slice3A_168, %slice3A_169 : vector<16x128xf32>
    %reduce_sum3A_171 = arith.constant dense<0.000000e+00> : vector<128xf32>
    %reduce_sum3A_172 = vector.multi_reduction <add>, %mul3A_170, %reduce_sum3A_171 [0] : vector<16x128xf32> to vector<128xf32>
    %broadcast_in_dim3A_173 = vector.shape_cast %reduce_sum3A_172 : vector<128xf32> to vector<1x128xf32>
    %slice3A_174 = vector.extract_strided_slice %transpose3A {offsets = [16, 0], sizes = [16, 128], strides = [1, 1]} : vector<416x128xf32> to vector<16x128xf32>
    %slice3A_175 = vector.extract_strided_slice %transpose3A {offsets = [96, 0], sizes = [16, 128], strides = [1, 1]} : vector<416x128xf32> to vector<16x128xf32>
    %mul3A_176 = arith.mulf %slice3A_174, %slice3A_175 : vector<16x128xf32>
    %reduce_sum3A_177 = arith.constant dense<0.000000e+00> : vector<128xf32>
    %reduce_sum3A_178 = vector.multi_reduction <add>, %mul3A_176, %reduce_sum3A_177 [0] : vector<16x128xf32> to vector<128xf32>
    %broadcast_in_dim3A_179 = vector.shape_cast %reduce_sum3A_178 : vector<128xf32> to vector<1x128xf32>
    %slice3A_180 = vector.extract_strided_slice %transpose3A {offsets = [16, 0], sizes = [16, 128], strides = [1, 1]} : vector<416x128xf32> to vector<16x128xf32>
    %slice3A_181 = vector.extract_strided_slice %transpose3A {offsets = [112, 0], sizes = [16, 128], strides = [1, 1]} : vector<416x128xf32> to vector<16x128xf32>
    %mul3A_182 = arith.mulf %slice3A_180, %slice3A_181 : vector<16x128xf32>
    %reduce_sum3A_183 = arith.constant dense<0.000000e+00> : vector<128xf32>
    %reduce_sum3A_184 = vector.multi_reduction <add>, %mul3A_182, %reduce_sum3A_183 [0] : vector<16x128xf32> to vector<128xf32>
    %broadcast_in_dim3A_185 = vector.shape_cast %reduce_sum3A_184 : vector<128xf32> to vector<1x128xf32>
    %slice3A_186 = vector.extract_strided_slice %transpose3A {offsets = [16, 0], sizes = [16, 128], strides = [1, 1]} : vector<416x128xf32> to vector<16x128xf32>
    %slice3A_187 = vector.extract_strided_slice %transpose3A {offsets = [128, 0], sizes = [16, 128], strides = [1, 1]} : vector<416x128xf32> to vector<16x128xf32>
    %mul3A_188 = arith.mulf %slice3A_186, %slice3A_187 : vector<16x128xf32>
    %reduce_sum3A_189 = arith.constant dense<0.000000e+00> : vector<128xf32>
    %reduce_sum3A_190 = vector.multi_reduction <add>, %mul3A_188, %reduce_sum3A_189 [0] : vector<16x128xf32> to vector<128xf32>
    %broadcast_in_dim3A_191 = vector.shape_cast %reduce_sum3A_190 : vector<128xf32> to vector<1x128xf32>
    %slice3A_192 = vector.extract_strided_slice %transpose3A {offsets = [16, 0], sizes = [16, 128], strides = [1, 1]} : vector<416x128xf32> to vector<16x128xf32>
    %slice3A_193 = vector.extract_strided_slice %transpose3A {offsets = [144, 0], sizes = [16, 128], strides = [1, 1]} : vector<416x128xf32> to vector<16x128xf32>
    %mul3A_194 = arith.mulf %slice3A_192, %slice3A_193 : vector<16x128xf32>
    %reduce_sum3A_195 = arith.constant dense<0.000000e+00> : vector<128xf32>
    %reduce_sum3A_196 = vector.multi_reduction <add>, %mul3A_194, %reduce_sum3A_195 [0] : vector<16x128xf32> to vector<128xf32>
    %broadcast_in_dim3A_197 = vector.shape_cast %reduce_sum3A_196 : vector<128xf32> to vector<1x128xf32>
    %slice3A_198 = vector.extract_strided_slice %transpose3A {offsets = [16, 0], sizes = [16, 128], strides = [1, 1]} : vector<416x128xf32> to vector<16x128xf32>
    %slice3A_199 = vector.extract_strided_slice %transpose3A {offsets = [160, 0], sizes = [16, 128], strides = [1, 1]} : vector<416x128xf32> to vector<16x128xf32>
    %mul3A_200 = arith.mulf %slice3A_198, %slice3A_199 : vector<16x128xf32>
    %reduce_sum3A_201 = arith.constant dense<0.000000e+00> : vector<128xf32>
    %reduce_sum3A_202 = vector.multi_reduction <add>, %mul3A_200, %reduce_sum3A_201 [0] : vector<16x128xf32> to vector<128xf32>
    %broadcast_in_dim3A_203 = vector.shape_cast %reduce_sum3A_202 : vector<128xf32> to vector<1x128xf32>
    %slice3A_204 = vector.extract_strided_slice %transpose3A {offsets = [16, 0], sizes = [16, 128], strides = [1, 1]} : vector<416x128xf32> to vector<16x128xf32>
    %slice3A_205 = vector.extract_strided_slice %transpose3A {offsets = [176, 0], sizes = [16, 128], strides = [1, 1]} : vector<416x128xf32> to vector<16x128xf32>
    %mul3A_206 = arith.mulf %slice3A_204, %slice3A_205 : vector<16x128xf32>
    %reduce_sum3A_207 = arith.constant dense<0.000000e+00> : vector<128xf32>
    %reduce_sum3A_208 = vector.multi_reduction <add>, %mul3A_206, %reduce_sum3A_207 [0] : vector<16x128xf32> to vector<128xf32>
    %broadcast_in_dim3A_209 = vector.shape_cast %reduce_sum3A_208 : vector<128xf32> to vector<1x128xf32>
    %slice3A_210 = vector.extract_strided_slice %transpose3A {offsets = [16, 0], sizes = [16, 128], strides = [1, 1]} : vector<416x128xf32> to vector<16x128xf32>
    %slice3A_211 = vector.extract_strided_slice %transpose3A {offsets = [192, 0], sizes = [16, 128], strides = [1, 1]} : vector<416x128xf32> to vector<16x128xf32>
    %mul3A_212 = arith.mulf %slice3A_210, %slice3A_211 : vector<16x128xf32>
    %reduce_sum3A_213 = arith.constant dense<0.000000e+00> : vector<128xf32>
    %reduce_sum3A_214 = vector.multi_reduction <add>, %mul3A_212, %reduce_sum3A_213 [0] : vector<16x128xf32> to vector<128xf32>
    %broadcast_in_dim3A_215 = vector.shape_cast %reduce_sum3A_214 : vector<128xf32> to vector<1x128xf32>
    %slice3A_216 = vector.extract_strided_slice %transpose3A {offsets = [16, 0], sizes = [16, 128], strides = [1, 1]} : vector<416x128xf32> to vector<16x128xf32>
    %slice3A_217 = vector.extract_strided_slice %transpose3A {offsets = [208, 0], sizes = [16, 128], strides = [1, 1]} : vector<416x128xf32> to vector<16x128xf32>
    %mul3A_218 = arith.mulf %slice3A_216, %slice3A_217 : vector<16x128xf32>
    %reduce_sum3A_219 = arith.constant dense<0.000000e+00> : vector<128xf32>
    %reduce_sum3A_220 = vector.multi_reduction <add>, %mul3A_218, %reduce_sum3A_219 [0] : vector<16x128xf32> to vector<128xf32>
    %broadcast_in_dim3A_221 = vector.shape_cast %reduce_sum3A_220 : vector<128xf32> to vector<1x128xf32>
    %slice3A_222 = vector.extract_strided_slice %transpose3A {offsets = [16, 0], sizes = [16, 128], strides = [1, 1]} : vector<416x128xf32> to vector<16x128xf32>
    %slice3A_223 = vector.extract_strided_slice %transpose3A {offsets = [224, 0], sizes = [16, 128], strides = [1, 1]} : vector<416x128xf32> to vector<16x128xf32>
    %mul3A_224 = arith.mulf %slice3A_222, %slice3A_223 : vector<16x128xf32>
    %reduce_sum3A_225 = arith.constant dense<0.000000e+00> : vector<128xf32>
    %reduce_sum3A_226 = vector.multi_reduction <add>, %mul3A_224, %reduce_sum3A_225 [0] : vector<16x128xf32> to vector<128xf32>
    %broadcast_in_dim3A_227 = vector.shape_cast %reduce_sum3A_226 : vector<128xf32> to vector<1x128xf32>
    %slice3A_228 = vector.extract_strided_slice %transpose3A {offsets = [16, 0], sizes = [16, 128], strides = [1, 1]} : vector<416x128xf32> to vector<16x128xf32>
    %slice3A_229 = vector.extract_strided_slice %transpose3A {offsets = [240, 0], sizes = [16, 128], strides = [1, 1]} : vector<416x128xf32> to vector<16x128xf32>
    %mul3A_230 = arith.mulf %slice3A_228, %slice3A_229 : vector<16x128xf32>
    %reduce_sum3A_231 = arith.constant dense<0.000000e+00> : vector<128xf32>
    %reduce_sum3A_232 = vector.multi_reduction <add>, %mul3A_230, %reduce_sum3A_231 [0] : vector<16x128xf32> to vector<128xf32>
    %broadcast_in_dim3A_233 = vector.shape_cast %reduce_sum3A_232 : vector<128xf32> to vector<1x128xf32>
    %slice3A_234 = vector.extract_strided_slice %transpose3A {offsets = [16, 0], sizes = [16, 128], strides = [1, 1]} : vector<416x128xf32> to vector<16x128xf32>
    %slice3A_235 = vector.extract_strided_slice %transpose3A {offsets = [256, 0], sizes = [16, 128], strides = [1, 1]} : vector<416x128xf32> to vector<16x128xf32>
    %mul3A_236 = arith.mulf %slice3A_234, %slice3A_235 : vector<16x128xf32>
    %reduce_sum3A_237 = arith.constant dense<0.000000e+00> : vector<128xf32>
    %reduce_sum3A_238 = vector.multi_reduction <add>, %mul3A_236, %reduce_sum3A_237 [0] : vector<16x128xf32> to vector<128xf32>
    %broadcast_in_dim3A_239 = vector.shape_cast %reduce_sum3A_238 : vector<128xf32> to vector<1x128xf32>
    %slice3A_240 = vector.extract_strided_slice %transpose3A {offsets = [16, 0], sizes = [16, 128], strides = [1, 1]} : vector<416x128xf32> to vector<16x128xf32>
    %slice3A_241 = vector.extract_strided_slice %transpose3A {offsets = [272, 0], sizes = [16, 128], strides = [1, 1]} : vector<416x128xf32> to vector<16x128xf32>
    %mul3A_242 = arith.mulf %slice3A_240, %slice3A_241 : vector<16x128xf32>
    %reduce_sum3A_243 = arith.constant dense<0.000000e+00> : vector<128xf32>
    %reduce_sum3A_244 = vector.multi_reduction <add>, %mul3A_242, %reduce_sum3A_243 [0] : vector<16x128xf32> to vector<128xf32>
    %broadcast_in_dim3A_245 = vector.shape_cast %reduce_sum3A_244 : vector<128xf32> to vector<1x128xf32>
    %slice3A_246 = vector.extract_strided_slice %transpose3A {offsets = [16, 0], sizes = [16, 128], strides = [1, 1]} : vector<416x128xf32> to vector<16x128xf32>
    %slice3A_247 = vector.extract_strided_slice %transpose3A {offsets = [288, 0], sizes = [16, 128], strides = [1, 1]} : vector<416x128xf32> to vector<16x128xf32>
    %mul3A_248 = arith.mulf %slice3A_246, %slice3A_247 : vector<16x128xf32>
    %reduce_sum3A_249 = arith.constant dense<0.000000e+00> : vector<128xf32>
    %reduce_sum3A_250 = vector.multi_reduction <add>, %mul3A_248, %reduce_sum3A_249 [0] : vector<16x128xf32> to vector<128xf32>
    %broadcast_in_dim3A_251 = vector.shape_cast %reduce_sum3A_250 : vector<128xf32> to vector<1x128xf32>
    %slice3A_252 = vector.extract_strided_slice %transpose3A {offsets = [16, 0], sizes = [16, 128], strides = [1, 1]} : vector<416x128xf32> to vector<16x128xf32>
    %slice3A_253 = vector.extract_strided_slice %transpose3A {offsets = [304, 0], sizes = [16, 128], strides = [1, 1]} : vector<416x128xf32> to vector<16x128xf32>
    %mul3A_254 = arith.mulf %slice3A_252, %slice3A_253 : vector<16x128xf32>
    %reduce_sum3A_255 = arith.constant dense<0.000000e+00> : vector<128xf32>
    %reduce_sum3A_256 = vector.multi_reduction <add>, %mul3A_254, %reduce_sum3A_255 [0] : vector<16x128xf32> to vector<128xf32>
    %broadcast_in_dim3A_257 = vector.shape_cast %reduce_sum3A_256 : vector<128xf32> to vector<1x128xf32>
    %slice3A_258 = vector.extract_strided_slice %transpose3A {offsets = [16, 0], sizes = [16, 128], strides = [1, 1]} : vector<416x128xf32> to vector<16x128xf32>
    %slice3A_259 = vector.extract_strided_slice %transpose3A {offsets = [320, 0], sizes = [16, 128], strides = [1, 1]} : vector<416x128xf32> to vector<16x128xf32>
    %mul3A_260 = arith.mulf %slice3A_258, %slice3A_259 : vector<16x128xf32>
    %reduce_sum3A_261 = arith.constant dense<0.000000e+00> : vector<128xf32>
    %reduce_sum3A_262 = vector.multi_reduction <add>, %mul3A_260, %reduce_sum3A_261 [0] : vector<16x128xf32> to vector<128xf32>
    %broadcast_in_dim3A_263 = vector.shape_cast %reduce_sum3A_262 : vector<128xf32> to vector<1x128xf32>
    %slice3A_264 = vector.extract_strided_slice %transpose3A {offsets = [16, 0], sizes = [16, 128], strides = [1, 1]} : vector<416x128xf32> to vector<16x128xf32>
    %slice3A_265 = vector.extract_strided_slice %transpose3A {offsets = [336, 0], sizes = [16, 128], strides = [1, 1]} : vector<416x128xf32> to vector<16x128xf32>
    %mul3A_266 = arith.mulf %slice3A_264, %slice3A_265 : vector<16x128xf32>
    %reduce_sum3A_267 = arith.constant dense<0.000000e+00> : vector<128xf32>
    %reduce_sum3A_268 = vector.multi_reduction <add>, %mul3A_266, %reduce_sum3A_267 [0] : vector<16x128xf32> to vector<128xf32>
    %broadcast_in_dim3A_269 = vector.shape_cast %reduce_sum3A_268 : vector<128xf32> to vector<1x128xf32>
    %slice3A_270 = vector.extract_strided_slice %transpose3A {offsets = [16, 0], sizes = [16, 128], strides = [1, 1]} : vector<416x128xf32> to vector<16x128xf32>
    %slice3A_271 = vector.extract_strided_slice %transpose3A {offsets = [352, 0], sizes = [16, 128], strides = [1, 1]} : vector<416x128xf32> to vector<16x128xf32>
    %mul3A_272 = arith.mulf %slice3A_270, %slice3A_271 : vector<16x128xf32>
    %reduce_sum3A_273 = arith.constant dense<0.000000e+00> : vector<128xf32>
    %reduce_sum3A_274 = vector.multi_reduction <add>, %mul3A_272, %reduce_sum3A_273 [0] : vector<16x128xf32> to vector<128xf32>
    %broadcast_in_dim3A_275 = vector.shape_cast %reduce_sum3A_274 : vector<128xf32> to vector<1x128xf32>
    %slice3A_276 = vector.extract_strided_slice %transpose3A {offsets = [16, 0], sizes = [16, 128], strides = [1, 1]} : vector<416x128xf32> to vector<16x128xf32>
    %slice3A_277 = vector.extract_strided_slice %transpose3A {offsets = [368, 0], sizes = [16, 128], strides = [1, 1]} : vector<416x128xf32> to vector<16x128xf32>
    %mul3A_278 = arith.mulf %slice3A_276, %slice3A_277 : vector<16x128xf32>
    %reduce_sum3A_279 = arith.constant dense<0.000000e+00> : vector<128xf32>
    %reduce_sum3A_280 = vector.multi_reduction <add>, %mul3A_278, %reduce_sum3A_279 [0] : vector<16x128xf32> to vector<128xf32>
    %broadcast_in_dim3A_281 = vector.shape_cast %reduce_sum3A_280 : vector<128xf32> to vector<1x128xf32>
    %slice3A_282 = vector.extract_strided_slice %transpose3A {offsets = [16, 0], sizes = [16, 128], strides = [1, 1]} : vector<416x128xf32> to vector<16x128xf32>
    %slice3A_283 = vector.extract_strided_slice %transpose3A {offsets = [384, 0], sizes = [16, 128], strides = [1, 1]} : vector<416x128xf32> to vector<16x128xf32>
    %mul3A_284 = arith.mulf %slice3A_282, %slice3A_283 : vector<16x128xf32>
    %reduce_sum3A_285 = arith.constant dense<0.000000e+00> : vector<128xf32>
    %reduce_sum3A_286 = vector.multi_reduction <add>, %mul3A_284, %reduce_sum3A_285 [0] : vector<16x128xf32> to vector<128xf32>
    %broadcast_in_dim3A_287 = vector.shape_cast %reduce_sum3A_286 : vector<128xf32> to vector<1x128xf32>
    %slice3A_288 = vector.extract_strided_slice %transpose3A {offsets = [16, 0], sizes = [16, 128], strides = [1, 1]} : vector<416x128xf32> to vector<16x128xf32>
    %slice3A_289 = vector.extract_strided_slice %transpose3A {offsets = [400, 0], sizes = [16, 128], strides = [1, 1]} : vector<416x128xf32> to vector<16x128xf32>
    %mul3A_290 = arith.mulf %slice3A_288, %slice3A_289 : vector<16x128xf32>
    %reduce_sum3A_291 = arith.constant dense<0.000000e+00> : vector<128xf32>
    %reduce_sum3A_292 = vector.multi_reduction <add>, %mul3A_290, %reduce_sum3A_291 [0] : vector<16x128xf32> to vector<128xf32>
    %broadcast_in_dim3A_293 = vector.shape_cast %reduce_sum3A_292 : vector<128xf32> to vector<1x128xf32>
    %slice3A_294 = vector.extract_strided_slice %transpose3A {offsets = [32, 0], sizes = [16, 128], strides = [1, 1]} : vector<416x128xf32> to vector<16x128xf32>
    %slice3A_295 = vector.extract_strided_slice %transpose3A {offsets = [48, 0], sizes = [16, 128], strides = [1, 1]} : vector<416x128xf32> to vector<16x128xf32>
    %mul3A_296 = arith.mulf %slice3A_294, %slice3A_295 : vector<16x128xf32>
    %reduce_sum3A_297 = arith.constant dense<0.000000e+00> : vector<128xf32>
    %reduce_sum3A_298 = vector.multi_reduction <add>, %mul3A_296, %reduce_sum3A_297 [0] : vector<16x128xf32> to vector<128xf32>
    %broadcast_in_dim3A_299 = vector.shape_cast %reduce_sum3A_298 : vector<128xf32> to vector<1x128xf32>
    %slice3A_300 = vector.extract_strided_slice %transpose3A {offsets = [32, 0], sizes = [16, 128], strides = [1, 1]} : vector<416x128xf32> to vector<16x128xf32>
    %slice3A_301 = vector.extract_strided_slice %transpose3A {offsets = [64, 0], sizes = [16, 128], strides = [1, 1]} : vector<416x128xf32> to vector<16x128xf32>
    %mul3A_302 = arith.mulf %slice3A_300, %slice3A_301 : vector<16x128xf32>
    %reduce_sum3A_303 = arith.constant dense<0.000000e+00> : vector<128xf32>
    %reduce_sum3A_304 = vector.multi_reduction <add>, %mul3A_302, %reduce_sum3A_303 [0] : vector<16x128xf32> to vector<128xf32>
    %broadcast_in_dim3A_305 = vector.shape_cast %reduce_sum3A_304 : vector<128xf32> to vector<1x128xf32>
    %slice3A_306 = vector.extract_strided_slice %transpose3A {offsets = [32, 0], sizes = [16, 128], strides = [1, 1]} : vector<416x128xf32> to vector<16x128xf32>
    %slice3A_307 = vector.extract_strided_slice %transpose3A {offsets = [80, 0], sizes = [16, 128], strides = [1, 1]} : vector<416x128xf32> to vector<16x128xf32>
    %mul3A_308 = arith.mulf %slice3A_306, %slice3A_307 : vector<16x128xf32>
    %reduce_sum3A_309 = arith.constant dense<0.000000e+00> : vector<128xf32>
    %reduce_sum3A_310 = vector.multi_reduction <add>, %mul3A_308, %reduce_sum3A_309 [0] : vector<16x128xf32> to vector<128xf32>
    %broadcast_in_dim3A_311 = vector.shape_cast %reduce_sum3A_310 : vector<128xf32> to vector<1x128xf32>
    %slice3A_312 = vector.extract_strided_slice %transpose3A {offsets = [32, 0], sizes = [16, 128], strides = [1, 1]} : vector<416x128xf32> to vector<16x128xf32>
    %slice3A_313 = vector.extract_strided_slice %transpose3A {offsets = [96, 0], sizes = [16, 128], strides = [1, 1]} : vector<416x128xf32> to vector<16x128xf32>
    %mul3A_314 = arith.mulf %slice3A_312, %slice3A_313 : vector<16x128xf32>
    %reduce_sum3A_315 = arith.constant dense<0.000000e+00> : vector<128xf32>
    %reduce_sum3A_316 = vector.multi_reduction <add>, %mul3A_314, %reduce_sum3A_315 [0] : vector<16x128xf32> to vector<128xf32>
    %broadcast_in_dim3A_317 = vector.shape_cast %reduce_sum3A_316 : vector<128xf32> to vector<1x128xf32>
    %slice3A_318 = vector.extract_strided_slice %transpose3A {offsets = [32, 0], sizes = [16, 128], strides = [1, 1]} : vector<416x128xf32> to vector<16x128xf32>
    %slice3A_319 = vector.extract_strided_slice %transpose3A {offsets = [112, 0], sizes = [16, 128], strides = [1, 1]} : vector<416x128xf32> to vector<16x128xf32>
    %mul3A_320 = arith.mulf %slice3A_318, %slice3A_319 : vector<16x128xf32>
    %reduce_sum3A_321 = arith.constant dense<0.000000e+00> : vector<128xf32>
    %reduce_sum3A_322 = vector.multi_reduction <add>, %mul3A_320, %reduce_sum3A_321 [0] : vector<16x128xf32> to vector<128xf32>
    %broadcast_in_dim3A_323 = vector.shape_cast %reduce_sum3A_322 : vector<128xf32> to vector<1x128xf32>
    %slice3A_324 = vector.extract_strided_slice %transpose3A {offsets = [32, 0], sizes = [16, 128], strides = [1, 1]} : vector<416x128xf32> to vector<16x128xf32>
    %slice3A_325 = vector.extract_strided_slice %transpose3A {offsets = [128, 0], sizes = [16, 128], strides = [1, 1]} : vector<416x128xf32> to vector<16x128xf32>
    %mul3A_326 = arith.mulf %slice3A_324, %slice3A_325 : vector<16x128xf32>
    %reduce_sum3A_327 = arith.constant dense<0.000000e+00> : vector<128xf32>
    %reduce_sum3A_328 = vector.multi_reduction <add>, %mul3A_326, %reduce_sum3A_327 [0] : vector<16x128xf32> to vector<128xf32>
    %broadcast_in_dim3A_329 = vector.shape_cast %reduce_sum3A_328 : vector<128xf32> to vector<1x128xf32>
    %slice3A_330 = vector.extract_strided_slice %transpose3A {offsets = [32, 0], sizes = [16, 128], strides = [1, 1]} : vector<416x128xf32> to vector<16x128xf32>
    %slice3A_331 = vector.extract_strided_slice %transpose3A {offsets = [144, 0], sizes = [16, 128], strides = [1, 1]} : vector<416x128xf32> to vector<16x128xf32>
    %mul3A_332 = arith.mulf %slice3A_330, %slice3A_331 : vector<16x128xf32>
    %reduce_sum3A_333 = arith.constant dense<0.000000e+00> : vector<128xf32>
    %reduce_sum3A_334 = vector.multi_reduction <add>, %mul3A_332, %reduce_sum3A_333 [0] : vector<16x128xf32> to vector<128xf32>
    %broadcast_in_dim3A_335 = vector.shape_cast %reduce_sum3A_334 : vector<128xf32> to vector<1x128xf32>
    %slice3A_336 = vector.extract_strided_slice %transpose3A {offsets = [32, 0], sizes = [16, 128], strides = [1, 1]} : vector<416x128xf32> to vector<16x128xf32>
    %slice3A_337 = vector.extract_strided_slice %transpose3A {offsets = [160, 0], sizes = [16, 128], strides = [1, 1]} : vector<416x128xf32> to vector<16x128xf32>
    %mul3A_338 = arith.mulf %slice3A_336, %slice3A_337 : vector<16x128xf32>
    %reduce_sum3A_339 = arith.constant dense<0.000000e+00> : vector<128xf32>
    %reduce_sum3A_340 = vector.multi_reduction <add>, %mul3A_338, %reduce_sum3A_339 [0] : vector<16x128xf32> to vector<128xf32>
    %broadcast_in_dim3A_341 = vector.shape_cast %reduce_sum3A_340 : vector<128xf32> to vector<1x128xf32>
    %slice3A_342 = vector.extract_strided_slice %transpose3A {offsets = [32, 0], sizes = [16, 128], strides = [1, 1]} : vector<416x128xf32> to vector<16x128xf32>
    %slice3A_343 = vector.extract_strided_slice %transpose3A {offsets = [176, 0], sizes = [16, 128], strides = [1, 1]} : vector<416x128xf32> to vector<16x128xf32>
    %mul3A_344 = arith.mulf %slice3A_342, %slice3A_343 : vector<16x128xf32>
    %reduce_sum3A_345 = arith.constant dense<0.000000e+00> : vector<128xf32>
    %reduce_sum3A_346 = vector.multi_reduction <add>, %mul3A_344, %reduce_sum3A_345 [0] : vector<16x128xf32> to vector<128xf32>
    %broadcast_in_dim3A_347 = vector.shape_cast %reduce_sum3A_346 : vector<128xf32> to vector<1x128xf32>
    %slice3A_348 = vector.extract_strided_slice %transpose3A {offsets = [32, 0], sizes = [16, 128], strides = [1, 1]} : vector<416x128xf32> to vector<16x128xf32>
    %slice3A_349 = vector.extract_strided_slice %transpose3A {offsets = [192, 0], sizes = [16, 128], strides = [1, 1]} : vector<416x128xf32> to vector<16x128xf32>
    %mul3A_350 = arith.mulf %slice3A_348, %slice3A_349 : vector<16x128xf32>
    %reduce_sum3A_351 = arith.constant dense<0.000000e+00> : vector<128xf32>
    %reduce_sum3A_352 = vector.multi_reduction <add>, %mul3A_350, %reduce_sum3A_351 [0] : vector<16x128xf32> to vector<128xf32>
    %broadcast_in_dim3A_353 = vector.shape_cast %reduce_sum3A_352 : vector<128xf32> to vector<1x128xf32>
    %slice3A_354 = vector.extract_strided_slice %transpose3A {offsets = [32, 0], sizes = [16, 128], strides = [1, 1]} : vector<416x128xf32> to vector<16x128xf32>
    %slice3A_355 = vector.extract_strided_slice %transpose3A {offsets = [208, 0], sizes = [16, 128], strides = [1, 1]} : vector<416x128xf32> to vector<16x128xf32>
    %mul3A_356 = arith.mulf %slice3A_354, %slice3A_355 : vector<16x128xf32>
    %reduce_sum3A_357 = arith.constant dense<0.000000e+00> : vector<128xf32>
    %reduce_sum3A_358 = vector.multi_reduction <add>, %mul3A_356, %reduce_sum3A_357 [0] : vector<16x128xf32> to vector<128xf32>
    %broadcast_in_dim3A_359 = vector.shape_cast %reduce_sum3A_358 : vector<128xf32> to vector<1x128xf32>
    %slice3A_360 = vector.extract_strided_slice %transpose3A {offsets = [32, 0], sizes = [16, 128], strides = [1, 1]} : vector<416x128xf32> to vector<16x128xf32>
    %slice3A_361 = vector.extract_strided_slice %transpose3A {offsets = [224, 0], sizes = [16, 128], strides = [1, 1]} : vector<416x128xf32> to vector<16x128xf32>
    %mul3A_362 = arith.mulf %slice3A_360, %slice3A_361 : vector<16x128xf32>
    %reduce_sum3A_363 = arith.constant dense<0.000000e+00> : vector<128xf32>
    %reduce_sum3A_364 = vector.multi_reduction <add>, %mul3A_362, %reduce_sum3A_363 [0] : vector<16x128xf32> to vector<128xf32>
    %broadcast_in_dim3A_365 = vector.shape_cast %reduce_sum3A_364 : vector<128xf32> to vector<1x128xf32>
    %slice3A_366 = vector.extract_strided_slice %transpose3A {offsets = [32, 0], sizes = [16, 128], strides = [1, 1]} : vector<416x128xf32> to vector<16x128xf32>
    %slice3A_367 = vector.extract_strided_slice %transpose3A {offsets = [240, 0], sizes = [16, 128], strides = [1, 1]} : vector<416x128xf32> to vector<16x128xf32>
    %mul3A_368 = arith.mulf %slice3A_366, %slice3A_367 : vector<16x128xf32>
    %reduce_sum3A_369 = arith.constant dense<0.000000e+00> : vector<128xf32>
    %reduce_sum3A_370 = vector.multi_reduction <add>, %mul3A_368, %reduce_sum3A_369 [0] : vector<16x128xf32> to vector<128xf32>
    %broadcast_in_dim3A_371 = vector.shape_cast %reduce_sum3A_370 : vector<128xf32> to vector<1x128xf32>
    %slice3A_372 = vector.extract_strided_slice %transpose3A {offsets = [32, 0], sizes = [16, 128], strides = [1, 1]} : vector<416x128xf32> to vector<16x128xf32>
    %slice3A_373 = vector.extract_strided_slice %transpose3A {offsets = [256, 0], sizes = [16, 128], strides = [1, 1]} : vector<416x128xf32> to vector<16x128xf32>
    %mul3A_374 = arith.mulf %slice3A_372, %slice3A_373 : vector<16x128xf32>
    %reduce_sum3A_375 = arith.constant dense<0.000000e+00> : vector<128xf32>
    %reduce_sum3A_376 = vector.multi_reduction <add>, %mul3A_374, %reduce_sum3A_375 [0] : vector<16x128xf32> to vector<128xf32>
    %broadcast_in_dim3A_377 = vector.shape_cast %reduce_sum3A_376 : vector<128xf32> to vector<1x128xf32>
    %slice3A_378 = vector.extract_strided_slice %transpose3A {offsets = [32, 0], sizes = [16, 128], strides = [1, 1]} : vector<416x128xf32> to vector<16x128xf32>
    %slice3A_379 = vector.extract_strided_slice %transpose3A {offsets = [272, 0], sizes = [16, 128], strides = [1, 1]} : vector<416x128xf32> to vector<16x128xf32>
    %mul3A_380 = arith.mulf %slice3A_378, %slice3A_379 : vector<16x128xf32>
    %reduce_sum3A_381 = arith.constant dense<0.000000e+00> : vector<128xf32>
    %reduce_sum3A_382 = vector.multi_reduction <add>, %mul3A_380, %reduce_sum3A_381 [0] : vector<16x128xf32> to vector<128xf32>
    %broadcast_in_dim3A_383 = vector.shape_cast %reduce_sum3A_382 : vector<128xf32> to vector<1x128xf32>
    %slice3A_384 = vector.extract_strided_slice %transpose3A {offsets = [32, 0], sizes = [16, 128], strides = [1, 1]} : vector<416x128xf32> to vector<16x128xf32>
    %slice3A_385 = vector.extract_strided_slice %transpose3A {offsets = [288, 0], sizes = [16, 128], strides = [1, 1]} : vector<416x128xf32> to vector<16x128xf32>
    %mul3A_386 = arith.mulf %slice3A_384, %slice3A_385 : vector<16x128xf32>
    %reduce_sum3A_387 = arith.constant dense<0.000000e+00> : vector<128xf32>
    %reduce_sum3A_388 = vector.multi_reduction <add>, %mul3A_386, %reduce_sum3A_387 [0] : vector<16x128xf32> to vector<128xf32>
    %broadcast_in_dim3A_389 = vector.shape_cast %reduce_sum3A_388 : vector<128xf32> to vector<1x128xf32>
    %slice3A_390 = vector.extract_strided_slice %transpose3A {offsets = [32, 0], sizes = [16, 128], strides = [1, 1]} : vector<416x128xf32> to vector<16x128xf32>
    %slice3A_391 = vector.extract_strided_slice %transpose3A {offsets = [304, 0], sizes = [16, 128], strides = [1, 1]} : vector<416x128xf32> to vector<16x128xf32>
    %mul3A_392 = arith.mulf %slice3A_390, %slice3A_391 : vector<16x128xf32>
    %reduce_sum3A_393 = arith.constant dense<0.000000e+00> : vector<128xf32>
    %reduce_sum3A_394 = vector.multi_reduction <add>, %mul3A_392, %reduce_sum3A_393 [0] : vector<16x128xf32> to vector<128xf32>
    %broadcast_in_dim3A_395 = vector.shape_cast %reduce_sum3A_394 : vector<128xf32> to vector<1x128xf32>
    %slice3A_396 = vector.extract_strided_slice %transpose3A {offsets = [32, 0], sizes = [16, 128], strides = [1, 1]} : vector<416x128xf32> to vector<16x128xf32>
    %slice3A_397 = vector.extract_strided_slice %transpose3A {offsets = [320, 0], sizes = [16, 128], strides = [1, 1]} : vector<416x128xf32> to vector<16x128xf32>
    %mul3A_398 = arith.mulf %slice3A_396, %slice3A_397 : vector<16x128xf32>
    %reduce_sum3A_399 = arith.constant dense<0.000000e+00> : vector<128xf32>
    %reduce_sum3A_400 = vector.multi_reduction <add>, %mul3A_398, %reduce_sum3A_399 [0] : vector<16x128xf32> to vector<128xf32>
    %broadcast_in_dim3A_401 = vector.shape_cast %reduce_sum3A_400 : vector<128xf32> to vector<1x128xf32>
    %slice3A_402 = vector.extract_strided_slice %transpose3A {offsets = [32, 0], sizes = [16, 128], strides = [1, 1]} : vector<416x128xf32> to vector<16x128xf32>
    %slice3A_403 = vector.extract_strided_slice %transpose3A {offsets = [336, 0], sizes = [16, 128], strides = [1, 1]} : vector<416x128xf32> to vector<16x128xf32>
    %mul3A_404 = arith.mulf %slice3A_402, %slice3A_403 : vector<16x128xf32>
    %reduce_sum3A_405 = arith.constant dense<0.000000e+00> : vector<128xf32>
    %reduce_sum3A_406 = vector.multi_reduction <add>, %mul3A_404, %reduce_sum3A_405 [0] : vector<16x128xf32> to vector<128xf32>
    %broadcast_in_dim3A_407 = vector.shape_cast %reduce_sum3A_406 : vector<128xf32> to vector<1x128xf32>
    %slice3A_408 = vector.extract_strided_slice %transpose3A {offsets = [32, 0], sizes = [16, 128], strides = [1, 1]} : vector<416x128xf32> to vector<16x128xf32>
    %slice3A_409 = vector.extract_strided_slice %transpose3A {offsets = [352, 0], sizes = [16, 128], strides = [1, 1]} : vector<416x128xf32> to vector<16x128xf32>
    %mul3A_410 = arith.mulf %slice3A_408, %slice3A_409 : vector<16x128xf32>
    %reduce_sum3A_411 = arith.constant dense<0.000000e+00> : vector<128xf32>
    %reduce_sum3A_412 = vector.multi_reduction <add>, %mul3A_410, %reduce_sum3A_411 [0] : vector<16x128xf32> to vector<128xf32>
    %broadcast_in_dim3A_413 = vector.shape_cast %reduce_sum3A_412 : vector<128xf32> to vector<1x128xf32>
    %slice3A_414 = vector.extract_strided_slice %transpose3A {offsets = [32, 0], sizes = [16, 128], strides = [1, 1]} : vector<416x128xf32> to vector<16x128xf32>
    %slice3A_415 = vector.extract_strided_slice %transpose3A {offsets = [368, 0], sizes = [16, 128], strides = [1, 1]} : vector<416x128xf32> to vector<16x128xf32>
    %mul3A_416 = arith.mulf %slice3A_414, %slice3A_415 : vector<16x128xf32>
    %reduce_sum3A_417 = arith.constant dense<0.000000e+00> : vector<128xf32>
    %reduce_sum3A_418 = vector.multi_reduction <add>, %mul3A_416, %reduce_sum3A_417 [0] : vector<16x128xf32> to vector<128xf32>
    %broadcast_in_dim3A_419 = vector.shape_cast %reduce_sum3A_418 : vector<128xf32> to vector<1x128xf32>
    %slice3A_420 = vector.extract_strided_slice %transpose3A {offsets = [32, 0], sizes = [16, 128], strides = [1, 1]} : vector<416x128xf32> to vector<16x128xf32>
    %slice3A_421 = vector.extract_strided_slice %transpose3A {offsets = [384, 0], sizes = [16, 128], strides = [1, 1]} : vector<416x128xf32> to vector<16x128xf32>
    %mul3A_422 = arith.mulf %slice3A_420, %slice3A_421 : vector<16x128xf32>
    %reduce_sum3A_423 = arith.constant dense<0.000000e+00> : vector<128xf32>
    %reduce_sum3A_424 = vector.multi_reduction <add>, %mul3A_422, %reduce_sum3A_423 [0] : vector<16x128xf32> to vector<128xf32>
    %broadcast_in_dim3A_425 = vector.shape_cast %reduce_sum3A_424 : vector<128xf32> to vector<1x128xf32>
    %slice3A_426 = vector.extract_strided_slice %transpose3A {offsets = [32, 0], sizes = [16, 128], strides = [1, 1]} : vector<416x128xf32> to vector<16x128xf32>
    %slice3A_427 = vector.extract_strided_slice %transpose3A {offsets = [400, 0], sizes = [16, 128], strides = [1, 1]} : vector<416x128xf32> to vector<16x128xf32>
    %mul3A_428 = arith.mulf %slice3A_426, %slice3A_427 : vector<16x128xf32>
    %reduce_sum3A_429 = arith.constant dense<0.000000e+00> : vector<128xf32>
    %reduce_sum3A_430 = vector.multi_reduction <add>, %mul3A_428, %reduce_sum3A_429 [0] : vector<16x128xf32> to vector<128xf32>
    %broadcast_in_dim3A_431 = vector.shape_cast %reduce_sum3A_430 : vector<128xf32> to vector<1x128xf32>
    %slice3A_432 = vector.extract_strided_slice %transpose3A {offsets = [48, 0], sizes = [16, 128], strides = [1, 1]} : vector<416x128xf32> to vector<16x128xf32>
    %slice3A_433 = vector.extract_strided_slice %transpose3A {offsets = [64, 0], sizes = [16, 128], strides = [1, 1]} : vector<416x128xf32> to vector<16x128xf32>
    %mul3A_434 = arith.mulf %slice3A_432, %slice3A_433 : vector<16x128xf32>
    %reduce_sum3A_435 = arith.constant dense<0.000000e+00> : vector<128xf32>
    %reduce_sum3A_436 = vector.multi_reduction <add>, %mul3A_434, %reduce_sum3A_435 [0] : vector<16x128xf32> to vector<128xf32>
    %broadcast_in_dim3A_437 = vector.shape_cast %reduce_sum3A_436 : vector<128xf32> to vector<1x128xf32>
    %slice3A_438 = vector.extract_strided_slice %transpose3A {offsets = [48, 0], sizes = [16, 128], strides = [1, 1]} : vector<416x128xf32> to vector<16x128xf32>
    %slice3A_439 = vector.extract_strided_slice %transpose3A {offsets = [80, 0], sizes = [16, 128], strides = [1, 1]} : vector<416x128xf32> to vector<16x128xf32>
    %mul3A_440 = arith.mulf %slice3A_438, %slice3A_439 : vector<16x128xf32>
    %reduce_sum3A_441 = arith.constant dense<0.000000e+00> : vector<128xf32>
    %reduce_sum3A_442 = vector.multi_reduction <add>, %mul3A_440, %reduce_sum3A_441 [0] : vector<16x128xf32> to vector<128xf32>
    %broadcast_in_dim3A_443 = vector.shape_cast %reduce_sum3A_442 : vector<128xf32> to vector<1x128xf32>
    %slice3A_444 = vector.extract_strided_slice %transpose3A {offsets = [48, 0], sizes = [16, 128], strides = [1, 1]} : vector<416x128xf32> to vector<16x128xf32>
    %slice3A_445 = vector.extract_strided_slice %transpose3A {offsets = [96, 0], sizes = [16, 128], strides = [1, 1]} : vector<416x128xf32> to vector<16x128xf32>
    %mul3A_446 = arith.mulf %slice3A_444, %slice3A_445 : vector<16x128xf32>
    %reduce_sum3A_447 = arith.constant dense<0.000000e+00> : vector<128xf32>
    %reduce_sum3A_448 = vector.multi_reduction <add>, %mul3A_446, %reduce_sum3A_447 [0] : vector<16x128xf32> to vector<128xf32>
    %broadcast_in_dim3A_449 = vector.shape_cast %reduce_sum3A_448 : vector<128xf32> to vector<1x128xf32>
    %slice3A_450 = vector.extract_strided_slice %transpose3A {offsets = [48, 0], sizes = [16, 128], strides = [1, 1]} : vector<416x128xf32> to vector<16x128xf32>
    %slice3A_451 = vector.extract_strided_slice %transpose3A {offsets = [112, 0], sizes = [16, 128], strides = [1, 1]} : vector<416x128xf32> to vector<16x128xf32>
    %mul3A_452 = arith.mulf %slice3A_450, %slice3A_451 : vector<16x128xf32>
    %reduce_sum3A_453 = arith.constant dense<0.000000e+00> : vector<128xf32>
    %reduce_sum3A_454 = vector.multi_reduction <add>, %mul3A_452, %reduce_sum3A_453 [0] : vector<16x128xf32> to vector<128xf32>
    %broadcast_in_dim3A_455 = vector.shape_cast %reduce_sum3A_454 : vector<128xf32> to vector<1x128xf32>
    %slice3A_456 = vector.extract_strided_slice %transpose3A {offsets = [48, 0], sizes = [16, 128], strides = [1, 1]} : vector<416x128xf32> to vector<16x128xf32>
    %slice3A_457 = vector.extract_strided_slice %transpose3A {offsets = [128, 0], sizes = [16, 128], strides = [1, 1]} : vector<416x128xf32> to vector<16x128xf32>
    %mul3A_458 = arith.mulf %slice3A_456, %slice3A_457 : vector<16x128xf32>
    %reduce_sum3A_459 = arith.constant dense<0.000000e+00> : vector<128xf32>
    %reduce_sum3A_460 = vector.multi_reduction <add>, %mul3A_458, %reduce_sum3A_459 [0] : vector<16x128xf32> to vector<128xf32>
    %broadcast_in_dim3A_461 = vector.shape_cast %reduce_sum3A_460 : vector<128xf32> to vector<1x128xf32>
    %slice3A_462 = vector.extract_strided_slice %transpose3A {offsets = [48, 0], sizes = [16, 128], strides = [1, 1]} : vector<416x128xf32> to vector<16x128xf32>
    %slice3A_463 = vector.extract_strided_slice %transpose3A {offsets = [144, 0], sizes = [16, 128], strides = [1, 1]} : vector<416x128xf32> to vector<16x128xf32>
    %mul3A_464 = arith.mulf %slice3A_462, %slice3A_463 : vector<16x128xf32>
    %reduce_sum3A_465 = arith.constant dense<0.000000e+00> : vector<128xf32>
    %reduce_sum3A_466 = vector.multi_reduction <add>, %mul3A_464, %reduce_sum3A_465 [0] : vector<16x128xf32> to vector<128xf32>
    %broadcast_in_dim3A_467 = vector.shape_cast %reduce_sum3A_466 : vector<128xf32> to vector<1x128xf32>
    %slice3A_468 = vector.extract_strided_slice %transpose3A {offsets = [48, 0], sizes = [16, 128], strides = [1, 1]} : vector<416x128xf32> to vector<16x128xf32>
    %slice3A_469 = vector.extract_strided_slice %transpose3A {offsets = [160, 0], sizes = [16, 128], strides = [1, 1]} : vector<416x128xf32> to vector<16x128xf32>
    %mul3A_470 = arith.mulf %slice3A_468, %slice3A_469 : vector<16x128xf32>
    %reduce_sum3A_471 = arith.constant dense<0.000000e+00> : vector<128xf32>
    %reduce_sum3A_472 = vector.multi_reduction <add>, %mul3A_470, %reduce_sum3A_471 [0] : vector<16x128xf32> to vector<128xf32>
    %broadcast_in_dim3A_473 = vector.shape_cast %reduce_sum3A_472 : vector<128xf32> to vector<1x128xf32>
    %slice3A_474 = vector.extract_strided_slice %transpose3A {offsets = [48, 0], sizes = [16, 128], strides = [1, 1]} : vector<416x128xf32> to vector<16x128xf32>
    %slice3A_475 = vector.extract_strided_slice %transpose3A {offsets = [176, 0], sizes = [16, 128], strides = [1, 1]} : vector<416x128xf32> to vector<16x128xf32>
    %mul3A_476 = arith.mulf %slice3A_474, %slice3A_475 : vector<16x128xf32>
    %reduce_sum3A_477 = arith.constant dense<0.000000e+00> : vector<128xf32>
    %reduce_sum3A_478 = vector.multi_reduction <add>, %mul3A_476, %reduce_sum3A_477 [0] : vector<16x128xf32> to vector<128xf32>
    %broadcast_in_dim3A_479 = vector.shape_cast %reduce_sum3A_478 : vector<128xf32> to vector<1x128xf32>
    %slice3A_480 = vector.extract_strided_slice %transpose3A {offsets = [48, 0], sizes = [16, 128], strides = [1, 1]} : vector<416x128xf32> to vector<16x128xf32>
    %slice3A_481 = vector.extract_strided_slice %transpose3A {offsets = [192, 0], sizes = [16, 128], strides = [1, 1]} : vector<416x128xf32> to vector<16x128xf32>
    %mul3A_482 = arith.mulf %slice3A_480, %slice3A_481 : vector<16x128xf32>
    %reduce_sum3A_483 = arith.constant dense<0.000000e+00> : vector<128xf32>
    %reduce_sum3A_484 = vector.multi_reduction <add>, %mul3A_482, %reduce_sum3A_483 [0] : vector<16x128xf32> to vector<128xf32>
    %broadcast_in_dim3A_485 = vector.shape_cast %reduce_sum3A_484 : vector<128xf32> to vector<1x128xf32>
    %slice3A_486 = vector.extract_strided_slice %transpose3A {offsets = [48, 0], sizes = [16, 128], strides = [1, 1]} : vector<416x128xf32> to vector<16x128xf32>
    %slice3A_487 = vector.extract_strided_slice %transpose3A {offsets = [208, 0], sizes = [16, 128], strides = [1, 1]} : vector<416x128xf32> to vector<16x128xf32>
    %mul3A_488 = arith.mulf %slice3A_486, %slice3A_487 : vector<16x128xf32>
    %reduce_sum3A_489 = arith.constant dense<0.000000e+00> : vector<128xf32>
    %reduce_sum3A_490 = vector.multi_reduction <add>, %mul3A_488, %reduce_sum3A_489 [0] : vector<16x128xf32> to vector<128xf32>
    %broadcast_in_dim3A_491 = vector.shape_cast %reduce_sum3A_490 : vector<128xf32> to vector<1x128xf32>
    %slice3A_492 = vector.extract_strided_slice %transpose3A {offsets = [48, 0], sizes = [16, 128], strides = [1, 1]} : vector<416x128xf32> to vector<16x128xf32>
    %slice3A_493 = vector.extract_strided_slice %transpose3A {offsets = [224, 0], sizes = [16, 128], strides = [1, 1]} : vector<416x128xf32> to vector<16x128xf32>
    %mul3A_494 = arith.mulf %slice3A_492, %slice3A_493 : vector<16x128xf32>
    %reduce_sum3A_495 = arith.constant dense<0.000000e+00> : vector<128xf32>
    %reduce_sum3A_496 = vector.multi_reduction <add>, %mul3A_494, %reduce_sum3A_495 [0] : vector<16x128xf32> to vector<128xf32>
    %broadcast_in_dim3A_497 = vector.shape_cast %reduce_sum3A_496 : vector<128xf32> to vector<1x128xf32>
    %slice3A_498 = vector.extract_strided_slice %transpose3A {offsets = [48, 0], sizes = [16, 128], strides = [1, 1]} : vector<416x128xf32> to vector<16x128xf32>
    %slice3A_499 = vector.extract_strided_slice %transpose3A {offsets = [240, 0], sizes = [16, 128], strides = [1, 1]} : vector<416x128xf32> to vector<16x128xf32>
    %mul3A_500 = arith.mulf %slice3A_498, %slice3A_499 : vector<16x128xf32>
    %reduce_sum3A_501 = arith.constant dense<0.000000e+00> : vector<128xf32>
    %reduce_sum3A_502 = vector.multi_reduction <add>, %mul3A_500, %reduce_sum3A_501 [0] : vector<16x128xf32> to vector<128xf32>
    %broadcast_in_dim3A_503 = vector.shape_cast %reduce_sum3A_502 : vector<128xf32> to vector<1x128xf32>
    %slice3A_504 = vector.extract_strided_slice %transpose3A {offsets = [48, 0], sizes = [16, 128], strides = [1, 1]} : vector<416x128xf32> to vector<16x128xf32>
    %slice3A_505 = vector.extract_strided_slice %transpose3A {offsets = [256, 0], sizes = [16, 128], strides = [1, 1]} : vector<416x128xf32> to vector<16x128xf32>
    %mul3A_506 = arith.mulf %slice3A_504, %slice3A_505 : vector<16x128xf32>
    %reduce_sum3A_507 = arith.constant dense<0.000000e+00> : vector<128xf32>
    %reduce_sum3A_508 = vector.multi_reduction <add>, %mul3A_506, %reduce_sum3A_507 [0] : vector<16x128xf32> to vector<128xf32>
    %broadcast_in_dim3A_509 = vector.shape_cast %reduce_sum3A_508 : vector<128xf32> to vector<1x128xf32>
    %slice3A_510 = vector.extract_strided_slice %transpose3A {offsets = [48, 0], sizes = [16, 128], strides = [1, 1]} : vector<416x128xf32> to vector<16x128xf32>
    %slice3A_511 = vector.extract_strided_slice %transpose3A {offsets = [272, 0], sizes = [16, 128], strides = [1, 1]} : vector<416x128xf32> to vector<16x128xf32>
    %mul3A_512 = arith.mulf %slice3A_510, %slice3A_511 : vector<16x128xf32>
    %reduce_sum3A_513 = arith.constant dense<0.000000e+00> : vector<128xf32>
    %reduce_sum3A_514 = vector.multi_reduction <add>, %mul3A_512, %reduce_sum3A_513 [0] : vector<16x128xf32> to vector<128xf32>
    %broadcast_in_dim3A_515 = vector.shape_cast %reduce_sum3A_514 : vector<128xf32> to vector<1x128xf32>
    %slice3A_516 = vector.extract_strided_slice %transpose3A {offsets = [48, 0], sizes = [16, 128], strides = [1, 1]} : vector<416x128xf32> to vector<16x128xf32>
    %slice3A_517 = vector.extract_strided_slice %transpose3A {offsets = [288, 0], sizes = [16, 128], strides = [1, 1]} : vector<416x128xf32> to vector<16x128xf32>
    %mul3A_518 = arith.mulf %slice3A_516, %slice3A_517 : vector<16x128xf32>
    %reduce_sum3A_519 = arith.constant dense<0.000000e+00> : vector<128xf32>
    %reduce_sum3A_520 = vector.multi_reduction <add>, %mul3A_518, %reduce_sum3A_519 [0] : vector<16x128xf32> to vector<128xf32>
    %broadcast_in_dim3A_521 = vector.shape_cast %reduce_sum3A_520 : vector<128xf32> to vector<1x128xf32>
    %slice3A_522 = vector.extract_strided_slice %transpose3A {offsets = [48, 0], sizes = [16, 128], strides = [1, 1]} : vector<416x128xf32> to vector<16x128xf32>
    %slice3A_523 = vector.extract_strided_slice %transpose3A {offsets = [304, 0], sizes = [16, 128], strides = [1, 1]} : vector<416x128xf32> to vector<16x128xf32>
    %mul3A_524 = arith.mulf %slice3A_522, %slice3A_523 : vector<16x128xf32>
    %reduce_sum3A_525 = arith.constant dense<0.000000e+00> : vector<128xf32>
    %reduce_sum3A_526 = vector.multi_reduction <add>, %mul3A_524, %reduce_sum3A_525 [0] : vector<16x128xf32> to vector<128xf32>
    %broadcast_in_dim3A_527 = vector.shape_cast %reduce_sum3A_526 : vector<128xf32> to vector<1x128xf32>
    %slice3A_528 = vector.extract_strided_slice %transpose3A {offsets = [48, 0], sizes = [16, 128], strides = [1, 1]} : vector<416x128xf32> to vector<16x128xf32>
    %slice3A_529 = vector.extract_strided_slice %transpose3A {offsets = [320, 0], sizes = [16, 128], strides = [1, 1]} : vector<416x128xf32> to vector<16x128xf32>
    %mul3A_530 = arith.mulf %slice3A_528, %slice3A_529 : vector<16x128xf32>
    %reduce_sum3A_531 = arith.constant dense<0.000000e+00> : vector<128xf32>
    %reduce_sum3A_532 = vector.multi_reduction <add>, %mul3A_530, %reduce_sum3A_531 [0] : vector<16x128xf32> to vector<128xf32>
    %broadcast_in_dim3A_533 = vector.shape_cast %reduce_sum3A_532 : vector<128xf32> to vector<1x128xf32>
    %slice3A_534 = vector.extract_strided_slice %transpose3A {offsets = [48, 0], sizes = [16, 128], strides = [1, 1]} : vector<416x128xf32> to vector<16x128xf32>
    %slice3A_535 = vector.extract_strided_slice %transpose3A {offsets = [336, 0], sizes = [16, 128], strides = [1, 1]} : vector<416x128xf32> to vector<16x128xf32>
    %mul3A_536 = arith.mulf %slice3A_534, %slice3A_535 : vector<16x128xf32>
    %reduce_sum3A_537 = arith.constant dense<0.000000e+00> : vector<128xf32>
    %reduce_sum3A_538 = vector.multi_reduction <add>, %mul3A_536, %reduce_sum3A_537 [0] : vector<16x128xf32> to vector<128xf32>
    %broadcast_in_dim3A_539 = vector.shape_cast %reduce_sum3A_538 : vector<128xf32> to vector<1x128xf32>
    %slice3A_540 = vector.extract_strided_slice %transpose3A {offsets = [48, 0], sizes = [16, 128], strides = [1, 1]} : vector<416x128xf32> to vector<16x128xf32>
    %slice3A_541 = vector.extract_strided_slice %transpose3A {offsets = [352, 0], sizes = [16, 128], strides = [1, 1]} : vector<416x128xf32> to vector<16x128xf32>
    %mul3A_542 = arith.mulf %slice3A_540, %slice3A_541 : vector<16x128xf32>
    %reduce_sum3A_543 = arith.constant dense<0.000000e+00> : vector<128xf32>
    %reduce_sum3A_544 = vector.multi_reduction <add>, %mul3A_542, %reduce_sum3A_543 [0] : vector<16x128xf32> to vector<128xf32>
    %broadcast_in_dim3A_545 = vector.shape_cast %reduce_sum3A_544 : vector<128xf32> to vector<1x128xf32>
    %slice3A_546 = vector.extract_strided_slice %transpose3A {offsets = [48, 0], sizes = [16, 128], strides = [1, 1]} : vector<416x128xf32> to vector<16x128xf32>
    %slice3A_547 = vector.extract_strided_slice %transpose3A {offsets = [368, 0], sizes = [16, 128], strides = [1, 1]} : vector<416x128xf32> to vector<16x128xf32>
    %mul3A_548 = arith.mulf %slice3A_546, %slice3A_547 : vector<16x128xf32>
    %reduce_sum3A_549 = arith.constant dense<0.000000e+00> : vector<128xf32>
    %reduce_sum3A_550 = vector.multi_reduction <add>, %mul3A_548, %reduce_sum3A_549 [0] : vector<16x128xf32> to vector<128xf32>
    %broadcast_in_dim3A_551 = vector.shape_cast %reduce_sum3A_550 : vector<128xf32> to vector<1x128xf32>
    %slice3A_552 = vector.extract_strided_slice %transpose3A {offsets = [48, 0], sizes = [16, 128], strides = [1, 1]} : vector<416x128xf32> to vector<16x128xf32>
    %slice3A_553 = vector.extract_strided_slice %transpose3A {offsets = [384, 0], sizes = [16, 128], strides = [1, 1]} : vector<416x128xf32> to vector<16x128xf32>
    %mul3A_554 = arith.mulf %slice3A_552, %slice3A_553 : vector<16x128xf32>
    %reduce_sum3A_555 = arith.constant dense<0.000000e+00> : vector<128xf32>
    %reduce_sum3A_556 = vector.multi_reduction <add>, %mul3A_554, %reduce_sum3A_555 [0] : vector<16x128xf32> to vector<128xf32>
    %broadcast_in_dim3A_557 = vector.shape_cast %reduce_sum3A_556 : vector<128xf32> to vector<1x128xf32>
    %slice3A_558 = vector.extract_strided_slice %transpose3A {offsets = [48, 0], sizes = [16, 128], strides = [1, 1]} : vector<416x128xf32> to vector<16x128xf32>
    %slice3A_559 = vector.extract_strided_slice %transpose3A {offsets = [400, 0], sizes = [16, 128], strides = [1, 1]} : vector<416x128xf32> to vector<16x128xf32>
    %mul3A_560 = arith.mulf %slice3A_558, %slice3A_559 : vector<16x128xf32>
    %reduce_sum3A_561 = arith.constant dense<0.000000e+00> : vector<128xf32>
    %reduce_sum3A_562 = vector.multi_reduction <add>, %mul3A_560, %reduce_sum3A_561 [0] : vector<16x128xf32> to vector<128xf32>
    %broadcast_in_dim3A_563 = vector.shape_cast %reduce_sum3A_562 : vector<128xf32> to vector<1x128xf32>
    %slice3A_564 = vector.extract_strided_slice %transpose3A {offsets = [64, 0], sizes = [16, 128], strides = [1, 1]} : vector<416x128xf32> to vector<16x128xf32>
    %slice3A_565 = vector.extract_strided_slice %transpose3A {offsets = [80, 0], sizes = [16, 128], strides = [1, 1]} : vector<416x128xf32> to vector<16x128xf32>
    %mul3A_566 = arith.mulf %slice3A_564, %slice3A_565 : vector<16x128xf32>
    %reduce_sum3A_567 = arith.constant dense<0.000000e+00> : vector<128xf32>
    %reduce_sum3A_568 = vector.multi_reduction <add>, %mul3A_566, %reduce_sum3A_567 [0] : vector<16x128xf32> to vector<128xf32>
    %broadcast_in_dim3A_569 = vector.shape_cast %reduce_sum3A_568 : vector<128xf32> to vector<1x128xf32>
    %slice3A_570 = vector.extract_strided_slice %transpose3A {offsets = [64, 0], sizes = [16, 128], strides = [1, 1]} : vector<416x128xf32> to vector<16x128xf32>
    %slice3A_571 = vector.extract_strided_slice %transpose3A {offsets = [96, 0], sizes = [16, 128], strides = [1, 1]} : vector<416x128xf32> to vector<16x128xf32>
    %mul3A_572 = arith.mulf %slice3A_570, %slice3A_571 : vector<16x128xf32>
    %reduce_sum3A_573 = arith.constant dense<0.000000e+00> : vector<128xf32>
    %reduce_sum3A_574 = vector.multi_reduction <add>, %mul3A_572, %reduce_sum3A_573 [0] : vector<16x128xf32> to vector<128xf32>
    %broadcast_in_dim3A_575 = vector.shape_cast %reduce_sum3A_574 : vector<128xf32> to vector<1x128xf32>
    %slice3A_576 = vector.extract_strided_slice %transpose3A {offsets = [64, 0], sizes = [16, 128], strides = [1, 1]} : vector<416x128xf32> to vector<16x128xf32>
    %slice3A_577 = vector.extract_strided_slice %transpose3A {offsets = [112, 0], sizes = [16, 128], strides = [1, 1]} : vector<416x128xf32> to vector<16x128xf32>
    %mul3A_578 = arith.mulf %slice3A_576, %slice3A_577 : vector<16x128xf32>
    %reduce_sum3A_579 = arith.constant dense<0.000000e+00> : vector<128xf32>
    %reduce_sum3A_580 = vector.multi_reduction <add>, %mul3A_578, %reduce_sum3A_579 [0] : vector<16x128xf32> to vector<128xf32>
    %broadcast_in_dim3A_581 = vector.shape_cast %reduce_sum3A_580 : vector<128xf32> to vector<1x128xf32>
    %slice3A_582 = vector.extract_strided_slice %transpose3A {offsets = [64, 0], sizes = [16, 128], strides = [1, 1]} : vector<416x128xf32> to vector<16x128xf32>
    %slice3A_583 = vector.extract_strided_slice %transpose3A {offsets = [128, 0], sizes = [16, 128], strides = [1, 1]} : vector<416x128xf32> to vector<16x128xf32>
    %mul3A_584 = arith.mulf %slice3A_582, %slice3A_583 : vector<16x128xf32>
    %reduce_sum3A_585 = arith.constant dense<0.000000e+00> : vector<128xf32>
    %reduce_sum3A_586 = vector.multi_reduction <add>, %mul3A_584, %reduce_sum3A_585 [0] : vector<16x128xf32> to vector<128xf32>
    %broadcast_in_dim3A_587 = vector.shape_cast %reduce_sum3A_586 : vector<128xf32> to vector<1x128xf32>
    %slice3A_588 = vector.extract_strided_slice %transpose3A {offsets = [64, 0], sizes = [16, 128], strides = [1, 1]} : vector<416x128xf32> to vector<16x128xf32>
    %slice3A_589 = vector.extract_strided_slice %transpose3A {offsets = [144, 0], sizes = [16, 128], strides = [1, 1]} : vector<416x128xf32> to vector<16x128xf32>
    %mul3A_590 = arith.mulf %slice3A_588, %slice3A_589 : vector<16x128xf32>
    %reduce_sum3A_591 = arith.constant dense<0.000000e+00> : vector<128xf32>
    %reduce_sum3A_592 = vector.multi_reduction <add>, %mul3A_590, %reduce_sum3A_591 [0] : vector<16x128xf32> to vector<128xf32>
    %broadcast_in_dim3A_593 = vector.shape_cast %reduce_sum3A_592 : vector<128xf32> to vector<1x128xf32>
    %slice3A_594 = vector.extract_strided_slice %transpose3A {offsets = [64, 0], sizes = [16, 128], strides = [1, 1]} : vector<416x128xf32> to vector<16x128xf32>
    %slice3A_595 = vector.extract_strided_slice %transpose3A {offsets = [160, 0], sizes = [16, 128], strides = [1, 1]} : vector<416x128xf32> to vector<16x128xf32>
    %mul3A_596 = arith.mulf %slice3A_594, %slice3A_595 : vector<16x128xf32>
    %reduce_sum3A_597 = arith.constant dense<0.000000e+00> : vector<128xf32>
    %reduce_sum3A_598 = vector.multi_reduction <add>, %mul3A_596, %reduce_sum3A_597 [0] : vector<16x128xf32> to vector<128xf32>
    %broadcast_in_dim3A_599 = vector.shape_cast %reduce_sum3A_598 : vector<128xf32> to vector<1x128xf32>
    %slice3A_600 = vector.extract_strided_slice %transpose3A {offsets = [64, 0], sizes = [16, 128], strides = [1, 1]} : vector<416x128xf32> to vector<16x128xf32>
    %slice3A_601 = vector.extract_strided_slice %transpose3A {offsets = [176, 0], sizes = [16, 128], strides = [1, 1]} : vector<416x128xf32> to vector<16x128xf32>
    %mul3A_602 = arith.mulf %slice3A_600, %slice3A_601 : vector<16x128xf32>
    %reduce_sum3A_603 = arith.constant dense<0.000000e+00> : vector<128xf32>
    %reduce_sum3A_604 = vector.multi_reduction <add>, %mul3A_602, %reduce_sum3A_603 [0] : vector<16x128xf32> to vector<128xf32>
    %broadcast_in_dim3A_605 = vector.shape_cast %reduce_sum3A_604 : vector<128xf32> to vector<1x128xf32>
    %slice3A_606 = vector.extract_strided_slice %transpose3A {offsets = [64, 0], sizes = [16, 128], strides = [1, 1]} : vector<416x128xf32> to vector<16x128xf32>
    %slice3A_607 = vector.extract_strided_slice %transpose3A {offsets = [192, 0], sizes = [16, 128], strides = [1, 1]} : vector<416x128xf32> to vector<16x128xf32>
    %mul3A_608 = arith.mulf %slice3A_606, %slice3A_607 : vector<16x128xf32>
    %reduce_sum3A_609 = arith.constant dense<0.000000e+00> : vector<128xf32>
    %reduce_sum3A_610 = vector.multi_reduction <add>, %mul3A_608, %reduce_sum3A_609 [0] : vector<16x128xf32> to vector<128xf32>
    %broadcast_in_dim3A_611 = vector.shape_cast %reduce_sum3A_610 : vector<128xf32> to vector<1x128xf32>
    %slice3A_612 = vector.extract_strided_slice %transpose3A {offsets = [64, 0], sizes = [16, 128], strides = [1, 1]} : vector<416x128xf32> to vector<16x128xf32>
    %slice3A_613 = vector.extract_strided_slice %transpose3A {offsets = [208, 0], sizes = [16, 128], strides = [1, 1]} : vector<416x128xf32> to vector<16x128xf32>
    %mul3A_614 = arith.mulf %slice3A_612, %slice3A_613 : vector<16x128xf32>
    %reduce_sum3A_615 = arith.constant dense<0.000000e+00> : vector<128xf32>
    %reduce_sum3A_616 = vector.multi_reduction <add>, %mul3A_614, %reduce_sum3A_615 [0] : vector<16x128xf32> to vector<128xf32>
    %broadcast_in_dim3A_617 = vector.shape_cast %reduce_sum3A_616 : vector<128xf32> to vector<1x128xf32>
    %slice3A_618 = vector.extract_strided_slice %transpose3A {offsets = [64, 0], sizes = [16, 128], strides = [1, 1]} : vector<416x128xf32> to vector<16x128xf32>
    %slice3A_619 = vector.extract_strided_slice %transpose3A {offsets = [224, 0], sizes = [16, 128], strides = [1, 1]} : vector<416x128xf32> to vector<16x128xf32>
    %mul3A_620 = arith.mulf %slice3A_618, %slice3A_619 : vector<16x128xf32>
    %reduce_sum3A_621 = arith.constant dense<0.000000e+00> : vector<128xf32>
    %reduce_sum3A_622 = vector.multi_reduction <add>, %mul3A_620, %reduce_sum3A_621 [0] : vector<16x128xf32> to vector<128xf32>
    %broadcast_in_dim3A_623 = vector.shape_cast %reduce_sum3A_622 : vector<128xf32> to vector<1x128xf32>
    %slice3A_624 = vector.extract_strided_slice %transpose3A {offsets = [64, 0], sizes = [16, 128], strides = [1, 1]} : vector<416x128xf32> to vector<16x128xf32>
    %slice3A_625 = vector.extract_strided_slice %transpose3A {offsets = [240, 0], sizes = [16, 128], strides = [1, 1]} : vector<416x128xf32> to vector<16x128xf32>
    %mul3A_626 = arith.mulf %slice3A_624, %slice3A_625 : vector<16x128xf32>
    %reduce_sum3A_627 = arith.constant dense<0.000000e+00> : vector<128xf32>
    %reduce_sum3A_628 = vector.multi_reduction <add>, %mul3A_626, %reduce_sum3A_627 [0] : vector<16x128xf32> to vector<128xf32>
    %broadcast_in_dim3A_629 = vector.shape_cast %reduce_sum3A_628 : vector<128xf32> to vector<1x128xf32>
    %slice3A_630 = vector.extract_strided_slice %transpose3A {offsets = [64, 0], sizes = [16, 128], strides = [1, 1]} : vector<416x128xf32> to vector<16x128xf32>
    %slice3A_631 = vector.extract_strided_slice %transpose3A {offsets = [256, 0], sizes = [16, 128], strides = [1, 1]} : vector<416x128xf32> to vector<16x128xf32>
    %mul3A_632 = arith.mulf %slice3A_630, %slice3A_631 : vector<16x128xf32>
    %reduce_sum3A_633 = arith.constant dense<0.000000e+00> : vector<128xf32>
    %reduce_sum3A_634 = vector.multi_reduction <add>, %mul3A_632, %reduce_sum3A_633 [0] : vector<16x128xf32> to vector<128xf32>
    %broadcast_in_dim3A_635 = vector.shape_cast %reduce_sum3A_634 : vector<128xf32> to vector<1x128xf32>
    %slice3A_636 = vector.extract_strided_slice %transpose3A {offsets = [64, 0], sizes = [16, 128], strides = [1, 1]} : vector<416x128xf32> to vector<16x128xf32>
    %slice3A_637 = vector.extract_strided_slice %transpose3A {offsets = [272, 0], sizes = [16, 128], strides = [1, 1]} : vector<416x128xf32> to vector<16x128xf32>
    %mul3A_638 = arith.mulf %slice3A_636, %slice3A_637 : vector<16x128xf32>
    %reduce_sum3A_639 = arith.constant dense<0.000000e+00> : vector<128xf32>
    %reduce_sum3A_640 = vector.multi_reduction <add>, %mul3A_638, %reduce_sum3A_639 [0] : vector<16x128xf32> to vector<128xf32>
    %broadcast_in_dim3A_641 = vector.shape_cast %reduce_sum3A_640 : vector<128xf32> to vector<1x128xf32>
    %slice3A_642 = vector.extract_strided_slice %transpose3A {offsets = [64, 0], sizes = [16, 128], strides = [1, 1]} : vector<416x128xf32> to vector<16x128xf32>
    %slice3A_643 = vector.extract_strided_slice %transpose3A {offsets = [288, 0], sizes = [16, 128], strides = [1, 1]} : vector<416x128xf32> to vector<16x128xf32>
    %mul3A_644 = arith.mulf %slice3A_642, %slice3A_643 : vector<16x128xf32>
    %reduce_sum3A_645 = arith.constant dense<0.000000e+00> : vector<128xf32>
    %reduce_sum3A_646 = vector.multi_reduction <add>, %mul3A_644, %reduce_sum3A_645 [0] : vector<16x128xf32> to vector<128xf32>
    %broadcast_in_dim3A_647 = vector.shape_cast %reduce_sum3A_646 : vector<128xf32> to vector<1x128xf32>
    %slice3A_648 = vector.extract_strided_slice %transpose3A {offsets = [64, 0], sizes = [16, 128], strides = [1, 1]} : vector<416x128xf32> to vector<16x128xf32>
    %slice3A_649 = vector.extract_strided_slice %transpose3A {offsets = [304, 0], sizes = [16, 128], strides = [1, 1]} : vector<416x128xf32> to vector<16x128xf32>
    %mul3A_650 = arith.mulf %slice3A_648, %slice3A_649 : vector<16x128xf32>
    %reduce_sum3A_651 = arith.constant dense<0.000000e+00> : vector<128xf32>
    %reduce_sum3A_652 = vector.multi_reduction <add>, %mul3A_650, %reduce_sum3A_651 [0] : vector<16x128xf32> to vector<128xf32>
    %broadcast_in_dim3A_653 = vector.shape_cast %reduce_sum3A_652 : vector<128xf32> to vector<1x128xf32>
    %slice3A_654 = vector.extract_strided_slice %transpose3A {offsets = [64, 0], sizes = [16, 128], strides = [1, 1]} : vector<416x128xf32> to vector<16x128xf32>
    %slice3A_655 = vector.extract_strided_slice %transpose3A {offsets = [320, 0], sizes = [16, 128], strides = [1, 1]} : vector<416x128xf32> to vector<16x128xf32>
    %mul3A_656 = arith.mulf %slice3A_654, %slice3A_655 : vector<16x128xf32>
    %reduce_sum3A_657 = arith.constant dense<0.000000e+00> : vector<128xf32>
    %reduce_sum3A_658 = vector.multi_reduction <add>, %mul3A_656, %reduce_sum3A_657 [0] : vector<16x128xf32> to vector<128xf32>
    %broadcast_in_dim3A_659 = vector.shape_cast %reduce_sum3A_658 : vector<128xf32> to vector<1x128xf32>
    %slice3A_660 = vector.extract_strided_slice %transpose3A {offsets = [64, 0], sizes = [16, 128], strides = [1, 1]} : vector<416x128xf32> to vector<16x128xf32>
    %slice3A_661 = vector.extract_strided_slice %transpose3A {offsets = [336, 0], sizes = [16, 128], strides = [1, 1]} : vector<416x128xf32> to vector<16x128xf32>
    %mul3A_662 = arith.mulf %slice3A_660, %slice3A_661 : vector<16x128xf32>
    %reduce_sum3A_663 = arith.constant dense<0.000000e+00> : vector<128xf32>
    %reduce_sum3A_664 = vector.multi_reduction <add>, %mul3A_662, %reduce_sum3A_663 [0] : vector<16x128xf32> to vector<128xf32>
    %broadcast_in_dim3A_665 = vector.shape_cast %reduce_sum3A_664 : vector<128xf32> to vector<1x128xf32>
    %slice3A_666 = vector.extract_strided_slice %transpose3A {offsets = [64, 0], sizes = [16, 128], strides = [1, 1]} : vector<416x128xf32> to vector<16x128xf32>
    %slice3A_667 = vector.extract_strided_slice %transpose3A {offsets = [352, 0], sizes = [16, 128], strides = [1, 1]} : vector<416x128xf32> to vector<16x128xf32>
    %mul3A_668 = arith.mulf %slice3A_666, %slice3A_667 : vector<16x128xf32>
    %reduce_sum3A_669 = arith.constant dense<0.000000e+00> : vector<128xf32>
    %reduce_sum3A_670 = vector.multi_reduction <add>, %mul3A_668, %reduce_sum3A_669 [0] : vector<16x128xf32> to vector<128xf32>
    %broadcast_in_dim3A_671 = vector.shape_cast %reduce_sum3A_670 : vector<128xf32> to vector<1x128xf32>
    %slice3A_672 = vector.extract_strided_slice %transpose3A {offsets = [64, 0], sizes = [16, 128], strides = [1, 1]} : vector<416x128xf32> to vector<16x128xf32>
    %slice3A_673 = vector.extract_strided_slice %transpose3A {offsets = [368, 0], sizes = [16, 128], strides = [1, 1]} : vector<416x128xf32> to vector<16x128xf32>
    %mul3A_674 = arith.mulf %slice3A_672, %slice3A_673 : vector<16x128xf32>
    %reduce_sum3A_675 = arith.constant dense<0.000000e+00> : vector<128xf32>
    %reduce_sum3A_676 = vector.multi_reduction <add>, %mul3A_674, %reduce_sum3A_675 [0] : vector<16x128xf32> to vector<128xf32>
    %broadcast_in_dim3A_677 = vector.shape_cast %reduce_sum3A_676 : vector<128xf32> to vector<1x128xf32>
    %slice3A_678 = vector.extract_strided_slice %transpose3A {offsets = [64, 0], sizes = [16, 128], strides = [1, 1]} : vector<416x128xf32> to vector<16x128xf32>
    %slice3A_679 = vector.extract_strided_slice %transpose3A {offsets = [384, 0], sizes = [16, 128], strides = [1, 1]} : vector<416x128xf32> to vector<16x128xf32>
    %mul3A_680 = arith.mulf %slice3A_678, %slice3A_679 : vector<16x128xf32>
    %reduce_sum3A_681 = arith.constant dense<0.000000e+00> : vector<128xf32>
    %reduce_sum3A_682 = vector.multi_reduction <add>, %mul3A_680, %reduce_sum3A_681 [0] : vector<16x128xf32> to vector<128xf32>
    %broadcast_in_dim3A_683 = vector.shape_cast %reduce_sum3A_682 : vector<128xf32> to vector<1x128xf32>
    %slice3A_684 = vector.extract_strided_slice %transpose3A {offsets = [64, 0], sizes = [16, 128], strides = [1, 1]} : vector<416x128xf32> to vector<16x128xf32>
    %slice3A_685 = vector.extract_strided_slice %transpose3A {offsets = [400, 0], sizes = [16, 128], strides = [1, 1]} : vector<416x128xf32> to vector<16x128xf32>
    %mul3A_686 = arith.mulf %slice3A_684, %slice3A_685 : vector<16x128xf32>
    %reduce_sum3A_687 = arith.constant dense<0.000000e+00> : vector<128xf32>
    %reduce_sum3A_688 = vector.multi_reduction <add>, %mul3A_686, %reduce_sum3A_687 [0] : vector<16x128xf32> to vector<128xf32>
    %broadcast_in_dim3A_689 = vector.shape_cast %reduce_sum3A_688 : vector<128xf32> to vector<1x128xf32>
    %slice3A_690 = vector.extract_strided_slice %transpose3A {offsets = [80, 0], sizes = [16, 128], strides = [1, 1]} : vector<416x128xf32> to vector<16x128xf32>
    %slice3A_691 = vector.extract_strided_slice %transpose3A {offsets = [96, 0], sizes = [16, 128], strides = [1, 1]} : vector<416x128xf32> to vector<16x128xf32>
    %mul3A_692 = arith.mulf %slice3A_690, %slice3A_691 : vector<16x128xf32>
    %reduce_sum3A_693 = arith.constant dense<0.000000e+00> : vector<128xf32>
    %reduce_sum3A_694 = vector.multi_reduction <add>, %mul3A_692, %reduce_sum3A_693 [0] : vector<16x128xf32> to vector<128xf32>
    %broadcast_in_dim3A_695 = vector.shape_cast %reduce_sum3A_694 : vector<128xf32> to vector<1x128xf32>
    %slice3A_696 = vector.extract_strided_slice %transpose3A {offsets = [80, 0], sizes = [16, 128], strides = [1, 1]} : vector<416x128xf32> to vector<16x128xf32>
    %slice3A_697 = vector.extract_strided_slice %transpose3A {offsets = [112, 0], sizes = [16, 128], strides = [1, 1]} : vector<416x128xf32> to vector<16x128xf32>
    %mul3A_698 = arith.mulf %slice3A_696, %slice3A_697 : vector<16x128xf32>
    %reduce_sum3A_699 = arith.constant dense<0.000000e+00> : vector<128xf32>
    %reduce_sum3A_700 = vector.multi_reduction <add>, %mul3A_698, %reduce_sum3A_699 [0] : vector<16x128xf32> to vector<128xf32>
    %broadcast_in_dim3A_701 = vector.shape_cast %reduce_sum3A_700 : vector<128xf32> to vector<1x128xf32>
    %slice3A_702 = vector.extract_strided_slice %transpose3A {offsets = [80, 0], sizes = [16, 128], strides = [1, 1]} : vector<416x128xf32> to vector<16x128xf32>
    %slice3A_703 = vector.extract_strided_slice %transpose3A {offsets = [128, 0], sizes = [16, 128], strides = [1, 1]} : vector<416x128xf32> to vector<16x128xf32>
    %mul3A_704 = arith.mulf %slice3A_702, %slice3A_703 : vector<16x128xf32>
    %reduce_sum3A_705 = arith.constant dense<0.000000e+00> : vector<128xf32>
    %reduce_sum3A_706 = vector.multi_reduction <add>, %mul3A_704, %reduce_sum3A_705 [0] : vector<16x128xf32> to vector<128xf32>
    %broadcast_in_dim3A_707 = vector.shape_cast %reduce_sum3A_706 : vector<128xf32> to vector<1x128xf32>
    %slice3A_708 = vector.extract_strided_slice %transpose3A {offsets = [80, 0], sizes = [16, 128], strides = [1, 1]} : vector<416x128xf32> to vector<16x128xf32>
    %slice3A_709 = vector.extract_strided_slice %transpose3A {offsets = [144, 0], sizes = [16, 128], strides = [1, 1]} : vector<416x128xf32> to vector<16x128xf32>
    %mul3A_710 = arith.mulf %slice3A_708, %slice3A_709 : vector<16x128xf32>
    %reduce_sum3A_711 = arith.constant dense<0.000000e+00> : vector<128xf32>
    %reduce_sum3A_712 = vector.multi_reduction <add>, %mul3A_710, %reduce_sum3A_711 [0] : vector<16x128xf32> to vector<128xf32>
    %broadcast_in_dim3A_713 = vector.shape_cast %reduce_sum3A_712 : vector<128xf32> to vector<1x128xf32>
    %slice3A_714 = vector.extract_strided_slice %transpose3A {offsets = [80, 0], sizes = [16, 128], strides = [1, 1]} : vector<416x128xf32> to vector<16x128xf32>
    %slice3A_715 = vector.extract_strided_slice %transpose3A {offsets = [160, 0], sizes = [16, 128], strides = [1, 1]} : vector<416x128xf32> to vector<16x128xf32>
    %mul3A_716 = arith.mulf %slice3A_714, %slice3A_715 : vector<16x128xf32>
    %reduce_sum3A_717 = arith.constant dense<0.000000e+00> : vector<128xf32>
    %reduce_sum3A_718 = vector.multi_reduction <add>, %mul3A_716, %reduce_sum3A_717 [0] : vector<16x128xf32> to vector<128xf32>
    %broadcast_in_dim3A_719 = vector.shape_cast %reduce_sum3A_718 : vector<128xf32> to vector<1x128xf32>
    %slice3A_720 = vector.extract_strided_slice %transpose3A {offsets = [80, 0], sizes = [16, 128], strides = [1, 1]} : vector<416x128xf32> to vector<16x128xf32>
    %slice3A_721 = vector.extract_strided_slice %transpose3A {offsets = [176, 0], sizes = [16, 128], strides = [1, 1]} : vector<416x128xf32> to vector<16x128xf32>
    %mul3A_722 = arith.mulf %slice3A_720, %slice3A_721 : vector<16x128xf32>
    %reduce_sum3A_723 = arith.constant dense<0.000000e+00> : vector<128xf32>
    %reduce_sum3A_724 = vector.multi_reduction <add>, %mul3A_722, %reduce_sum3A_723 [0] : vector<16x128xf32> to vector<128xf32>
    %broadcast_in_dim3A_725 = vector.shape_cast %reduce_sum3A_724 : vector<128xf32> to vector<1x128xf32>
    %slice3A_726 = vector.extract_strided_slice %transpose3A {offsets = [80, 0], sizes = [16, 128], strides = [1, 1]} : vector<416x128xf32> to vector<16x128xf32>
    %slice3A_727 = vector.extract_strided_slice %transpose3A {offsets = [192, 0], sizes = [16, 128], strides = [1, 1]} : vector<416x128xf32> to vector<16x128xf32>
    %mul3A_728 = arith.mulf %slice3A_726, %slice3A_727 : vector<16x128xf32>
    %reduce_sum3A_729 = arith.constant dense<0.000000e+00> : vector<128xf32>
    %reduce_sum3A_730 = vector.multi_reduction <add>, %mul3A_728, %reduce_sum3A_729 [0] : vector<16x128xf32> to vector<128xf32>
    %broadcast_in_dim3A_731 = vector.shape_cast %reduce_sum3A_730 : vector<128xf32> to vector<1x128xf32>
    %slice3A_732 = vector.extract_strided_slice %transpose3A {offsets = [80, 0], sizes = [16, 128], strides = [1, 1]} : vector<416x128xf32> to vector<16x128xf32>
    %slice3A_733 = vector.extract_strided_slice %transpose3A {offsets = [208, 0], sizes = [16, 128], strides = [1, 1]} : vector<416x128xf32> to vector<16x128xf32>
    %mul3A_734 = arith.mulf %slice3A_732, %slice3A_733 : vector<16x128xf32>
    %reduce_sum3A_735 = arith.constant dense<0.000000e+00> : vector<128xf32>
    %reduce_sum3A_736 = vector.multi_reduction <add>, %mul3A_734, %reduce_sum3A_735 [0] : vector<16x128xf32> to vector<128xf32>
    %broadcast_in_dim3A_737 = vector.shape_cast %reduce_sum3A_736 : vector<128xf32> to vector<1x128xf32>
    %slice3A_738 = vector.extract_strided_slice %transpose3A {offsets = [80, 0], sizes = [16, 128], strides = [1, 1]} : vector<416x128xf32> to vector<16x128xf32>
    %slice3A_739 = vector.extract_strided_slice %transpose3A {offsets = [224, 0], sizes = [16, 128], strides = [1, 1]} : vector<416x128xf32> to vector<16x128xf32>
    %mul3A_740 = arith.mulf %slice3A_738, %slice3A_739 : vector<16x128xf32>
    %reduce_sum3A_741 = arith.constant dense<0.000000e+00> : vector<128xf32>
    %reduce_sum3A_742 = vector.multi_reduction <add>, %mul3A_740, %reduce_sum3A_741 [0] : vector<16x128xf32> to vector<128xf32>
    %broadcast_in_dim3A_743 = vector.shape_cast %reduce_sum3A_742 : vector<128xf32> to vector<1x128xf32>
    %slice3A_744 = vector.extract_strided_slice %transpose3A {offsets = [80, 0], sizes = [16, 128], strides = [1, 1]} : vector<416x128xf32> to vector<16x128xf32>
    %slice3A_745 = vector.extract_strided_slice %transpose3A {offsets = [240, 0], sizes = [16, 128], strides = [1, 1]} : vector<416x128xf32> to vector<16x128xf32>
    %mul3A_746 = arith.mulf %slice3A_744, %slice3A_745 : vector<16x128xf32>
    %reduce_sum3A_747 = arith.constant dense<0.000000e+00> : vector<128xf32>
    %reduce_sum3A_748 = vector.multi_reduction <add>, %mul3A_746, %reduce_sum3A_747 [0] : vector<16x128xf32> to vector<128xf32>
    %broadcast_in_dim3A_749 = vector.shape_cast %reduce_sum3A_748 : vector<128xf32> to vector<1x128xf32>
    %slice3A_750 = vector.extract_strided_slice %transpose3A {offsets = [80, 0], sizes = [16, 128], strides = [1, 1]} : vector<416x128xf32> to vector<16x128xf32>
    %slice3A_751 = vector.extract_strided_slice %transpose3A {offsets = [256, 0], sizes = [16, 128], strides = [1, 1]} : vector<416x128xf32> to vector<16x128xf32>
    %mul3A_752 = arith.mulf %slice3A_750, %slice3A_751 : vector<16x128xf32>
    %reduce_sum3A_753 = arith.constant dense<0.000000e+00> : vector<128xf32>
    %reduce_sum3A_754 = vector.multi_reduction <add>, %mul3A_752, %reduce_sum3A_753 [0] : vector<16x128xf32> to vector<128xf32>
    %broadcast_in_dim3A_755 = vector.shape_cast %reduce_sum3A_754 : vector<128xf32> to vector<1x128xf32>
    %slice3A_756 = vector.extract_strided_slice %transpose3A {offsets = [80, 0], sizes = [16, 128], strides = [1, 1]} : vector<416x128xf32> to vector<16x128xf32>
    %slice3A_757 = vector.extract_strided_slice %transpose3A {offsets = [272, 0], sizes = [16, 128], strides = [1, 1]} : vector<416x128xf32> to vector<16x128xf32>
    %mul3A_758 = arith.mulf %slice3A_756, %slice3A_757 : vector<16x128xf32>
    %reduce_sum3A_759 = arith.constant dense<0.000000e+00> : vector<128xf32>
    %reduce_sum3A_760 = vector.multi_reduction <add>, %mul3A_758, %reduce_sum3A_759 [0] : vector<16x128xf32> to vector<128xf32>
    %broadcast_in_dim3A_761 = vector.shape_cast %reduce_sum3A_760 : vector<128xf32> to vector<1x128xf32>
    %slice3A_762 = vector.extract_strided_slice %transpose3A {offsets = [80, 0], sizes = [16, 128], strides = [1, 1]} : vector<416x128xf32> to vector<16x128xf32>
    %slice3A_763 = vector.extract_strided_slice %transpose3A {offsets = [288, 0], sizes = [16, 128], strides = [1, 1]} : vector<416x128xf32> to vector<16x128xf32>
    %mul3A_764 = arith.mulf %slice3A_762, %slice3A_763 : vector<16x128xf32>
    %reduce_sum3A_765 = arith.constant dense<0.000000e+00> : vector<128xf32>
    %reduce_sum3A_766 = vector.multi_reduction <add>, %mul3A_764, %reduce_sum3A_765 [0] : vector<16x128xf32> to vector<128xf32>
    %broadcast_in_dim3A_767 = vector.shape_cast %reduce_sum3A_766 : vector<128xf32> to vector<1x128xf32>
    %slice3A_768 = vector.extract_strided_slice %transpose3A {offsets = [80, 0], sizes = [16, 128], strides = [1, 1]} : vector<416x128xf32> to vector<16x128xf32>
    %slice3A_769 = vector.extract_strided_slice %transpose3A {offsets = [304, 0], sizes = [16, 128], strides = [1, 1]} : vector<416x128xf32> to vector<16x128xf32>
    %mul3A_770 = arith.mulf %slice3A_768, %slice3A_769 : vector<16x128xf32>
    %reduce_sum3A_771 = arith.constant dense<0.000000e+00> : vector<128xf32>
    %reduce_sum3A_772 = vector.multi_reduction <add>, %mul3A_770, %reduce_sum3A_771 [0] : vector<16x128xf32> to vector<128xf32>
    %broadcast_in_dim3A_773 = vector.shape_cast %reduce_sum3A_772 : vector<128xf32> to vector<1x128xf32>
    %slice3A_774 = vector.extract_strided_slice %transpose3A {offsets = [80, 0], sizes = [16, 128], strides = [1, 1]} : vector<416x128xf32> to vector<16x128xf32>
    %slice3A_775 = vector.extract_strided_slice %transpose3A {offsets = [320, 0], sizes = [16, 128], strides = [1, 1]} : vector<416x128xf32> to vector<16x128xf32>
    %mul3A_776 = arith.mulf %slice3A_774, %slice3A_775 : vector<16x128xf32>
    %reduce_sum3A_777 = arith.constant dense<0.000000e+00> : vector<128xf32>
    %reduce_sum3A_778 = vector.multi_reduction <add>, %mul3A_776, %reduce_sum3A_777 [0] : vector<16x128xf32> to vector<128xf32>
    %broadcast_in_dim3A_779 = vector.shape_cast %reduce_sum3A_778 : vector<128xf32> to vector<1x128xf32>
    %slice3A_780 = vector.extract_strided_slice %transpose3A {offsets = [80, 0], sizes = [16, 128], strides = [1, 1]} : vector<416x128xf32> to vector<16x128xf32>
    %slice3A_781 = vector.extract_strided_slice %transpose3A {offsets = [336, 0], sizes = [16, 128], strides = [1, 1]} : vector<416x128xf32> to vector<16x128xf32>
    %mul3A_782 = arith.mulf %slice3A_780, %slice3A_781 : vector<16x128xf32>
    %reduce_sum3A_783 = arith.constant dense<0.000000e+00> : vector<128xf32>
    %reduce_sum3A_784 = vector.multi_reduction <add>, %mul3A_782, %reduce_sum3A_783 [0] : vector<16x128xf32> to vector<128xf32>
    %broadcast_in_dim3A_785 = vector.shape_cast %reduce_sum3A_784 : vector<128xf32> to vector<1x128xf32>
    %slice3A_786 = vector.extract_strided_slice %transpose3A {offsets = [80, 0], sizes = [16, 128], strides = [1, 1]} : vector<416x128xf32> to vector<16x128xf32>
    %slice3A_787 = vector.extract_strided_slice %transpose3A {offsets = [352, 0], sizes = [16, 128], strides = [1, 1]} : vector<416x128xf32> to vector<16x128xf32>
    %mul3A_788 = arith.mulf %slice3A_786, %slice3A_787 : vector<16x128xf32>
    %reduce_sum3A_789 = arith.constant dense<0.000000e+00> : vector<128xf32>
    %reduce_sum3A_790 = vector.multi_reduction <add>, %mul3A_788, %reduce_sum3A_789 [0] : vector<16x128xf32> to vector<128xf32>
    %broadcast_in_dim3A_791 = vector.shape_cast %reduce_sum3A_790 : vector<128xf32> to vector<1x128xf32>
    %slice3A_792 = vector.extract_strided_slice %transpose3A {offsets = [80, 0], sizes = [16, 128], strides = [1, 1]} : vector<416x128xf32> to vector<16x128xf32>
    %slice3A_793 = vector.extract_strided_slice %transpose3A {offsets = [368, 0], sizes = [16, 128], strides = [1, 1]} : vector<416x128xf32> to vector<16x128xf32>
    %mul3A_794 = arith.mulf %slice3A_792, %slice3A_793 : vector<16x128xf32>
    %reduce_sum3A_795 = arith.constant dense<0.000000e+00> : vector<128xf32>
    %reduce_sum3A_796 = vector.multi_reduction <add>, %mul3A_794, %reduce_sum3A_795 [0] : vector<16x128xf32> to vector<128xf32>
    %broadcast_in_dim3A_797 = vector.shape_cast %reduce_sum3A_796 : vector<128xf32> to vector<1x128xf32>
    %slice3A_798 = vector.extract_strided_slice %transpose3A {offsets = [80, 0], sizes = [16, 128], strides = [1, 1]} : vector<416x128xf32> to vector<16x128xf32>
    %slice3A_799 = vector.extract_strided_slice %transpose3A {offsets = [384, 0], sizes = [16, 128], strides = [1, 1]} : vector<416x128xf32> to vector<16x128xf32>
    %mul3A_800 = arith.mulf %slice3A_798, %slice3A_799 : vector<16x128xf32>
    %reduce_sum3A_801 = arith.constant dense<0.000000e+00> : vector<128xf32>
    %reduce_sum3A_802 = vector.multi_reduction <add>, %mul3A_800, %reduce_sum3A_801 [0] : vector<16x128xf32> to vector<128xf32>
    %broadcast_in_dim3A_803 = vector.shape_cast %reduce_sum3A_802 : vector<128xf32> to vector<1x128xf32>
    %slice3A_804 = vector.extract_strided_slice %transpose3A {offsets = [80, 0], sizes = [16, 128], strides = [1, 1]} : vector<416x128xf32> to vector<16x128xf32>
    %slice3A_805 = vector.extract_strided_slice %transpose3A {offsets = [400, 0], sizes = [16, 128], strides = [1, 1]} : vector<416x128xf32> to vector<16x128xf32>
    %mul3A_806 = arith.mulf %slice3A_804, %slice3A_805 : vector<16x128xf32>
    %reduce_sum3A_807 = arith.constant dense<0.000000e+00> : vector<128xf32>
    %reduce_sum3A_808 = vector.multi_reduction <add>, %mul3A_806, %reduce_sum3A_807 [0] : vector<16x128xf32> to vector<128xf32>
    %broadcast_in_dim3A_809 = vector.shape_cast %reduce_sum3A_808 : vector<128xf32> to vector<1x128xf32>
    %slice3A_810 = vector.extract_strided_slice %transpose3A {offsets = [96, 0], sizes = [16, 128], strides = [1, 1]} : vector<416x128xf32> to vector<16x128xf32>
    %slice3A_811 = vector.extract_strided_slice %transpose3A {offsets = [112, 0], sizes = [16, 128], strides = [1, 1]} : vector<416x128xf32> to vector<16x128xf32>
    %mul3A_812 = arith.mulf %slice3A_810, %slice3A_811 : vector<16x128xf32>
    %reduce_sum3A_813 = arith.constant dense<0.000000e+00> : vector<128xf32>
    %reduce_sum3A_814 = vector.multi_reduction <add>, %mul3A_812, %reduce_sum3A_813 [0] : vector<16x128xf32> to vector<128xf32>
    %broadcast_in_dim3A_815 = vector.shape_cast %reduce_sum3A_814 : vector<128xf32> to vector<1x128xf32>
    %slice3A_816 = vector.extract_strided_slice %transpose3A {offsets = [96, 0], sizes = [16, 128], strides = [1, 1]} : vector<416x128xf32> to vector<16x128xf32>
    %slice3A_817 = vector.extract_strided_slice %transpose3A {offsets = [128, 0], sizes = [16, 128], strides = [1, 1]} : vector<416x128xf32> to vector<16x128xf32>
    %mul3A_818 = arith.mulf %slice3A_816, %slice3A_817 : vector<16x128xf32>
    %reduce_sum3A_819 = arith.constant dense<0.000000e+00> : vector<128xf32>
    %reduce_sum3A_820 = vector.multi_reduction <add>, %mul3A_818, %reduce_sum3A_819 [0] : vector<16x128xf32> to vector<128xf32>
    %broadcast_in_dim3A_821 = vector.shape_cast %reduce_sum3A_820 : vector<128xf32> to vector<1x128xf32>
    %slice3A_822 = vector.extract_strided_slice %transpose3A {offsets = [96, 0], sizes = [16, 128], strides = [1, 1]} : vector<416x128xf32> to vector<16x128xf32>
    %slice3A_823 = vector.extract_strided_slice %transpose3A {offsets = [144, 0], sizes = [16, 128], strides = [1, 1]} : vector<416x128xf32> to vector<16x128xf32>
    %mul3A_824 = arith.mulf %slice3A_822, %slice3A_823 : vector<16x128xf32>
    %reduce_sum3A_825 = arith.constant dense<0.000000e+00> : vector<128xf32>
    %reduce_sum3A_826 = vector.multi_reduction <add>, %mul3A_824, %reduce_sum3A_825 [0] : vector<16x128xf32> to vector<128xf32>
    %broadcast_in_dim3A_827 = vector.shape_cast %reduce_sum3A_826 : vector<128xf32> to vector<1x128xf32>
    %slice3A_828 = vector.extract_strided_slice %transpose3A {offsets = [96, 0], sizes = [16, 128], strides = [1, 1]} : vector<416x128xf32> to vector<16x128xf32>
    %slice3A_829 = vector.extract_strided_slice %transpose3A {offsets = [160, 0], sizes = [16, 128], strides = [1, 1]} : vector<416x128xf32> to vector<16x128xf32>
    %mul3A_830 = arith.mulf %slice3A_828, %slice3A_829 : vector<16x128xf32>
    %reduce_sum3A_831 = arith.constant dense<0.000000e+00> : vector<128xf32>
    %reduce_sum3A_832 = vector.multi_reduction <add>, %mul3A_830, %reduce_sum3A_831 [0] : vector<16x128xf32> to vector<128xf32>
    %broadcast_in_dim3A_833 = vector.shape_cast %reduce_sum3A_832 : vector<128xf32> to vector<1x128xf32>
    %slice3A_834 = vector.extract_strided_slice %transpose3A {offsets = [96, 0], sizes = [16, 128], strides = [1, 1]} : vector<416x128xf32> to vector<16x128xf32>
    %slice3A_835 = vector.extract_strided_slice %transpose3A {offsets = [176, 0], sizes = [16, 128], strides = [1, 1]} : vector<416x128xf32> to vector<16x128xf32>
    %mul3A_836 = arith.mulf %slice3A_834, %slice3A_835 : vector<16x128xf32>
    %reduce_sum3A_837 = arith.constant dense<0.000000e+00> : vector<128xf32>
    %reduce_sum3A_838 = vector.multi_reduction <add>, %mul3A_836, %reduce_sum3A_837 [0] : vector<16x128xf32> to vector<128xf32>
    %broadcast_in_dim3A_839 = vector.shape_cast %reduce_sum3A_838 : vector<128xf32> to vector<1x128xf32>
    %slice3A_840 = vector.extract_strided_slice %transpose3A {offsets = [96, 0], sizes = [16, 128], strides = [1, 1]} : vector<416x128xf32> to vector<16x128xf32>
    %slice3A_841 = vector.extract_strided_slice %transpose3A {offsets = [192, 0], sizes = [16, 128], strides = [1, 1]} : vector<416x128xf32> to vector<16x128xf32>
    %mul3A_842 = arith.mulf %slice3A_840, %slice3A_841 : vector<16x128xf32>
    %reduce_sum3A_843 = arith.constant dense<0.000000e+00> : vector<128xf32>
    %reduce_sum3A_844 = vector.multi_reduction <add>, %mul3A_842, %reduce_sum3A_843 [0] : vector<16x128xf32> to vector<128xf32>
    %broadcast_in_dim3A_845 = vector.shape_cast %reduce_sum3A_844 : vector<128xf32> to vector<1x128xf32>
    %slice3A_846 = vector.extract_strided_slice %transpose3A {offsets = [96, 0], sizes = [16, 128], strides = [1, 1]} : vector<416x128xf32> to vector<16x128xf32>
    %slice3A_847 = vector.extract_strided_slice %transpose3A {offsets = [208, 0], sizes = [16, 128], strides = [1, 1]} : vector<416x128xf32> to vector<16x128xf32>
    %mul3A_848 = arith.mulf %slice3A_846, %slice3A_847 : vector<16x128xf32>
    %reduce_sum3A_849 = arith.constant dense<0.000000e+00> : vector<128xf32>
    %reduce_sum3A_850 = vector.multi_reduction <add>, %mul3A_848, %reduce_sum3A_849 [0] : vector<16x128xf32> to vector<128xf32>
    %broadcast_in_dim3A_851 = vector.shape_cast %reduce_sum3A_850 : vector<128xf32> to vector<1x128xf32>
    %slice3A_852 = vector.extract_strided_slice %transpose3A {offsets = [96, 0], sizes = [16, 128], strides = [1, 1]} : vector<416x128xf32> to vector<16x128xf32>
    %slice3A_853 = vector.extract_strided_slice %transpose3A {offsets = [224, 0], sizes = [16, 128], strides = [1, 1]} : vector<416x128xf32> to vector<16x128xf32>
    %mul3A_854 = arith.mulf %slice3A_852, %slice3A_853 : vector<16x128xf32>
    %reduce_sum3A_855 = arith.constant dense<0.000000e+00> : vector<128xf32>
    %reduce_sum3A_856 = vector.multi_reduction <add>, %mul3A_854, %reduce_sum3A_855 [0] : vector<16x128xf32> to vector<128xf32>
    %broadcast_in_dim3A_857 = vector.shape_cast %reduce_sum3A_856 : vector<128xf32> to vector<1x128xf32>
    %slice3A_858 = vector.extract_strided_slice %transpose3A {offsets = [96, 0], sizes = [16, 128], strides = [1, 1]} : vector<416x128xf32> to vector<16x128xf32>
    %slice3A_859 = vector.extract_strided_slice %transpose3A {offsets = [240, 0], sizes = [16, 128], strides = [1, 1]} : vector<416x128xf32> to vector<16x128xf32>
    %mul3A_860 = arith.mulf %slice3A_858, %slice3A_859 : vector<16x128xf32>
    %reduce_sum3A_861 = arith.constant dense<0.000000e+00> : vector<128xf32>
    %reduce_sum3A_862 = vector.multi_reduction <add>, %mul3A_860, %reduce_sum3A_861 [0] : vector<16x128xf32> to vector<128xf32>
    %broadcast_in_dim3A_863 = vector.shape_cast %reduce_sum3A_862 : vector<128xf32> to vector<1x128xf32>
    %slice3A_864 = vector.extract_strided_slice %transpose3A {offsets = [96, 0], sizes = [16, 128], strides = [1, 1]} : vector<416x128xf32> to vector<16x128xf32>
    %slice3A_865 = vector.extract_strided_slice %transpose3A {offsets = [256, 0], sizes = [16, 128], strides = [1, 1]} : vector<416x128xf32> to vector<16x128xf32>
    %mul3A_866 = arith.mulf %slice3A_864, %slice3A_865 : vector<16x128xf32>
    %reduce_sum3A_867 = arith.constant dense<0.000000e+00> : vector<128xf32>
    %reduce_sum3A_868 = vector.multi_reduction <add>, %mul3A_866, %reduce_sum3A_867 [0] : vector<16x128xf32> to vector<128xf32>
    %broadcast_in_dim3A_869 = vector.shape_cast %reduce_sum3A_868 : vector<128xf32> to vector<1x128xf32>
    %slice3A_870 = vector.extract_strided_slice %transpose3A {offsets = [96, 0], sizes = [16, 128], strides = [1, 1]} : vector<416x128xf32> to vector<16x128xf32>
    %slice3A_871 = vector.extract_strided_slice %transpose3A {offsets = [272, 0], sizes = [16, 128], strides = [1, 1]} : vector<416x128xf32> to vector<16x128xf32>
    %mul3A_872 = arith.mulf %slice3A_870, %slice3A_871 : vector<16x128xf32>
    %reduce_sum3A_873 = arith.constant dense<0.000000e+00> : vector<128xf32>
    %reduce_sum3A_874 = vector.multi_reduction <add>, %mul3A_872, %reduce_sum3A_873 [0] : vector<16x128xf32> to vector<128xf32>
    %broadcast_in_dim3A_875 = vector.shape_cast %reduce_sum3A_874 : vector<128xf32> to vector<1x128xf32>
    %slice3A_876 = vector.extract_strided_slice %transpose3A {offsets = [96, 0], sizes = [16, 128], strides = [1, 1]} : vector<416x128xf32> to vector<16x128xf32>
    %slice3A_877 = vector.extract_strided_slice %transpose3A {offsets = [288, 0], sizes = [16, 128], strides = [1, 1]} : vector<416x128xf32> to vector<16x128xf32>
    %mul3A_878 = arith.mulf %slice3A_876, %slice3A_877 : vector<16x128xf32>
    %reduce_sum3A_879 = arith.constant dense<0.000000e+00> : vector<128xf32>
    %reduce_sum3A_880 = vector.multi_reduction <add>, %mul3A_878, %reduce_sum3A_879 [0] : vector<16x128xf32> to vector<128xf32>
    %broadcast_in_dim3A_881 = vector.shape_cast %reduce_sum3A_880 : vector<128xf32> to vector<1x128xf32>
    %slice3A_882 = vector.extract_strided_slice %transpose3A {offsets = [96, 0], sizes = [16, 128], strides = [1, 1]} : vector<416x128xf32> to vector<16x128xf32>
    %slice3A_883 = vector.extract_strided_slice %transpose3A {offsets = [304, 0], sizes = [16, 128], strides = [1, 1]} : vector<416x128xf32> to vector<16x128xf32>
    %mul3A_884 = arith.mulf %slice3A_882, %slice3A_883 : vector<16x128xf32>
    %reduce_sum3A_885 = arith.constant dense<0.000000e+00> : vector<128xf32>
    %reduce_sum3A_886 = vector.multi_reduction <add>, %mul3A_884, %reduce_sum3A_885 [0] : vector<16x128xf32> to vector<128xf32>
    %broadcast_in_dim3A_887 = vector.shape_cast %reduce_sum3A_886 : vector<128xf32> to vector<1x128xf32>
    %slice3A_888 = vector.extract_strided_slice %transpose3A {offsets = [96, 0], sizes = [16, 128], strides = [1, 1]} : vector<416x128xf32> to vector<16x128xf32>
    %slice3A_889 = vector.extract_strided_slice %transpose3A {offsets = [320, 0], sizes = [16, 128], strides = [1, 1]} : vector<416x128xf32> to vector<16x128xf32>
    %mul3A_890 = arith.mulf %slice3A_888, %slice3A_889 : vector<16x128xf32>
    %reduce_sum3A_891 = arith.constant dense<0.000000e+00> : vector<128xf32>
    %reduce_sum3A_892 = vector.multi_reduction <add>, %mul3A_890, %reduce_sum3A_891 [0] : vector<16x128xf32> to vector<128xf32>
    %broadcast_in_dim3A_893 = vector.shape_cast %reduce_sum3A_892 : vector<128xf32> to vector<1x128xf32>
    %slice3A_894 = vector.extract_strided_slice %transpose3A {offsets = [96, 0], sizes = [16, 128], strides = [1, 1]} : vector<416x128xf32> to vector<16x128xf32>
    %slice3A_895 = vector.extract_strided_slice %transpose3A {offsets = [336, 0], sizes = [16, 128], strides = [1, 1]} : vector<416x128xf32> to vector<16x128xf32>
    %mul3A_896 = arith.mulf %slice3A_894, %slice3A_895 : vector<16x128xf32>
    %reduce_sum3A_897 = arith.constant dense<0.000000e+00> : vector<128xf32>
    %reduce_sum3A_898 = vector.multi_reduction <add>, %mul3A_896, %reduce_sum3A_897 [0] : vector<16x128xf32> to vector<128xf32>
    %broadcast_in_dim3A_899 = vector.shape_cast %reduce_sum3A_898 : vector<128xf32> to vector<1x128xf32>
    %slice3A_900 = vector.extract_strided_slice %transpose3A {offsets = [96, 0], sizes = [16, 128], strides = [1, 1]} : vector<416x128xf32> to vector<16x128xf32>
    %slice3A_901 = vector.extract_strided_slice %transpose3A {offsets = [352, 0], sizes = [16, 128], strides = [1, 1]} : vector<416x128xf32> to vector<16x128xf32>
    %mul3A_902 = arith.mulf %slice3A_900, %slice3A_901 : vector<16x128xf32>
    %reduce_sum3A_903 = arith.constant dense<0.000000e+00> : vector<128xf32>
    %reduce_sum3A_904 = vector.multi_reduction <add>, %mul3A_902, %reduce_sum3A_903 [0] : vector<16x128xf32> to vector<128xf32>
    %broadcast_in_dim3A_905 = vector.shape_cast %reduce_sum3A_904 : vector<128xf32> to vector<1x128xf32>
    %slice3A_906 = vector.extract_strided_slice %transpose3A {offsets = [96, 0], sizes = [16, 128], strides = [1, 1]} : vector<416x128xf32> to vector<16x128xf32>
    %slice3A_907 = vector.extract_strided_slice %transpose3A {offsets = [368, 0], sizes = [16, 128], strides = [1, 1]} : vector<416x128xf32> to vector<16x128xf32>
    %mul3A_908 = arith.mulf %slice3A_906, %slice3A_907 : vector<16x128xf32>
    %reduce_sum3A_909 = arith.constant dense<0.000000e+00> : vector<128xf32>
    %reduce_sum3A_910 = vector.multi_reduction <add>, %mul3A_908, %reduce_sum3A_909 [0] : vector<16x128xf32> to vector<128xf32>
    %broadcast_in_dim3A_911 = vector.shape_cast %reduce_sum3A_910 : vector<128xf32> to vector<1x128xf32>
    %slice3A_912 = vector.extract_strided_slice %transpose3A {offsets = [96, 0], sizes = [16, 128], strides = [1, 1]} : vector<416x128xf32> to vector<16x128xf32>
    %slice3A_913 = vector.extract_strided_slice %transpose3A {offsets = [384, 0], sizes = [16, 128], strides = [1, 1]} : vector<416x128xf32> to vector<16x128xf32>
    %mul3A_914 = arith.mulf %slice3A_912, %slice3A_913 : vector<16x128xf32>
    %reduce_sum3A_915 = arith.constant dense<0.000000e+00> : vector<128xf32>
    %reduce_sum3A_916 = vector.multi_reduction <add>, %mul3A_914, %reduce_sum3A_915 [0] : vector<16x128xf32> to vector<128xf32>
    %broadcast_in_dim3A_917 = vector.shape_cast %reduce_sum3A_916 : vector<128xf32> to vector<1x128xf32>
    %slice3A_918 = vector.extract_strided_slice %transpose3A {offsets = [96, 0], sizes = [16, 128], strides = [1, 1]} : vector<416x128xf32> to vector<16x128xf32>
    %slice3A_919 = vector.extract_strided_slice %transpose3A {offsets = [400, 0], sizes = [16, 128], strides = [1, 1]} : vector<416x128xf32> to vector<16x128xf32>
    %mul3A_920 = arith.mulf %slice3A_918, %slice3A_919 : vector<16x128xf32>
    %reduce_sum3A_921 = arith.constant dense<0.000000e+00> : vector<128xf32>
    %reduce_sum3A_922 = vector.multi_reduction <add>, %mul3A_920, %reduce_sum3A_921 [0] : vector<16x128xf32> to vector<128xf32>
    %broadcast_in_dim3A_923 = vector.shape_cast %reduce_sum3A_922 : vector<128xf32> to vector<1x128xf32>
    %slice3A_924 = vector.extract_strided_slice %transpose3A {offsets = [112, 0], sizes = [16, 128], strides = [1, 1]} : vector<416x128xf32> to vector<16x128xf32>
    %slice3A_925 = vector.extract_strided_slice %transpose3A {offsets = [128, 0], sizes = [16, 128], strides = [1, 1]} : vector<416x128xf32> to vector<16x128xf32>
    %mul3A_926 = arith.mulf %slice3A_924, %slice3A_925 : vector<16x128xf32>
    %reduce_sum3A_927 = arith.constant dense<0.000000e+00> : vector<128xf32>
    %reduce_sum3A_928 = vector.multi_reduction <add>, %mul3A_926, %reduce_sum3A_927 [0] : vector<16x128xf32> to vector<128xf32>
    %broadcast_in_dim3A_929 = vector.shape_cast %reduce_sum3A_928 : vector<128xf32> to vector<1x128xf32>
    %slice3A_930 = vector.extract_strided_slice %transpose3A {offsets = [112, 0], sizes = [16, 128], strides = [1, 1]} : vector<416x128xf32> to vector<16x128xf32>
    %slice3A_931 = vector.extract_strided_slice %transpose3A {offsets = [144, 0], sizes = [16, 128], strides = [1, 1]} : vector<416x128xf32> to vector<16x128xf32>
    %mul3A_932 = arith.mulf %slice3A_930, %slice3A_931 : vector<16x128xf32>
    %reduce_sum3A_933 = arith.constant dense<0.000000e+00> : vector<128xf32>
    %reduce_sum3A_934 = vector.multi_reduction <add>, %mul3A_932, %reduce_sum3A_933 [0] : vector<16x128xf32> to vector<128xf32>
    %broadcast_in_dim3A_935 = vector.shape_cast %reduce_sum3A_934 : vector<128xf32> to vector<1x128xf32>
    %slice3A_936 = vector.extract_strided_slice %transpose3A {offsets = [112, 0], sizes = [16, 128], strides = [1, 1]} : vector<416x128xf32> to vector<16x128xf32>
    %slice3A_937 = vector.extract_strided_slice %transpose3A {offsets = [160, 0], sizes = [16, 128], strides = [1, 1]} : vector<416x128xf32> to vector<16x128xf32>
    %mul3A_938 = arith.mulf %slice3A_936, %slice3A_937 : vector<16x128xf32>
    %reduce_sum3A_939 = arith.constant dense<0.000000e+00> : vector<128xf32>
    %reduce_sum3A_940 = vector.multi_reduction <add>, %mul3A_938, %reduce_sum3A_939 [0] : vector<16x128xf32> to vector<128xf32>
    %broadcast_in_dim3A_941 = vector.shape_cast %reduce_sum3A_940 : vector<128xf32> to vector<1x128xf32>
    %slice3A_942 = vector.extract_strided_slice %transpose3A {offsets = [112, 0], sizes = [16, 128], strides = [1, 1]} : vector<416x128xf32> to vector<16x128xf32>
    %slice3A_943 = vector.extract_strided_slice %transpose3A {offsets = [176, 0], sizes = [16, 128], strides = [1, 1]} : vector<416x128xf32> to vector<16x128xf32>
    %mul3A_944 = arith.mulf %slice3A_942, %slice3A_943 : vector<16x128xf32>
    %reduce_sum3A_945 = arith.constant dense<0.000000e+00> : vector<128xf32>
    %reduce_sum3A_946 = vector.multi_reduction <add>, %mul3A_944, %reduce_sum3A_945 [0] : vector<16x128xf32> to vector<128xf32>
    %broadcast_in_dim3A_947 = vector.shape_cast %reduce_sum3A_946 : vector<128xf32> to vector<1x128xf32>
    %slice3A_948 = vector.extract_strided_slice %transpose3A {offsets = [112, 0], sizes = [16, 128], strides = [1, 1]} : vector<416x128xf32> to vector<16x128xf32>
    %slice3A_949 = vector.extract_strided_slice %transpose3A {offsets = [192, 0], sizes = [16, 128], strides = [1, 1]} : vector<416x128xf32> to vector<16x128xf32>
    %mul3A_950 = arith.mulf %slice3A_948, %slice3A_949 : vector<16x128xf32>
    %reduce_sum3A_951 = arith.constant dense<0.000000e+00> : vector<128xf32>
    %reduce_sum3A_952 = vector.multi_reduction <add>, %mul3A_950, %reduce_sum3A_951 [0] : vector<16x128xf32> to vector<128xf32>
    %broadcast_in_dim3A_953 = vector.shape_cast %reduce_sum3A_952 : vector<128xf32> to vector<1x128xf32>
    %slice3A_954 = vector.extract_strided_slice %transpose3A {offsets = [112, 0], sizes = [16, 128], strides = [1, 1]} : vector<416x128xf32> to vector<16x128xf32>
    %slice3A_955 = vector.extract_strided_slice %transpose3A {offsets = [208, 0], sizes = [16, 128], strides = [1, 1]} : vector<416x128xf32> to vector<16x128xf32>
    %mul3A_956 = arith.mulf %slice3A_954, %slice3A_955 : vector<16x128xf32>
    %reduce_sum3A_957 = arith.constant dense<0.000000e+00> : vector<128xf32>
    %reduce_sum3A_958 = vector.multi_reduction <add>, %mul3A_956, %reduce_sum3A_957 [0] : vector<16x128xf32> to vector<128xf32>
    %broadcast_in_dim3A_959 = vector.shape_cast %reduce_sum3A_958 : vector<128xf32> to vector<1x128xf32>
    %slice3A_960 = vector.extract_strided_slice %transpose3A {offsets = [112, 0], sizes = [16, 128], strides = [1, 1]} : vector<416x128xf32> to vector<16x128xf32>
    %slice3A_961 = vector.extract_strided_slice %transpose3A {offsets = [224, 0], sizes = [16, 128], strides = [1, 1]} : vector<416x128xf32> to vector<16x128xf32>
    %mul3A_962 = arith.mulf %slice3A_960, %slice3A_961 : vector<16x128xf32>
    %reduce_sum3A_963 = arith.constant dense<0.000000e+00> : vector<128xf32>
    %reduce_sum3A_964 = vector.multi_reduction <add>, %mul3A_962, %reduce_sum3A_963 [0] : vector<16x128xf32> to vector<128xf32>
    %broadcast_in_dim3A_965 = vector.shape_cast %reduce_sum3A_964 : vector<128xf32> to vector<1x128xf32>
    %slice3A_966 = vector.extract_strided_slice %transpose3A {offsets = [112, 0], sizes = [16, 128], strides = [1, 1]} : vector<416x128xf32> to vector<16x128xf32>
    %slice3A_967 = vector.extract_strided_slice %transpose3A {offsets = [240, 0], sizes = [16, 128], strides = [1, 1]} : vector<416x128xf32> to vector<16x128xf32>
    %mul3A_968 = arith.mulf %slice3A_966, %slice3A_967 : vector<16x128xf32>
    %reduce_sum3A_969 = arith.constant dense<0.000000e+00> : vector<128xf32>
    %reduce_sum3A_970 = vector.multi_reduction <add>, %mul3A_968, %reduce_sum3A_969 [0] : vector<16x128xf32> to vector<128xf32>
    %broadcast_in_dim3A_971 = vector.shape_cast %reduce_sum3A_970 : vector<128xf32> to vector<1x128xf32>
    %slice3A_972 = vector.extract_strided_slice %transpose3A {offsets = [112, 0], sizes = [16, 128], strides = [1, 1]} : vector<416x128xf32> to vector<16x128xf32>
    %slice3A_973 = vector.extract_strided_slice %transpose3A {offsets = [256, 0], sizes = [16, 128], strides = [1, 1]} : vector<416x128xf32> to vector<16x128xf32>
    %mul3A_974 = arith.mulf %slice3A_972, %slice3A_973 : vector<16x128xf32>
    %reduce_sum3A_975 = arith.constant dense<0.000000e+00> : vector<128xf32>
    %reduce_sum3A_976 = vector.multi_reduction <add>, %mul3A_974, %reduce_sum3A_975 [0] : vector<16x128xf32> to vector<128xf32>
    %broadcast_in_dim3A_977 = vector.shape_cast %reduce_sum3A_976 : vector<128xf32> to vector<1x128xf32>
    %slice3A_978 = vector.extract_strided_slice %transpose3A {offsets = [112, 0], sizes = [16, 128], strides = [1, 1]} : vector<416x128xf32> to vector<16x128xf32>
    %slice3A_979 = vector.extract_strided_slice %transpose3A {offsets = [272, 0], sizes = [16, 128], strides = [1, 1]} : vector<416x128xf32> to vector<16x128xf32>
    %mul3A_980 = arith.mulf %slice3A_978, %slice3A_979 : vector<16x128xf32>
    %reduce_sum3A_981 = arith.constant dense<0.000000e+00> : vector<128xf32>
    %reduce_sum3A_982 = vector.multi_reduction <add>, %mul3A_980, %reduce_sum3A_981 [0] : vector<16x128xf32> to vector<128xf32>
    %broadcast_in_dim3A_983 = vector.shape_cast %reduce_sum3A_982 : vector<128xf32> to vector<1x128xf32>
    %slice3A_984 = vector.extract_strided_slice %transpose3A {offsets = [112, 0], sizes = [16, 128], strides = [1, 1]} : vector<416x128xf32> to vector<16x128xf32>
    %slice3A_985 = vector.extract_strided_slice %transpose3A {offsets = [288, 0], sizes = [16, 128], strides = [1, 1]} : vector<416x128xf32> to vector<16x128xf32>
    %mul3A_986 = arith.mulf %slice3A_984, %slice3A_985 : vector<16x128xf32>
    %reduce_sum3A_987 = arith.constant dense<0.000000e+00> : vector<128xf32>
    %reduce_sum3A_988 = vector.multi_reduction <add>, %mul3A_986, %reduce_sum3A_987 [0] : vector<16x128xf32> to vector<128xf32>
    %broadcast_in_dim3A_989 = vector.shape_cast %reduce_sum3A_988 : vector<128xf32> to vector<1x128xf32>
    %slice3A_990 = vector.extract_strided_slice %transpose3A {offsets = [112, 0], sizes = [16, 128], strides = [1, 1]} : vector<416x128xf32> to vector<16x128xf32>
    %slice3A_991 = vector.extract_strided_slice %transpose3A {offsets = [304, 0], sizes = [16, 128], strides = [1, 1]} : vector<416x128xf32> to vector<16x128xf32>
    %mul3A_992 = arith.mulf %slice3A_990, %slice3A_991 : vector<16x128xf32>
    %reduce_sum3A_993 = arith.constant dense<0.000000e+00> : vector<128xf32>
    %reduce_sum3A_994 = vector.multi_reduction <add>, %mul3A_992, %reduce_sum3A_993 [0] : vector<16x128xf32> to vector<128xf32>
    %broadcast_in_dim3A_995 = vector.shape_cast %reduce_sum3A_994 : vector<128xf32> to vector<1x128xf32>
    %slice3A_996 = vector.extract_strided_slice %transpose3A {offsets = [112, 0], sizes = [16, 128], strides = [1, 1]} : vector<416x128xf32> to vector<16x128xf32>
    %slice3A_997 = vector.extract_strided_slice %transpose3A {offsets = [320, 0], sizes = [16, 128], strides = [1, 1]} : vector<416x128xf32> to vector<16x128xf32>
    %mul3A_998 = arith.mulf %slice3A_996, %slice3A_997 : vector<16x128xf32>
    %reduce_sum3A_999 = arith.constant dense<0.000000e+00> : vector<128xf32>
    %reduce_sum3A_1000 = vector.multi_reduction <add>, %mul3A_998, %reduce_sum3A_999 [0] : vector<16x128xf32> to vector<128xf32>
    %broadcast_in_dim3A_1001 = vector.shape_cast %reduce_sum3A_1000 : vector<128xf32> to vector<1x128xf32>
    %slice3A_1002 = vector.extract_strided_slice %transpose3A {offsets = [112, 0], sizes = [16, 128], strides = [1, 1]} : vector<416x128xf32> to vector<16x128xf32>
    %slice3A_1003 = vector.extract_strided_slice %transpose3A {offsets = [336, 0], sizes = [16, 128], strides = [1, 1]} : vector<416x128xf32> to vector<16x128xf32>
    %mul3A_1004 = arith.mulf %slice3A_1002, %slice3A_1003 : vector<16x128xf32>
    %reduce_sum3A_1005 = arith.constant dense<0.000000e+00> : vector<128xf32>
    %reduce_sum3A_1006 = vector.multi_reduction <add>, %mul3A_1004, %reduce_sum3A_1005 [0] : vector<16x128xf32> to vector<128xf32>
    %broadcast_in_dim3A_1007 = vector.shape_cast %reduce_sum3A_1006 : vector<128xf32> to vector<1x128xf32>
    %slice3A_1008 = vector.extract_strided_slice %transpose3A {offsets = [112, 0], sizes = [16, 128], strides = [1, 1]} : vector<416x128xf32> to vector<16x128xf32>
    %slice3A_1009 = vector.extract_strided_slice %transpose3A {offsets = [352, 0], sizes = [16, 128], strides = [1, 1]} : vector<416x128xf32> to vector<16x128xf32>
    %mul3A_1010 = arith.mulf %slice3A_1008, %slice3A_1009 : vector<16x128xf32>
    %reduce_sum3A_1011 = arith.constant dense<0.000000e+00> : vector<128xf32>
    %reduce_sum3A_1012 = vector.multi_reduction <add>, %mul3A_1010, %reduce_sum3A_1011 [0] : vector<16x128xf32> to vector<128xf32>
    %broadcast_in_dim3A_1013 = vector.shape_cast %reduce_sum3A_1012 : vector<128xf32> to vector<1x128xf32>
    %slice3A_1014 = vector.extract_strided_slice %transpose3A {offsets = [112, 0], sizes = [16, 128], strides = [1, 1]} : vector<416x128xf32> to vector<16x128xf32>
    %slice3A_1015 = vector.extract_strided_slice %transpose3A {offsets = [368, 0], sizes = [16, 128], strides = [1, 1]} : vector<416x128xf32> to vector<16x128xf32>
    %mul3A_1016 = arith.mulf %slice3A_1014, %slice3A_1015 : vector<16x128xf32>
    %reduce_sum3A_1017 = arith.constant dense<0.000000e+00> : vector<128xf32>
    %reduce_sum3A_1018 = vector.multi_reduction <add>, %mul3A_1016, %reduce_sum3A_1017 [0] : vector<16x128xf32> to vector<128xf32>
    %broadcast_in_dim3A_1019 = vector.shape_cast %reduce_sum3A_1018 : vector<128xf32> to vector<1x128xf32>
    %slice3A_1020 = vector.extract_strided_slice %transpose3A {offsets = [112, 0], sizes = [16, 128], strides = [1, 1]} : vector<416x128xf32> to vector<16x128xf32>
    %slice3A_1021 = vector.extract_strided_slice %transpose3A {offsets = [384, 0], sizes = [16, 128], strides = [1, 1]} : vector<416x128xf32> to vector<16x128xf32>
    %mul3A_1022 = arith.mulf %slice3A_1020, %slice3A_1021 : vector<16x128xf32>
    %reduce_sum3A_1023 = arith.constant dense<0.000000e+00> : vector<128xf32>
    %reduce_sum3A_1024 = vector.multi_reduction <add>, %mul3A_1022, %reduce_sum3A_1023 [0] : vector<16x128xf32> to vector<128xf32>
    %broadcast_in_dim3A_1025 = vector.shape_cast %reduce_sum3A_1024 : vector<128xf32> to vector<1x128xf32>
    %slice3A_1026 = vector.extract_strided_slice %transpose3A {offsets = [112, 0], sizes = [16, 128], strides = [1, 1]} : vector<416x128xf32> to vector<16x128xf32>
    %slice3A_1027 = vector.extract_strided_slice %transpose3A {offsets = [400, 0], sizes = [16, 128], strides = [1, 1]} : vector<416x128xf32> to vector<16x128xf32>
    %mul3A_1028 = arith.mulf %slice3A_1026, %slice3A_1027 : vector<16x128xf32>
    %reduce_sum3A_1029 = arith.constant dense<0.000000e+00> : vector<128xf32>
    %reduce_sum3A_1030 = vector.multi_reduction <add>, %mul3A_1028, %reduce_sum3A_1029 [0] : vector<16x128xf32> to vector<128xf32>
    %broadcast_in_dim3A_1031 = vector.shape_cast %reduce_sum3A_1030 : vector<128xf32> to vector<1x128xf32>
    %slice3A_1032 = vector.extract_strided_slice %transpose3A {offsets = [128, 0], sizes = [16, 128], strides = [1, 1]} : vector<416x128xf32> to vector<16x128xf32>
    %slice3A_1033 = vector.extract_strided_slice %transpose3A {offsets = [144, 0], sizes = [16, 128], strides = [1, 1]} : vector<416x128xf32> to vector<16x128xf32>
    %mul3A_1034 = arith.mulf %slice3A_1032, %slice3A_1033 : vector<16x128xf32>
    %reduce_sum3A_1035 = arith.constant dense<0.000000e+00> : vector<128xf32>
    %reduce_sum3A_1036 = vector.multi_reduction <add>, %mul3A_1034, %reduce_sum3A_1035 [0] : vector<16x128xf32> to vector<128xf32>
    %broadcast_in_dim3A_1037 = vector.shape_cast %reduce_sum3A_1036 : vector<128xf32> to vector<1x128xf32>
    %slice3A_1038 = vector.extract_strided_slice %transpose3A {offsets = [128, 0], sizes = [16, 128], strides = [1, 1]} : vector<416x128xf32> to vector<16x128xf32>
    %slice3A_1039 = vector.extract_strided_slice %transpose3A {offsets = [160, 0], sizes = [16, 128], strides = [1, 1]} : vector<416x128xf32> to vector<16x128xf32>
    %mul3A_1040 = arith.mulf %slice3A_1038, %slice3A_1039 : vector<16x128xf32>
    %reduce_sum3A_1041 = arith.constant dense<0.000000e+00> : vector<128xf32>
    %reduce_sum3A_1042 = vector.multi_reduction <add>, %mul3A_1040, %reduce_sum3A_1041 [0] : vector<16x128xf32> to vector<128xf32>
    %broadcast_in_dim3A_1043 = vector.shape_cast %reduce_sum3A_1042 : vector<128xf32> to vector<1x128xf32>
    %slice3A_1044 = vector.extract_strided_slice %transpose3A {offsets = [128, 0], sizes = [16, 128], strides = [1, 1]} : vector<416x128xf32> to vector<16x128xf32>
    %slice3A_1045 = vector.extract_strided_slice %transpose3A {offsets = [176, 0], sizes = [16, 128], strides = [1, 1]} : vector<416x128xf32> to vector<16x128xf32>
    %mul3A_1046 = arith.mulf %slice3A_1044, %slice3A_1045 : vector<16x128xf32>
    %reduce_sum3A_1047 = arith.constant dense<0.000000e+00> : vector<128xf32>
    %reduce_sum3A_1048 = vector.multi_reduction <add>, %mul3A_1046, %reduce_sum3A_1047 [0] : vector<16x128xf32> to vector<128xf32>
    %broadcast_in_dim3A_1049 = vector.shape_cast %reduce_sum3A_1048 : vector<128xf32> to vector<1x128xf32>
    %slice3A_1050 = vector.extract_strided_slice %transpose3A {offsets = [128, 0], sizes = [16, 128], strides = [1, 1]} : vector<416x128xf32> to vector<16x128xf32>
    %slice3A_1051 = vector.extract_strided_slice %transpose3A {offsets = [192, 0], sizes = [16, 128], strides = [1, 1]} : vector<416x128xf32> to vector<16x128xf32>
    %mul3A_1052 = arith.mulf %slice3A_1050, %slice3A_1051 : vector<16x128xf32>
    %reduce_sum3A_1053 = arith.constant dense<0.000000e+00> : vector<128xf32>
    %reduce_sum3A_1054 = vector.multi_reduction <add>, %mul3A_1052, %reduce_sum3A_1053 [0] : vector<16x128xf32> to vector<128xf32>
    %broadcast_in_dim3A_1055 = vector.shape_cast %reduce_sum3A_1054 : vector<128xf32> to vector<1x128xf32>
    %slice3A_1056 = vector.extract_strided_slice %transpose3A {offsets = [128, 0], sizes = [16, 128], strides = [1, 1]} : vector<416x128xf32> to vector<16x128xf32>
    %slice3A_1057 = vector.extract_strided_slice %transpose3A {offsets = [208, 0], sizes = [16, 128], strides = [1, 1]} : vector<416x128xf32> to vector<16x128xf32>
    %mul3A_1058 = arith.mulf %slice3A_1056, %slice3A_1057 : vector<16x128xf32>
    %reduce_sum3A_1059 = arith.constant dense<0.000000e+00> : vector<128xf32>
    %reduce_sum3A_1060 = vector.multi_reduction <add>, %mul3A_1058, %reduce_sum3A_1059 [0] : vector<16x128xf32> to vector<128xf32>
    %broadcast_in_dim3A_1061 = vector.shape_cast %reduce_sum3A_1060 : vector<128xf32> to vector<1x128xf32>
    %slice3A_1062 = vector.extract_strided_slice %transpose3A {offsets = [128, 0], sizes = [16, 128], strides = [1, 1]} : vector<416x128xf32> to vector<16x128xf32>
    %slice3A_1063 = vector.extract_strided_slice %transpose3A {offsets = [224, 0], sizes = [16, 128], strides = [1, 1]} : vector<416x128xf32> to vector<16x128xf32>
    %mul3A_1064 = arith.mulf %slice3A_1062, %slice3A_1063 : vector<16x128xf32>
    %reduce_sum3A_1065 = arith.constant dense<0.000000e+00> : vector<128xf32>
    %reduce_sum3A_1066 = vector.multi_reduction <add>, %mul3A_1064, %reduce_sum3A_1065 [0] : vector<16x128xf32> to vector<128xf32>
    %broadcast_in_dim3A_1067 = vector.shape_cast %reduce_sum3A_1066 : vector<128xf32> to vector<1x128xf32>
    %slice3A_1068 = vector.extract_strided_slice %transpose3A {offsets = [128, 0], sizes = [16, 128], strides = [1, 1]} : vector<416x128xf32> to vector<16x128xf32>
    %slice3A_1069 = vector.extract_strided_slice %transpose3A {offsets = [240, 0], sizes = [16, 128], strides = [1, 1]} : vector<416x128xf32> to vector<16x128xf32>
    %mul3A_1070 = arith.mulf %slice3A_1068, %slice3A_1069 : vector<16x128xf32>
    %reduce_sum3A_1071 = arith.constant dense<0.000000e+00> : vector<128xf32>
    %reduce_sum3A_1072 = vector.multi_reduction <add>, %mul3A_1070, %reduce_sum3A_1071 [0] : vector<16x128xf32> to vector<128xf32>
    %broadcast_in_dim3A_1073 = vector.shape_cast %reduce_sum3A_1072 : vector<128xf32> to vector<1x128xf32>
    %slice3A_1074 = vector.extract_strided_slice %transpose3A {offsets = [128, 0], sizes = [16, 128], strides = [1, 1]} : vector<416x128xf32> to vector<16x128xf32>
    %slice3A_1075 = vector.extract_strided_slice %transpose3A {offsets = [256, 0], sizes = [16, 128], strides = [1, 1]} : vector<416x128xf32> to vector<16x128xf32>
    %mul3A_1076 = arith.mulf %slice3A_1074, %slice3A_1075 : vector<16x128xf32>
    %reduce_sum3A_1077 = arith.constant dense<0.000000e+00> : vector<128xf32>
    %reduce_sum3A_1078 = vector.multi_reduction <add>, %mul3A_1076, %reduce_sum3A_1077 [0] : vector<16x128xf32> to vector<128xf32>
    %broadcast_in_dim3A_1079 = vector.shape_cast %reduce_sum3A_1078 : vector<128xf32> to vector<1x128xf32>
    %slice3A_1080 = vector.extract_strided_slice %transpose3A {offsets = [128, 0], sizes = [16, 128], strides = [1, 1]} : vector<416x128xf32> to vector<16x128xf32>
    %slice3A_1081 = vector.extract_strided_slice %transpose3A {offsets = [272, 0], sizes = [16, 128], strides = [1, 1]} : vector<416x128xf32> to vector<16x128xf32>
    %mul3A_1082 = arith.mulf %slice3A_1080, %slice3A_1081 : vector<16x128xf32>
    %reduce_sum3A_1083 = arith.constant dense<0.000000e+00> : vector<128xf32>
    %reduce_sum3A_1084 = vector.multi_reduction <add>, %mul3A_1082, %reduce_sum3A_1083 [0] : vector<16x128xf32> to vector<128xf32>
    %broadcast_in_dim3A_1085 = vector.shape_cast %reduce_sum3A_1084 : vector<128xf32> to vector<1x128xf32>
    %slice3A_1086 = vector.extract_strided_slice %transpose3A {offsets = [128, 0], sizes = [16, 128], strides = [1, 1]} : vector<416x128xf32> to vector<16x128xf32>
    %slice3A_1087 = vector.extract_strided_slice %transpose3A {offsets = [288, 0], sizes = [16, 128], strides = [1, 1]} : vector<416x128xf32> to vector<16x128xf32>
    %mul3A_1088 = arith.mulf %slice3A_1086, %slice3A_1087 : vector<16x128xf32>
    %reduce_sum3A_1089 = arith.constant dense<0.000000e+00> : vector<128xf32>
    %reduce_sum3A_1090 = vector.multi_reduction <add>, %mul3A_1088, %reduce_sum3A_1089 [0] : vector<16x128xf32> to vector<128xf32>
    %broadcast_in_dim3A_1091 = vector.shape_cast %reduce_sum3A_1090 : vector<128xf32> to vector<1x128xf32>
    %slice3A_1092 = vector.extract_strided_slice %transpose3A {offsets = [128, 0], sizes = [16, 128], strides = [1, 1]} : vector<416x128xf32> to vector<16x128xf32>
    %slice3A_1093 = vector.extract_strided_slice %transpose3A {offsets = [304, 0], sizes = [16, 128], strides = [1, 1]} : vector<416x128xf32> to vector<16x128xf32>
    %mul3A_1094 = arith.mulf %slice3A_1092, %slice3A_1093 : vector<16x128xf32>
    %reduce_sum3A_1095 = arith.constant dense<0.000000e+00> : vector<128xf32>
    %reduce_sum3A_1096 = vector.multi_reduction <add>, %mul3A_1094, %reduce_sum3A_1095 [0] : vector<16x128xf32> to vector<128xf32>
    %broadcast_in_dim3A_1097 = vector.shape_cast %reduce_sum3A_1096 : vector<128xf32> to vector<1x128xf32>
    %slice3A_1098 = vector.extract_strided_slice %transpose3A {offsets = [128, 0], sizes = [16, 128], strides = [1, 1]} : vector<416x128xf32> to vector<16x128xf32>
    %slice3A_1099 = vector.extract_strided_slice %transpose3A {offsets = [320, 0], sizes = [16, 128], strides = [1, 1]} : vector<416x128xf32> to vector<16x128xf32>
    %mul3A_1100 = arith.mulf %slice3A_1098, %slice3A_1099 : vector<16x128xf32>
    %reduce_sum3A_1101 = arith.constant dense<0.000000e+00> : vector<128xf32>
    %reduce_sum3A_1102 = vector.multi_reduction <add>, %mul3A_1100, %reduce_sum3A_1101 [0] : vector<16x128xf32> to vector<128xf32>
    %broadcast_in_dim3A_1103 = vector.shape_cast %reduce_sum3A_1102 : vector<128xf32> to vector<1x128xf32>
    %slice3A_1104 = vector.extract_strided_slice %transpose3A {offsets = [128, 0], sizes = [16, 128], strides = [1, 1]} : vector<416x128xf32> to vector<16x128xf32>
    %slice3A_1105 = vector.extract_strided_slice %transpose3A {offsets = [336, 0], sizes = [16, 128], strides = [1, 1]} : vector<416x128xf32> to vector<16x128xf32>
    %mul3A_1106 = arith.mulf %slice3A_1104, %slice3A_1105 : vector<16x128xf32>
    %reduce_sum3A_1107 = arith.constant dense<0.000000e+00> : vector<128xf32>
    %reduce_sum3A_1108 = vector.multi_reduction <add>, %mul3A_1106, %reduce_sum3A_1107 [0] : vector<16x128xf32> to vector<128xf32>
    %broadcast_in_dim3A_1109 = vector.shape_cast %reduce_sum3A_1108 : vector<128xf32> to vector<1x128xf32>
    %slice3A_1110 = vector.extract_strided_slice %transpose3A {offsets = [128, 0], sizes = [16, 128], strides = [1, 1]} : vector<416x128xf32> to vector<16x128xf32>
    %slice3A_1111 = vector.extract_strided_slice %transpose3A {offsets = [352, 0], sizes = [16, 128], strides = [1, 1]} : vector<416x128xf32> to vector<16x128xf32>
    %mul3A_1112 = arith.mulf %slice3A_1110, %slice3A_1111 : vector<16x128xf32>
    %reduce_sum3A_1113 = arith.constant dense<0.000000e+00> : vector<128xf32>
    %reduce_sum3A_1114 = vector.multi_reduction <add>, %mul3A_1112, %reduce_sum3A_1113 [0] : vector<16x128xf32> to vector<128xf32>
    %broadcast_in_dim3A_1115 = vector.shape_cast %reduce_sum3A_1114 : vector<128xf32> to vector<1x128xf32>
    %slice3A_1116 = vector.extract_strided_slice %transpose3A {offsets = [128, 0], sizes = [16, 128], strides = [1, 1]} : vector<416x128xf32> to vector<16x128xf32>
    %slice3A_1117 = vector.extract_strided_slice %transpose3A {offsets = [368, 0], sizes = [16, 128], strides = [1, 1]} : vector<416x128xf32> to vector<16x128xf32>
    %mul3A_1118 = arith.mulf %slice3A_1116, %slice3A_1117 : vector<16x128xf32>
    %reduce_sum3A_1119 = arith.constant dense<0.000000e+00> : vector<128xf32>
    %reduce_sum3A_1120 = vector.multi_reduction <add>, %mul3A_1118, %reduce_sum3A_1119 [0] : vector<16x128xf32> to vector<128xf32>
    %broadcast_in_dim3A_1121 = vector.shape_cast %reduce_sum3A_1120 : vector<128xf32> to vector<1x128xf32>
    %slice3A_1122 = vector.extract_strided_slice %transpose3A {offsets = [128, 0], sizes = [16, 128], strides = [1, 1]} : vector<416x128xf32> to vector<16x128xf32>
    %slice3A_1123 = vector.extract_strided_slice %transpose3A {offsets = [384, 0], sizes = [16, 128], strides = [1, 1]} : vector<416x128xf32> to vector<16x128xf32>
    %mul3A_1124 = arith.mulf %slice3A_1122, %slice3A_1123 : vector<16x128xf32>
    %reduce_sum3A_1125 = arith.constant dense<0.000000e+00> : vector<128xf32>
    %reduce_sum3A_1126 = vector.multi_reduction <add>, %mul3A_1124, %reduce_sum3A_1125 [0] : vector<16x128xf32> to vector<128xf32>
    %broadcast_in_dim3A_1127 = vector.shape_cast %reduce_sum3A_1126 : vector<128xf32> to vector<1x128xf32>
    %slice3A_1128 = vector.extract_strided_slice %transpose3A {offsets = [128, 0], sizes = [16, 128], strides = [1, 1]} : vector<416x128xf32> to vector<16x128xf32>
    %slice3A_1129 = vector.extract_strided_slice %transpose3A {offsets = [400, 0], sizes = [16, 128], strides = [1, 1]} : vector<416x128xf32> to vector<16x128xf32>
    %mul3A_1130 = arith.mulf %slice3A_1128, %slice3A_1129 : vector<16x128xf32>
    %reduce_sum3A_1131 = arith.constant dense<0.000000e+00> : vector<128xf32>
    %reduce_sum3A_1132 = vector.multi_reduction <add>, %mul3A_1130, %reduce_sum3A_1131 [0] : vector<16x128xf32> to vector<128xf32>
    %broadcast_in_dim3A_1133 = vector.shape_cast %reduce_sum3A_1132 : vector<128xf32> to vector<1x128xf32>
    %slice3A_1134 = vector.extract_strided_slice %transpose3A {offsets = [144, 0], sizes = [16, 128], strides = [1, 1]} : vector<416x128xf32> to vector<16x128xf32>
    %slice3A_1135 = vector.extract_strided_slice %transpose3A {offsets = [160, 0], sizes = [16, 128], strides = [1, 1]} : vector<416x128xf32> to vector<16x128xf32>
    %mul3A_1136 = arith.mulf %slice3A_1134, %slice3A_1135 : vector<16x128xf32>
    %reduce_sum3A_1137 = arith.constant dense<0.000000e+00> : vector<128xf32>
    %reduce_sum3A_1138 = vector.multi_reduction <add>, %mul3A_1136, %reduce_sum3A_1137 [0] : vector<16x128xf32> to vector<128xf32>
    %broadcast_in_dim3A_1139 = vector.shape_cast %reduce_sum3A_1138 : vector<128xf32> to vector<1x128xf32>
    %slice3A_1140 = vector.extract_strided_slice %transpose3A {offsets = [144, 0], sizes = [16, 128], strides = [1, 1]} : vector<416x128xf32> to vector<16x128xf32>
    %slice3A_1141 = vector.extract_strided_slice %transpose3A {offsets = [176, 0], sizes = [16, 128], strides = [1, 1]} : vector<416x128xf32> to vector<16x128xf32>
    %mul3A_1142 = arith.mulf %slice3A_1140, %slice3A_1141 : vector<16x128xf32>
    %reduce_sum3A_1143 = arith.constant dense<0.000000e+00> : vector<128xf32>
    %reduce_sum3A_1144 = vector.multi_reduction <add>, %mul3A_1142, %reduce_sum3A_1143 [0] : vector<16x128xf32> to vector<128xf32>
    %broadcast_in_dim3A_1145 = vector.shape_cast %reduce_sum3A_1144 : vector<128xf32> to vector<1x128xf32>
    %slice3A_1146 = vector.extract_strided_slice %transpose3A {offsets = [144, 0], sizes = [16, 128], strides = [1, 1]} : vector<416x128xf32> to vector<16x128xf32>
    %slice3A_1147 = vector.extract_strided_slice %transpose3A {offsets = [192, 0], sizes = [16, 128], strides = [1, 1]} : vector<416x128xf32> to vector<16x128xf32>
    %mul3A_1148 = arith.mulf %slice3A_1146, %slice3A_1147 : vector<16x128xf32>
    %reduce_sum3A_1149 = arith.constant dense<0.000000e+00> : vector<128xf32>
    %reduce_sum3A_1150 = vector.multi_reduction <add>, %mul3A_1148, %reduce_sum3A_1149 [0] : vector<16x128xf32> to vector<128xf32>
    %broadcast_in_dim3A_1151 = vector.shape_cast %reduce_sum3A_1150 : vector<128xf32> to vector<1x128xf32>
    %slice3A_1152 = vector.extract_strided_slice %transpose3A {offsets = [144, 0], sizes = [16, 128], strides = [1, 1]} : vector<416x128xf32> to vector<16x128xf32>
    %slice3A_1153 = vector.extract_strided_slice %transpose3A {offsets = [208, 0], sizes = [16, 128], strides = [1, 1]} : vector<416x128xf32> to vector<16x128xf32>
    %mul3A_1154 = arith.mulf %slice3A_1152, %slice3A_1153 : vector<16x128xf32>
    %reduce_sum3A_1155 = arith.constant dense<0.000000e+00> : vector<128xf32>
    %reduce_sum3A_1156 = vector.multi_reduction <add>, %mul3A_1154, %reduce_sum3A_1155 [0] : vector<16x128xf32> to vector<128xf32>
    %broadcast_in_dim3A_1157 = vector.shape_cast %reduce_sum3A_1156 : vector<128xf32> to vector<1x128xf32>
    %slice3A_1158 = vector.extract_strided_slice %transpose3A {offsets = [144, 0], sizes = [16, 128], strides = [1, 1]} : vector<416x128xf32> to vector<16x128xf32>
    %slice3A_1159 = vector.extract_strided_slice %transpose3A {offsets = [224, 0], sizes = [16, 128], strides = [1, 1]} : vector<416x128xf32> to vector<16x128xf32>
    %mul3A_1160 = arith.mulf %slice3A_1158, %slice3A_1159 : vector<16x128xf32>
    %reduce_sum3A_1161 = arith.constant dense<0.000000e+00> : vector<128xf32>
    %reduce_sum3A_1162 = vector.multi_reduction <add>, %mul3A_1160, %reduce_sum3A_1161 [0] : vector<16x128xf32> to vector<128xf32>
    %broadcast_in_dim3A_1163 = vector.shape_cast %reduce_sum3A_1162 : vector<128xf32> to vector<1x128xf32>
    %slice3A_1164 = vector.extract_strided_slice %transpose3A {offsets = [144, 0], sizes = [16, 128], strides = [1, 1]} : vector<416x128xf32> to vector<16x128xf32>
    %slice3A_1165 = vector.extract_strided_slice %transpose3A {offsets = [240, 0], sizes = [16, 128], strides = [1, 1]} : vector<416x128xf32> to vector<16x128xf32>
    %mul3A_1166 = arith.mulf %slice3A_1164, %slice3A_1165 : vector<16x128xf32>
    %reduce_sum3A_1167 = arith.constant dense<0.000000e+00> : vector<128xf32>
    %reduce_sum3A_1168 = vector.multi_reduction <add>, %mul3A_1166, %reduce_sum3A_1167 [0] : vector<16x128xf32> to vector<128xf32>
    %broadcast_in_dim3A_1169 = vector.shape_cast %reduce_sum3A_1168 : vector<128xf32> to vector<1x128xf32>
    %slice3A_1170 = vector.extract_strided_slice %transpose3A {offsets = [144, 0], sizes = [16, 128], strides = [1, 1]} : vector<416x128xf32> to vector<16x128xf32>
    %slice3A_1171 = vector.extract_strided_slice %transpose3A {offsets = [256, 0], sizes = [16, 128], strides = [1, 1]} : vector<416x128xf32> to vector<16x128xf32>
    %mul3A_1172 = arith.mulf %slice3A_1170, %slice3A_1171 : vector<16x128xf32>
    %reduce_sum3A_1173 = arith.constant dense<0.000000e+00> : vector<128xf32>
    %reduce_sum3A_1174 = vector.multi_reduction <add>, %mul3A_1172, %reduce_sum3A_1173 [0] : vector<16x128xf32> to vector<128xf32>
    %broadcast_in_dim3A_1175 = vector.shape_cast %reduce_sum3A_1174 : vector<128xf32> to vector<1x128xf32>
    %slice3A_1176 = vector.extract_strided_slice %transpose3A {offsets = [144, 0], sizes = [16, 128], strides = [1, 1]} : vector<416x128xf32> to vector<16x128xf32>
    %slice3A_1177 = vector.extract_strided_slice %transpose3A {offsets = [272, 0], sizes = [16, 128], strides = [1, 1]} : vector<416x128xf32> to vector<16x128xf32>
    %mul3A_1178 = arith.mulf %slice3A_1176, %slice3A_1177 : vector<16x128xf32>
    %reduce_sum3A_1179 = arith.constant dense<0.000000e+00> : vector<128xf32>
    %reduce_sum3A_1180 = vector.multi_reduction <add>, %mul3A_1178, %reduce_sum3A_1179 [0] : vector<16x128xf32> to vector<128xf32>
    %broadcast_in_dim3A_1181 = vector.shape_cast %reduce_sum3A_1180 : vector<128xf32> to vector<1x128xf32>
    %slice3A_1182 = vector.extract_strided_slice %transpose3A {offsets = [144, 0], sizes = [16, 128], strides = [1, 1]} : vector<416x128xf32> to vector<16x128xf32>
    %slice3A_1183 = vector.extract_strided_slice %transpose3A {offsets = [288, 0], sizes = [16, 128], strides = [1, 1]} : vector<416x128xf32> to vector<16x128xf32>
    %mul3A_1184 = arith.mulf %slice3A_1182, %slice3A_1183 : vector<16x128xf32>
    %reduce_sum3A_1185 = arith.constant dense<0.000000e+00> : vector<128xf32>
    %reduce_sum3A_1186 = vector.multi_reduction <add>, %mul3A_1184, %reduce_sum3A_1185 [0] : vector<16x128xf32> to vector<128xf32>
    %broadcast_in_dim3A_1187 = vector.shape_cast %reduce_sum3A_1186 : vector<128xf32> to vector<1x128xf32>
    %slice3A_1188 = vector.extract_strided_slice %transpose3A {offsets = [144, 0], sizes = [16, 128], strides = [1, 1]} : vector<416x128xf32> to vector<16x128xf32>
    %slice3A_1189 = vector.extract_strided_slice %transpose3A {offsets = [304, 0], sizes = [16, 128], strides = [1, 1]} : vector<416x128xf32> to vector<16x128xf32>
    %mul3A_1190 = arith.mulf %slice3A_1188, %slice3A_1189 : vector<16x128xf32>
    %reduce_sum3A_1191 = arith.constant dense<0.000000e+00> : vector<128xf32>
    %reduce_sum3A_1192 = vector.multi_reduction <add>, %mul3A_1190, %reduce_sum3A_1191 [0] : vector<16x128xf32> to vector<128xf32>
    %broadcast_in_dim3A_1193 = vector.shape_cast %reduce_sum3A_1192 : vector<128xf32> to vector<1x128xf32>
    %slice3A_1194 = vector.extract_strided_slice %transpose3A {offsets = [144, 0], sizes = [16, 128], strides = [1, 1]} : vector<416x128xf32> to vector<16x128xf32>
    %slice3A_1195 = vector.extract_strided_slice %transpose3A {offsets = [320, 0], sizes = [16, 128], strides = [1, 1]} : vector<416x128xf32> to vector<16x128xf32>
    %mul3A_1196 = arith.mulf %slice3A_1194, %slice3A_1195 : vector<16x128xf32>
    %reduce_sum3A_1197 = arith.constant dense<0.000000e+00> : vector<128xf32>
    %reduce_sum3A_1198 = vector.multi_reduction <add>, %mul3A_1196, %reduce_sum3A_1197 [0] : vector<16x128xf32> to vector<128xf32>
    %broadcast_in_dim3A_1199 = vector.shape_cast %reduce_sum3A_1198 : vector<128xf32> to vector<1x128xf32>
    %slice3A_1200 = vector.extract_strided_slice %transpose3A {offsets = [144, 0], sizes = [16, 128], strides = [1, 1]} : vector<416x128xf32> to vector<16x128xf32>
    %slice3A_1201 = vector.extract_strided_slice %transpose3A {offsets = [336, 0], sizes = [16, 128], strides = [1, 1]} : vector<416x128xf32> to vector<16x128xf32>
    %mul3A_1202 = arith.mulf %slice3A_1200, %slice3A_1201 : vector<16x128xf32>
    %reduce_sum3A_1203 = arith.constant dense<0.000000e+00> : vector<128xf32>
    %reduce_sum3A_1204 = vector.multi_reduction <add>, %mul3A_1202, %reduce_sum3A_1203 [0] : vector<16x128xf32> to vector<128xf32>
    %broadcast_in_dim3A_1205 = vector.shape_cast %reduce_sum3A_1204 : vector<128xf32> to vector<1x128xf32>
    %slice3A_1206 = vector.extract_strided_slice %transpose3A {offsets = [144, 0], sizes = [16, 128], strides = [1, 1]} : vector<416x128xf32> to vector<16x128xf32>
    %slice3A_1207 = vector.extract_strided_slice %transpose3A {offsets = [352, 0], sizes = [16, 128], strides = [1, 1]} : vector<416x128xf32> to vector<16x128xf32>
    %mul3A_1208 = arith.mulf %slice3A_1206, %slice3A_1207 : vector<16x128xf32>
    %reduce_sum3A_1209 = arith.constant dense<0.000000e+00> : vector<128xf32>
    %reduce_sum3A_1210 = vector.multi_reduction <add>, %mul3A_1208, %reduce_sum3A_1209 [0] : vector<16x128xf32> to vector<128xf32>
    %broadcast_in_dim3A_1211 = vector.shape_cast %reduce_sum3A_1210 : vector<128xf32> to vector<1x128xf32>
    %slice3A_1212 = vector.extract_strided_slice %transpose3A {offsets = [144, 0], sizes = [16, 128], strides = [1, 1]} : vector<416x128xf32> to vector<16x128xf32>
    %slice3A_1213 = vector.extract_strided_slice %transpose3A {offsets = [368, 0], sizes = [16, 128], strides = [1, 1]} : vector<416x128xf32> to vector<16x128xf32>
    %mul3A_1214 = arith.mulf %slice3A_1212, %slice3A_1213 : vector<16x128xf32>
    %reduce_sum3A_1215 = arith.constant dense<0.000000e+00> : vector<128xf32>
    %reduce_sum3A_1216 = vector.multi_reduction <add>, %mul3A_1214, %reduce_sum3A_1215 [0] : vector<16x128xf32> to vector<128xf32>
    %broadcast_in_dim3A_1217 = vector.shape_cast %reduce_sum3A_1216 : vector<128xf32> to vector<1x128xf32>
    %slice3A_1218 = vector.extract_strided_slice %transpose3A {offsets = [144, 0], sizes = [16, 128], strides = [1, 1]} : vector<416x128xf32> to vector<16x128xf32>
    %slice3A_1219 = vector.extract_strided_slice %transpose3A {offsets = [384, 0], sizes = [16, 128], strides = [1, 1]} : vector<416x128xf32> to vector<16x128xf32>
    %mul3A_1220 = arith.mulf %slice3A_1218, %slice3A_1219 : vector<16x128xf32>
    %reduce_sum3A_1221 = arith.constant dense<0.000000e+00> : vector<128xf32>
    %reduce_sum3A_1222 = vector.multi_reduction <add>, %mul3A_1220, %reduce_sum3A_1221 [0] : vector<16x128xf32> to vector<128xf32>
    %broadcast_in_dim3A_1223 = vector.shape_cast %reduce_sum3A_1222 : vector<128xf32> to vector<1x128xf32>
    %slice3A_1224 = vector.extract_strided_slice %transpose3A {offsets = [144, 0], sizes = [16, 128], strides = [1, 1]} : vector<416x128xf32> to vector<16x128xf32>
    %slice3A_1225 = vector.extract_strided_slice %transpose3A {offsets = [400, 0], sizes = [16, 128], strides = [1, 1]} : vector<416x128xf32> to vector<16x128xf32>
    %mul3A_1226 = arith.mulf %slice3A_1224, %slice3A_1225 : vector<16x128xf32>
    %reduce_sum3A_1227 = arith.constant dense<0.000000e+00> : vector<128xf32>
    %reduce_sum3A_1228 = vector.multi_reduction <add>, %mul3A_1226, %reduce_sum3A_1227 [0] : vector<16x128xf32> to vector<128xf32>
    %broadcast_in_dim3A_1229 = vector.shape_cast %reduce_sum3A_1228 : vector<128xf32> to vector<1x128xf32>
    %slice3A_1230 = vector.extract_strided_slice %transpose3A {offsets = [160, 0], sizes = [16, 128], strides = [1, 1]} : vector<416x128xf32> to vector<16x128xf32>
    %slice3A_1231 = vector.extract_strided_slice %transpose3A {offsets = [176, 0], sizes = [16, 128], strides = [1, 1]} : vector<416x128xf32> to vector<16x128xf32>
    %mul3A_1232 = arith.mulf %slice3A_1230, %slice3A_1231 : vector<16x128xf32>
    %reduce_sum3A_1233 = arith.constant dense<0.000000e+00> : vector<128xf32>
    %reduce_sum3A_1234 = vector.multi_reduction <add>, %mul3A_1232, %reduce_sum3A_1233 [0] : vector<16x128xf32> to vector<128xf32>
    %broadcast_in_dim3A_1235 = vector.shape_cast %reduce_sum3A_1234 : vector<128xf32> to vector<1x128xf32>
    %slice3A_1236 = vector.extract_strided_slice %transpose3A {offsets = [160, 0], sizes = [16, 128], strides = [1, 1]} : vector<416x128xf32> to vector<16x128xf32>
    %slice3A_1237 = vector.extract_strided_slice %transpose3A {offsets = [192, 0], sizes = [16, 128], strides = [1, 1]} : vector<416x128xf32> to vector<16x128xf32>
    %mul3A_1238 = arith.mulf %slice3A_1236, %slice3A_1237 : vector<16x128xf32>
    %reduce_sum3A_1239 = arith.constant dense<0.000000e+00> : vector<128xf32>
    %reduce_sum3A_1240 = vector.multi_reduction <add>, %mul3A_1238, %reduce_sum3A_1239 [0] : vector<16x128xf32> to vector<128xf32>
    %broadcast_in_dim3A_1241 = vector.shape_cast %reduce_sum3A_1240 : vector<128xf32> to vector<1x128xf32>
    %slice3A_1242 = vector.extract_strided_slice %transpose3A {offsets = [160, 0], sizes = [16, 128], strides = [1, 1]} : vector<416x128xf32> to vector<16x128xf32>
    %slice3A_1243 = vector.extract_strided_slice %transpose3A {offsets = [208, 0], sizes = [16, 128], strides = [1, 1]} : vector<416x128xf32> to vector<16x128xf32>
    %mul3A_1244 = arith.mulf %slice3A_1242, %slice3A_1243 : vector<16x128xf32>
    %reduce_sum3A_1245 = arith.constant dense<0.000000e+00> : vector<128xf32>
    %reduce_sum3A_1246 = vector.multi_reduction <add>, %mul3A_1244, %reduce_sum3A_1245 [0] : vector<16x128xf32> to vector<128xf32>
    %broadcast_in_dim3A_1247 = vector.shape_cast %reduce_sum3A_1246 : vector<128xf32> to vector<1x128xf32>
    %slice3A_1248 = vector.extract_strided_slice %transpose3A {offsets = [160, 0], sizes = [16, 128], strides = [1, 1]} : vector<416x128xf32> to vector<16x128xf32>
    %slice3A_1249 = vector.extract_strided_slice %transpose3A {offsets = [224, 0], sizes = [16, 128], strides = [1, 1]} : vector<416x128xf32> to vector<16x128xf32>
    %mul3A_1250 = arith.mulf %slice3A_1248, %slice3A_1249 : vector<16x128xf32>
    %reduce_sum3A_1251 = arith.constant dense<0.000000e+00> : vector<128xf32>
    %reduce_sum3A_1252 = vector.multi_reduction <add>, %mul3A_1250, %reduce_sum3A_1251 [0] : vector<16x128xf32> to vector<128xf32>
    %broadcast_in_dim3A_1253 = vector.shape_cast %reduce_sum3A_1252 : vector<128xf32> to vector<1x128xf32>
    %slice3A_1254 = vector.extract_strided_slice %transpose3A {offsets = [160, 0], sizes = [16, 128], strides = [1, 1]} : vector<416x128xf32> to vector<16x128xf32>
    %slice3A_1255 = vector.extract_strided_slice %transpose3A {offsets = [240, 0], sizes = [16, 128], strides = [1, 1]} : vector<416x128xf32> to vector<16x128xf32>
    %mul3A_1256 = arith.mulf %slice3A_1254, %slice3A_1255 : vector<16x128xf32>
    %reduce_sum3A_1257 = arith.constant dense<0.000000e+00> : vector<128xf32>
    %reduce_sum3A_1258 = vector.multi_reduction <add>, %mul3A_1256, %reduce_sum3A_1257 [0] : vector<16x128xf32> to vector<128xf32>
    %broadcast_in_dim3A_1259 = vector.shape_cast %reduce_sum3A_1258 : vector<128xf32> to vector<1x128xf32>
    %slice3A_1260 = vector.extract_strided_slice %transpose3A {offsets = [160, 0], sizes = [16, 128], strides = [1, 1]} : vector<416x128xf32> to vector<16x128xf32>
    %slice3A_1261 = vector.extract_strided_slice %transpose3A {offsets = [256, 0], sizes = [16, 128], strides = [1, 1]} : vector<416x128xf32> to vector<16x128xf32>
    %mul3A_1262 = arith.mulf %slice3A_1260, %slice3A_1261 : vector<16x128xf32>
    %reduce_sum3A_1263 = arith.constant dense<0.000000e+00> : vector<128xf32>
    %reduce_sum3A_1264 = vector.multi_reduction <add>, %mul3A_1262, %reduce_sum3A_1263 [0] : vector<16x128xf32> to vector<128xf32>
    %broadcast_in_dim3A_1265 = vector.shape_cast %reduce_sum3A_1264 : vector<128xf32> to vector<1x128xf32>
    %slice3A_1266 = vector.extract_strided_slice %transpose3A {offsets = [160, 0], sizes = [16, 128], strides = [1, 1]} : vector<416x128xf32> to vector<16x128xf32>
    %slice3A_1267 = vector.extract_strided_slice %transpose3A {offsets = [272, 0], sizes = [16, 128], strides = [1, 1]} : vector<416x128xf32> to vector<16x128xf32>
    %mul3A_1268 = arith.mulf %slice3A_1266, %slice3A_1267 : vector<16x128xf32>
    %reduce_sum3A_1269 = arith.constant dense<0.000000e+00> : vector<128xf32>
    %reduce_sum3A_1270 = vector.multi_reduction <add>, %mul3A_1268, %reduce_sum3A_1269 [0] : vector<16x128xf32> to vector<128xf32>
    %broadcast_in_dim3A_1271 = vector.shape_cast %reduce_sum3A_1270 : vector<128xf32> to vector<1x128xf32>
    %slice3A_1272 = vector.extract_strided_slice %transpose3A {offsets = [160, 0], sizes = [16, 128], strides = [1, 1]} : vector<416x128xf32> to vector<16x128xf32>
    %slice3A_1273 = vector.extract_strided_slice %transpose3A {offsets = [288, 0], sizes = [16, 128], strides = [1, 1]} : vector<416x128xf32> to vector<16x128xf32>
    %mul3A_1274 = arith.mulf %slice3A_1272, %slice3A_1273 : vector<16x128xf32>
    %reduce_sum3A_1275 = arith.constant dense<0.000000e+00> : vector<128xf32>
    %reduce_sum3A_1276 = vector.multi_reduction <add>, %mul3A_1274, %reduce_sum3A_1275 [0] : vector<16x128xf32> to vector<128xf32>
    %broadcast_in_dim3A_1277 = vector.shape_cast %reduce_sum3A_1276 : vector<128xf32> to vector<1x128xf32>
    %slice3A_1278 = vector.extract_strided_slice %transpose3A {offsets = [160, 0], sizes = [16, 128], strides = [1, 1]} : vector<416x128xf32> to vector<16x128xf32>
    %slice3A_1279 = vector.extract_strided_slice %transpose3A {offsets = [304, 0], sizes = [16, 128], strides = [1, 1]} : vector<416x128xf32> to vector<16x128xf32>
    %mul3A_1280 = arith.mulf %slice3A_1278, %slice3A_1279 : vector<16x128xf32>
    %reduce_sum3A_1281 = arith.constant dense<0.000000e+00> : vector<128xf32>
    %reduce_sum3A_1282 = vector.multi_reduction <add>, %mul3A_1280, %reduce_sum3A_1281 [0] : vector<16x128xf32> to vector<128xf32>
    %broadcast_in_dim3A_1283 = vector.shape_cast %reduce_sum3A_1282 : vector<128xf32> to vector<1x128xf32>
    %slice3A_1284 = vector.extract_strided_slice %transpose3A {offsets = [160, 0], sizes = [16, 128], strides = [1, 1]} : vector<416x128xf32> to vector<16x128xf32>
    %slice3A_1285 = vector.extract_strided_slice %transpose3A {offsets = [320, 0], sizes = [16, 128], strides = [1, 1]} : vector<416x128xf32> to vector<16x128xf32>
    %mul3A_1286 = arith.mulf %slice3A_1284, %slice3A_1285 : vector<16x128xf32>
    %reduce_sum3A_1287 = arith.constant dense<0.000000e+00> : vector<128xf32>
    %reduce_sum3A_1288 = vector.multi_reduction <add>, %mul3A_1286, %reduce_sum3A_1287 [0] : vector<16x128xf32> to vector<128xf32>
    %broadcast_in_dim3A_1289 = vector.shape_cast %reduce_sum3A_1288 : vector<128xf32> to vector<1x128xf32>
    %slice3A_1290 = vector.extract_strided_slice %transpose3A {offsets = [160, 0], sizes = [16, 128], strides = [1, 1]} : vector<416x128xf32> to vector<16x128xf32>
    %slice3A_1291 = vector.extract_strided_slice %transpose3A {offsets = [336, 0], sizes = [16, 128], strides = [1, 1]} : vector<416x128xf32> to vector<16x128xf32>
    %mul3A_1292 = arith.mulf %slice3A_1290, %slice3A_1291 : vector<16x128xf32>
    %reduce_sum3A_1293 = arith.constant dense<0.000000e+00> : vector<128xf32>
    %reduce_sum3A_1294 = vector.multi_reduction <add>, %mul3A_1292, %reduce_sum3A_1293 [0] : vector<16x128xf32> to vector<128xf32>
    %broadcast_in_dim3A_1295 = vector.shape_cast %reduce_sum3A_1294 : vector<128xf32> to vector<1x128xf32>
    %slice3A_1296 = vector.extract_strided_slice %transpose3A {offsets = [160, 0], sizes = [16, 128], strides = [1, 1]} : vector<416x128xf32> to vector<16x128xf32>
    %slice3A_1297 = vector.extract_strided_slice %transpose3A {offsets = [352, 0], sizes = [16, 128], strides = [1, 1]} : vector<416x128xf32> to vector<16x128xf32>
    %mul3A_1298 = arith.mulf %slice3A_1296, %slice3A_1297 : vector<16x128xf32>
    %reduce_sum3A_1299 = arith.constant dense<0.000000e+00> : vector<128xf32>
    %reduce_sum3A_1300 = vector.multi_reduction <add>, %mul3A_1298, %reduce_sum3A_1299 [0] : vector<16x128xf32> to vector<128xf32>
    %broadcast_in_dim3A_1301 = vector.shape_cast %reduce_sum3A_1300 : vector<128xf32> to vector<1x128xf32>
    %slice3A_1302 = vector.extract_strided_slice %transpose3A {offsets = [160, 0], sizes = [16, 128], strides = [1, 1]} : vector<416x128xf32> to vector<16x128xf32>
    %slice3A_1303 = vector.extract_strided_slice %transpose3A {offsets = [368, 0], sizes = [16, 128], strides = [1, 1]} : vector<416x128xf32> to vector<16x128xf32>
    %mul3A_1304 = arith.mulf %slice3A_1302, %slice3A_1303 : vector<16x128xf32>
    %reduce_sum3A_1305 = arith.constant dense<0.000000e+00> : vector<128xf32>
    %reduce_sum3A_1306 = vector.multi_reduction <add>, %mul3A_1304, %reduce_sum3A_1305 [0] : vector<16x128xf32> to vector<128xf32>
    %broadcast_in_dim3A_1307 = vector.shape_cast %reduce_sum3A_1306 : vector<128xf32> to vector<1x128xf32>
    %slice3A_1308 = vector.extract_strided_slice %transpose3A {offsets = [160, 0], sizes = [16, 128], strides = [1, 1]} : vector<416x128xf32> to vector<16x128xf32>
    %slice3A_1309 = vector.extract_strided_slice %transpose3A {offsets = [384, 0], sizes = [16, 128], strides = [1, 1]} : vector<416x128xf32> to vector<16x128xf32>
    %mul3A_1310 = arith.mulf %slice3A_1308, %slice3A_1309 : vector<16x128xf32>
    %reduce_sum3A_1311 = arith.constant dense<0.000000e+00> : vector<128xf32>
    %reduce_sum3A_1312 = vector.multi_reduction <add>, %mul3A_1310, %reduce_sum3A_1311 [0] : vector<16x128xf32> to vector<128xf32>
    %broadcast_in_dim3A_1313 = vector.shape_cast %reduce_sum3A_1312 : vector<128xf32> to vector<1x128xf32>
    %slice3A_1314 = vector.extract_strided_slice %transpose3A {offsets = [160, 0], sizes = [16, 128], strides = [1, 1]} : vector<416x128xf32> to vector<16x128xf32>
    %slice3A_1315 = vector.extract_strided_slice %transpose3A {offsets = [400, 0], sizes = [16, 128], strides = [1, 1]} : vector<416x128xf32> to vector<16x128xf32>
    %mul3A_1316 = arith.mulf %slice3A_1314, %slice3A_1315 : vector<16x128xf32>
    %reduce_sum3A_1317 = arith.constant dense<0.000000e+00> : vector<128xf32>
    %reduce_sum3A_1318 = vector.multi_reduction <add>, %mul3A_1316, %reduce_sum3A_1317 [0] : vector<16x128xf32> to vector<128xf32>
    %broadcast_in_dim3A_1319 = vector.shape_cast %reduce_sum3A_1318 : vector<128xf32> to vector<1x128xf32>
    %slice3A_1320 = vector.extract_strided_slice %transpose3A {offsets = [176, 0], sizes = [16, 128], strides = [1, 1]} : vector<416x128xf32> to vector<16x128xf32>
    %slice3A_1321 = vector.extract_strided_slice %transpose3A {offsets = [192, 0], sizes = [16, 128], strides = [1, 1]} : vector<416x128xf32> to vector<16x128xf32>
    %mul3A_1322 = arith.mulf %slice3A_1320, %slice3A_1321 : vector<16x128xf32>
    %reduce_sum3A_1323 = arith.constant dense<0.000000e+00> : vector<128xf32>
    %reduce_sum3A_1324 = vector.multi_reduction <add>, %mul3A_1322, %reduce_sum3A_1323 [0] : vector<16x128xf32> to vector<128xf32>
    %broadcast_in_dim3A_1325 = vector.shape_cast %reduce_sum3A_1324 : vector<128xf32> to vector<1x128xf32>
    %slice3A_1326 = vector.extract_strided_slice %transpose3A {offsets = [176, 0], sizes = [16, 128], strides = [1, 1]} : vector<416x128xf32> to vector<16x128xf32>
    %slice3A_1327 = vector.extract_strided_slice %transpose3A {offsets = [208, 0], sizes = [16, 128], strides = [1, 1]} : vector<416x128xf32> to vector<16x128xf32>
    %mul3A_1328 = arith.mulf %slice3A_1326, %slice3A_1327 : vector<16x128xf32>
    %reduce_sum3A_1329 = arith.constant dense<0.000000e+00> : vector<128xf32>
    %reduce_sum3A_1330 = vector.multi_reduction <add>, %mul3A_1328, %reduce_sum3A_1329 [0] : vector<16x128xf32> to vector<128xf32>
    %broadcast_in_dim3A_1331 = vector.shape_cast %reduce_sum3A_1330 : vector<128xf32> to vector<1x128xf32>
    %slice3A_1332 = vector.extract_strided_slice %transpose3A {offsets = [176, 0], sizes = [16, 128], strides = [1, 1]} : vector<416x128xf32> to vector<16x128xf32>
    %slice3A_1333 = vector.extract_strided_slice %transpose3A {offsets = [224, 0], sizes = [16, 128], strides = [1, 1]} : vector<416x128xf32> to vector<16x128xf32>
    %mul3A_1334 = arith.mulf %slice3A_1332, %slice3A_1333 : vector<16x128xf32>
    %reduce_sum3A_1335 = arith.constant dense<0.000000e+00> : vector<128xf32>
    %reduce_sum3A_1336 = vector.multi_reduction <add>, %mul3A_1334, %reduce_sum3A_1335 [0] : vector<16x128xf32> to vector<128xf32>
    %broadcast_in_dim3A_1337 = vector.shape_cast %reduce_sum3A_1336 : vector<128xf32> to vector<1x128xf32>
    %slice3A_1338 = vector.extract_strided_slice %transpose3A {offsets = [176, 0], sizes = [16, 128], strides = [1, 1]} : vector<416x128xf32> to vector<16x128xf32>
    %slice3A_1339 = vector.extract_strided_slice %transpose3A {offsets = [240, 0], sizes = [16, 128], strides = [1, 1]} : vector<416x128xf32> to vector<16x128xf32>
    %mul3A_1340 = arith.mulf %slice3A_1338, %slice3A_1339 : vector<16x128xf32>
    %reduce_sum3A_1341 = arith.constant dense<0.000000e+00> : vector<128xf32>
    %reduce_sum3A_1342 = vector.multi_reduction <add>, %mul3A_1340, %reduce_sum3A_1341 [0] : vector<16x128xf32> to vector<128xf32>
    %broadcast_in_dim3A_1343 = vector.shape_cast %reduce_sum3A_1342 : vector<128xf32> to vector<1x128xf32>
    %slice3A_1344 = vector.extract_strided_slice %transpose3A {offsets = [176, 0], sizes = [16, 128], strides = [1, 1]} : vector<416x128xf32> to vector<16x128xf32>
    %slice3A_1345 = vector.extract_strided_slice %transpose3A {offsets = [256, 0], sizes = [16, 128], strides = [1, 1]} : vector<416x128xf32> to vector<16x128xf32>
    %mul3A_1346 = arith.mulf %slice3A_1344, %slice3A_1345 : vector<16x128xf32>
    %reduce_sum3A_1347 = arith.constant dense<0.000000e+00> : vector<128xf32>
    %reduce_sum3A_1348 = vector.multi_reduction <add>, %mul3A_1346, %reduce_sum3A_1347 [0] : vector<16x128xf32> to vector<128xf32>
    %broadcast_in_dim3A_1349 = vector.shape_cast %reduce_sum3A_1348 : vector<128xf32> to vector<1x128xf32>
    %slice3A_1350 = vector.extract_strided_slice %transpose3A {offsets = [176, 0], sizes = [16, 128], strides = [1, 1]} : vector<416x128xf32> to vector<16x128xf32>
    %slice3A_1351 = vector.extract_strided_slice %transpose3A {offsets = [272, 0], sizes = [16, 128], strides = [1, 1]} : vector<416x128xf32> to vector<16x128xf32>
    %mul3A_1352 = arith.mulf %slice3A_1350, %slice3A_1351 : vector<16x128xf32>
    %reduce_sum3A_1353 = arith.constant dense<0.000000e+00> : vector<128xf32>
    %reduce_sum3A_1354 = vector.multi_reduction <add>, %mul3A_1352, %reduce_sum3A_1353 [0] : vector<16x128xf32> to vector<128xf32>
    %broadcast_in_dim3A_1355 = vector.shape_cast %reduce_sum3A_1354 : vector<128xf32> to vector<1x128xf32>
    %slice3A_1356 = vector.extract_strided_slice %transpose3A {offsets = [176, 0], sizes = [16, 128], strides = [1, 1]} : vector<416x128xf32> to vector<16x128xf32>
    %slice3A_1357 = vector.extract_strided_slice %transpose3A {offsets = [288, 0], sizes = [16, 128], strides = [1, 1]} : vector<416x128xf32> to vector<16x128xf32>
    %mul3A_1358 = arith.mulf %slice3A_1356, %slice3A_1357 : vector<16x128xf32>
    %reduce_sum3A_1359 = arith.constant dense<0.000000e+00> : vector<128xf32>
    %reduce_sum3A_1360 = vector.multi_reduction <add>, %mul3A_1358, %reduce_sum3A_1359 [0] : vector<16x128xf32> to vector<128xf32>
    %broadcast_in_dim3A_1361 = vector.shape_cast %reduce_sum3A_1360 : vector<128xf32> to vector<1x128xf32>
    %slice3A_1362 = vector.extract_strided_slice %transpose3A {offsets = [176, 0], sizes = [16, 128], strides = [1, 1]} : vector<416x128xf32> to vector<16x128xf32>
    %slice3A_1363 = vector.extract_strided_slice %transpose3A {offsets = [304, 0], sizes = [16, 128], strides = [1, 1]} : vector<416x128xf32> to vector<16x128xf32>
    %mul3A_1364 = arith.mulf %slice3A_1362, %slice3A_1363 : vector<16x128xf32>
    %reduce_sum3A_1365 = arith.constant dense<0.000000e+00> : vector<128xf32>
    %reduce_sum3A_1366 = vector.multi_reduction <add>, %mul3A_1364, %reduce_sum3A_1365 [0] : vector<16x128xf32> to vector<128xf32>
    %broadcast_in_dim3A_1367 = vector.shape_cast %reduce_sum3A_1366 : vector<128xf32> to vector<1x128xf32>
    %slice3A_1368 = vector.extract_strided_slice %transpose3A {offsets = [176, 0], sizes = [16, 128], strides = [1, 1]} : vector<416x128xf32> to vector<16x128xf32>
    %slice3A_1369 = vector.extract_strided_slice %transpose3A {offsets = [320, 0], sizes = [16, 128], strides = [1, 1]} : vector<416x128xf32> to vector<16x128xf32>
    %mul3A_1370 = arith.mulf %slice3A_1368, %slice3A_1369 : vector<16x128xf32>
    %reduce_sum3A_1371 = arith.constant dense<0.000000e+00> : vector<128xf32>
    %reduce_sum3A_1372 = vector.multi_reduction <add>, %mul3A_1370, %reduce_sum3A_1371 [0] : vector<16x128xf32> to vector<128xf32>
    %broadcast_in_dim3A_1373 = vector.shape_cast %reduce_sum3A_1372 : vector<128xf32> to vector<1x128xf32>
    %slice3A_1374 = vector.extract_strided_slice %transpose3A {offsets = [176, 0], sizes = [16, 128], strides = [1, 1]} : vector<416x128xf32> to vector<16x128xf32>
    %slice3A_1375 = vector.extract_strided_slice %transpose3A {offsets = [336, 0], sizes = [16, 128], strides = [1, 1]} : vector<416x128xf32> to vector<16x128xf32>
    %mul3A_1376 = arith.mulf %slice3A_1374, %slice3A_1375 : vector<16x128xf32>
    %reduce_sum3A_1377 = arith.constant dense<0.000000e+00> : vector<128xf32>
    %reduce_sum3A_1378 = vector.multi_reduction <add>, %mul3A_1376, %reduce_sum3A_1377 [0] : vector<16x128xf32> to vector<128xf32>
    %broadcast_in_dim3A_1379 = vector.shape_cast %reduce_sum3A_1378 : vector<128xf32> to vector<1x128xf32>
    %slice3A_1380 = vector.extract_strided_slice %transpose3A {offsets = [176, 0], sizes = [16, 128], strides = [1, 1]} : vector<416x128xf32> to vector<16x128xf32>
    %slice3A_1381 = vector.extract_strided_slice %transpose3A {offsets = [352, 0], sizes = [16, 128], strides = [1, 1]} : vector<416x128xf32> to vector<16x128xf32>
    %mul3A_1382 = arith.mulf %slice3A_1380, %slice3A_1381 : vector<16x128xf32>
    %reduce_sum3A_1383 = arith.constant dense<0.000000e+00> : vector<128xf32>
    %reduce_sum3A_1384 = vector.multi_reduction <add>, %mul3A_1382, %reduce_sum3A_1383 [0] : vector<16x128xf32> to vector<128xf32>
    %broadcast_in_dim3A_1385 = vector.shape_cast %reduce_sum3A_1384 : vector<128xf32> to vector<1x128xf32>
    %slice3A_1386 = vector.extract_strided_slice %transpose3A {offsets = [176, 0], sizes = [16, 128], strides = [1, 1]} : vector<416x128xf32> to vector<16x128xf32>
    %slice3A_1387 = vector.extract_strided_slice %transpose3A {offsets = [368, 0], sizes = [16, 128], strides = [1, 1]} : vector<416x128xf32> to vector<16x128xf32>
    %mul3A_1388 = arith.mulf %slice3A_1386, %slice3A_1387 : vector<16x128xf32>
    %reduce_sum3A_1389 = arith.constant dense<0.000000e+00> : vector<128xf32>
    %reduce_sum3A_1390 = vector.multi_reduction <add>, %mul3A_1388, %reduce_sum3A_1389 [0] : vector<16x128xf32> to vector<128xf32>
    %broadcast_in_dim3A_1391 = vector.shape_cast %reduce_sum3A_1390 : vector<128xf32> to vector<1x128xf32>
    %slice3A_1392 = vector.extract_strided_slice %transpose3A {offsets = [176, 0], sizes = [16, 128], strides = [1, 1]} : vector<416x128xf32> to vector<16x128xf32>
    %slice3A_1393 = vector.extract_strided_slice %transpose3A {offsets = [384, 0], sizes = [16, 128], strides = [1, 1]} : vector<416x128xf32> to vector<16x128xf32>
    %mul3A_1394 = arith.mulf %slice3A_1392, %slice3A_1393 : vector<16x128xf32>
    %reduce_sum3A_1395 = arith.constant dense<0.000000e+00> : vector<128xf32>
    %reduce_sum3A_1396 = vector.multi_reduction <add>, %mul3A_1394, %reduce_sum3A_1395 [0] : vector<16x128xf32> to vector<128xf32>
    %broadcast_in_dim3A_1397 = vector.shape_cast %reduce_sum3A_1396 : vector<128xf32> to vector<1x128xf32>
    %slice3A_1398 = vector.extract_strided_slice %transpose3A {offsets = [176, 0], sizes = [16, 128], strides = [1, 1]} : vector<416x128xf32> to vector<16x128xf32>
    %slice3A_1399 = vector.extract_strided_slice %transpose3A {offsets = [400, 0], sizes = [16, 128], strides = [1, 1]} : vector<416x128xf32> to vector<16x128xf32>
    %mul3A_1400 = arith.mulf %slice3A_1398, %slice3A_1399 : vector<16x128xf32>
    %reduce_sum3A_1401 = arith.constant dense<0.000000e+00> : vector<128xf32>
    %reduce_sum3A_1402 = vector.multi_reduction <add>, %mul3A_1400, %reduce_sum3A_1401 [0] : vector<16x128xf32> to vector<128xf32>
    %broadcast_in_dim3A_1403 = vector.shape_cast %reduce_sum3A_1402 : vector<128xf32> to vector<1x128xf32>
    %slice3A_1404 = vector.extract_strided_slice %transpose3A {offsets = [192, 0], sizes = [16, 128], strides = [1, 1]} : vector<416x128xf32> to vector<16x128xf32>
    %slice3A_1405 = vector.extract_strided_slice %transpose3A {offsets = [208, 0], sizes = [16, 128], strides = [1, 1]} : vector<416x128xf32> to vector<16x128xf32>
    %mul3A_1406 = arith.mulf %slice3A_1404, %slice3A_1405 : vector<16x128xf32>
    %reduce_sum3A_1407 = arith.constant dense<0.000000e+00> : vector<128xf32>
    %reduce_sum3A_1408 = vector.multi_reduction <add>, %mul3A_1406, %reduce_sum3A_1407 [0] : vector<16x128xf32> to vector<128xf32>
    %broadcast_in_dim3A_1409 = vector.shape_cast %reduce_sum3A_1408 : vector<128xf32> to vector<1x128xf32>
    %slice3A_1410 = vector.extract_strided_slice %transpose3A {offsets = [192, 0], sizes = [16, 128], strides = [1, 1]} : vector<416x128xf32> to vector<16x128xf32>
    %slice3A_1411 = vector.extract_strided_slice %transpose3A {offsets = [224, 0], sizes = [16, 128], strides = [1, 1]} : vector<416x128xf32> to vector<16x128xf32>
    %mul3A_1412 = arith.mulf %slice3A_1410, %slice3A_1411 : vector<16x128xf32>
    %reduce_sum3A_1413 = arith.constant dense<0.000000e+00> : vector<128xf32>
    %reduce_sum3A_1414 = vector.multi_reduction <add>, %mul3A_1412, %reduce_sum3A_1413 [0] : vector<16x128xf32> to vector<128xf32>
    %broadcast_in_dim3A_1415 = vector.shape_cast %reduce_sum3A_1414 : vector<128xf32> to vector<1x128xf32>
    %slice3A_1416 = vector.extract_strided_slice %transpose3A {offsets = [192, 0], sizes = [16, 128], strides = [1, 1]} : vector<416x128xf32> to vector<16x128xf32>
    %slice3A_1417 = vector.extract_strided_slice %transpose3A {offsets = [240, 0], sizes = [16, 128], strides = [1, 1]} : vector<416x128xf32> to vector<16x128xf32>
    %mul3A_1418 = arith.mulf %slice3A_1416, %slice3A_1417 : vector<16x128xf32>
    %reduce_sum3A_1419 = arith.constant dense<0.000000e+00> : vector<128xf32>
    %reduce_sum3A_1420 = vector.multi_reduction <add>, %mul3A_1418, %reduce_sum3A_1419 [0] : vector<16x128xf32> to vector<128xf32>
    %broadcast_in_dim3A_1421 = vector.shape_cast %reduce_sum3A_1420 : vector<128xf32> to vector<1x128xf32>
    %slice3A_1422 = vector.extract_strided_slice %transpose3A {offsets = [192, 0], sizes = [16, 128], strides = [1, 1]} : vector<416x128xf32> to vector<16x128xf32>
    %slice3A_1423 = vector.extract_strided_slice %transpose3A {offsets = [256, 0], sizes = [16, 128], strides = [1, 1]} : vector<416x128xf32> to vector<16x128xf32>
    %mul3A_1424 = arith.mulf %slice3A_1422, %slice3A_1423 : vector<16x128xf32>
    %reduce_sum3A_1425 = arith.constant dense<0.000000e+00> : vector<128xf32>
    %reduce_sum3A_1426 = vector.multi_reduction <add>, %mul3A_1424, %reduce_sum3A_1425 [0] : vector<16x128xf32> to vector<128xf32>
    %broadcast_in_dim3A_1427 = vector.shape_cast %reduce_sum3A_1426 : vector<128xf32> to vector<1x128xf32>
    %slice3A_1428 = vector.extract_strided_slice %transpose3A {offsets = [192, 0], sizes = [16, 128], strides = [1, 1]} : vector<416x128xf32> to vector<16x128xf32>
    %slice3A_1429 = vector.extract_strided_slice %transpose3A {offsets = [272, 0], sizes = [16, 128], strides = [1, 1]} : vector<416x128xf32> to vector<16x128xf32>
    %mul3A_1430 = arith.mulf %slice3A_1428, %slice3A_1429 : vector<16x128xf32>
    %reduce_sum3A_1431 = arith.constant dense<0.000000e+00> : vector<128xf32>
    %reduce_sum3A_1432 = vector.multi_reduction <add>, %mul3A_1430, %reduce_sum3A_1431 [0] : vector<16x128xf32> to vector<128xf32>
    %broadcast_in_dim3A_1433 = vector.shape_cast %reduce_sum3A_1432 : vector<128xf32> to vector<1x128xf32>
    %slice3A_1434 = vector.extract_strided_slice %transpose3A {offsets = [192, 0], sizes = [16, 128], strides = [1, 1]} : vector<416x128xf32> to vector<16x128xf32>
    %slice3A_1435 = vector.extract_strided_slice %transpose3A {offsets = [288, 0], sizes = [16, 128], strides = [1, 1]} : vector<416x128xf32> to vector<16x128xf32>
    %mul3A_1436 = arith.mulf %slice3A_1434, %slice3A_1435 : vector<16x128xf32>
    %reduce_sum3A_1437 = arith.constant dense<0.000000e+00> : vector<128xf32>
    %reduce_sum3A_1438 = vector.multi_reduction <add>, %mul3A_1436, %reduce_sum3A_1437 [0] : vector<16x128xf32> to vector<128xf32>
    %broadcast_in_dim3A_1439 = vector.shape_cast %reduce_sum3A_1438 : vector<128xf32> to vector<1x128xf32>
    %slice3A_1440 = vector.extract_strided_slice %transpose3A {offsets = [192, 0], sizes = [16, 128], strides = [1, 1]} : vector<416x128xf32> to vector<16x128xf32>
    %slice3A_1441 = vector.extract_strided_slice %transpose3A {offsets = [304, 0], sizes = [16, 128], strides = [1, 1]} : vector<416x128xf32> to vector<16x128xf32>
    %mul3A_1442 = arith.mulf %slice3A_1440, %slice3A_1441 : vector<16x128xf32>
    %reduce_sum3A_1443 = arith.constant dense<0.000000e+00> : vector<128xf32>
    %reduce_sum3A_1444 = vector.multi_reduction <add>, %mul3A_1442, %reduce_sum3A_1443 [0] : vector<16x128xf32> to vector<128xf32>
    %broadcast_in_dim3A_1445 = vector.shape_cast %reduce_sum3A_1444 : vector<128xf32> to vector<1x128xf32>
    %slice3A_1446 = vector.extract_strided_slice %transpose3A {offsets = [192, 0], sizes = [16, 128], strides = [1, 1]} : vector<416x128xf32> to vector<16x128xf32>
    %slice3A_1447 = vector.extract_strided_slice %transpose3A {offsets = [320, 0], sizes = [16, 128], strides = [1, 1]} : vector<416x128xf32> to vector<16x128xf32>
    %mul3A_1448 = arith.mulf %slice3A_1446, %slice3A_1447 : vector<16x128xf32>
    %reduce_sum3A_1449 = arith.constant dense<0.000000e+00> : vector<128xf32>
    %reduce_sum3A_1450 = vector.multi_reduction <add>, %mul3A_1448, %reduce_sum3A_1449 [0] : vector<16x128xf32> to vector<128xf32>
    %broadcast_in_dim3A_1451 = vector.shape_cast %reduce_sum3A_1450 : vector<128xf32> to vector<1x128xf32>
    %slice3A_1452 = vector.extract_strided_slice %transpose3A {offsets = [192, 0], sizes = [16, 128], strides = [1, 1]} : vector<416x128xf32> to vector<16x128xf32>
    %slice3A_1453 = vector.extract_strided_slice %transpose3A {offsets = [336, 0], sizes = [16, 128], strides = [1, 1]} : vector<416x128xf32> to vector<16x128xf32>
    %mul3A_1454 = arith.mulf %slice3A_1452, %slice3A_1453 : vector<16x128xf32>
    %reduce_sum3A_1455 = arith.constant dense<0.000000e+00> : vector<128xf32>
    %reduce_sum3A_1456 = vector.multi_reduction <add>, %mul3A_1454, %reduce_sum3A_1455 [0] : vector<16x128xf32> to vector<128xf32>
    %broadcast_in_dim3A_1457 = vector.shape_cast %reduce_sum3A_1456 : vector<128xf32> to vector<1x128xf32>
    %slice3A_1458 = vector.extract_strided_slice %transpose3A {offsets = [192, 0], sizes = [16, 128], strides = [1, 1]} : vector<416x128xf32> to vector<16x128xf32>
    %slice3A_1459 = vector.extract_strided_slice %transpose3A {offsets = [352, 0], sizes = [16, 128], strides = [1, 1]} : vector<416x128xf32> to vector<16x128xf32>
    %mul3A_1460 = arith.mulf %slice3A_1458, %slice3A_1459 : vector<16x128xf32>
    %reduce_sum3A_1461 = arith.constant dense<0.000000e+00> : vector<128xf32>
    %reduce_sum3A_1462 = vector.multi_reduction <add>, %mul3A_1460, %reduce_sum3A_1461 [0] : vector<16x128xf32> to vector<128xf32>
    %broadcast_in_dim3A_1463 = vector.shape_cast %reduce_sum3A_1462 : vector<128xf32> to vector<1x128xf32>
    %slice3A_1464 = vector.extract_strided_slice %transpose3A {offsets = [192, 0], sizes = [16, 128], strides = [1, 1]} : vector<416x128xf32> to vector<16x128xf32>
    %slice3A_1465 = vector.extract_strided_slice %transpose3A {offsets = [368, 0], sizes = [16, 128], strides = [1, 1]} : vector<416x128xf32> to vector<16x128xf32>
    %mul3A_1466 = arith.mulf %slice3A_1464, %slice3A_1465 : vector<16x128xf32>
    %reduce_sum3A_1467 = arith.constant dense<0.000000e+00> : vector<128xf32>
    %reduce_sum3A_1468 = vector.multi_reduction <add>, %mul3A_1466, %reduce_sum3A_1467 [0] : vector<16x128xf32> to vector<128xf32>
    %broadcast_in_dim3A_1469 = vector.shape_cast %reduce_sum3A_1468 : vector<128xf32> to vector<1x128xf32>
    %slice3A_1470 = vector.extract_strided_slice %transpose3A {offsets = [192, 0], sizes = [16, 128], strides = [1, 1]} : vector<416x128xf32> to vector<16x128xf32>
    %slice3A_1471 = vector.extract_strided_slice %transpose3A {offsets = [384, 0], sizes = [16, 128], strides = [1, 1]} : vector<416x128xf32> to vector<16x128xf32>
    %mul3A_1472 = arith.mulf %slice3A_1470, %slice3A_1471 : vector<16x128xf32>
    %reduce_sum3A_1473 = arith.constant dense<0.000000e+00> : vector<128xf32>
    %reduce_sum3A_1474 = vector.multi_reduction <add>, %mul3A_1472, %reduce_sum3A_1473 [0] : vector<16x128xf32> to vector<128xf32>
    %broadcast_in_dim3A_1475 = vector.shape_cast %reduce_sum3A_1474 : vector<128xf32> to vector<1x128xf32>
    %slice3A_1476 = vector.extract_strided_slice %transpose3A {offsets = [192, 0], sizes = [16, 128], strides = [1, 1]} : vector<416x128xf32> to vector<16x128xf32>
    %slice3A_1477 = vector.extract_strided_slice %transpose3A {offsets = [400, 0], sizes = [16, 128], strides = [1, 1]} : vector<416x128xf32> to vector<16x128xf32>
    %mul3A_1478 = arith.mulf %slice3A_1476, %slice3A_1477 : vector<16x128xf32>
    %reduce_sum3A_1479 = arith.constant dense<0.000000e+00> : vector<128xf32>
    %reduce_sum3A_1480 = vector.multi_reduction <add>, %mul3A_1478, %reduce_sum3A_1479 [0] : vector<16x128xf32> to vector<128xf32>
    %broadcast_in_dim3A_1481 = vector.shape_cast %reduce_sum3A_1480 : vector<128xf32> to vector<1x128xf32>
    %slice3A_1482 = vector.extract_strided_slice %transpose3A {offsets = [208, 0], sizes = [16, 128], strides = [1, 1]} : vector<416x128xf32> to vector<16x128xf32>
    %slice3A_1483 = vector.extract_strided_slice %transpose3A {offsets = [224, 0], sizes = [16, 128], strides = [1, 1]} : vector<416x128xf32> to vector<16x128xf32>
    %mul3A_1484 = arith.mulf %slice3A_1482, %slice3A_1483 : vector<16x128xf32>
    %reduce_sum3A_1485 = arith.constant dense<0.000000e+00> : vector<128xf32>
    %reduce_sum3A_1486 = vector.multi_reduction <add>, %mul3A_1484, %reduce_sum3A_1485 [0] : vector<16x128xf32> to vector<128xf32>
    %broadcast_in_dim3A_1487 = vector.shape_cast %reduce_sum3A_1486 : vector<128xf32> to vector<1x128xf32>
    %slice3A_1488 = vector.extract_strided_slice %transpose3A {offsets = [208, 0], sizes = [16, 128], strides = [1, 1]} : vector<416x128xf32> to vector<16x128xf32>
    %slice3A_1489 = vector.extract_strided_slice %transpose3A {offsets = [240, 0], sizes = [16, 128], strides = [1, 1]} : vector<416x128xf32> to vector<16x128xf32>
    %mul3A_1490 = arith.mulf %slice3A_1488, %slice3A_1489 : vector<16x128xf32>
    %reduce_sum3A_1491 = arith.constant dense<0.000000e+00> : vector<128xf32>
    %reduce_sum3A_1492 = vector.multi_reduction <add>, %mul3A_1490, %reduce_sum3A_1491 [0] : vector<16x128xf32> to vector<128xf32>
    %broadcast_in_dim3A_1493 = vector.shape_cast %reduce_sum3A_1492 : vector<128xf32> to vector<1x128xf32>
    %slice3A_1494 = vector.extract_strided_slice %transpose3A {offsets = [208, 0], sizes = [16, 128], strides = [1, 1]} : vector<416x128xf32> to vector<16x128xf32>
    %slice3A_1495 = vector.extract_strided_slice %transpose3A {offsets = [256, 0], sizes = [16, 128], strides = [1, 1]} : vector<416x128xf32> to vector<16x128xf32>
    %mul3A_1496 = arith.mulf %slice3A_1494, %slice3A_1495 : vector<16x128xf32>
    %reduce_sum3A_1497 = arith.constant dense<0.000000e+00> : vector<128xf32>
    %reduce_sum3A_1498 = vector.multi_reduction <add>, %mul3A_1496, %reduce_sum3A_1497 [0] : vector<16x128xf32> to vector<128xf32>
    %broadcast_in_dim3A_1499 = vector.shape_cast %reduce_sum3A_1498 : vector<128xf32> to vector<1x128xf32>
    %slice3A_1500 = vector.extract_strided_slice %transpose3A {offsets = [208, 0], sizes = [16, 128], strides = [1, 1]} : vector<416x128xf32> to vector<16x128xf32>
    %slice3A_1501 = vector.extract_strided_slice %transpose3A {offsets = [272, 0], sizes = [16, 128], strides = [1, 1]} : vector<416x128xf32> to vector<16x128xf32>
    %mul3A_1502 = arith.mulf %slice3A_1500, %slice3A_1501 : vector<16x128xf32>
    %reduce_sum3A_1503 = arith.constant dense<0.000000e+00> : vector<128xf32>
    %reduce_sum3A_1504 = vector.multi_reduction <add>, %mul3A_1502, %reduce_sum3A_1503 [0] : vector<16x128xf32> to vector<128xf32>
    %broadcast_in_dim3A_1505 = vector.shape_cast %reduce_sum3A_1504 : vector<128xf32> to vector<1x128xf32>
    %slice3A_1506 = vector.extract_strided_slice %transpose3A {offsets = [208, 0], sizes = [16, 128], strides = [1, 1]} : vector<416x128xf32> to vector<16x128xf32>
    %slice3A_1507 = vector.extract_strided_slice %transpose3A {offsets = [288, 0], sizes = [16, 128], strides = [1, 1]} : vector<416x128xf32> to vector<16x128xf32>
    %mul3A_1508 = arith.mulf %slice3A_1506, %slice3A_1507 : vector<16x128xf32>
    %reduce_sum3A_1509 = arith.constant dense<0.000000e+00> : vector<128xf32>
    %reduce_sum3A_1510 = vector.multi_reduction <add>, %mul3A_1508, %reduce_sum3A_1509 [0] : vector<16x128xf32> to vector<128xf32>
    %broadcast_in_dim3A_1511 = vector.shape_cast %reduce_sum3A_1510 : vector<128xf32> to vector<1x128xf32>
    %slice3A_1512 = vector.extract_strided_slice %transpose3A {offsets = [208, 0], sizes = [16, 128], strides = [1, 1]} : vector<416x128xf32> to vector<16x128xf32>
    %slice3A_1513 = vector.extract_strided_slice %transpose3A {offsets = [304, 0], sizes = [16, 128], strides = [1, 1]} : vector<416x128xf32> to vector<16x128xf32>
    %mul3A_1514 = arith.mulf %slice3A_1512, %slice3A_1513 : vector<16x128xf32>
    %reduce_sum3A_1515 = arith.constant dense<0.000000e+00> : vector<128xf32>
    %reduce_sum3A_1516 = vector.multi_reduction <add>, %mul3A_1514, %reduce_sum3A_1515 [0] : vector<16x128xf32> to vector<128xf32>
    %broadcast_in_dim3A_1517 = vector.shape_cast %reduce_sum3A_1516 : vector<128xf32> to vector<1x128xf32>
    %slice3A_1518 = vector.extract_strided_slice %transpose3A {offsets = [208, 0], sizes = [16, 128], strides = [1, 1]} : vector<416x128xf32> to vector<16x128xf32>
    %slice3A_1519 = vector.extract_strided_slice %transpose3A {offsets = [320, 0], sizes = [16, 128], strides = [1, 1]} : vector<416x128xf32> to vector<16x128xf32>
    %mul3A_1520 = arith.mulf %slice3A_1518, %slice3A_1519 : vector<16x128xf32>
    %reduce_sum3A_1521 = arith.constant dense<0.000000e+00> : vector<128xf32>
    %reduce_sum3A_1522 = vector.multi_reduction <add>, %mul3A_1520, %reduce_sum3A_1521 [0] : vector<16x128xf32> to vector<128xf32>
    %broadcast_in_dim3A_1523 = vector.shape_cast %reduce_sum3A_1522 : vector<128xf32> to vector<1x128xf32>
    %slice3A_1524 = vector.extract_strided_slice %transpose3A {offsets = [208, 0], sizes = [16, 128], strides = [1, 1]} : vector<416x128xf32> to vector<16x128xf32>
    %slice3A_1525 = vector.extract_strided_slice %transpose3A {offsets = [336, 0], sizes = [16, 128], strides = [1, 1]} : vector<416x128xf32> to vector<16x128xf32>
    %mul3A_1526 = arith.mulf %slice3A_1524, %slice3A_1525 : vector<16x128xf32>
    %reduce_sum3A_1527 = arith.constant dense<0.000000e+00> : vector<128xf32>
    %reduce_sum3A_1528 = vector.multi_reduction <add>, %mul3A_1526, %reduce_sum3A_1527 [0] : vector<16x128xf32> to vector<128xf32>
    %broadcast_in_dim3A_1529 = vector.shape_cast %reduce_sum3A_1528 : vector<128xf32> to vector<1x128xf32>
    %slice3A_1530 = vector.extract_strided_slice %transpose3A {offsets = [208, 0], sizes = [16, 128], strides = [1, 1]} : vector<416x128xf32> to vector<16x128xf32>
    %slice3A_1531 = vector.extract_strided_slice %transpose3A {offsets = [352, 0], sizes = [16, 128], strides = [1, 1]} : vector<416x128xf32> to vector<16x128xf32>
    %mul3A_1532 = arith.mulf %slice3A_1530, %slice3A_1531 : vector<16x128xf32>
    %reduce_sum3A_1533 = arith.constant dense<0.000000e+00> : vector<128xf32>
    %reduce_sum3A_1534 = vector.multi_reduction <add>, %mul3A_1532, %reduce_sum3A_1533 [0] : vector<16x128xf32> to vector<128xf32>
    %broadcast_in_dim3A_1535 = vector.shape_cast %reduce_sum3A_1534 : vector<128xf32> to vector<1x128xf32>
    %slice3A_1536 = vector.extract_strided_slice %transpose3A {offsets = [208, 0], sizes = [16, 128], strides = [1, 1]} : vector<416x128xf32> to vector<16x128xf32>
    %slice3A_1537 = vector.extract_strided_slice %transpose3A {offsets = [368, 0], sizes = [16, 128], strides = [1, 1]} : vector<416x128xf32> to vector<16x128xf32>
    %mul3A_1538 = arith.mulf %slice3A_1536, %slice3A_1537 : vector<16x128xf32>
    %reduce_sum3A_1539 = arith.constant dense<0.000000e+00> : vector<128xf32>
    %reduce_sum3A_1540 = vector.multi_reduction <add>, %mul3A_1538, %reduce_sum3A_1539 [0] : vector<16x128xf32> to vector<128xf32>
    %broadcast_in_dim3A_1541 = vector.shape_cast %reduce_sum3A_1540 : vector<128xf32> to vector<1x128xf32>
    %slice3A_1542 = vector.extract_strided_slice %transpose3A {offsets = [208, 0], sizes = [16, 128], strides = [1, 1]} : vector<416x128xf32> to vector<16x128xf32>
    %slice3A_1543 = vector.extract_strided_slice %transpose3A {offsets = [384, 0], sizes = [16, 128], strides = [1, 1]} : vector<416x128xf32> to vector<16x128xf32>
    %mul3A_1544 = arith.mulf %slice3A_1542, %slice3A_1543 : vector<16x128xf32>
    %reduce_sum3A_1545 = arith.constant dense<0.000000e+00> : vector<128xf32>
    %reduce_sum3A_1546 = vector.multi_reduction <add>, %mul3A_1544, %reduce_sum3A_1545 [0] : vector<16x128xf32> to vector<128xf32>
    %broadcast_in_dim3A_1547 = vector.shape_cast %reduce_sum3A_1546 : vector<128xf32> to vector<1x128xf32>
    %slice3A_1548 = vector.extract_strided_slice %transpose3A {offsets = [208, 0], sizes = [16, 128], strides = [1, 1]} : vector<416x128xf32> to vector<16x128xf32>
    %slice3A_1549 = vector.extract_strided_slice %transpose3A {offsets = [400, 0], sizes = [16, 128], strides = [1, 1]} : vector<416x128xf32> to vector<16x128xf32>
    %mul3A_1550 = arith.mulf %slice3A_1548, %slice3A_1549 : vector<16x128xf32>
    %reduce_sum3A_1551 = arith.constant dense<0.000000e+00> : vector<128xf32>
    %reduce_sum3A_1552 = vector.multi_reduction <add>, %mul3A_1550, %reduce_sum3A_1551 [0] : vector<16x128xf32> to vector<128xf32>
    %broadcast_in_dim3A_1553 = vector.shape_cast %reduce_sum3A_1552 : vector<128xf32> to vector<1x128xf32>
    %slice3A_1554 = vector.extract_strided_slice %transpose3A {offsets = [224, 0], sizes = [16, 128], strides = [1, 1]} : vector<416x128xf32> to vector<16x128xf32>
    %slice3A_1555 = vector.extract_strided_slice %transpose3A {offsets = [240, 0], sizes = [16, 128], strides = [1, 1]} : vector<416x128xf32> to vector<16x128xf32>
    %mul3A_1556 = arith.mulf %slice3A_1554, %slice3A_1555 : vector<16x128xf32>
    %reduce_sum3A_1557 = arith.constant dense<0.000000e+00> : vector<128xf32>
    %reduce_sum3A_1558 = vector.multi_reduction <add>, %mul3A_1556, %reduce_sum3A_1557 [0] : vector<16x128xf32> to vector<128xf32>
    %broadcast_in_dim3A_1559 = vector.shape_cast %reduce_sum3A_1558 : vector<128xf32> to vector<1x128xf32>
    %slice3A_1560 = vector.extract_strided_slice %transpose3A {offsets = [224, 0], sizes = [16, 128], strides = [1, 1]} : vector<416x128xf32> to vector<16x128xf32>
    %slice3A_1561 = vector.extract_strided_slice %transpose3A {offsets = [256, 0], sizes = [16, 128], strides = [1, 1]} : vector<416x128xf32> to vector<16x128xf32>
    %mul3A_1562 = arith.mulf %slice3A_1560, %slice3A_1561 : vector<16x128xf32>
    %reduce_sum3A_1563 = arith.constant dense<0.000000e+00> : vector<128xf32>
    %reduce_sum3A_1564 = vector.multi_reduction <add>, %mul3A_1562, %reduce_sum3A_1563 [0] : vector<16x128xf32> to vector<128xf32>
    %broadcast_in_dim3A_1565 = vector.shape_cast %reduce_sum3A_1564 : vector<128xf32> to vector<1x128xf32>
    %slice3A_1566 = vector.extract_strided_slice %transpose3A {offsets = [224, 0], sizes = [16, 128], strides = [1, 1]} : vector<416x128xf32> to vector<16x128xf32>
    %slice3A_1567 = vector.extract_strided_slice %transpose3A {offsets = [272, 0], sizes = [16, 128], strides = [1, 1]} : vector<416x128xf32> to vector<16x128xf32>
    %mul3A_1568 = arith.mulf %slice3A_1566, %slice3A_1567 : vector<16x128xf32>
    %reduce_sum3A_1569 = arith.constant dense<0.000000e+00> : vector<128xf32>
    %reduce_sum3A_1570 = vector.multi_reduction <add>, %mul3A_1568, %reduce_sum3A_1569 [0] : vector<16x128xf32> to vector<128xf32>
    %broadcast_in_dim3A_1571 = vector.shape_cast %reduce_sum3A_1570 : vector<128xf32> to vector<1x128xf32>
    %slice3A_1572 = vector.extract_strided_slice %transpose3A {offsets = [224, 0], sizes = [16, 128], strides = [1, 1]} : vector<416x128xf32> to vector<16x128xf32>
    %slice3A_1573 = vector.extract_strided_slice %transpose3A {offsets = [288, 0], sizes = [16, 128], strides = [1, 1]} : vector<416x128xf32> to vector<16x128xf32>
    %mul3A_1574 = arith.mulf %slice3A_1572, %slice3A_1573 : vector<16x128xf32>
    %reduce_sum3A_1575 = arith.constant dense<0.000000e+00> : vector<128xf32>
    %reduce_sum3A_1576 = vector.multi_reduction <add>, %mul3A_1574, %reduce_sum3A_1575 [0] : vector<16x128xf32> to vector<128xf32>
    %broadcast_in_dim3A_1577 = vector.shape_cast %reduce_sum3A_1576 : vector<128xf32> to vector<1x128xf32>
    %slice3A_1578 = vector.extract_strided_slice %transpose3A {offsets = [224, 0], sizes = [16, 128], strides = [1, 1]} : vector<416x128xf32> to vector<16x128xf32>
    %slice3A_1579 = vector.extract_strided_slice %transpose3A {offsets = [304, 0], sizes = [16, 128], strides = [1, 1]} : vector<416x128xf32> to vector<16x128xf32>
    %mul3A_1580 = arith.mulf %slice3A_1578, %slice3A_1579 : vector<16x128xf32>
    %reduce_sum3A_1581 = arith.constant dense<0.000000e+00> : vector<128xf32>
    %reduce_sum3A_1582 = vector.multi_reduction <add>, %mul3A_1580, %reduce_sum3A_1581 [0] : vector<16x128xf32> to vector<128xf32>
    %broadcast_in_dim3A_1583 = vector.shape_cast %reduce_sum3A_1582 : vector<128xf32> to vector<1x128xf32>
    %slice3A_1584 = vector.extract_strided_slice %transpose3A {offsets = [224, 0], sizes = [16, 128], strides = [1, 1]} : vector<416x128xf32> to vector<16x128xf32>
    %slice3A_1585 = vector.extract_strided_slice %transpose3A {offsets = [320, 0], sizes = [16, 128], strides = [1, 1]} : vector<416x128xf32> to vector<16x128xf32>
    %mul3A_1586 = arith.mulf %slice3A_1584, %slice3A_1585 : vector<16x128xf32>
    %reduce_sum3A_1587 = arith.constant dense<0.000000e+00> : vector<128xf32>
    %reduce_sum3A_1588 = vector.multi_reduction <add>, %mul3A_1586, %reduce_sum3A_1587 [0] : vector<16x128xf32> to vector<128xf32>
    %broadcast_in_dim3A_1589 = vector.shape_cast %reduce_sum3A_1588 : vector<128xf32> to vector<1x128xf32>
    %slice3A_1590 = vector.extract_strided_slice %transpose3A {offsets = [224, 0], sizes = [16, 128], strides = [1, 1]} : vector<416x128xf32> to vector<16x128xf32>
    %slice3A_1591 = vector.extract_strided_slice %transpose3A {offsets = [336, 0], sizes = [16, 128], strides = [1, 1]} : vector<416x128xf32> to vector<16x128xf32>
    %mul3A_1592 = arith.mulf %slice3A_1590, %slice3A_1591 : vector<16x128xf32>
    %reduce_sum3A_1593 = arith.constant dense<0.000000e+00> : vector<128xf32>
    %reduce_sum3A_1594 = vector.multi_reduction <add>, %mul3A_1592, %reduce_sum3A_1593 [0] : vector<16x128xf32> to vector<128xf32>
    %broadcast_in_dim3A_1595 = vector.shape_cast %reduce_sum3A_1594 : vector<128xf32> to vector<1x128xf32>
    %slice3A_1596 = vector.extract_strided_slice %transpose3A {offsets = [224, 0], sizes = [16, 128], strides = [1, 1]} : vector<416x128xf32> to vector<16x128xf32>
    %slice3A_1597 = vector.extract_strided_slice %transpose3A {offsets = [352, 0], sizes = [16, 128], strides = [1, 1]} : vector<416x128xf32> to vector<16x128xf32>
    %mul3A_1598 = arith.mulf %slice3A_1596, %slice3A_1597 : vector<16x128xf32>
    %reduce_sum3A_1599 = arith.constant dense<0.000000e+00> : vector<128xf32>
    %reduce_sum3A_1600 = vector.multi_reduction <add>, %mul3A_1598, %reduce_sum3A_1599 [0] : vector<16x128xf32> to vector<128xf32>
    %broadcast_in_dim3A_1601 = vector.shape_cast %reduce_sum3A_1600 : vector<128xf32> to vector<1x128xf32>
    %slice3A_1602 = vector.extract_strided_slice %transpose3A {offsets = [224, 0], sizes = [16, 128], strides = [1, 1]} : vector<416x128xf32> to vector<16x128xf32>
    %slice3A_1603 = vector.extract_strided_slice %transpose3A {offsets = [368, 0], sizes = [16, 128], strides = [1, 1]} : vector<416x128xf32> to vector<16x128xf32>
    %mul3A_1604 = arith.mulf %slice3A_1602, %slice3A_1603 : vector<16x128xf32>
    %reduce_sum3A_1605 = arith.constant dense<0.000000e+00> : vector<128xf32>
    %reduce_sum3A_1606 = vector.multi_reduction <add>, %mul3A_1604, %reduce_sum3A_1605 [0] : vector<16x128xf32> to vector<128xf32>
    %broadcast_in_dim3A_1607 = vector.shape_cast %reduce_sum3A_1606 : vector<128xf32> to vector<1x128xf32>
    %slice3A_1608 = vector.extract_strided_slice %transpose3A {offsets = [224, 0], sizes = [16, 128], strides = [1, 1]} : vector<416x128xf32> to vector<16x128xf32>
    %slice3A_1609 = vector.extract_strided_slice %transpose3A {offsets = [384, 0], sizes = [16, 128], strides = [1, 1]} : vector<416x128xf32> to vector<16x128xf32>
    %mul3A_1610 = arith.mulf %slice3A_1608, %slice3A_1609 : vector<16x128xf32>
    %reduce_sum3A_1611 = arith.constant dense<0.000000e+00> : vector<128xf32>
    %reduce_sum3A_1612 = vector.multi_reduction <add>, %mul3A_1610, %reduce_sum3A_1611 [0] : vector<16x128xf32> to vector<128xf32>
    %broadcast_in_dim3A_1613 = vector.shape_cast %reduce_sum3A_1612 : vector<128xf32> to vector<1x128xf32>
    %slice3A_1614 = vector.extract_strided_slice %transpose3A {offsets = [224, 0], sizes = [16, 128], strides = [1, 1]} : vector<416x128xf32> to vector<16x128xf32>
    %slice3A_1615 = vector.extract_strided_slice %transpose3A {offsets = [400, 0], sizes = [16, 128], strides = [1, 1]} : vector<416x128xf32> to vector<16x128xf32>
    %mul3A_1616 = arith.mulf %slice3A_1614, %slice3A_1615 : vector<16x128xf32>
    %reduce_sum3A_1617 = arith.constant dense<0.000000e+00> : vector<128xf32>
    %reduce_sum3A_1618 = vector.multi_reduction <add>, %mul3A_1616, %reduce_sum3A_1617 [0] : vector<16x128xf32> to vector<128xf32>
    %broadcast_in_dim3A_1619 = vector.shape_cast %reduce_sum3A_1618 : vector<128xf32> to vector<1x128xf32>
    %slice3A_1620 = vector.extract_strided_slice %transpose3A {offsets = [240, 0], sizes = [16, 128], strides = [1, 1]} : vector<416x128xf32> to vector<16x128xf32>
    %slice3A_1621 = vector.extract_strided_slice %transpose3A {offsets = [256, 0], sizes = [16, 128], strides = [1, 1]} : vector<416x128xf32> to vector<16x128xf32>
    %mul3A_1622 = arith.mulf %slice3A_1620, %slice3A_1621 : vector<16x128xf32>
    %reduce_sum3A_1623 = arith.constant dense<0.000000e+00> : vector<128xf32>
    %reduce_sum3A_1624 = vector.multi_reduction <add>, %mul3A_1622, %reduce_sum3A_1623 [0] : vector<16x128xf32> to vector<128xf32>
    %broadcast_in_dim3A_1625 = vector.shape_cast %reduce_sum3A_1624 : vector<128xf32> to vector<1x128xf32>
    %slice3A_1626 = vector.extract_strided_slice %transpose3A {offsets = [240, 0], sizes = [16, 128], strides = [1, 1]} : vector<416x128xf32> to vector<16x128xf32>
    %slice3A_1627 = vector.extract_strided_slice %transpose3A {offsets = [272, 0], sizes = [16, 128], strides = [1, 1]} : vector<416x128xf32> to vector<16x128xf32>
    %mul3A_1628 = arith.mulf %slice3A_1626, %slice3A_1627 : vector<16x128xf32>
    %reduce_sum3A_1629 = arith.constant dense<0.000000e+00> : vector<128xf32>
    %reduce_sum3A_1630 = vector.multi_reduction <add>, %mul3A_1628, %reduce_sum3A_1629 [0] : vector<16x128xf32> to vector<128xf32>
    %broadcast_in_dim3A_1631 = vector.shape_cast %reduce_sum3A_1630 : vector<128xf32> to vector<1x128xf32>
    %slice3A_1632 = vector.extract_strided_slice %transpose3A {offsets = [240, 0], sizes = [16, 128], strides = [1, 1]} : vector<416x128xf32> to vector<16x128xf32>
    %slice3A_1633 = vector.extract_strided_slice %transpose3A {offsets = [288, 0], sizes = [16, 128], strides = [1, 1]} : vector<416x128xf32> to vector<16x128xf32>
    %mul3A_1634 = arith.mulf %slice3A_1632, %slice3A_1633 : vector<16x128xf32>
    %reduce_sum3A_1635 = arith.constant dense<0.000000e+00> : vector<128xf32>
    %reduce_sum3A_1636 = vector.multi_reduction <add>, %mul3A_1634, %reduce_sum3A_1635 [0] : vector<16x128xf32> to vector<128xf32>
    %broadcast_in_dim3A_1637 = vector.shape_cast %reduce_sum3A_1636 : vector<128xf32> to vector<1x128xf32>
    %slice3A_1638 = vector.extract_strided_slice %transpose3A {offsets = [240, 0], sizes = [16, 128], strides = [1, 1]} : vector<416x128xf32> to vector<16x128xf32>
    %slice3A_1639 = vector.extract_strided_slice %transpose3A {offsets = [304, 0], sizes = [16, 128], strides = [1, 1]} : vector<416x128xf32> to vector<16x128xf32>
    %mul3A_1640 = arith.mulf %slice3A_1638, %slice3A_1639 : vector<16x128xf32>
    %reduce_sum3A_1641 = arith.constant dense<0.000000e+00> : vector<128xf32>
    %reduce_sum3A_1642 = vector.multi_reduction <add>, %mul3A_1640, %reduce_sum3A_1641 [0] : vector<16x128xf32> to vector<128xf32>
    %broadcast_in_dim3A_1643 = vector.shape_cast %reduce_sum3A_1642 : vector<128xf32> to vector<1x128xf32>
    %slice3A_1644 = vector.extract_strided_slice %transpose3A {offsets = [240, 0], sizes = [16, 128], strides = [1, 1]} : vector<416x128xf32> to vector<16x128xf32>
    %slice3A_1645 = vector.extract_strided_slice %transpose3A {offsets = [320, 0], sizes = [16, 128], strides = [1, 1]} : vector<416x128xf32> to vector<16x128xf32>
    %mul3A_1646 = arith.mulf %slice3A_1644, %slice3A_1645 : vector<16x128xf32>
    %reduce_sum3A_1647 = arith.constant dense<0.000000e+00> : vector<128xf32>
    %reduce_sum3A_1648 = vector.multi_reduction <add>, %mul3A_1646, %reduce_sum3A_1647 [0] : vector<16x128xf32> to vector<128xf32>
    %broadcast_in_dim3A_1649 = vector.shape_cast %reduce_sum3A_1648 : vector<128xf32> to vector<1x128xf32>
    %slice3A_1650 = vector.extract_strided_slice %transpose3A {offsets = [240, 0], sizes = [16, 128], strides = [1, 1]} : vector<416x128xf32> to vector<16x128xf32>
    %slice3A_1651 = vector.extract_strided_slice %transpose3A {offsets = [336, 0], sizes = [16, 128], strides = [1, 1]} : vector<416x128xf32> to vector<16x128xf32>
    %mul3A_1652 = arith.mulf %slice3A_1650, %slice3A_1651 : vector<16x128xf32>
    %reduce_sum3A_1653 = arith.constant dense<0.000000e+00> : vector<128xf32>
    %reduce_sum3A_1654 = vector.multi_reduction <add>, %mul3A_1652, %reduce_sum3A_1653 [0] : vector<16x128xf32> to vector<128xf32>
    %broadcast_in_dim3A_1655 = vector.shape_cast %reduce_sum3A_1654 : vector<128xf32> to vector<1x128xf32>
    %slice3A_1656 = vector.extract_strided_slice %transpose3A {offsets = [240, 0], sizes = [16, 128], strides = [1, 1]} : vector<416x128xf32> to vector<16x128xf32>
    %slice3A_1657 = vector.extract_strided_slice %transpose3A {offsets = [352, 0], sizes = [16, 128], strides = [1, 1]} : vector<416x128xf32> to vector<16x128xf32>
    %mul3A_1658 = arith.mulf %slice3A_1656, %slice3A_1657 : vector<16x128xf32>
    %reduce_sum3A_1659 = arith.constant dense<0.000000e+00> : vector<128xf32>
    %reduce_sum3A_1660 = vector.multi_reduction <add>, %mul3A_1658, %reduce_sum3A_1659 [0] : vector<16x128xf32> to vector<128xf32>
    %broadcast_in_dim3A_1661 = vector.shape_cast %reduce_sum3A_1660 : vector<128xf32> to vector<1x128xf32>
    %slice3A_1662 = vector.extract_strided_slice %transpose3A {offsets = [240, 0], sizes = [16, 128], strides = [1, 1]} : vector<416x128xf32> to vector<16x128xf32>
    %slice3A_1663 = vector.extract_strided_slice %transpose3A {offsets = [368, 0], sizes = [16, 128], strides = [1, 1]} : vector<416x128xf32> to vector<16x128xf32>
    %mul3A_1664 = arith.mulf %slice3A_1662, %slice3A_1663 : vector<16x128xf32>
    %reduce_sum3A_1665 = arith.constant dense<0.000000e+00> : vector<128xf32>
    %reduce_sum3A_1666 = vector.multi_reduction <add>, %mul3A_1664, %reduce_sum3A_1665 [0] : vector<16x128xf32> to vector<128xf32>
    %broadcast_in_dim3A_1667 = vector.shape_cast %reduce_sum3A_1666 : vector<128xf32> to vector<1x128xf32>
    %slice3A_1668 = vector.extract_strided_slice %transpose3A {offsets = [240, 0], sizes = [16, 128], strides = [1, 1]} : vector<416x128xf32> to vector<16x128xf32>
    %slice3A_1669 = vector.extract_strided_slice %transpose3A {offsets = [384, 0], sizes = [16, 128], strides = [1, 1]} : vector<416x128xf32> to vector<16x128xf32>
    %mul3A_1670 = arith.mulf %slice3A_1668, %slice3A_1669 : vector<16x128xf32>
    %reduce_sum3A_1671 = arith.constant dense<0.000000e+00> : vector<128xf32>
    %reduce_sum3A_1672 = vector.multi_reduction <add>, %mul3A_1670, %reduce_sum3A_1671 [0] : vector<16x128xf32> to vector<128xf32>
    %broadcast_in_dim3A_1673 = vector.shape_cast %reduce_sum3A_1672 : vector<128xf32> to vector<1x128xf32>
    %slice3A_1674 = vector.extract_strided_slice %transpose3A {offsets = [240, 0], sizes = [16, 128], strides = [1, 1]} : vector<416x128xf32> to vector<16x128xf32>
    %slice3A_1675 = vector.extract_strided_slice %transpose3A {offsets = [400, 0], sizes = [16, 128], strides = [1, 1]} : vector<416x128xf32> to vector<16x128xf32>
    %mul3A_1676 = arith.mulf %slice3A_1674, %slice3A_1675 : vector<16x128xf32>
    %reduce_sum3A_1677 = arith.constant dense<0.000000e+00> : vector<128xf32>
    %reduce_sum3A_1678 = vector.multi_reduction <add>, %mul3A_1676, %reduce_sum3A_1677 [0] : vector<16x128xf32> to vector<128xf32>
    %broadcast_in_dim3A_1679 = vector.shape_cast %reduce_sum3A_1678 : vector<128xf32> to vector<1x128xf32>
    %slice3A_1680 = vector.extract_strided_slice %transpose3A {offsets = [256, 0], sizes = [16, 128], strides = [1, 1]} : vector<416x128xf32> to vector<16x128xf32>
    %slice3A_1681 = vector.extract_strided_slice %transpose3A {offsets = [272, 0], sizes = [16, 128], strides = [1, 1]} : vector<416x128xf32> to vector<16x128xf32>
    %mul3A_1682 = arith.mulf %slice3A_1680, %slice3A_1681 : vector<16x128xf32>
    %reduce_sum3A_1683 = arith.constant dense<0.000000e+00> : vector<128xf32>
    %reduce_sum3A_1684 = vector.multi_reduction <add>, %mul3A_1682, %reduce_sum3A_1683 [0] : vector<16x128xf32> to vector<128xf32>
    %broadcast_in_dim3A_1685 = vector.shape_cast %reduce_sum3A_1684 : vector<128xf32> to vector<1x128xf32>
    %slice3A_1686 = vector.extract_strided_slice %transpose3A {offsets = [256, 0], sizes = [16, 128], strides = [1, 1]} : vector<416x128xf32> to vector<16x128xf32>
    %slice3A_1687 = vector.extract_strided_slice %transpose3A {offsets = [288, 0], sizes = [16, 128], strides = [1, 1]} : vector<416x128xf32> to vector<16x128xf32>
    %mul3A_1688 = arith.mulf %slice3A_1686, %slice3A_1687 : vector<16x128xf32>
    %reduce_sum3A_1689 = arith.constant dense<0.000000e+00> : vector<128xf32>
    %reduce_sum3A_1690 = vector.multi_reduction <add>, %mul3A_1688, %reduce_sum3A_1689 [0] : vector<16x128xf32> to vector<128xf32>
    %broadcast_in_dim3A_1691 = vector.shape_cast %reduce_sum3A_1690 : vector<128xf32> to vector<1x128xf32>
    %slice3A_1692 = vector.extract_strided_slice %transpose3A {offsets = [256, 0], sizes = [16, 128], strides = [1, 1]} : vector<416x128xf32> to vector<16x128xf32>
    %slice3A_1693 = vector.extract_strided_slice %transpose3A {offsets = [304, 0], sizes = [16, 128], strides = [1, 1]} : vector<416x128xf32> to vector<16x128xf32>
    %mul3A_1694 = arith.mulf %slice3A_1692, %slice3A_1693 : vector<16x128xf32>
    %reduce_sum3A_1695 = arith.constant dense<0.000000e+00> : vector<128xf32>
    %reduce_sum3A_1696 = vector.multi_reduction <add>, %mul3A_1694, %reduce_sum3A_1695 [0] : vector<16x128xf32> to vector<128xf32>
    %broadcast_in_dim3A_1697 = vector.shape_cast %reduce_sum3A_1696 : vector<128xf32> to vector<1x128xf32>
    %slice3A_1698 = vector.extract_strided_slice %transpose3A {offsets = [256, 0], sizes = [16, 128], strides = [1, 1]} : vector<416x128xf32> to vector<16x128xf32>
    %slice3A_1699 = vector.extract_strided_slice %transpose3A {offsets = [320, 0], sizes = [16, 128], strides = [1, 1]} : vector<416x128xf32> to vector<16x128xf32>
    %mul3A_1700 = arith.mulf %slice3A_1698, %slice3A_1699 : vector<16x128xf32>
    %reduce_sum3A_1701 = arith.constant dense<0.000000e+00> : vector<128xf32>
    %reduce_sum3A_1702 = vector.multi_reduction <add>, %mul3A_1700, %reduce_sum3A_1701 [0] : vector<16x128xf32> to vector<128xf32>
    %broadcast_in_dim3A_1703 = vector.shape_cast %reduce_sum3A_1702 : vector<128xf32> to vector<1x128xf32>
    %slice3A_1704 = vector.extract_strided_slice %transpose3A {offsets = [256, 0], sizes = [16, 128], strides = [1, 1]} : vector<416x128xf32> to vector<16x128xf32>
    %slice3A_1705 = vector.extract_strided_slice %transpose3A {offsets = [336, 0], sizes = [16, 128], strides = [1, 1]} : vector<416x128xf32> to vector<16x128xf32>
    %mul3A_1706 = arith.mulf %slice3A_1704, %slice3A_1705 : vector<16x128xf32>
    %reduce_sum3A_1707 = arith.constant dense<0.000000e+00> : vector<128xf32>
    %reduce_sum3A_1708 = vector.multi_reduction <add>, %mul3A_1706, %reduce_sum3A_1707 [0] : vector<16x128xf32> to vector<128xf32>
    %broadcast_in_dim3A_1709 = vector.shape_cast %reduce_sum3A_1708 : vector<128xf32> to vector<1x128xf32>
    %slice3A_1710 = vector.extract_strided_slice %transpose3A {offsets = [256, 0], sizes = [16, 128], strides = [1, 1]} : vector<416x128xf32> to vector<16x128xf32>
    %slice3A_1711 = vector.extract_strided_slice %transpose3A {offsets = [352, 0], sizes = [16, 128], strides = [1, 1]} : vector<416x128xf32> to vector<16x128xf32>
    %mul3A_1712 = arith.mulf %slice3A_1710, %slice3A_1711 : vector<16x128xf32>
    %reduce_sum3A_1713 = arith.constant dense<0.000000e+00> : vector<128xf32>
    %reduce_sum3A_1714 = vector.multi_reduction <add>, %mul3A_1712, %reduce_sum3A_1713 [0] : vector<16x128xf32> to vector<128xf32>
    %broadcast_in_dim3A_1715 = vector.shape_cast %reduce_sum3A_1714 : vector<128xf32> to vector<1x128xf32>
    %slice3A_1716 = vector.extract_strided_slice %transpose3A {offsets = [256, 0], sizes = [16, 128], strides = [1, 1]} : vector<416x128xf32> to vector<16x128xf32>
    %slice3A_1717 = vector.extract_strided_slice %transpose3A {offsets = [368, 0], sizes = [16, 128], strides = [1, 1]} : vector<416x128xf32> to vector<16x128xf32>
    %mul3A_1718 = arith.mulf %slice3A_1716, %slice3A_1717 : vector<16x128xf32>
    %reduce_sum3A_1719 = arith.constant dense<0.000000e+00> : vector<128xf32>
    %reduce_sum3A_1720 = vector.multi_reduction <add>, %mul3A_1718, %reduce_sum3A_1719 [0] : vector<16x128xf32> to vector<128xf32>
    %broadcast_in_dim3A_1721 = vector.shape_cast %reduce_sum3A_1720 : vector<128xf32> to vector<1x128xf32>
    %slice3A_1722 = vector.extract_strided_slice %transpose3A {offsets = [256, 0], sizes = [16, 128], strides = [1, 1]} : vector<416x128xf32> to vector<16x128xf32>
    %slice3A_1723 = vector.extract_strided_slice %transpose3A {offsets = [384, 0], sizes = [16, 128], strides = [1, 1]} : vector<416x128xf32> to vector<16x128xf32>
    %mul3A_1724 = arith.mulf %slice3A_1722, %slice3A_1723 : vector<16x128xf32>
    %reduce_sum3A_1725 = arith.constant dense<0.000000e+00> : vector<128xf32>
    %reduce_sum3A_1726 = vector.multi_reduction <add>, %mul3A_1724, %reduce_sum3A_1725 [0] : vector<16x128xf32> to vector<128xf32>
    %broadcast_in_dim3A_1727 = vector.shape_cast %reduce_sum3A_1726 : vector<128xf32> to vector<1x128xf32>
    %slice3A_1728 = vector.extract_strided_slice %transpose3A {offsets = [256, 0], sizes = [16, 128], strides = [1, 1]} : vector<416x128xf32> to vector<16x128xf32>
    %slice3A_1729 = vector.extract_strided_slice %transpose3A {offsets = [400, 0], sizes = [16, 128], strides = [1, 1]} : vector<416x128xf32> to vector<16x128xf32>
    %mul3A_1730 = arith.mulf %slice3A_1728, %slice3A_1729 : vector<16x128xf32>
    %reduce_sum3A_1731 = arith.constant dense<0.000000e+00> : vector<128xf32>
    %reduce_sum3A_1732 = vector.multi_reduction <add>, %mul3A_1730, %reduce_sum3A_1731 [0] : vector<16x128xf32> to vector<128xf32>
    %broadcast_in_dim3A_1733 = vector.shape_cast %reduce_sum3A_1732 : vector<128xf32> to vector<1x128xf32>
    %slice3A_1734 = vector.extract_strided_slice %transpose3A {offsets = [272, 0], sizes = [16, 128], strides = [1, 1]} : vector<416x128xf32> to vector<16x128xf32>
    %slice3A_1735 = vector.extract_strided_slice %transpose3A {offsets = [288, 0], sizes = [16, 128], strides = [1, 1]} : vector<416x128xf32> to vector<16x128xf32>
    %mul3A_1736 = arith.mulf %slice3A_1734, %slice3A_1735 : vector<16x128xf32>
    %reduce_sum3A_1737 = arith.constant dense<0.000000e+00> : vector<128xf32>
    %reduce_sum3A_1738 = vector.multi_reduction <add>, %mul3A_1736, %reduce_sum3A_1737 [0] : vector<16x128xf32> to vector<128xf32>
    %broadcast_in_dim3A_1739 = vector.shape_cast %reduce_sum3A_1738 : vector<128xf32> to vector<1x128xf32>
    %slice3A_1740 = vector.extract_strided_slice %transpose3A {offsets = [272, 0], sizes = [16, 128], strides = [1, 1]} : vector<416x128xf32> to vector<16x128xf32>
    %slice3A_1741 = vector.extract_strided_slice %transpose3A {offsets = [304, 0], sizes = [16, 128], strides = [1, 1]} : vector<416x128xf32> to vector<16x128xf32>
    %mul3A_1742 = arith.mulf %slice3A_1740, %slice3A_1741 : vector<16x128xf32>
    %reduce_sum3A_1743 = arith.constant dense<0.000000e+00> : vector<128xf32>
    %reduce_sum3A_1744 = vector.multi_reduction <add>, %mul3A_1742, %reduce_sum3A_1743 [0] : vector<16x128xf32> to vector<128xf32>
    %broadcast_in_dim3A_1745 = vector.shape_cast %reduce_sum3A_1744 : vector<128xf32> to vector<1x128xf32>
    %slice3A_1746 = vector.extract_strided_slice %transpose3A {offsets = [272, 0], sizes = [16, 128], strides = [1, 1]} : vector<416x128xf32> to vector<16x128xf32>
    %slice3A_1747 = vector.extract_strided_slice %transpose3A {offsets = [320, 0], sizes = [16, 128], strides = [1, 1]} : vector<416x128xf32> to vector<16x128xf32>
    %mul3A_1748 = arith.mulf %slice3A_1746, %slice3A_1747 : vector<16x128xf32>
    %reduce_sum3A_1749 = arith.constant dense<0.000000e+00> : vector<128xf32>
    %reduce_sum3A_1750 = vector.multi_reduction <add>, %mul3A_1748, %reduce_sum3A_1749 [0] : vector<16x128xf32> to vector<128xf32>
    %broadcast_in_dim3A_1751 = vector.shape_cast %reduce_sum3A_1750 : vector<128xf32> to vector<1x128xf32>
    %slice3A_1752 = vector.extract_strided_slice %transpose3A {offsets = [272, 0], sizes = [16, 128], strides = [1, 1]} : vector<416x128xf32> to vector<16x128xf32>
    %slice3A_1753 = vector.extract_strided_slice %transpose3A {offsets = [336, 0], sizes = [16, 128], strides = [1, 1]} : vector<416x128xf32> to vector<16x128xf32>
    %mul3A_1754 = arith.mulf %slice3A_1752, %slice3A_1753 : vector<16x128xf32>
    %reduce_sum3A_1755 = arith.constant dense<0.000000e+00> : vector<128xf32>
    %reduce_sum3A_1756 = vector.multi_reduction <add>, %mul3A_1754, %reduce_sum3A_1755 [0] : vector<16x128xf32> to vector<128xf32>
    %broadcast_in_dim3A_1757 = vector.shape_cast %reduce_sum3A_1756 : vector<128xf32> to vector<1x128xf32>
    %slice3A_1758 = vector.extract_strided_slice %transpose3A {offsets = [272, 0], sizes = [16, 128], strides = [1, 1]} : vector<416x128xf32> to vector<16x128xf32>
    %slice3A_1759 = vector.extract_strided_slice %transpose3A {offsets = [352, 0], sizes = [16, 128], strides = [1, 1]} : vector<416x128xf32> to vector<16x128xf32>
    %mul3A_1760 = arith.mulf %slice3A_1758, %slice3A_1759 : vector<16x128xf32>
    %reduce_sum3A_1761 = arith.constant dense<0.000000e+00> : vector<128xf32>
    %reduce_sum3A_1762 = vector.multi_reduction <add>, %mul3A_1760, %reduce_sum3A_1761 [0] : vector<16x128xf32> to vector<128xf32>
    %broadcast_in_dim3A_1763 = vector.shape_cast %reduce_sum3A_1762 : vector<128xf32> to vector<1x128xf32>
    %slice3A_1764 = vector.extract_strided_slice %transpose3A {offsets = [272, 0], sizes = [16, 128], strides = [1, 1]} : vector<416x128xf32> to vector<16x128xf32>
    %slice3A_1765 = vector.extract_strided_slice %transpose3A {offsets = [368, 0], sizes = [16, 128], strides = [1, 1]} : vector<416x128xf32> to vector<16x128xf32>
    %mul3A_1766 = arith.mulf %slice3A_1764, %slice3A_1765 : vector<16x128xf32>
    %reduce_sum3A_1767 = arith.constant dense<0.000000e+00> : vector<128xf32>
    %reduce_sum3A_1768 = vector.multi_reduction <add>, %mul3A_1766, %reduce_sum3A_1767 [0] : vector<16x128xf32> to vector<128xf32>
    %broadcast_in_dim3A_1769 = vector.shape_cast %reduce_sum3A_1768 : vector<128xf32> to vector<1x128xf32>
    %slice3A_1770 = vector.extract_strided_slice %transpose3A {offsets = [272, 0], sizes = [16, 128], strides = [1, 1]} : vector<416x128xf32> to vector<16x128xf32>
    %slice3A_1771 = vector.extract_strided_slice %transpose3A {offsets = [384, 0], sizes = [16, 128], strides = [1, 1]} : vector<416x128xf32> to vector<16x128xf32>
    %mul3A_1772 = arith.mulf %slice3A_1770, %slice3A_1771 : vector<16x128xf32>
    %reduce_sum3A_1773 = arith.constant dense<0.000000e+00> : vector<128xf32>
    %reduce_sum3A_1774 = vector.multi_reduction <add>, %mul3A_1772, %reduce_sum3A_1773 [0] : vector<16x128xf32> to vector<128xf32>
    %broadcast_in_dim3A_1775 = vector.shape_cast %reduce_sum3A_1774 : vector<128xf32> to vector<1x128xf32>
    %slice3A_1776 = vector.extract_strided_slice %transpose3A {offsets = [272, 0], sizes = [16, 128], strides = [1, 1]} : vector<416x128xf32> to vector<16x128xf32>
    %slice3A_1777 = vector.extract_strided_slice %transpose3A {offsets = [400, 0], sizes = [16, 128], strides = [1, 1]} : vector<416x128xf32> to vector<16x128xf32>
    %mul3A_1778 = arith.mulf %slice3A_1776, %slice3A_1777 : vector<16x128xf32>
    %reduce_sum3A_1779 = arith.constant dense<0.000000e+00> : vector<128xf32>
    %reduce_sum3A_1780 = vector.multi_reduction <add>, %mul3A_1778, %reduce_sum3A_1779 [0] : vector<16x128xf32> to vector<128xf32>
    %broadcast_in_dim3A_1781 = vector.shape_cast %reduce_sum3A_1780 : vector<128xf32> to vector<1x128xf32>
    %slice3A_1782 = vector.extract_strided_slice %transpose3A {offsets = [288, 0], sizes = [16, 128], strides = [1, 1]} : vector<416x128xf32> to vector<16x128xf32>
    %slice3A_1783 = vector.extract_strided_slice %transpose3A {offsets = [304, 0], sizes = [16, 128], strides = [1, 1]} : vector<416x128xf32> to vector<16x128xf32>
    %mul3A_1784 = arith.mulf %slice3A_1782, %slice3A_1783 : vector<16x128xf32>
    %reduce_sum3A_1785 = arith.constant dense<0.000000e+00> : vector<128xf32>
    %reduce_sum3A_1786 = vector.multi_reduction <add>, %mul3A_1784, %reduce_sum3A_1785 [0] : vector<16x128xf32> to vector<128xf32>
    %broadcast_in_dim3A_1787 = vector.shape_cast %reduce_sum3A_1786 : vector<128xf32> to vector<1x128xf32>
    %slice3A_1788 = vector.extract_strided_slice %transpose3A {offsets = [288, 0], sizes = [16, 128], strides = [1, 1]} : vector<416x128xf32> to vector<16x128xf32>
    %slice3A_1789 = vector.extract_strided_slice %transpose3A {offsets = [320, 0], sizes = [16, 128], strides = [1, 1]} : vector<416x128xf32> to vector<16x128xf32>
    %mul3A_1790 = arith.mulf %slice3A_1788, %slice3A_1789 : vector<16x128xf32>
    %reduce_sum3A_1791 = arith.constant dense<0.000000e+00> : vector<128xf32>
    %reduce_sum3A_1792 = vector.multi_reduction <add>, %mul3A_1790, %reduce_sum3A_1791 [0] : vector<16x128xf32> to vector<128xf32>
    %broadcast_in_dim3A_1793 = vector.shape_cast %reduce_sum3A_1792 : vector<128xf32> to vector<1x128xf32>
    %slice3A_1794 = vector.extract_strided_slice %transpose3A {offsets = [288, 0], sizes = [16, 128], strides = [1, 1]} : vector<416x128xf32> to vector<16x128xf32>
    %slice3A_1795 = vector.extract_strided_slice %transpose3A {offsets = [336, 0], sizes = [16, 128], strides = [1, 1]} : vector<416x128xf32> to vector<16x128xf32>
    %mul3A_1796 = arith.mulf %slice3A_1794, %slice3A_1795 : vector<16x128xf32>
    %reduce_sum3A_1797 = arith.constant dense<0.000000e+00> : vector<128xf32>
    %reduce_sum3A_1798 = vector.multi_reduction <add>, %mul3A_1796, %reduce_sum3A_1797 [0] : vector<16x128xf32> to vector<128xf32>
    %broadcast_in_dim3A_1799 = vector.shape_cast %reduce_sum3A_1798 : vector<128xf32> to vector<1x128xf32>
    %slice3A_1800 = vector.extract_strided_slice %transpose3A {offsets = [288, 0], sizes = [16, 128], strides = [1, 1]} : vector<416x128xf32> to vector<16x128xf32>
    %slice3A_1801 = vector.extract_strided_slice %transpose3A {offsets = [352, 0], sizes = [16, 128], strides = [1, 1]} : vector<416x128xf32> to vector<16x128xf32>
    %mul3A_1802 = arith.mulf %slice3A_1800, %slice3A_1801 : vector<16x128xf32>
    %reduce_sum3A_1803 = arith.constant dense<0.000000e+00> : vector<128xf32>
    %reduce_sum3A_1804 = vector.multi_reduction <add>, %mul3A_1802, %reduce_sum3A_1803 [0] : vector<16x128xf32> to vector<128xf32>
    %broadcast_in_dim3A_1805 = vector.shape_cast %reduce_sum3A_1804 : vector<128xf32> to vector<1x128xf32>
    %slice3A_1806 = vector.extract_strided_slice %transpose3A {offsets = [288, 0], sizes = [16, 128], strides = [1, 1]} : vector<416x128xf32> to vector<16x128xf32>
    %slice3A_1807 = vector.extract_strided_slice %transpose3A {offsets = [368, 0], sizes = [16, 128], strides = [1, 1]} : vector<416x128xf32> to vector<16x128xf32>
    %mul3A_1808 = arith.mulf %slice3A_1806, %slice3A_1807 : vector<16x128xf32>
    %reduce_sum3A_1809 = arith.constant dense<0.000000e+00> : vector<128xf32>
    %reduce_sum3A_1810 = vector.multi_reduction <add>, %mul3A_1808, %reduce_sum3A_1809 [0] : vector<16x128xf32> to vector<128xf32>
    %broadcast_in_dim3A_1811 = vector.shape_cast %reduce_sum3A_1810 : vector<128xf32> to vector<1x128xf32>
    %slice3A_1812 = vector.extract_strided_slice %transpose3A {offsets = [288, 0], sizes = [16, 128], strides = [1, 1]} : vector<416x128xf32> to vector<16x128xf32>
    %slice3A_1813 = vector.extract_strided_slice %transpose3A {offsets = [384, 0], sizes = [16, 128], strides = [1, 1]} : vector<416x128xf32> to vector<16x128xf32>
    %mul3A_1814 = arith.mulf %slice3A_1812, %slice3A_1813 : vector<16x128xf32>
    %reduce_sum3A_1815 = arith.constant dense<0.000000e+00> : vector<128xf32>
    %reduce_sum3A_1816 = vector.multi_reduction <add>, %mul3A_1814, %reduce_sum3A_1815 [0] : vector<16x128xf32> to vector<128xf32>
    %broadcast_in_dim3A_1817 = vector.shape_cast %reduce_sum3A_1816 : vector<128xf32> to vector<1x128xf32>
    %slice3A_1818 = vector.extract_strided_slice %transpose3A {offsets = [288, 0], sizes = [16, 128], strides = [1, 1]} : vector<416x128xf32> to vector<16x128xf32>
    %slice3A_1819 = vector.extract_strided_slice %transpose3A {offsets = [400, 0], sizes = [16, 128], strides = [1, 1]} : vector<416x128xf32> to vector<16x128xf32>
    %mul3A_1820 = arith.mulf %slice3A_1818, %slice3A_1819 : vector<16x128xf32>
    %reduce_sum3A_1821 = arith.constant dense<0.000000e+00> : vector<128xf32>
    %reduce_sum3A_1822 = vector.multi_reduction <add>, %mul3A_1820, %reduce_sum3A_1821 [0] : vector<16x128xf32> to vector<128xf32>
    %broadcast_in_dim3A_1823 = vector.shape_cast %reduce_sum3A_1822 : vector<128xf32> to vector<1x128xf32>
    %slice3A_1824 = vector.extract_strided_slice %transpose3A {offsets = [304, 0], sizes = [16, 128], strides = [1, 1]} : vector<416x128xf32> to vector<16x128xf32>
    %slice3A_1825 = vector.extract_strided_slice %transpose3A {offsets = [320, 0], sizes = [16, 128], strides = [1, 1]} : vector<416x128xf32> to vector<16x128xf32>
    %mul3A_1826 = arith.mulf %slice3A_1824, %slice3A_1825 : vector<16x128xf32>
    %reduce_sum3A_1827 = arith.constant dense<0.000000e+00> : vector<128xf32>
    %reduce_sum3A_1828 = vector.multi_reduction <add>, %mul3A_1826, %reduce_sum3A_1827 [0] : vector<16x128xf32> to vector<128xf32>
    %broadcast_in_dim3A_1829 = vector.shape_cast %reduce_sum3A_1828 : vector<128xf32> to vector<1x128xf32>
    %slice3A_1830 = vector.extract_strided_slice %transpose3A {offsets = [304, 0], sizes = [16, 128], strides = [1, 1]} : vector<416x128xf32> to vector<16x128xf32>
    %slice3A_1831 = vector.extract_strided_slice %transpose3A {offsets = [336, 0], sizes = [16, 128], strides = [1, 1]} : vector<416x128xf32> to vector<16x128xf32>
    %mul3A_1832 = arith.mulf %slice3A_1830, %slice3A_1831 : vector<16x128xf32>
    %reduce_sum3A_1833 = arith.constant dense<0.000000e+00> : vector<128xf32>
    %reduce_sum3A_1834 = vector.multi_reduction <add>, %mul3A_1832, %reduce_sum3A_1833 [0] : vector<16x128xf32> to vector<128xf32>
    %broadcast_in_dim3A_1835 = vector.shape_cast %reduce_sum3A_1834 : vector<128xf32> to vector<1x128xf32>
    %slice3A_1836 = vector.extract_strided_slice %transpose3A {offsets = [304, 0], sizes = [16, 128], strides = [1, 1]} : vector<416x128xf32> to vector<16x128xf32>
    %slice3A_1837 = vector.extract_strided_slice %transpose3A {offsets = [352, 0], sizes = [16, 128], strides = [1, 1]} : vector<416x128xf32> to vector<16x128xf32>
    %mul3A_1838 = arith.mulf %slice3A_1836, %slice3A_1837 : vector<16x128xf32>
    %reduce_sum3A_1839 = arith.constant dense<0.000000e+00> : vector<128xf32>
    %reduce_sum3A_1840 = vector.multi_reduction <add>, %mul3A_1838, %reduce_sum3A_1839 [0] : vector<16x128xf32> to vector<128xf32>
    %broadcast_in_dim3A_1841 = vector.shape_cast %reduce_sum3A_1840 : vector<128xf32> to vector<1x128xf32>
    %slice3A_1842 = vector.extract_strided_slice %transpose3A {offsets = [304, 0], sizes = [16, 128], strides = [1, 1]} : vector<416x128xf32> to vector<16x128xf32>
    %slice3A_1843 = vector.extract_strided_slice %transpose3A {offsets = [368, 0], sizes = [16, 128], strides = [1, 1]} : vector<416x128xf32> to vector<16x128xf32>
    %mul3A_1844 = arith.mulf %slice3A_1842, %slice3A_1843 : vector<16x128xf32>
    %reduce_sum3A_1845 = arith.constant dense<0.000000e+00> : vector<128xf32>
    %reduce_sum3A_1846 = vector.multi_reduction <add>, %mul3A_1844, %reduce_sum3A_1845 [0] : vector<16x128xf32> to vector<128xf32>
    %broadcast_in_dim3A_1847 = vector.shape_cast %reduce_sum3A_1846 : vector<128xf32> to vector<1x128xf32>
    %slice3A_1848 = vector.extract_strided_slice %transpose3A {offsets = [304, 0], sizes = [16, 128], strides = [1, 1]} : vector<416x128xf32> to vector<16x128xf32>
    %slice3A_1849 = vector.extract_strided_slice %transpose3A {offsets = [384, 0], sizes = [16, 128], strides = [1, 1]} : vector<416x128xf32> to vector<16x128xf32>
    %mul3A_1850 = arith.mulf %slice3A_1848, %slice3A_1849 : vector<16x128xf32>
    %reduce_sum3A_1851 = arith.constant dense<0.000000e+00> : vector<128xf32>
    %reduce_sum3A_1852 = vector.multi_reduction <add>, %mul3A_1850, %reduce_sum3A_1851 [0] : vector<16x128xf32> to vector<128xf32>
    %broadcast_in_dim3A_1853 = vector.shape_cast %reduce_sum3A_1852 : vector<128xf32> to vector<1x128xf32>
    %slice3A_1854 = vector.extract_strided_slice %transpose3A {offsets = [304, 0], sizes = [16, 128], strides = [1, 1]} : vector<416x128xf32> to vector<16x128xf32>
    %slice3A_1855 = vector.extract_strided_slice %transpose3A {offsets = [400, 0], sizes = [16, 128], strides = [1, 1]} : vector<416x128xf32> to vector<16x128xf32>
    %mul3A_1856 = arith.mulf %slice3A_1854, %slice3A_1855 : vector<16x128xf32>
    %reduce_sum3A_1857 = arith.constant dense<0.000000e+00> : vector<128xf32>
    %reduce_sum3A_1858 = vector.multi_reduction <add>, %mul3A_1856, %reduce_sum3A_1857 [0] : vector<16x128xf32> to vector<128xf32>
    %broadcast_in_dim3A_1859 = vector.shape_cast %reduce_sum3A_1858 : vector<128xf32> to vector<1x128xf32>
    %slice3A_1860 = vector.extract_strided_slice %transpose3A {offsets = [320, 0], sizes = [16, 128], strides = [1, 1]} : vector<416x128xf32> to vector<16x128xf32>
    %slice3A_1861 = vector.extract_strided_slice %transpose3A {offsets = [336, 0], sizes = [16, 128], strides = [1, 1]} : vector<416x128xf32> to vector<16x128xf32>
    %mul3A_1862 = arith.mulf %slice3A_1860, %slice3A_1861 : vector<16x128xf32>
    %reduce_sum3A_1863 = arith.constant dense<0.000000e+00> : vector<128xf32>
    %reduce_sum3A_1864 = vector.multi_reduction <add>, %mul3A_1862, %reduce_sum3A_1863 [0] : vector<16x128xf32> to vector<128xf32>
    %broadcast_in_dim3A_1865 = vector.shape_cast %reduce_sum3A_1864 : vector<128xf32> to vector<1x128xf32>
    %slice3A_1866 = vector.extract_strided_slice %transpose3A {offsets = [320, 0], sizes = [16, 128], strides = [1, 1]} : vector<416x128xf32> to vector<16x128xf32>
    %slice3A_1867 = vector.extract_strided_slice %transpose3A {offsets = [352, 0], sizes = [16, 128], strides = [1, 1]} : vector<416x128xf32> to vector<16x128xf32>
    %mul3A_1868 = arith.mulf %slice3A_1866, %slice3A_1867 : vector<16x128xf32>
    %reduce_sum3A_1869 = arith.constant dense<0.000000e+00> : vector<128xf32>
    %reduce_sum3A_1870 = vector.multi_reduction <add>, %mul3A_1868, %reduce_sum3A_1869 [0] : vector<16x128xf32> to vector<128xf32>
    %broadcast_in_dim3A_1871 = vector.shape_cast %reduce_sum3A_1870 : vector<128xf32> to vector<1x128xf32>
    %slice3A_1872 = vector.extract_strided_slice %transpose3A {offsets = [320, 0], sizes = [16, 128], strides = [1, 1]} : vector<416x128xf32> to vector<16x128xf32>
    %slice3A_1873 = vector.extract_strided_slice %transpose3A {offsets = [368, 0], sizes = [16, 128], strides = [1, 1]} : vector<416x128xf32> to vector<16x128xf32>
    %mul3A_1874 = arith.mulf %slice3A_1872, %slice3A_1873 : vector<16x128xf32>
    %reduce_sum3A_1875 = arith.constant dense<0.000000e+00> : vector<128xf32>
    %reduce_sum3A_1876 = vector.multi_reduction <add>, %mul3A_1874, %reduce_sum3A_1875 [0] : vector<16x128xf32> to vector<128xf32>
    %broadcast_in_dim3A_1877 = vector.shape_cast %reduce_sum3A_1876 : vector<128xf32> to vector<1x128xf32>
    %slice3A_1878 = vector.extract_strided_slice %transpose3A {offsets = [320, 0], sizes = [16, 128], strides = [1, 1]} : vector<416x128xf32> to vector<16x128xf32>
    %slice3A_1879 = vector.extract_strided_slice %transpose3A {offsets = [384, 0], sizes = [16, 128], strides = [1, 1]} : vector<416x128xf32> to vector<16x128xf32>
    %mul3A_1880 = arith.mulf %slice3A_1878, %slice3A_1879 : vector<16x128xf32>
    %reduce_sum3A_1881 = arith.constant dense<0.000000e+00> : vector<128xf32>
    %reduce_sum3A_1882 = vector.multi_reduction <add>, %mul3A_1880, %reduce_sum3A_1881 [0] : vector<16x128xf32> to vector<128xf32>
    %broadcast_in_dim3A_1883 = vector.shape_cast %reduce_sum3A_1882 : vector<128xf32> to vector<1x128xf32>
    %slice3A_1884 = vector.extract_strided_slice %transpose3A {offsets = [320, 0], sizes = [16, 128], strides = [1, 1]} : vector<416x128xf32> to vector<16x128xf32>
    %slice3A_1885 = vector.extract_strided_slice %transpose3A {offsets = [400, 0], sizes = [16, 128], strides = [1, 1]} : vector<416x128xf32> to vector<16x128xf32>
    %mul3A_1886 = arith.mulf %slice3A_1884, %slice3A_1885 : vector<16x128xf32>
    %reduce_sum3A_1887 = arith.constant dense<0.000000e+00> : vector<128xf32>
    %reduce_sum3A_1888 = vector.multi_reduction <add>, %mul3A_1886, %reduce_sum3A_1887 [0] : vector<16x128xf32> to vector<128xf32>
    %broadcast_in_dim3A_1889 = vector.shape_cast %reduce_sum3A_1888 : vector<128xf32> to vector<1x128xf32>
    %slice3A_1890 = vector.extract_strided_slice %transpose3A {offsets = [336, 0], sizes = [16, 128], strides = [1, 1]} : vector<416x128xf32> to vector<16x128xf32>
    %slice3A_1891 = vector.extract_strided_slice %transpose3A {offsets = [352, 0], sizes = [16, 128], strides = [1, 1]} : vector<416x128xf32> to vector<16x128xf32>
    %mul3A_1892 = arith.mulf %slice3A_1890, %slice3A_1891 : vector<16x128xf32>
    %reduce_sum3A_1893 = arith.constant dense<0.000000e+00> : vector<128xf32>
    %reduce_sum3A_1894 = vector.multi_reduction <add>, %mul3A_1892, %reduce_sum3A_1893 [0] : vector<16x128xf32> to vector<128xf32>
    %broadcast_in_dim3A_1895 = vector.shape_cast %reduce_sum3A_1894 : vector<128xf32> to vector<1x128xf32>
    %slice3A_1896 = vector.extract_strided_slice %transpose3A {offsets = [336, 0], sizes = [16, 128], strides = [1, 1]} : vector<416x128xf32> to vector<16x128xf32>
    %slice3A_1897 = vector.extract_strided_slice %transpose3A {offsets = [368, 0], sizes = [16, 128], strides = [1, 1]} : vector<416x128xf32> to vector<16x128xf32>
    %mul3A_1898 = arith.mulf %slice3A_1896, %slice3A_1897 : vector<16x128xf32>
    %reduce_sum3A_1899 = arith.constant dense<0.000000e+00> : vector<128xf32>
    %reduce_sum3A_1900 = vector.multi_reduction <add>, %mul3A_1898, %reduce_sum3A_1899 [0] : vector<16x128xf32> to vector<128xf32>
    %broadcast_in_dim3A_1901 = vector.shape_cast %reduce_sum3A_1900 : vector<128xf32> to vector<1x128xf32>
    %slice3A_1902 = vector.extract_strided_slice %transpose3A {offsets = [336, 0], sizes = [16, 128], strides = [1, 1]} : vector<416x128xf32> to vector<16x128xf32>
    %slice3A_1903 = vector.extract_strided_slice %transpose3A {offsets = [384, 0], sizes = [16, 128], strides = [1, 1]} : vector<416x128xf32> to vector<16x128xf32>
    %mul3A_1904 = arith.mulf %slice3A_1902, %slice3A_1903 : vector<16x128xf32>
    %reduce_sum3A_1905 = arith.constant dense<0.000000e+00> : vector<128xf32>
    %reduce_sum3A_1906 = vector.multi_reduction <add>, %mul3A_1904, %reduce_sum3A_1905 [0] : vector<16x128xf32> to vector<128xf32>
    %broadcast_in_dim3A_1907 = vector.shape_cast %reduce_sum3A_1906 : vector<128xf32> to vector<1x128xf32>
    %slice3A_1908 = vector.extract_strided_slice %transpose3A {offsets = [336, 0], sizes = [16, 128], strides = [1, 1]} : vector<416x128xf32> to vector<16x128xf32>
    %slice3A_1909 = vector.extract_strided_slice %transpose3A {offsets = [400, 0], sizes = [16, 128], strides = [1, 1]} : vector<416x128xf32> to vector<16x128xf32>
    %mul3A_1910 = arith.mulf %slice3A_1908, %slice3A_1909 : vector<16x128xf32>
    %reduce_sum3A_1911 = arith.constant dense<0.000000e+00> : vector<128xf32>
    %reduce_sum3A_1912 = vector.multi_reduction <add>, %mul3A_1910, %reduce_sum3A_1911 [0] : vector<16x128xf32> to vector<128xf32>
    %broadcast_in_dim3A_1913 = vector.shape_cast %reduce_sum3A_1912 : vector<128xf32> to vector<1x128xf32>
    %slice3A_1914 = vector.extract_strided_slice %transpose3A {offsets = [352, 0], sizes = [16, 128], strides = [1, 1]} : vector<416x128xf32> to vector<16x128xf32>
    %slice3A_1915 = vector.extract_strided_slice %transpose3A {offsets = [368, 0], sizes = [16, 128], strides = [1, 1]} : vector<416x128xf32> to vector<16x128xf32>
    %mul3A_1916 = arith.mulf %slice3A_1914, %slice3A_1915 : vector<16x128xf32>
    %reduce_sum3A_1917 = arith.constant dense<0.000000e+00> : vector<128xf32>
    %reduce_sum3A_1918 = vector.multi_reduction <add>, %mul3A_1916, %reduce_sum3A_1917 [0] : vector<16x128xf32> to vector<128xf32>
    %broadcast_in_dim3A_1919 = vector.shape_cast %reduce_sum3A_1918 : vector<128xf32> to vector<1x128xf32>
    %slice3A_1920 = vector.extract_strided_slice %transpose3A {offsets = [352, 0], sizes = [16, 128], strides = [1, 1]} : vector<416x128xf32> to vector<16x128xf32>
    %slice3A_1921 = vector.extract_strided_slice %transpose3A {offsets = [384, 0], sizes = [16, 128], strides = [1, 1]} : vector<416x128xf32> to vector<16x128xf32>
    %mul3A_1922 = arith.mulf %slice3A_1920, %slice3A_1921 : vector<16x128xf32>
    %reduce_sum3A_1923 = arith.constant dense<0.000000e+00> : vector<128xf32>
    %reduce_sum3A_1924 = vector.multi_reduction <add>, %mul3A_1922, %reduce_sum3A_1923 [0] : vector<16x128xf32> to vector<128xf32>
    %broadcast_in_dim3A_1925 = vector.shape_cast %reduce_sum3A_1924 : vector<128xf32> to vector<1x128xf32>
    %slice3A_1926 = vector.extract_strided_slice %transpose3A {offsets = [352, 0], sizes = [16, 128], strides = [1, 1]} : vector<416x128xf32> to vector<16x128xf32>
    %slice3A_1927 = vector.extract_strided_slice %transpose3A {offsets = [400, 0], sizes = [16, 128], strides = [1, 1]} : vector<416x128xf32> to vector<16x128xf32>
    %mul3A_1928 = arith.mulf %slice3A_1926, %slice3A_1927 : vector<16x128xf32>
    %reduce_sum3A_1929 = arith.constant dense<0.000000e+00> : vector<128xf32>
    %reduce_sum3A_1930 = vector.multi_reduction <add>, %mul3A_1928, %reduce_sum3A_1929 [0] : vector<16x128xf32> to vector<128xf32>
    %broadcast_in_dim3A_1931 = vector.shape_cast %reduce_sum3A_1930 : vector<128xf32> to vector<1x128xf32>
    %slice3A_1932 = vector.extract_strided_slice %transpose3A {offsets = [368, 0], sizes = [16, 128], strides = [1, 1]} : vector<416x128xf32> to vector<16x128xf32>
    %slice3A_1933 = vector.extract_strided_slice %transpose3A {offsets = [384, 0], sizes = [16, 128], strides = [1, 1]} : vector<416x128xf32> to vector<16x128xf32>
    %mul3A_1934 = arith.mulf %slice3A_1932, %slice3A_1933 : vector<16x128xf32>
    %reduce_sum3A_1935 = arith.constant dense<0.000000e+00> : vector<128xf32>
    %reduce_sum3A_1936 = vector.multi_reduction <add>, %mul3A_1934, %reduce_sum3A_1935 [0] : vector<16x128xf32> to vector<128xf32>
    %broadcast_in_dim3A_1937 = vector.shape_cast %reduce_sum3A_1936 : vector<128xf32> to vector<1x128xf32>
    %slice3A_1938 = vector.extract_strided_slice %transpose3A {offsets = [368, 0], sizes = [16, 128], strides = [1, 1]} : vector<416x128xf32> to vector<16x128xf32>
    %slice3A_1939 = vector.extract_strided_slice %transpose3A {offsets = [400, 0], sizes = [16, 128], strides = [1, 1]} : vector<416x128xf32> to vector<16x128xf32>
    %mul3A_1940 = arith.mulf %slice3A_1938, %slice3A_1939 : vector<16x128xf32>
    %reduce_sum3A_1941 = arith.constant dense<0.000000e+00> : vector<128xf32>
    %reduce_sum3A_1942 = vector.multi_reduction <add>, %mul3A_1940, %reduce_sum3A_1941 [0] : vector<16x128xf32> to vector<128xf32>
    %broadcast_in_dim3A_1943 = vector.shape_cast %reduce_sum3A_1942 : vector<128xf32> to vector<1x128xf32>
    %slice3A_1944 = vector.extract_strided_slice %transpose3A {offsets = [384, 0], sizes = [16, 128], strides = [1, 1]} : vector<416x128xf32> to vector<16x128xf32>
    %slice3A_1945 = vector.extract_strided_slice %transpose3A {offsets = [400, 0], sizes = [16, 128], strides = [1, 1]} : vector<416x128xf32> to vector<16x128xf32>
    %mul3A_1946 = arith.mulf %slice3A_1944, %slice3A_1945 : vector<16x128xf32>
    %reduce_sum3A_1947 = arith.constant dense<0.000000e+00> : vector<128xf32>
    %reduce_sum3A_1948 = vector.multi_reduction <add>, %mul3A_1946, %reduce_sum3A_1947 [0] : vector<16x128xf32> to vector<128xf32>
    %broadcast_in_dim3A_1949 = vector.shape_cast %reduce_sum3A_1948 : vector<128xf32> to vector<1x128xf32>
    %concatenate3A = tpu.concatenate %broadcast_in_dim3A, %broadcast_in_dim3A_11, %broadcast_in_dim3A_17, %broadcast_in_dim3A_23, %broadcast_in_dim3A_29, %broadcast_in_dim3A_35, %broadcast_in_dim3A_41, %broadcast_in_dim3A_47, %broadcast_in_dim3A_53, %broadcast_in_dim3A_59, %broadcast_in_dim3A_65, %broadcast_in_dim3A_71, %broadcast_in_dim3A_77, %broadcast_in_dim3A_83, %broadcast_in_dim3A_89, %broadcast_in_dim3A_95, %broadcast_in_dim3A_101, %broadcast_in_dim3A_107, %broadcast_in_dim3A_113, %broadcast_in_dim3A_119, %broadcast_in_dim3A_125, %broadcast_in_dim3A_131, %broadcast_in_dim3A_137, %broadcast_in_dim3A_143, %broadcast_in_dim3A_149, %broadcast_in_dim3A_155, %broadcast_in_dim3A_161, %broadcast_in_dim3A_167, %broadcast_in_dim3A_173, %broadcast_in_dim3A_179, %broadcast_in_dim3A_185, %broadcast_in_dim3A_191, %broadcast_in_dim3A_197, %broadcast_in_dim3A_203, %broadcast_in_dim3A_209, %broadcast_in_dim3A_215, %broadcast_in_dim3A_221, %broadcast_in_dim3A_227, %broadcast_in_dim3A_233, %broadcast_in_dim3A_239, %broadcast_in_dim3A_245, %broadcast_in_dim3A_251, %broadcast_in_dim3A_257, %broadcast_in_dim3A_263, %broadcast_in_dim3A_269, %broadcast_in_dim3A_275, %broadcast_in_dim3A_281, %broadcast_in_dim3A_287, %broadcast_in_dim3A_293, %broadcast_in_dim3A_299, %broadcast_in_dim3A_305, %broadcast_in_dim3A_311, %broadcast_in_dim3A_317, %broadcast_in_dim3A_323, %broadcast_in_dim3A_329, %broadcast_in_dim3A_335, %broadcast_in_dim3A_341, %broadcast_in_dim3A_347, %broadcast_in_dim3A_353, %broadcast_in_dim3A_359, %broadcast_in_dim3A_365, %broadcast_in_dim3A_371, %broadcast_in_dim3A_377, %broadcast_in_dim3A_383, %broadcast_in_dim3A_389, %broadcast_in_dim3A_395, %broadcast_in_dim3A_401, %broadcast_in_dim3A_407, %broadcast_in_dim3A_413, %broadcast_in_dim3A_419, %broadcast_in_dim3A_425, %broadcast_in_dim3A_431, %broadcast_in_dim3A_437, %broadcast_in_dim3A_443, %broadcast_in_dim3A_449, %broadcast_in_dim3A_455, %broadcast_in_dim3A_461, %broadcast_in_dim3A_467, %broadcast_in_dim3A_473, %broadcast_in_dim3A_479, %broadcast_in_dim3A_485, %broadcast_in_dim3A_491, %broadcast_in_dim3A_497, %broadcast_in_dim3A_503, %broadcast_in_dim3A_509, %broadcast_in_dim3A_515, %broadcast_in_dim3A_521, %broadcast_in_dim3A_527, %broadcast_in_dim3A_533, %broadcast_in_dim3A_539, %broadcast_in_dim3A_545, %broadcast_in_dim3A_551, %broadcast_in_dim3A_557, %broadcast_in_dim3A_563, %broadcast_in_dim3A_569, %broadcast_in_dim3A_575, %broadcast_in_dim3A_581, %broadcast_in_dim3A_587, %broadcast_in_dim3A_593, %broadcast_in_dim3A_599, %broadcast_in_dim3A_605, %broadcast_in_dim3A_611, %broadcast_in_dim3A_617, %broadcast_in_dim3A_623, %broadcast_in_dim3A_629, %broadcast_in_dim3A_635, %broadcast_in_dim3A_641, %broadcast_in_dim3A_647, %broadcast_in_dim3A_653, %broadcast_in_dim3A_659, %broadcast_in_dim3A_665, %broadcast_in_dim3A_671, %broadcast_in_dim3A_677, %broadcast_in_dim3A_683, %broadcast_in_dim3A_689, %broadcast_in_dim3A_695, %broadcast_in_dim3A_701, %broadcast_in_dim3A_707, %broadcast_in_dim3A_713, %broadcast_in_dim3A_719, %broadcast_in_dim3A_725, %broadcast_in_dim3A_731, %broadcast_in_dim3A_737, %broadcast_in_dim3A_743, %broadcast_in_dim3A_749, %broadcast_in_dim3A_755, %broadcast_in_dim3A_761, %broadcast_in_dim3A_767, %broadcast_in_dim3A_773, %broadcast_in_dim3A_779, %broadcast_in_dim3A_785, %broadcast_in_dim3A_791, %broadcast_in_dim3A_797, %broadcast_in_dim3A_803, %broadcast_in_dim3A_809, %broadcast_in_dim3A_815, %broadcast_in_dim3A_821, %broadcast_in_dim3A_827, %broadcast_in_dim3A_833, %broadcast_in_dim3A_839, %broadcast_in_dim3A_845, %broadcast_in_dim3A_851, %broadcast_in_dim3A_857, %broadcast_in_dim3A_863, %broadcast_in_dim3A_869, %broadcast_in_dim3A_875, %broadcast_in_dim3A_881, %broadcast_in_dim3A_887, %broadcast_in_dim3A_893, %broadcast_in_dim3A_899, %broadcast_in_dim3A_905, %broadcast_in_dim3A_911, %broadcast_in_dim3A_917, %broadcast_in_dim3A_923, %broadcast_in_dim3A_929, %broadcast_in_dim3A_935, %broadcast_in_dim3A_941, %broadcast_in_dim3A_947, %broadcast_in_dim3A_953, %broadcast_in_dim3A_959, %broadcast_in_dim3A_965, %broadcast_in_dim3A_971, %broadcast_in_dim3A_977, %broadcast_in_dim3A_983, %broadcast_in_dim3A_989, %broadcast_in_dim3A_995, %broadcast_in_dim3A_1001, %broadcast_in_dim3A_1007, %broadcast_in_dim3A_1013, %broadcast_in_dim3A_1019, %broadcast_in_dim3A_1025, %broadcast_in_dim3A_1031, %broadcast_in_dim3A_1037, %broadcast_in_dim3A_1043, %broadcast_in_dim3A_1049, %broadcast_in_dim3A_1055, %broadcast_in_dim3A_1061, %broadcast_in_dim3A_1067, %broadcast_in_dim3A_1073, %broadcast_in_dim3A_1079, %broadcast_in_dim3A_1085, %broadcast_in_dim3A_1091, %broadcast_in_dim3A_1097, %broadcast_in_dim3A_1103, %broadcast_in_dim3A_1109, %broadcast_in_dim3A_1115, %broadcast_in_dim3A_1121, %broadcast_in_dim3A_1127, %broadcast_in_dim3A_1133, %broadcast_in_dim3A_1139, %broadcast_in_dim3A_1145, %broadcast_in_dim3A_1151, %broadcast_in_dim3A_1157, %broadcast_in_dim3A_1163, %broadcast_in_dim3A_1169, %broadcast_in_dim3A_1175, %broadcast_in_dim3A_1181, %broadcast_in_dim3A_1187, %broadcast_in_dim3A_1193, %broadcast_in_dim3A_1199, %broadcast_in_dim3A_1205, %broadcast_in_dim3A_1211, %broadcast_in_dim3A_1217, %broadcast_in_dim3A_1223, %broadcast_in_dim3A_1229, %broadcast_in_dim3A_1235, %broadcast_in_dim3A_1241, %broadcast_in_dim3A_1247, %broadcast_in_dim3A_1253, %broadcast_in_dim3A_1259, %broadcast_in_dim3A_1265, %broadcast_in_dim3A_1271, %broadcast_in_dim3A_1277, %broadcast_in_dim3A_1283, %broadcast_in_dim3A_1289, %broadcast_in_dim3A_1295, %broadcast_in_dim3A_1301, %broadcast_in_dim3A_1307, %broadcast_in_dim3A_1313, %broadcast_in_dim3A_1319, %broadcast_in_dim3A_1325, %broadcast_in_dim3A_1331, %broadcast_in_dim3A_1337, %broadcast_in_dim3A_1343, %broadcast_in_dim3A_1349, %broadcast_in_dim3A_1355, %broadcast_in_dim3A_1361, %broadcast_in_dim3A_1367, %broadcast_in_dim3A_1373, %broadcast_in_dim3A_1379, %broadcast_in_dim3A_1385, %broadcast_in_dim3A_1391, %broadcast_in_dim3A_1397, %broadcast_in_dim3A_1403, %broadcast_in_dim3A_1409, %broadcast_in_dim3A_1415, %broadcast_in_dim3A_1421, %broadcast_in_dim3A_1427, %broadcast_in_dim3A_1433, %broadcast_in_dim3A_1439, %broadcast_in_dim3A_1445, %broadcast_in_dim3A_1451, %broadcast_in_dim3A_1457, %broadcast_in_dim3A_1463, %broadcast_in_dim3A_1469, %broadcast_in_dim3A_1475, %broadcast_in_dim3A_1481, %broadcast_in_dim3A_1487, %broadcast_in_dim3A_1493, %broadcast_in_dim3A_1499, %broadcast_in_dim3A_1505, %broadcast_in_dim3A_1511, %broadcast_in_dim3A_1517, %broadcast_in_dim3A_1523, %broadcast_in_dim3A_1529, %broadcast_in_dim3A_1535, %broadcast_in_dim3A_1541, %broadcast_in_dim3A_1547, %broadcast_in_dim3A_1553, %broadcast_in_dim3A_1559, %broadcast_in_dim3A_1565, %broadcast_in_dim3A_1571, %broadcast_in_dim3A_1577, %broadcast_in_dim3A_1583, %broadcast_in_dim3A_1589, %broadcast_in_dim3A_1595, %broadcast_in_dim3A_1601, %broadcast_in_dim3A_1607, %broadcast_in_dim3A_1613, %broadcast_in_dim3A_1619, %broadcast_in_dim3A_1625, %broadcast_in_dim3A_1631, %broadcast_in_dim3A_1637, %broadcast_in_dim3A_1643, %broadcast_in_dim3A_1649, %broadcast_in_dim3A_1655, %broadcast_in_dim3A_1661, %broadcast_in_dim3A_1667, %broadcast_in_dim3A_1673, %broadcast_in_dim3A_1679, %broadcast_in_dim3A_1685, %broadcast_in_dim3A_1691, %broadcast_in_dim3A_1697, %broadcast_in_dim3A_1703, %broadcast_in_dim3A_1709, %broadcast_in_dim3A_1715, %broadcast_in_dim3A_1721, %broadcast_in_dim3A_1727, %broadcast_in_dim3A_1733, %broadcast_in_dim3A_1739, %broadcast_in_dim3A_1745, %broadcast_in_dim3A_1751, %broadcast_in_dim3A_1757, %broadcast_in_dim3A_1763, %broadcast_in_dim3A_1769, %broadcast_in_dim3A_1775, %broadcast_in_dim3A_1781, %broadcast_in_dim3A_1787, %broadcast_in_dim3A_1793, %broadcast_in_dim3A_1799, %broadcast_in_dim3A_1805, %broadcast_in_dim3A_1811, %broadcast_in_dim3A_1817, %broadcast_in_dim3A_1823, %broadcast_in_dim3A_1829, %broadcast_in_dim3A_1835, %broadcast_in_dim3A_1841, %broadcast_in_dim3A_1847, %broadcast_in_dim3A_1853, %broadcast_in_dim3A_1859, %broadcast_in_dim3A_1865, %broadcast_in_dim3A_1871, %broadcast_in_dim3A_1877, %broadcast_in_dim3A_1883, %broadcast_in_dim3A_1889, %broadcast_in_dim3A_1895, %broadcast_in_dim3A_1901, %broadcast_in_dim3A_1907, %broadcast_in_dim3A_1913, %broadcast_in_dim3A_1919, %broadcast_in_dim3A_1925, %broadcast_in_dim3A_1931, %broadcast_in_dim3A_1937, %broadcast_in_dim3A_1943, %broadcast_in_dim3A_1949 in 0 : vector<1x128xf32>, vector<1x128xf32>, vector<1x128xf32>, vector<1x128xf32>, vector<1x128xf32>, vector<1x128xf32>, vector<1x128xf32>, vector<1x128xf32>, vector<1x128xf32>, vector<1x128xf32>, vector<1x128xf32>, vector<1x128xf32>, vector<1x128xf32>, vector<1x128xf32>, vector<1x128xf32>, vector<1x128xf32>, vector<1x128xf32>, vector<1x128xf32>, vector<1x128xf32>, vector<1x128xf32>, vector<1x128xf32>, vector<1x128xf32>, vector<1x128xf32>, vector<1x128xf32>, vector<1x128xf32>, vector<1x128xf32>, vector<1x128xf32>, vector<1x128xf32>, vector<1x128xf32>, vector<1x128xf32>, vector<1x128xf32>, vector<1x128xf32>, vector<1x128xf32>, vector<1x128xf32>, vector<1x128xf32>, vector<1x128xf32>, vector<1x128xf32>, vector<1x128xf32>, vector<1x128xf32>, vector<1x128xf32>, vector<1x128xf32>, vector<1x128xf32>, vector<1x128xf32>, vector<1x128xf32>, vector<1x128xf32>, vector<1x128xf32>, vector<1x128xf32>, vector<1x128xf32>, vector<1x128xf32>, vector<1x128xf32>, vector<1x128xf32>, vector<1x128xf32>, vector<1x128xf32>, vector<1x128xf32>, vector<1x128xf32>, vector<1x128xf32>, vector<1x128xf32>, vector<1x128xf32>, vector<1x128xf32>, vector<1x128xf32>, vector<1x128xf32>, vector<1x128xf32>, vector<1x128xf32>, vector<1x128xf32>, vector<1x128xf32>, vector<1x128xf32>, vector<1x128xf32>, vector<1x128xf32>, vector<1x128xf32>, vector<1x128xf32>, vector<1x128xf32>, vector<1x128xf32>, vector<1x128xf32>, vector<1x128xf32>, vector<1x128xf32>, vector<1x128xf32>, vector<1x128xf32>, vector<1x128xf32>, vector<1x128xf32>, vector<1x128xf32>, vector<1x128xf32>, vector<1x128xf32>, vector<1x128xf32>, vector<1x128xf32>, vector<1x128xf32>, vector<1x128xf32>, vector<1x128xf32>, vector<1x128xf32>, vector<1x128xf32>, vector<1x128xf32>, vector<1x128xf32>, vector<1x128xf32>, vector<1x128xf32>, vector<1x128xf32>, vector<1x128xf32>, vector<1x128xf32>, vector<1x128xf32>, vector<1x128xf32>, vector<1x128xf32>, vector<1x128xf32>, vector<1x128xf32>, vector<1x128xf32>, vector<1x128xf32>, vector<1x128xf32>, vector<1x128xf32>, vector<1x128xf32>, vector<1x128xf32>, vector<1x128xf32>, vector<1x128xf32>, vector<1x128xf32>, vector<1x128xf32>, vector<1x128xf32>, vector<1x128xf32>, vector<1x128xf32>, vector<1x128xf32>, vector<1x128xf32>, vector<1x128xf32>, vector<1x128xf32>, vector<1x128xf32>, vector<1x128xf32>, vector<1x128xf32>, vector<1x128xf32>, vector<1x128xf32>, vector<1x128xf32>, vector<1x128xf32>, vector<1x128xf32>, vector<1x128xf32>, vector<1x128xf32>, vector<1x128xf32>, vector<1x128xf32>, vector<1x128xf32>, vector<1x128xf32>, vector<1x128xf32>, vector<1x128xf32>, vector<1x128xf32>, vector<1x128xf32>, vector<1x128xf32>, vector<1x128xf32>, vector<1x128xf32>, vector<1x128xf32>, vector<1x128xf32>, vector<1x128xf32>, vector<1x128xf32>, vector<1x128xf32>, vector<1x128xf32>, vector<1x128xf32>, vector<1x128xf32>, vector<1x128xf32>, vector<1x128xf32>, vector<1x128xf32>, vector<1x128xf32>, vector<1x128xf32>, vector<1x128xf32>, vector<1x128xf32>, vector<1x128xf32>, vector<1x128xf32>, vector<1x128xf32>, vector<1x128xf32>, vector<1x128xf32>, vector<1x128xf32>, vector<1x128xf32>, vector<1x128xf32>, vector<1x128xf32>, vector<1x128xf32>, vector<1x128xf32>, vector<1x128xf32>, vector<1x128xf32>, vector<1x128xf32>, vector<1x128xf32>, vector<1x128xf32>, vector<1x128xf32>, vector<1x128xf32>, vector<1x128xf32>, vector<1x128xf32>, vector<1x128xf32>, vector<1x128xf32>, vector<1x128xf32>, vector<1x128xf32>, vector<1x128xf32>, vector<1x128xf32>, vector<1x128xf32>, vector<1x128xf32>, vector<1x128xf32>, vector<1x128xf32>, vector<1x128xf32>, vector<1x128xf32>, vector<1x128xf32>, vector<1x128xf32>, vector<1x128xf32>, vector<1x128xf32>, vector<1x128xf32>, vector<1x128xf32>, vector<1x128xf32>, vector<1x128xf32>, vector<1x128xf32>, vector<1x128xf32>, vector<1x128xf32>, vector<1x128xf32>, vector<1x128xf32>, vector<1x128xf32>, vector<1x128xf32>, vector<1x128xf32>, vector<1x128xf32>, vector<1x128xf32>, vector<1x128xf32>, vector<1x128xf32>, vector<1x128xf32>, vector<1x128xf32>, vector<1x128xf32>, vector<1x128xf32>, vector<1x128xf32>, vector<1x128xf32>, vector<1x128xf32>, vector<1x128xf32>, vector<1x128xf32>, vector<1x128xf32>, vector<1x128xf32>, vector<1x128xf32>, vector<1x128xf32>, vector<1x128xf32>, vector<1x128xf32>, vector<1x128xf32>, vector<1x128xf32>, vector<1x128xf32>, vector<1x128xf32>, vector<1x128xf32>, vector<1x128xf32>, vector<1x128xf32>, vector<1x128xf32>, vector<1x128xf32>, vector<1x128xf32>, vector<1x128xf32>, vector<1x128xf32>, vector<1x128xf32>, vector<1x128xf32>, vector<1x128xf32>, vector<1x128xf32>, vector<1x128xf32>, vector<1x128xf32>, vector<1x128xf32>, vector<1x128xf32>, vector<1x128xf32>, vector<1x128xf32>, vector<1x128xf32>, vector<1x128xf32>, vector<1x128xf32>, vector<1x128xf32>, vector<1x128xf32>, vector<1x128xf32>, vector<1x128xf32>, vector<1x128xf32>, vector<1x128xf32>, vector<1x128xf32>, vector<1x128xf32>, vector<1x128xf32>, vector<1x128xf32>, vector<1x128xf32>, vector<1x128xf32>, vector<1x128xf32>, vector<1x128xf32>, vector<1x128xf32>, vector<1x128xf32>, vector<1x128xf32>, vector<1x128xf32>, vector<1x128xf32>, vector<1x128xf32>, vector<1x128xf32>, vector<1x128xf32>, vector<1x128xf32>, vector<1x128xf32>, vector<1x128xf32>, vector<1x128xf32>, vector<1x128xf32>, vector<1x128xf32>, vector<1x128xf32>, vector<1x128xf32>, vector<1x128xf32>, vector<1x128xf32>, vector<1x128xf32>, vector<1x128xf32>, vector<1x128xf32>, vector<1x128xf32>, vector<1x128xf32>, vector<1x128xf32>, vector<1x128xf32>, vector<1x128xf32>, vector<1x128xf32>, vector<1x128xf32>, vector<1x128xf32>, vector<1x128xf32>, vector<1x128xf32>, vector<1x128xf32>, vector<1x128xf32>, vector<1x128xf32>, vector<1x128xf32>, vector<1x128xf32>, vector<1x128xf32>, vector<1x128xf32>, vector<1x128xf32>, vector<1x128xf32>, vector<1x128xf32>, vector<1x128xf32>, vector<1x128xf32>, vector<1x128xf32>, vector<1x128xf32>, vector<1x128xf32>, vector<1x128xf32>, vector<1x128xf32>, vector<1x128xf32>, vector<1x128xf32>, vector<1x128xf32>, vector<1x128xf32>, vector<1x128xf32>, vector<1x128xf32>, vector<1x128xf32>, vector<1x128xf32>, vector<1x128xf32>, vector<1x128xf32>, vector<1x128xf32>, vector<1x128xf32>, vector<1x128xf32>, vector<1x128xf32>, vector<1x128xf32>, vector<1x128xf32>, vector<1x128xf32> -> vector<325x128xf32>
    %swap3A = arith.constant 0 : index
    %swap3A_1950 = arith.index_cast %multiple_of3A : i32 to index
    %swap3A_1951 = vector.load %arg6[%swap3A, %swap3A_1950] : memref<325x4096xf32, #tpu.memory_space<vmem>>, vector<325x128xf32>
    tpu.vector_store %arg6[%swap3A, %swap3A_1950], %concatenate3A {strides = array<i32>} : memref<325x4096xf32, #tpu.memory_space<vmem>>, vector<325x128xf32>,
    %eq3A = arith.constant 31 : i32
    %eq3A_1952 = arith.cmpi eq, %arg0, %eq3A : i32
    %convert_element_type3A = arith.extui %eq3A_1952 : i1 to i32
    %cond3A = arith.constant 0 : i32
    %cond3A_1953 = arith.cmpi ne, %convert_element_type3A, %cond3A : i32
    scf.if %cond3A_1953 {
      %get3A_1954 = arith.constant 0 : index
      %get3A_1955 = arith.constant 0 : index
      %get3A_1956 = vector.load %arg6[%get3A_1954, %get3A_1955] : memref<325x4096xf32, #tpu.memory_space<vmem>>, vector<325x4096xf32>
      %reduce_sum3A_1957 = arith.constant dense<0.000000e+00> : vector<325xf32>
      %reduce_sum3A_1958 = vector.multi_reduction <add>, %get3A_1956, %reduce_sum3A_1957 [1] : vector<325x4096xf32> to vector<325xf32>
      %broadcast_in_dim3A_1959 = vector.shape_cast %reduce_sum3A_1958 : vector<325xf32> to vector<325x1xf32>
      %div3A = arith.constant 4.096000e+03 : f32
      %div3A_1960 = vector.broadcast %div3A : f32 to vector<325x1xf32>
      %div3A_1961 = arith.divf %broadcast_in_dim3A_1959, %div3A_1960 : vector<325x1xf32>
      %mul3A_1962 = arith.mulf %get3A_1956, %get3A_1956 : vector<325x4096xf32>
      %reduce_sum3A_1963 = arith.constant dense<0.000000e+00> : vector<325xf32>
      %reduce_sum3A_1964 = vector.multi_reduction <add>, %mul3A_1962, %reduce_sum3A_1963 [1] : vector<325x4096xf32> to vector<325xf32>
      %broadcast_in_dim3A_1965 = vector.shape_cast %reduce_sum3A_1964 : vector<325xf32> to vector<325x1xf32>
      %div3A_1966 = arith.constant 4.096000e+03 : f32
      %div3A_1967 = vector.broadcast %div3A_1966 : f32 to vector<325x1xf32>
      %div3A_1968 = arith.divf %broadcast_in_dim3A_1965, %div3A_1967 : vector<325x1xf32>
      %get3A_1969 = arith.constant 0 : index
      %get3A_1970 = arith.constant 0 : index
      %get3A_1971 = vector.load %arg4[%get3A_1969, %get3A_1970] : memref<325x1xf32, #tpu.memory_space<vmem>>, vector<325x1xf32>
      %tanh3A = math.tanh %get3A_1971 : vector<325x1xf32>
      %mul3A_1972 = arith.mulf %div3A_1961, %div3A_1961 : vector<325x1xf32>
      %sub3A = arith.subf %div3A_1968, %mul3A_1972 : vector<325x1xf32>
      %add3A = arith.constant 9.99999974E-6 : f32
      %add3A_1973 = vector.broadcast %add3A : f32 to vector<325x1xf32>
      %add3A_1974 = arith.addf %sub3A, %add3A_1973 : vector<325x1xf32>
      %rsqrt3A = math.rsqrt %add3A_1974 : vector<325x1xf32>
      %mul3A_1975 = arith.mulf %tanh3A, %rsqrt3A : vector<325x1xf32>
      %sub3A_1976 = vector.broadcast %div3A_1961 : vector<325x1xf32> to vector<325x4096xf32>
      %sub3A_1977 = arith.subf %get3A_1956, %sub3A_1976 : vector<325x4096xf32>
      %mul3A_1978 = vector.broadcast %mul3A_1975 : vector<325x1xf32> to vector<325x4096xf32>
      %mul3A_1979 = arith.mulf %mul3A_1978, %sub3A_1977 : vector<325x4096xf32>
      %reduce_sum3A_1980 = arith.constant dense<0.000000e+00> : vector<4096xf32>
      %reduce_sum3A_1981 = vector.multi_reduction <add>, %mul3A_1979, %reduce_sum3A_1980 [0] : vector<325x4096xf32> to vector<4096xf32>
      %broadcast_in_dim3A_1982 = vector.shape_cast %reduce_sum3A_1981 : vector<4096xf32> to vector<1x4096xf32>
      %get3A_1983 = arith.constant 0 : index
      %get3A_1984 = arith.constant 0 : index
      %get3A_1985 = vector.load %arg2[%get3A_1983, %get3A_1984] : memref<26x4096xf32, #tpu.memory_space<vmem>>, vector<26x4096xf32>
      %reduce_sum3A_1986 = arith.constant dense<0.000000e+00> : vector<26xf32>
      %reduce_sum3A_1987 = vector.multi_reduction <add>, %get3A_1985, %reduce_sum3A_1986 [1] : vector<26x4096xf32> to vector<26xf32>
      %broadcast_in_dim3A_1988 = vector.shape_cast %reduce_sum3A_1987 : vector<26xf32> to vector<26x1xf32>
      %div3A_1989 = arith.constant 4.096000e+03 : f32
      %div3A_1990 = vector.broadcast %div3A_1989 : f32 to vector<26x1xf32>
      %div3A_1991 = arith.divf %broadcast_in_dim3A_1988, %div3A_1990 : vector<26x1xf32>
      %mul3A_1992 = arith.mulf %get3A_1985, %get3A_1985 : vector<26x4096xf32>
      %reduce_sum3A_1993 = arith.constant dense<0.000000e+00> : vector<26xf32>
      %reduce_sum3A_1994 = vector.multi_reduction <add>, %mul3A_1992, %reduce_sum3A_1993 [1] : vector<26x4096xf32> to vector<26xf32>
      %broadcast_in_dim3A_1995 = vector.shape_cast %reduce_sum3A_1994 : vector<26xf32> to vector<26x1xf32>
      %div3A_1996 = arith.constant 4.096000e+03 : f32
      %div3A_1997 = vector.broadcast %div3A_1996 : f32 to vector<26x1xf32>
      %div3A_1998 = arith.divf %broadcast_in_dim3A_1995, %div3A_1997 : vector<26x1xf32>
      %get3A_1999 = arith.constant 0 : index
      %get3A_2000 = arith.constant 0 : index
      %get3A_2001 = vector.load %arg3[%get3A_1999, %get3A_2000] : memref<26x1xf32, #tpu.memory_space<vmem>>, vector<26x1xf32>
      %tanh3A_2002 = math.tanh %get3A_2001 : vector<26x1xf32>
      %mul3A_2003 = arith.mulf %div3A_1991, %div3A_1991 : vector<26x1xf32>
      %sub3A_2004 = arith.subf %div3A_1998, %mul3A_2003 : vector<26x1xf32>
      %add3A_2005 = arith.constant 9.99999974E-6 : f32
      %add3A_2006 = vector.broadcast %add3A_2005 : f32 to vector<26x1xf32>
      %add3A_2007 = arith.addf %sub3A_2004, %add3A_2006 : vector<26x1xf32>
      %rsqrt3A_2008 = math.rsqrt %add3A_2007 : vector<26x1xf32>
      %mul3A_2009 = arith.mulf %tanh3A_2002, %rsqrt3A_2008 : vector<26x1xf32>
      %sub3A_2010 = vector.broadcast %div3A_1991 : vector<26x1xf32> to vector<26x4096xf32>
      %sub3A_2011 = arith.subf %get3A_1985, %sub3A_2010 : vector<26x4096xf32>
      %mul3A_2012 = vector.broadcast %mul3A_2009 : vector<26x1xf32> to vector<26x4096xf32>
      %mul3A_2013 = arith.mulf %mul3A_2012, %sub3A_2011 : vector<26x4096xf32>
      %reduce_sum3A_2014 = arith.constant dense<0.000000e+00> : vector<4096xf32>
      %reduce_sum3A_2015 = vector.multi_reduction <add>, %mul3A_2013, %reduce_sum3A_2014 [0] : vector<26x4096xf32> to vector<4096xf32>
      %broadcast_in_dim3A_2016 = vector.shape_cast %reduce_sum3A_2015 : vector<4096xf32> to vector<1x4096xf32>
      %add3A_2017 = arith.addf %broadcast_in_dim3A_2016, %broadcast_in_dim3A_1982 : vector<1x4096xf32>
      %logistic3A = arith.negf %add3A_2017 : vector<1x4096xf32>
      %logistic3A_2018 = math.exp %logistic3A : vector<1x4096xf32>
      %logistic3A_2019 = arith.constant 1.000000e+00 : f32
      %logistic3A_2020 = vector.broadcast %logistic3A_2019 : f32 to vector<1x4096xf32>
      %logistic3A_2021 = arith.addf %logistic3A_2020, %logistic3A_2018 : vector<1x4096xf32>
      %logistic3A_2022 = arith.divf %logistic3A_2020, %logistic3A_2021 : vector<1x4096xf32>
      %transpose3A_2023 = tpu.transpose %logistic3A_2022, [1, 0] : vector<1x4096xf32> -> vector<4096x1xf32>
      %swap3A_2024 = arith.constant 0 : index
      %swap3A_2025 = arith.constant 0 : index
      %swap3A_2026 = vector.load %arg5[%swap3A_2024, %swap3A_2025] : memref<4096x1xf32, #tpu.memory_space<vmem>>, vector<4096x1xf32>
      tpu.vector_store %arg5[%swap3A_2024, %swap3A_2025], %transpose3A_2023 {strides = array<i32>} : memref<4096x1xf32, #tpu.memory_space<vmem>>, vector<4096x1xf32>,
    } else {
    }
    return
  }
  func.func @transform_0(%arg0: i32) -> (i32, i32) {
    %c0_i32 = arith.constant 0 : i32
    %c0_i32_0 = arith.constant 0 : i32
    return %arg0, %c0_i32 : i32, i32
  }
  func.func @transform_1(%arg0: i32) -> (i32, i32) {
    %c0_i32 = arith.constant 0 : i32
    %c0_i32_0 = arith.constant 0 : i32
    %c0_i32_1 = arith.constant 0 : i32
    return %c0_i32, %c0_i32_0 : i32, i32
  }
  func.func @transform_2(%arg0: i32) -> (i32, i32) {
    %c0_i32 = arith.constant 0 : i32
    %c0_i32_0 = arith.constant 0 : i32
    %c0_i32_1 = arith.constant 0 : i32
    return %c0_i32, %c0_i32_0 : i32, i32
  }
  func.func @transform_3(%arg0: i32) -> (i32, i32) {
    %c0_i32 = arith.constant 0 : i32
    %c0_i32_0 = arith.constant 0 : i32
    %c0_i32_1 = arith.constant 0 : i32
    return %c0_i32, %c0_i32_0 : i32, i32
  }
  func.func @transform_4(%arg0: i32) -> (i32, i32) {
    %c0_i32 = arith.constant 0 : i32
    %c0_i32_0 = arith.constant 0 : i32
    %c0_i32_1 = arith.constant 0 : i32
    return %c0_i32, %c0_i32_0 : i32, i32
  }
}

</mosaic_0001>

<sc_bundles>
// kernel: kernel.5.cloned.1.call-start
scs
__scs_entry_jumppad:
0x0: {  	(pc) =	sbr.rel $0x88, $3  }
0x1: {  	(tag) =	ssettag $0x0;
	lr =	simm.s32 $0x1  }
0x2: {  	[smem:$0x3F9C] =	sst lr;
	_ =	strace $0xD0000000  }
0x3: {  	_ = 	snop  }
0x4: {  	_ = 	snop  }
0x5: {  	_ = 	snop  }
0x6: {  	_ = 	snop  }
0x7: {  	_ = 	snop  }
__scs_overlays_trampoline_lowered:
0x8: {  	[smem:$0x3FAB] =	sst s0  }
0x9: {  	[smem:$0x3FAC] =	sst s1  }
0xa: {  	[smem:$0x3FAD] =	sst s2  }
0xb: {  	[smem:$0x3FAE] =	sst s3  }
0xc: {  	[smem:$0x3FAF] =	sst s4  }
0xd: {  	[smem:$0x3FB0] =	sst s5  }
0xe: {  	[smem:$0x3FB1] =	sst s6  }
0xf: {  	[smem:$0x3FB2] =	sst s7  }
0x10: {  	[smem:$0x3FB3] =	sst s8  }
0x11: {  	[smem:$0x3FB4] =	sst s9;
	s0 =	simm.s32 @!p0 $0x0  }
0x12: {  	s1 =	sld [smem:$0x3F9A];
	s0 =	simm.s32 @p0 $0x1  }
0x13: {  	[smem:$0x3FB5] =	sst s0;
	s0 =	simm.s32 @!p1 $0x0  }
0x14: {  	s2 =	sld [smem:$0x3F99];
	s0 =	simm.s32 @p1 $0x1  }
0x15: {  	[smem:$0x3FB6] =	sst s0;
	s0 =	simm.s32 @!p2 $0x0  }
0x16: {  	s3 =	sld [smem:$0x3FDB];
	s0 =	simm.s32 @p2 $0x1  }
0x17: {  	s4 =	simm.s32 $0x1BF5;
	[smem:$0x3FB8] =	sst s0  }
0x18: {  	s0 =	sld [smem:$0x3F9B];
	_ =	swait.ge [sflag:s4], $0x0  }
0x19: {  	s7 =	sld [smem:$0x3F9C]  }
0x1a: {  	s8 =	sadd.s32 $0xFFFFE003, lr  }
0x1b: {  	s9 =	sadd.s32 $0xFFFFFEF7, lr;
	s5 =	simm.s32 $0xFFFFFFFF;
	p2 =	slt.u32 s8, $0xFFFFF086  }
0x1c: {  	p1 =	slt.u32 s9, $0xF7A;
	s5 =	simm.s32 @!p2 $0x0  }
0x1d: {  	s5 =	simm.s32 @p1 $0x1;
	p0 =	seq.s32 s7, s2  }
0x1e: {  	s7 =	smul.u32 @!p0 $0xF7A, s2;
	p2 =	seq.s32 @!p0 s5, $0x0  }
0x1f: {  	s9 =	smul.u32 $0xF7A, s1;
	s8 =	simm.s32 @!p0 $0x1BF5;
	p2 =	por !p2, p0  }
0x20: {  	[sflag:s8] =	ssyncset.s32 @!p0 $0xFFFFF086;
	s6 =	sadd.s32 @!p0 s3, s7;
	s7 =	simm.s32 @!p0 $0x108  }
0x21: {  	s3 =	sadd.s32 s3, s9;
	s6 =	sadd.s32 @!p0 $0x88, s6;
	s7 =	simm.s32 @p2 $0x1082  }
0x22: {  	[simem:s7], [sflag:s8] =	dma.local @!p0 [hbm:s6], $0xF7A  }
0x23: {  	s9 =	sor.u32 $0xD0000000, s2;
	s6 =	simm.s32 $0x108;
	_ =	swait.ge @!p0 [sflag:s8], $0x0  }
0x24: {  	s3 =	sadd.s32 $0x88, s3;
	s6 =	simm.s32 @!p1 $0x1082;
	[sflag:s4] =	ssyncset.s32 $0xFFFFF086  }
0x25: {  	[simem:s6], [sflag:s4] =	dma.local [hbm:s3], $0xF7A  }
0x26: {  	[smem:$0x3F9C] =	sst s1;
	(tag) =	ssettag s2;
	_ =	strace s9  }
0x27: {  	s1 =	sld [smem:$0x3FAC]  }
0x28: {  	s2 =	sld [smem:$0x3FAD]  }
0x29: {  	s4 =	sld [smem:$0x3FAF]  }
0x2a: {  	p0 =	seq.s32 s5, $0x0;
	s5 =	sld [smem:$0x3FB0]  }
0x2b: {  	s6 =	sld [smem:$0x3FB1]  }
0x2c: {  	s7 =	sld [smem:$0x3FB2]  }
0x2d: {  	s3 =	simm.s32 $0x108;
	s8 =	sld [smem:$0x3FB3]  }
0x2e: {  	s3 =	simm.s32 @!p0 $0x1082;
	s9 =	sld [smem:$0x3FB4]  }
0x2f: {  	lr =	sadd.s32 s0, s3;
	s0 =	sld [smem:$0x3FAB]  }
0x30: {  	s3 =	sld [smem:$0x3FAE]  }
0x31: {  	[smem:$0x3FB7] =	sst s10  }
0x32: {  	s10 =	sld [smem:$0x3FB5];
	_ =	sdelay $0x3  }
0x33: {  	p0 =	seq.s32 s10, $0x1;
	s10 =	sld [smem:$0x3FB7];
	_ =	sdelay $0x3  }
0x34: {  	[smem:$0x3FB7] =	sst s10  }
0x35: {  	s10 =	sld [smem:$0x3FB6];
	_ =	sdelay $0x3  }
0x36: {  	p1 =	seq.s32 s10, $0x1;
	s10 =	sld [smem:$0x3FB7];
	_ =	sdelay $0x3  }
0x37: {  	[smem:$0x3FB7] =	sst s10  }
0x38: {  	s10 =	sld [smem:$0x3FB8]  }
0x39: {  	_ = 	snop;
	(pc) =	sbr.ind lr, $3  }
0x3a: {  	_ = 	snop  }
0x3b: {  	_ = 	snop  }
0x3c: {  	p2 =	seq.s32 s10, $0x1;
	s10 =	sld [smem:$0x3FB7]  }
0x3d: {  	_ =	shalt  }
0x3e: {  	_ =	shalt  }
0x3f: {  	_ =	shalt  }
0x40: {  	_ =	shalt  }
0x41: {  	_ =	shalt  }
0x42: {  	_ =	shalt  }
0x43: {  	_ =	shalt  }
0x44: {  	_ =	shalt  }
0x45: {  	_ =	shalt  }
0x46: {  	_ =	shalt  }
0x47: {  	_ =	shalt  }
0x48: {  	_ =	shalt  }
0x49: {  	_ =	shalt  }
0x4a: {  	_ =	shalt  }
0x4b: {  	_ =	shalt  }
0x4c: {  	_ =	shalt  }
0x4d: {  	_ =	shalt  }
0x4e: {  	_ =	shalt  }
0x4f: {  	_ =	shalt  }
0x50: {  	_ =	shalt  }
0x51: {  	_ =	shalt  }
0x52: {  	_ =	shalt  }
0x53: {  	_ =	shalt  }
0x54: {  	_ =	shalt  }
0x55: {  	_ =	shalt  }
0x56: {  	_ =	shalt  }
0x57: {  	_ =	shalt  }
0x58: {  	_ =	shalt  }
0x59: {  	_ =	shalt  }
0x5a: {  	_ =	shalt  }
0x5b: {  	_ =	shalt  }
0x5c: {  	_ =	shalt  }
0x5d: {  	_ =	shalt  }
0x5e: {  	_ =	shalt  }
0x5f: {  	_ =	shalt  }
0x60: {  	_ =	shalt  }
0x61: {  	_ =	shalt  }
0x62: {  	_ =	shalt  }
0x63: {  	_ =	shalt  }
0x64: {  	_ =	shalt  }
0x65: {  	_ =	shalt  }
0x66: {  	_ =	shalt  }
0x67: {  	_ =	shalt  }
0x68: {  	_ =	shalt  }
0x69: {  	_ =	shalt  }
0x6a: {  	_ =	shalt  }
0x6b: {  	_ =	shalt  }
0x6c: {  	_ =	shalt  }
0x6d: {  	_ =	shalt  }
0x6e: {  	_ =	shalt  }
0x6f: {  	_ =	shalt  }
0x70: {  	_ =	shalt  }
0x71: {  	_ =	shalt  }
0x72: {  	_ =	shalt  }
0x73: {  	_ =	shalt  }
0x74: {  	_ =	shalt  }
0x75: {  	_ =	shalt  }
0x76: {  	_ =	shalt  }
0x77: {  	_ =	shalt  }
0x78: {  	_ =	shalt  }
0x79: {  	_ =	shalt  }
0x7a: {  	_ =	shalt  }
0x7b: {  	_ =	shalt  }
0x7c: {  	_ =	shalt  }
0x7d: {  	_ =	shalt  }
0x7e: {  	_ =	shalt  }
0x7f: {  	_ =	shalt  }
0x80: {  	_ =	shalt  }
0x81: {  	_ =	shalt  }
0x82: {  	_ =	shalt  }
0x83: {  	_ =	shalt  }
0x84: {  	_ =	shalt  }
0x85: {  	_ =	shalt  }
0x86: {  	_ =	shalt  }
0x87: {  	_ =	shalt  }
.Lfunc_end0:
.L_simem_size_0:
called_computation_lowered:
.L_overlay_start_0:
0x88: {  	s2 =	sld [smem:$0x3FD9]  }
0x89: {  	s3 =	sld [smem:$0x3FFE];
	_ =	sdelay $0x1  }
0x8a: {  	s1 =	srdreg.scid  }
0x8b: {  	s0 =	sand.u32 $0x1, s1  }
0x8c: {  	s17 =	sshll.u32 s0, $0xA;
	s2 =	sadd.s32 s3, s2  }
0x8d: {  	s2 =	sadd.s32 s2, s17  }
0x8e: {  	[smem:$0x3FC3] =	sst s2  }
0x8f: {  	_ = 	snop  }
0x90: {  	s2 =	sld [smem:$0x3FC7];
	(tm) =	ssettm $0x1  }
0x91: {  	s18 =	sld [smem:$0x3FFB];
	_ =	sdelay $0x3  }
0x92: {  	_ =	strace s18  }
0x93: {  	s3 =	sld [smem:$0x3FFC];
	_ =	sdelay $0x3  }
0x94: {  	_ =	strace s3  }
0x95: {  	s3 =	sld [smem:$0x3FFD];
	_ =	sdelay $0x3  }
0x96: {  	_ =	strace s3  }
0x97: {  	_ =	strace $0x8FFFFFFF  }
0x98: {  	s19 =	sld [smem:$0x3FDB];
	_ =	sdelay $0x1  }
0x99: {  	s4 =	simm.s32 $_scs_section_size  }
0x9a: {  	s5 =	simm.s32 $_size__tile_overlayer_lowered;
	s6 =	simm.s32 $_tile_overlayer_lowered  }
0x9b: {  	s22 =	simm.s32 $0x1BFF;
	s21 =	sshll.u32 s6, $0x1;
	s3 =	sadd.s32 s4, s19  }
0x9c: {  	s7 =	simm.s32 $0x0;
	s20 =	sshll.u32 s5, $0x1;
	s5 =	sadd.s32 s21, s3  }
0x9d: {  	[timem:s7], [sflag:s22] =	dma.local [hbm:s5], s20  }
0x9e: {  	_ =	swait.ge [sflag:s22], s20  }
0x9f: {  	s4 =	ssub.s32 $0x0, s20;
	[sflag:s22] =	ssyncset.done $0x0  }
0xa0: {  	[sflag:s22] =	ssyncadd.s32 s4;
	_ =	sdelay $0x1  }
0xa1: {  	s23 =	simm.s32 $0x1B8B  }
0xa2: {  	_ =	swait.ge [sflag:s23], $0x1  }
0xa3: {  	[sflag:s23] =	ssyncset.done $0x0  }
0xa4: {  	s25 =	simm.s32 $0x1B8E;
	s24 =	sld [smem:$0x3FFE];
	[sflag:s23] =	ssyncadd.s32 $0xFFFFFFFF  }
0xa5: {  	s26 =	simm.s32 $execute0_lowered;
	[smem:$0x3FD2] =	sst s25  }
0xa6: {  	s5 =	sshll.u32 s26, $0x1;
	_ =	strace $0x80000046;
	[dreg:$0x1] =	wrdreg $0xFFFFFFFF  }
0xa7: {  	s28 =	simm.s32 $_size_execute0_lowered;
	s3 =	sadd.s32 s3, s5;
	[dreg:$0x0] =	wrdreg $0x0  }
0xa8: {  	s5 =	sshll.u32 s28, $0x1;
	[dreg:$0x2] =	wrdreg s3  }
0xa9: {  	[dreg:$0x3] =	wrdreg s5  }
0xaa: {  	[dreg:$0x4] =	wrdreg $0xC0  }
0xab: {  	_ =	task [dreg:s7], $0x5FFFF  }
0xac: {  	[dreg:$0x1] =	wrdreg $0xFFFFFFFF  }
0xad: {  	[dreg:$0x0] =	wrdreg $0x60  }
0xae: {  	[dreg:$0x2] =	wrdreg s2  }
0xaf: {  	[dreg:$0x3] =	wrdreg s24  }
0xb0: {  	[dreg:$0x4] =	wrdreg $0x9  }
0xb1: {  	_ =	task.clear_ibuf [dreg:s7], $0x5FFFF;
	_ =	strace $0x90000046  }
0xb2: {  	s29 =	simm.s32 $0x9;
	_ =	strace $0x80000048  }
0xb3: {  	_ =	swait.ge [sflag:s29], $0x1  }
0xb4: {  	[sflag:s29] =	ssyncadd.s32 $0xFFFFFFFF  }
0xb5: {  	_ =	strace $0x90000048  }
0xb6: {  	_ =	sfence  }
0xb7: {  	s30 =	sld [smem:$0x0];
	_ =	sdelay $0x2  }
0xb8: {  	s31 =	sshll.u32 s1, $0xD;
	s1 =	sshrl.u32 s1, $0x2  }
0xb9: {  	s3 =	sand.u32 $0x4000, s31;
	s1 =	sadd.s32 s1, s30  }
0xba: {  	s0 =	sor.u32 s3, s0;
	s1 =	sshll.u32 s1, $0x11  }
0xbb: {  	s0 =	sor.u32 s1, s0  }
0xbc: {  	s0 =	sadd.s32 $0x8F2B, s0  }
0xbd: {  	[sflag:s0] =	ssyncadd.remote.s32 $0x1  }
0xbe: {  	_ =	sfence.sel $0xFFFF  }
0xbf: {  	[dreg:$0x0] =	wrdreg $0xFFFFFFFF;
	(pc) =	sbr.abs _section_cstart, $3  }
0xc0: {  	[dreg:$0x1] =	wrdreg $0xFFFFFFFF  }
0xc1: {  	_ =	task.clear_ibuf [dreg:s7], $0x2FFFF;
	_ =	strace $0x9FFFFFFF  }
0xc2: {  	(tm) =	ssettm $0x7FFFFFFF  }
0xc3: {  	_ =	shalt  }
tec
execute0_lowered:
.L_overlay_start_1:
0x0: {  	(tag) =	ssettag $0x1  }
0x1: {  	s2 =	rddreg [dreg:$0x0];
	s0 =	srdreg.scid  }
0x2: {  	s3 =	stileid.u32;
	s1 =	rddreg [dreg:$0x1]  }
0x3: {  	s13 =	simm.s32 $0x4100;
	s14 =	simm.s32 $0x2;
	s19 =	simm.s32 $0x400  }
0x4: {  	s20 =	simm.s32 $0xC3800;
	s28 =	simm.s32 $0x14100;
	s29 =	simm.s32 $0x14900  }
0x5: {  	s30 =	simm.s32 $0x15100;
	s31 =	simm.s32 $0x15900;
	s15 =	simm.s32 $0x17100  }
0x6: {  	s16 =	simm.s32 $0x17900;
	s0 =	sand.u32 $0x1, s0;
	s4 =	sshll.u32 s3, $0x1  }
0x7: {  	s17 =	simm.s32 $0x18100;
	s18 =	simm.s32 $0x18900;
	s4 =	sor.u32 s0, s4  }
0x8: {  	s3 =	simm.s32 $0x0;
	s6 =	sadd.s32 $0x11400, s1;
	s5 =	smul.u32 $0xD000, s4  }
0x9: {  	[smem:$0x7FF] =	sst s3;
	s0 =	ssub.s32 $0x2, s0;
	s4 =	smul.u32 $0x1A0, s4  }
0xa: {  	_ =	strace $0x80000047;
	[dreg:$0x3] =	wrdreg s6;
	s21 =	sshrl.u32 s0, $0x1  }
0xb: {  	s6 =	simm.s32 $0x0;
	s0 =	ssub.s32 s0, s21;
	s4 =	sadd.s32 s4, s1  }
0xc: {  	s21 =	simm.s32 $0x11100;
	s5 =	sshrl.u32 s5, $0x3;
	s22 =	sadd.s32 $0xAC00, s4  }
0xd: {  	v0 =	vlaneseq.u32;
	s12 =	smax.u32 s0, $0x1;
	s23 =	sadd.s32 $0x7800, s4;
	[dreg:$0x4] =	wrdreg s22  }
0xe: {  	v0 =	vmul.u32 $0x80, v0;
	s0 =	simm.s32 $0x16900;
	s24 =	sadd.s32 $0x4400, s4;
	[dreg:$0x5] =	wrdreg s23  }
0xf: {  	s1 =	sadd.s32 s5, s1;
	s25 =	sadd.s32 $0xE000, s4;
	[dreg:$0x6] =	wrdreg s24  }
0x10: {  	v1 =	vor.u32 $0x800, v0;
	v2 =	vor.u32 $0x1000, v0;
	v3 =	vor.u32 $0x1800, v0;
	s4 =	sadd.s32 $0x1000, s4;
	s5 =	simm.s32 $0x19100;
	[dreg:$0x7] =	wrdreg s25  }
0x11: {  	v4 =	vor.u32 $0x2000, v0;
	v5 =	vor.u32 $0x2800, v0;
	v6 =	vor.u32 $0x3000, v0;
	[dreg:$0x8] =	wrdreg s4;
	s26 =	sadd.s32 $0x12E00, s1;
	s1 =	sadd.s32 $0x13B00, s1  }
0x12: {  	v7 =	vor.u32 $0x3800, v0;
	v8 =	vor.u32 $0x4000, v0;
	v9 =	vor.u32 $0x4800, v0;
	s22 =	simm.s32 $0x11900;
	s23 =	simm.s32 $0x12100;
	s24 =	simm.s32 $0x12900  }
0x13: {  	v10 =	vor.u32 $0x5000, v0;
	v11 =	vor.u32 $0x5800, v0;
	v12 =	vor.u32 $0x6000, v0;
	s25 =	simm.s32 $0x13100;
	s4 =	simm.s32 $0x1;
	[dreg:$0x9] =	wrdreg s26  }
0x14: {  	v13 =	vor.u32 $0x6800, v0;
	v14 =	vor.u32 $0x7000, v0;
	v15 =	vor.u32 $0x7800, v0;
	[dreg:$0xa] =	wrdreg s1;
	s26 =	simm.s32 $0x13900;
	s1 =	simm.s32 $0x16100  }
.LBB2_1:
0x15: {  	s7 =	rddreg [dreg:$0x3]  }
0x16: {  	[tilespmem:s13], [sflag:$0x2] =	stream.linear.gather [hbm4b:s7+s3], $0xD000, $0x38;
	[tilespmem:$0x1F900] =	vst v63  }
0x17: {  	_ =	swait.ge [sflag:s14], $0xD000  }
0x18: {  	[sflag:s14] =	ssyncset.done $0x0  }
0x19: {  	s8 =	rddreg [dreg:$0x4];
	[sflag:s14] =	ssyncadd.s32 $0xFFFF3000  }
0x1a: {  	[tilespmem:s3], [sflag:$0x2] =	stream.linear.gather [hbm4b:s8+s3], $0xD00, $0x38;
	[tilespmem:$0x1F900] =	vst v63  }
0x1b: {  	_ =	swait.ge [sflag:s14], $0xD00  }
0x1c: {  	[sflag:s14] =	ssyncset.done $0x0  }
0x1d: {  	s8 =	simm.s32 $0xD00;
	s9 =	rddreg [dreg:$0x5];
	[sflag:s14] =	ssyncadd.s32 $0xFFFFF300  }
0x1e: {  	[tilespmem:s8], [sflag:$0x2] =	stream.linear.gather [hbm4b:s9+s3], $0xD00, $0x38;
	[tilespmem:$0x1F900] =	vst v63  }
0x1f: {  	_ =	swait.ge [sflag:s14], $0xD00  }
0x20: {  	[sflag:s14] =	ssyncset.done $0x0  }
0x21: {  	s11 =	simm.s32 $0x1A00;
	s10 =	rddreg [dreg:$0x6];
	[sflag:s14] =	ssyncadd.s32 $0xFFFFF300  }
0x22: {  	[tilespmem:s11], [sflag:$0x2] =	stream.linear.gather [hbm4b:s10+s3], $0xD00, $0x38;
	[tilespmem:$0x1F900] =	vst v63  }
0x23: {  	_ =	swait.ge [sflag:s14], $0xD00  }
0x24: {  	[sflag:s14] =	ssyncset.done $0x0  }
0x25: {  	s9 =	simm.s32 $0x2700;
	s8 =	rddreg [dreg:$0x7];
	[sflag:s14] =	ssyncadd.s32 $0xFFFFF300  }
0x26: {  	[tilespmem:s9], [sflag:$0x2] =	stream.linear.gather [hbm4b:s8+s3], $0xD00, $0x38;
	[tilespmem:$0x1F900] =	vst v63  }
0x27: {  	_ =	swait.ge [sflag:s14], $0xD00  }
0x28: {  	[sflag:s14] =	ssyncset.done $0x0  }
0x29: {  	s11 =	simm.s32 $0x3400;
	s10 =	rddreg [dreg:$0x8];
	[sflag:s14] =	ssyncadd.s32 $0xFFFFF300  }
0x2a: {  	[tilespmem:s11], [sflag:$0x2] =	stream.linear.gather [hbm4b:s10+s3], $0xD00, $0x38;
	[tilespmem:$0x1F900] =	vst v63  }
0x2b: {  	_ =	swait.ge [sflag:s14], $0xD00  }
0x2c: {  	[sflag:s14] =	ssyncset.done $0x0  }
0x2d: {  	s7 =	simm.s32 $0x19180;
	s8 =	simm.s32 $0x0;
	[sflag:s14] =	ssyncadd.s32 $0xFFFFF300  }
.LBB2_2:
0x2e: {  	s9 =	sshra.s32 s8, $0x2  }
0x2f: {  	v16 =	vld [tilespmem:s9+$0x0]  }
0x30: {  	v17 =	vld [tilespmem:s9+$0xD00];
	_ =	sdelay $0x3  }
0x31: {  	v16 =	vshrl.u32 v16, $0x3  }
0x32: {  	v17 =	vshll.u32 v17, $0x3;
	v16 =	vmul.u32 $0xC3800, v16  }
0x33: {  	(v2sf) =	vpush v17, $0x0  }
0x34: {  	(v2sf) =	vpush v16, $0x0;
	_ =	sdelay $0x2  }
0x35: {  	(v2sf) =	vpush v17, $0x1;
	_ =	sdelay $0x1  }
0x36: {  	(v2sf) =	vpush v16, $0x1;
	_ =	sdelay $0x2  }
0x37: {  	(v2sf) =	vpush v17, $0x2;
	_ =	sdelay $0x1  }
0x38: {  	(v2sf) =	vpush v16, $0x2;
	_ =	sdelay $0x3  }
0x39: {  	s10 =	spop (v2sf)  }
0x3a: {  	(v2sf) =	vpush v17, $0x3;
	s10 =	sand.u32 $0x7FFFFC00, s10;
	s11 =	spop (v2sf)  }
0x3b: {  	(v2sf) =	vpush v16, $0x3;
	s10 =	sadd.s32 s11, s10  }
0x3c: {  	s10 =	sshrl.u32 s10, $0x3  }
0x3d: {  	s11 =	spop (v2sf);
	s10 =	sadd.s32 s2, s10  }
0x3e: {  	(v2sf) =	vpush v17, $0x4;
	[tilespmem:s21], [sflag:$0x1] =	stream.strided.gather [hbm4b:s10+s19], $0x800, s20, s19, $0x38;
	[tilespmem:$0x1F900] =	vst v63  }
0x3f: {  	s10 =	sand.u32 $0x7FFFFC00, s11;
	s11 =	spop (v2sf)  }
0x40: {  	(v2sf) =	vpush v16, $0x4;
	s10 =	sadd.s32 s11, s10  }
0x41: {  	s10 =	sshrl.u32 s10, $0x3  }
0x42: {  	s11 =	spop (v2sf);
	s10 =	sadd.s32 s2, s10  }
0x43: {  	(v2sf) =	vpush v17, $0x5;
	[tilespmem:s22], [sflag:$0x1] =	stream.strided.gather [hbm4b:s10+s19], $0x800, s20, s19, $0x38;
	[tilespmem:$0x1F900] =	vst v63  }
0x44: {  	s10 =	sand.u32 $0x7FFFFC00, s11;
	s11 =	spop (v2sf)  }
0x45: {  	(v2sf) =	vpush v16, $0x5;
	s10 =	sadd.s32 s11, s10  }
0x46: {  	s10 =	sshrl.u32 s10, $0x3  }
0x47: {  	s10 =	sadd.s32 s2, s10  }
0x48: {  	[tilespmem:s23], [sflag:$0x1] =	stream.strided.gather [hbm4b:s10+s19], $0x800, s20, s19, $0x38;
	[tilespmem:$0x1F900] =	vst v63  }
0x49: {  	s11 =	spop (v2sf)  }
0x4a: {  	(v2sf) =	vpush v17, $0x6;
	s10 =	sand.u32 $0x7FFFFC00, s11;
	s11 =	spop (v2sf)  }
0x4b: {  	(v2sf) =	vpush v16, $0x6;
	s10 =	sadd.s32 s11, s10  }
0x4c: {  	s10 =	sshrl.u32 s10, $0x3  }
0x4d: {  	s11 =	spop (v2sf);
	s10 =	sadd.s32 s2, s10  }
0x4e: {  	(v2sf) =	vpush v17, $0x7;
	[tilespmem:s24], [sflag:$0x1] =	stream.strided.gather [hbm4b:s10+s19], $0x800, s20, s19, $0x38;
	[tilespmem:$0x1F900] =	vst v63  }
0x4f: {  	s10 =	sand.u32 $0x7FFFFC00, s11;
	s11 =	spop (v2sf)  }
0x50: {  	(v2sf) =	vpush v16, $0x7;
	s10 =	sadd.s32 s11, s10  }
0x51: {  	s10 =	sshrl.u32 s10, $0x3  }
0x52: {  	s11 =	spop (v2sf);
	s10 =	sadd.s32 s2, s10  }
0x53: {  	(v2sf) =	vpush v17, $0x8;
	[tilespmem:s25], [sflag:$0x1] =	stream.strided.gather [hbm4b:s10+s19], $0x800, s20, s19, $0x38;
	[tilespmem:$0x1F900] =	vst v63  }
0x54: {  	s10 =	sand.u32 $0x7FFFFC00, s11;
	s11 =	spop (v2sf)  }
0x55: {  	(v2sf) =	vpush v16, $0x8;
	s10 =	sadd.s32 s11, s10  }
0x56: {  	s10 =	sshrl.u32 s10, $0x3  }
0x57: {  	s10 =	sadd.s32 s2, s10  }
0x58: {  	[tilespmem:s26], [sflag:$0x1] =	stream.strided.gather [hbm4b:s10+s19], $0x800, s20, s19, $0x38;
	[tilespmem:$0x1F900] =	vst v63  }
0x59: {  	s11 =	spop (v2sf)  }
0x5a: {  	(v2sf) =	vpush v17, $0x9;
	s10 =	sand.u32 $0x7FFFFC00, s11;
	s11 =	spop (v2sf)  }
0x5b: {  	(v2sf) =	vpush v16, $0x9;
	s10 =	sadd.s32 s11, s10  }
0x5c: {  	s10 =	sshrl.u32 s10, $0x3  }
0x5d: {  	s11 =	spop (v2sf);
	s10 =	sadd.s32 s2, s10  }
0x5e: {  	(v2sf) =	vpush v17, $0xA;
	[tilespmem:s28], [sflag:$0x1] =	stream.strided.gather [hbm4b:s10+s19], $0x800, s20, s19, $0x38;
	[tilespmem:$0x1F900] =	vst v63  }
0x5f: {  	s10 =	sand.u32 $0x7FFFFC00, s11;
	s11 =	spop (v2sf)  }
0x60: {  	(v2sf) =	vpush v16, $0xA;
	s10 =	sadd.s32 s11, s10  }
0x61: {  	s10 =	sshrl.u32 s10, $0x3  }
0x62: {  	s11 =	spop (v2sf);
	s10 =	sadd.s32 s2, s10  }
0x63: {  	(v2sf) =	vpush v17, $0xB;
	[tilespmem:s29], [sflag:$0x1] =	stream.strided.gather [hbm4b:s10+s19], $0x800, s20, s19, $0x38;
	[tilespmem:$0x1F900] =	vst v63  }
0x64: {  	s10 =	sand.u32 $0x7FFFFC00, s11;
	s11 =	spop (v2sf)  }
0x65: {  	(v2sf) =	vpush v16, $0xB;
	s10 =	sadd.s32 s11, s10  }
0x66: {  	s10 =	sshrl.u32 s10, $0x3  }
0x67: {  	s10 =	sadd.s32 s2, s10  }
0x68: {  	[tilespmem:s30], [sflag:$0x1] =	stream.strided.gather [hbm4b:s10+s19], $0x800, s20, s19, $0x38;
	[tilespmem:$0x1F900] =	vst v63  }
0x69: {  	s11 =	spop (v2sf)  }
0x6a: {  	(v2sf) =	vpush v17, $0xC;
	s10 =	sand.u32 $0x7FFFFC00, s11;
	s11 =	spop (v2sf)  }
0x6b: {  	(v2sf) =	vpush v16, $0xC;
	s10 =	sadd.s32 s11, s10  }
0x6c: {  	s10 =	sshrl.u32 s10, $0x3  }
0x6d: {  	s11 =	spop (v2sf);
	s10 =	sadd.s32 s2, s10  }
0x6e: {  	(v2sf) =	vpush v17, $0xD;
	[tilespmem:s31], [sflag:$0x1] =	stream.strided.gather [hbm4b:s10+s19], $0x800, s20, s19, $0x38;
	[tilespmem:$0x1F900] =	vst v63  }
0x6f: {  	s10 =	sand.u32 $0x7FFFFC00, s11;
	s11 =	spop (v2sf)  }
0x70: {  	(v2sf) =	vpush v16, $0xD;
	s10 =	sadd.s32 s11, s10  }
0x71: {  	s10 =	sshrl.u32 s10, $0x3  }
0x72: {  	s11 =	spop (v2sf);
	s10 =	sadd.s32 s2, s10  }
0x73: {  	(v2sf) =	vpush v17, $0xE;
	[tilespmem:s1], [sflag:$0x1] =	stream.strided.gather [hbm4b:s10+s19], $0x800, s20, s19, $0x38;
	[tilespmem:$0x1F900] =	vst v63  }
0x74: {  	s10 =	sand.u32 $0x7FFFFC00, s11;
	s11 =	spop (v2sf)  }
0x75: {  	(v2sf) =	vpush v16, $0xE;
	s10 =	sadd.s32 s11, s10  }
0x76: {  	s10 =	sshrl.u32 s10, $0x3  }
0x77: {  	s10 =	sadd.s32 s2, s10  }
0x78: {  	[tilespmem:s0], [sflag:$0x1] =	stream.strided.gather [hbm4b:s10+s19], $0x800, s20, s19, $0x38;
	[tilespmem:$0x1F900] =	vst v63  }
0x79: {  	s11 =	spop (v2sf)  }
0x7a: {  	(v2sf) =	vpush v16, $0xF;
	s10 =	sand.u32 $0x7FFFFC00, s11;
	s11 =	spop (v2sf)  }
0x7b: {  	(v2sf) =	vpush v17, $0xF;
	s10 =	sadd.s32 s11, s10  }
0x7c: {  	s10 =	sshrl.u32 s10, $0x3  }
0x7d: {  	s11 =	spop (v2sf);
	s10 =	sadd.s32 s2, s10  }
0x7e: {  	[tilespmem:s15], [sflag:$0x1] =	stream.strided.gather [hbm4b:s10+s19], $0x800, s20, s19, $0x38;
	[tilespmem:$0x1F900] =	vst v63  }
0x7f: {  	s11 =	sand.u32 $0x7FFFFC00, s11;
	s10 =	spop (v2sf)  }
0x80: {  	s10 =	sadd.s32 s10, s11  }
0x81: {  	s10 =	sshrl.u32 s10, $0x3  }
0x82: {  	s11 =	spop (v2sf);
	s10 =	sadd.s32 s2, s10  }
0x83: {  	[tilespmem:s16], [sflag:$0x1] =	stream.strided.gather [hbm4b:s10+s19], $0x800, s20, s19, $0x38;
	[tilespmem:$0x1F900] =	vst v63  }
0x84: {  	s11 =	sand.u32 $0x7FFFFC00, s11;
	s10 =	spop (v2sf)  }
0x85: {  	s10 =	sadd.s32 s10, s11  }
0x86: {  	s10 =	sshrl.u32 s10, $0x3  }
0x87: {  	s10 =	sadd.s32 s2, s10  }
0x88: {  	[tilespmem:s17], [sflag:$0x1] =	stream.strided.gather [hbm4b:s10+s19], $0x800, s20, s19, $0x38;
	[tilespmem:$0x1F900] =	vst v63  }
0x89: {  	s10 =	spop (v2sf)  }
0x8a: {  	s11 =	spop (v2sf)  }
0x8b: {  	s11 =	sand.u32 $0x7FFFFC00, s11  }
0x8c: {  	s10 =	sadd.s32 s10, s11  }
0x8d: {  	s10 =	sshrl.u32 s10, $0x3  }
0x8e: {  	s10 =	sadd.s32 s2, s10  }
0x8f: {  	[tilespmem:s18], [sflag:$0x1] =	stream.strided.gather [hbm4b:s10+s19], $0x800, s20, s19, $0x38;
	[tilespmem:$0x1F900] =	vst v63  }
0x90: {  	_ =	swait.ge [sflag:s4], $0x8000  }
0x91: {  	[sflag:s4] =	ssyncset.done $0x0  }
0x92: {  	[sflag:s4] =	ssyncadd.s32 $0xFFFF8000  }
0x93: {  	v18 =	vld [tilespmem:s9+$0x2700]  }
0x94: {  	v19 =	vld [tilespmem:s9+$0x0]  }
0x95: {  	v17 =	vld [tilespmem:s9+$0x3400];
	_ =	sdelay $0x1  }
0x96: {  	v16 =	vld [tilespmem:s9+$0x1A00]  }
0x97: {  	(v2sf) =	vpush v18, $0x0;
	_ =	sdelay $0x1  }
0x98: {  	v19 =	vshll.u32 v19, $0x7;
	v20 =	vbroadcast v17, $0x0  }
0x99: {  	v21 =	vbroadcast v19, $0x0  }
0x9a: {  	v22 =	vbroadcast v16, $0x0;
	v23 =	vand.u32 $0xFFFFFF80, v20  }
0x9b: {  	v20 =	vand.u32 $0x7F, v20;
	v21 =	vadd.s32 v23, v21  }
0x9c: {  	v22 =	vadd.s32 v0, v22;
	v20 =	vor.u32 v20, v21  }
0x9d: {  	v20 =	vadd.s32 v0, v20  }
0x9e: {  	(v2sf) =	vpush v18, $0x1;
	_ =	sdelay $0x1  }
0x9f: {  	v30 =	vbroadcast v17, $0x1  }
0xa0: {  	v31 =	vbroadcast v19, $0x1;
	v22 =	vld.idx.msk [tilespmem:v22+s21+$0x0], $0xffff  }
0xa1: {  	v24 =	vbroadcast v16, $0x1;
	v25 =	vand.u32 $0xFFFFFF80, v30;
	v20 =	vld.idx.msk [tilespmem:v20+s13+$0x0], $0xffff  }
0xa2: {  	v23 =	vadd.s32 v25, v31;
	v21 =	vand.u32 $0x7F, v30  }
0xa3: {  	v24 =	vadd.s32 v1, v24;
	v21 =	vor.u32 v21, v23  }
0xa4: {  	v21 =	vadd.s32 v0, v21;
	s10 =	spop (v2sf)  }
0xa5: {  	(v2sf) =	vpush v18, $0x2;
	p0 =	seq.s32 s10, $0x0  }
0xa6: {  	v20 =	vpsel p0, v22, v20  }
0xa7: {  	v32 =	vbroadcast v17, $0x2;
	[tilespmem:s7+$0xFFFFFF80] =	vst v20  }
0xa8: {  	v34 =	vbroadcast v19, $0x2;
	v33 =	vld.idx.msk [tilespmem:v24+s21+$0x0], $0xffff  }
0xa9: {  	v35 =	vbroadcast v16, $0x2;
	v36 =	vand.u32 $0xFFFFFF80, v32;
	v21 =	vld.idx.msk [tilespmem:v21+s13+$0x0], $0xffff  }
0xaa: {  	v23 =	vadd.s32 v36, v34;
	v20 =	vand.u32 $0x7F, v32  }
0xab: {  	v24 =	vadd.s32 v2, v35;
	v20 =	vor.u32 v20, v23  }
0xac: {  	s11 =	spop (v2sf);
	v20 =	vadd.s32 v0, v20  }
0xad: {  	(v2sf) =	vpush v18, $0x3;
	p4 =	seq.s32 s11, $0x0  }
0xae: {  	v21 =	vpsel p4, v33, v21  }
0xaf: {  	v37 =	vbroadcast v17, $0x3;
	[tilespmem:s7+$0xFFFFFF90] =	vst v21  }
0xb0: {  	v39 =	vbroadcast v19, $0x3;
	v38 =	vld.idx.msk [tilespmem:v24+s21+$0x0], $0xffff  }
0xb1: {  	v40 =	vbroadcast v16, $0x3;
	v41 =	vand.u32 $0xFFFFFF80, v37;
	v20 =	vld.idx.msk [tilespmem:v20+s13+$0x0], $0xffff  }
0xb2: {  	v23 =	vadd.s32 v41, v39;
	v21 =	vand.u32 $0x7F, v37  }
0xb3: {  	v24 =	vadd.s32 v3, v40;
	v21 =	vor.u32 v21, v23  }
0xb4: {  	v21 =	vadd.s32 v0, v21;
	s10 =	spop (v2sf)  }
0xb5: {  	(v2sf) =	vpush v18, $0x4;
	p5 =	seq.s32 s10, $0x0  }
0xb6: {  	v20 =	vpsel p5, v38, v20  }
0xb7: {  	v42 =	vbroadcast v17, $0x4;
	[tilespmem:s7+$0xFFFFFFA0] =	vst v20  }
0xb8: {  	v44 =	vbroadcast v19, $0x4;
	v43 =	vld.idx.msk [tilespmem:v24+s21+$0x0], $0xffff  }
0xb9: {  	v45 =	vbroadcast v16, $0x4;
	v46 =	vand.u32 $0xFFFFFF80, v42;
	v21 =	vld.idx.msk [tilespmem:v21+s13+$0x0], $0xffff  }
0xba: {  	v23 =	vadd.s32 v46, v44;
	v20 =	vand.u32 $0x7F, v42  }
0xbb: {  	v24 =	vadd.s32 v4, v45;
	v20 =	vor.u32 v20, v23  }
0xbc: {  	s11 =	spop (v2sf);
	v20 =	vadd.s32 v0, v20  }
0xbd: {  	(v2sf) =	vpush v18, $0x5;
	p6 =	seq.s32 s11, $0x0  }
0xbe: {  	v21 =	vpsel p6, v43, v21  }
0xbf: {  	v47 =	vbroadcast v17, $0x5;
	[tilespmem:s7+$0xFFFFFFB0] =	vst v21  }
0xc0: {  	v49 =	vbroadcast v19, $0x5;
	v48 =	vld.idx.msk [tilespmem:v24+s21+$0x0], $0xffff  }
0xc1: {  	v50 =	vbroadcast v16, $0x5;
	v51 =	vand.u32 $0xFFFFFF80, v47;
	v20 =	vld.idx.msk [tilespmem:v20+s13+$0x0], $0xffff  }
0xc2: {  	v23 =	vadd.s32 v51, v49;
	v21 =	vand.u32 $0x7F, v47  }
0xc3: {  	v24 =	vadd.s32 v5, v50;
	v21 =	vor.u32 v21, v23  }
0xc4: {  	v21 =	vadd.s32 v0, v21;
	s10 =	spop (v2sf)  }
0xc5: {  	(v2sf) =	vpush v18, $0x6;
	p1 =	seq.s32 s10, $0x0  }
0xc6: {  	v20 =	vpsel p1, v48, v20  }
0xc7: {  	v52 =	vbroadcast v17, $0x6;
	[tilespmem:s7+$0xFFFFFFC0] =	vst v20  }
0xc8: {  	v54 =	vbroadcast v19, $0x6;
	v53 =	vld.idx.msk [tilespmem:v24+s21+$0x0], $0xffff  }
0xc9: {  	v55 =	vbroadcast v16, $0x6;
	v56 =	vand.u32 $0xFFFFFF80, v52;
	v21 =	vld.idx.msk [tilespmem:v21+s13+$0x0], $0xffff  }
0xca: {  	v23 =	vadd.s32 v56, v54;
	v20 =	vand.u32 $0x7F, v52  }
0xcb: {  	v24 =	vadd.s32 v6, v55;
	v20 =	vor.u32 v20, v23  }
0xcc: {  	s11 =	spop (v2sf);
	v20 =	vadd.s32 v0, v20  }
0xcd: {  	(v2sf) =	vpush v18, $0x7;
	p2 =	seq.s32 s11, $0x0  }
0xce: {  	v21 =	vpsel p2, v53, v21  }
0xcf: {  	v57 =	vbroadcast v17, $0x7;
	[tilespmem:s7+$0xFFFFFFD0] =	vst v21  }
0xd0: {  	v59 =	vbroadcast v19, $0x7;
	v58 =	vld.idx.msk [tilespmem:v24+s21+$0x0], $0xffff  }
0xd1: {  	v60 =	vbroadcast v16, $0x7;
	v61 =	vand.u32 $0xFFFFFF80, v57;
	v20 =	vld.idx.msk [tilespmem:v20+s13+$0x0], $0xffff  }
0xd2: {  	v23 =	vadd.s32 v61, v59;
	v21 =	vand.u32 $0x7F, v57  }
0xd3: {  	v24 =	vadd.s32 v7, v60;
	v21 =	vor.u32 v21, v23  }
0xd4: {  	v21 =	vadd.s32 v0, v21;
	s10 =	spop (v2sf)  }
0xd5: {  	(v2sf) =	vpush v18, $0x8;
	p3 =	seq.s32 s10, $0x0  }
0xd6: {  	v20 =	vpsel p3, v58, v20  }
0xd7: {  	v62 =	vbroadcast v17, $0x8;
	[tilespmem:s7+$0xFFFFFFE0] =	vst v20  }
0xd8: {  	v28 =	vbroadcast v19, $0x8;
	v63 =	vld.idx.msk [tilespmem:v24+s21+$0x0], $0xffff  }
0xd9: {  	v29 =	vbroadcast v16, $0x8;
	v30 =	vand.u32 $0xFFFFFF80, v62;
	v21 =	vld.idx.msk [tilespmem:v21+s13+$0x0], $0xffff  }
0xda: {  	v23 =	vadd.s32 v30, v28;
	v20 =	vand.u32 $0x7F, v62  }
0xdb: {  	v24 =	vadd.s32 v8, v29;
	v20 =	vor.u32 v20, v23  }
0xdc: {  	s11 =	spop (v2sf);
	v20 =	vadd.s32 v0, v20  }
0xdd: {  	(v2sf) =	vpush v18, $0x9;
	p4 =	seq.s32 s11, $0x0  }
0xde: {  	v21 =	vpsel p4, v63, v21  }
0xdf: {  	v31 =	vbroadcast v17, $0x9;
	[tilespmem:s7+$0xFFFFFFF0] =	vst v21  }
0xe0: {  	v33 =	vbroadcast v19, $0x9;
	v32 =	vld.idx.msk [tilespmem:v24+s21+$0x0], $0xffff  }
0xe1: {  	v34 =	vbroadcast v16, $0x9;
	v35 =	vand.u32 $0xFFFFFF80, v31;
	v20 =	vld.idx.msk [tilespmem:v20+s13+$0x0], $0xffff  }
0xe2: {  	v23 =	vadd.s32 v35, v33;
	v21 =	vand.u32 $0x7F, v31  }
0xe3: {  	v24 =	vadd.s32 v9, v34;
	v21 =	vor.u32 v21, v23  }
0xe4: {  	v21 =	vadd.s32 v0, v21;
	s10 =	spop (v2sf)  }
0xe5: {  	(v2sf) =	vpush v18, $0xA;
	p5 =	seq.s32 s10, $0x0  }
0xe6: {  	v20 =	vpsel p5, v32, v20  }
0xe7: {  	v36 =	vbroadcast v17, $0xA;
	[tilespmem:s7+$0x0] =	vst v20  }
0xe8: {  	v38 =	vbroadcast v19, $0xA;
	v37 =	vld.idx.msk [tilespmem:v24+s21+$0x0], $0xffff  }
0xe9: {  	v39 =	vbroadcast v16, $0xA;
	v40 =	vand.u32 $0xFFFFFF80, v36;
	v21 =	vld.idx.msk [tilespmem:v21+s13+$0x0], $0xffff  }
0xea: {  	v23 =	vadd.s32 v40, v38;
	v20 =	vand.u32 $0x7F, v36  }
0xeb: {  	v24 =	vadd.s32 v10, v39;
	v20 =	vor.u32 v20, v23  }
0xec: {  	s11 =	spop (v2sf);
	v20 =	vadd.s32 v0, v20  }
0xed: {  	(v2sf) =	vpush v18, $0xB;
	p6 =	seq.s32 s11, $0x0  }
0xee: {  	v21 =	vpsel p6, v37, v21  }
0xef: {  	v41 =	vbroadcast v17, $0xB;
	[tilespmem:s7+$0x10] =	vst v21  }
0xf0: {  	v43 =	vbroadcast v19, $0xB;
	v42 =	vld.idx.msk [tilespmem:v24+s21+$0x0], $0xffff  }
0xf1: {  	v44 =	vbroadcast v16, $0xB;
	v45 =	vand.u32 $0xFFFFFF80, v41;
	v20 =	vld.idx.msk [tilespmem:v20+s13+$0x0], $0xffff  }
0xf2: {  	v23 =	vadd.s32 v45, v43;
	v21 =	vand.u32 $0x7F, v41  }
0xf3: {  	v24 =	vadd.s32 v11, v44;
	v21 =	vor.u32 v21, v23  }
0xf4: {  	v21 =	vadd.s32 v0, v21;
	s10 =	spop (v2sf)  }
0xf5: {  	(v2sf) =	vpush v18, $0xC;
	p1 =	seq.s32 s10, $0x0  }
0xf6: {  	v20 =	vpsel p1, v42, v20  }
0xf7: {  	v46 =	vbroadcast v17, $0xC;
	[tilespmem:s7+$0x20] =	vst v20  }
0xf8: {  	v48 =	vbroadcast v19, $0xC;
	v47 =	vld.idx.msk [tilespmem:v24+s21+$0x0], $0xffff  }
0xf9: {  	v49 =	vbroadcast v16, $0xC;
	v50 =	vand.u32 $0xFFFFFF80, v46;
	v21 =	vld.idx.msk [tilespmem:v21+s13+$0x0], $0xffff  }
0xfa: {  	v23 =	vadd.s32 v50, v48;
	v20 =	vand.u32 $0x7F, v46  }
0xfb: {  	v24 =	vadd.s32 v12, v49;
	v20 =	vor.u32 v20, v23  }
0xfc: {  	s11 =	spop (v2sf);
	v20 =	vadd.s32 v0, v20  }
0xfd: {  	(v2sf) =	vpush v18, $0xD;
	p2 =	seq.s32 s11, $0x0  }
0xfe: {  	v21 =	vpsel p2, v47, v21  }
0xff: {  	v51 =	vbroadcast v17, $0xD;
	[tilespmem:s7+$0x30] =	vst v21  }
0x100: {  	v53 =	vbroadcast v19, $0xD;
	v52 =	vld.idx.msk [tilespmem:v24+s21+$0x0], $0xffff  }
0x101: {  	v54 =	vbroadcast v16, $0xD;
	v55 =	vand.u32 $0xFFFFFF80, v51;
	v20 =	vld.idx.msk [tilespmem:v20+s13+$0x0], $0xffff  }
0x102: {  	v23 =	vadd.s32 v55, v53;
	v21 =	vand.u32 $0x7F, v51  }
0x103: {  	v24 =	vadd.s32 v13, v54;
	v21 =	vor.u32 v21, v23  }
0x104: {  	v21 =	vadd.s32 v0, v21;
	s10 =	spop (v2sf)  }
0x105: {  	(v2sf) =	vpush v18, $0xE;
	p3 =	seq.s32 s10, $0x0  }
0x106: {  	v20 =	vpsel p3, v52, v20  }
0x107: {  	v56 =	vbroadcast v17, $0xE;
	[tilespmem:s7+$0x40] =	vst v20  }
0x108: {  	v58 =	vbroadcast v19, $0xE;
	v57 =	vld.idx.msk [tilespmem:v24+s21+$0x0], $0xffff  }
0x109: {  	v59 =	vbroadcast v16, $0xE;
	v60 =	vand.u32 $0xFFFFFF80, v56;
	v21 =	vld.idx.msk [tilespmem:v21+s13+$0x0], $0xffff  }
0x10a: {  	v23 =	vadd.s32 v60, v58;
	v20 =	vand.u32 $0x7F, v56  }
0x10b: {  	v61 =	vadd.s32 v14, v59;
	v20 =	vor.u32 v20, v23  }
0x10c: {  	s11 =	spop (v2sf);
	v20 =	vadd.s32 v0, v20  }
0x10d: {  	(v2sf) =	vpush v18, $0xF;
	p4 =	seq.s32 s11, $0x0  }
0x10e: {  	v62 =	vpsel p4, v57, v21  }
0x10f: {  	v17 =	vbroadcast v17, $0xF;
	[tilespmem:s7+$0x50] =	vst v62  }
0x110: {  	v19 =	vbroadcast v19, $0xF;
	v18 =	vld.idx.msk [tilespmem:v61+s21+$0x0], $0xffff  }
0x111: {  	v16 =	vbroadcast v16, $0xF;
	v63 =	vand.u32 $0xFFFFFF80, v17;
	v20 =	vld.idx.msk [tilespmem:v20+s13+$0x0], $0xffff  }
0x112: {  	v17 =	vand.u32 $0x7F, v17;
	v19 =	vadd.s32 v63, v19  }
0x113: {  	v16 =	vadd.s32 v15, v16;
	v17 =	vor.u32 v17, v19  }
0x114: {  	v17 =	vadd.s32 v0, v17;
	s10 =	spop (v2sf)  }
0x115: {  	p5 =	seq.s32 s10, $0x0  }
0x116: {  	v18 =	vpsel p5, v18, v20  }
0x117: {  	[tilespmem:s7+$0x60] =	vst v18  }
0x118: {  	v16 =	vld.idx.msk [tilespmem:v16+s21+$0x0], $0xffff  }
0x119: {  	v17 =	vld.idx.msk [tilespmem:v17+s13+$0x0], $0xffff  }
0x11a: {  	p0 =	sne.s32 s8, $0x19C0  }
.Ltmp0:
0x11b: {  	_ = 	snop;
	(pc) =	sbr.rel @p0 .LBB2_2-.Ltmp0, $4  }
0x11c: {  	s11 =	spop (v2sf)  }
0x11d: {  	p6 =	seq.s32 s11, $0x0  }
0x11e: {  	v16 =	vpsel p6, v16, v17  }
0x11f: {  	s8 =	sadd.s32 $0x40, s8;
	[tilespmem:s7+$0x70] =	vst v16;
	s7 =	sadd.s32 $0x100, s7  }
0x120: {  	s7 =	simm.s32 $0x0;
	s8 =	rddreg [dreg:$0x9]  }
0x121: {  	[hbm4b:s8+s7] =	stream.linear.scatter [tilespmem:s5], [sflag:$0x2], $0x6800, $0x38;
	[tilespmem:$0x1F900] =	vst v63  }
0x122: {  	_ =	swait.ge [sflag:s14], $0x6800  }
0x123: {  	[sflag:s14] =	ssyncset.done $0x0  }
0x124: {  	s8 =	simm.s32 $0x19180;
	[sflag:s14] =	ssyncadd.s32 $0xFFFF9800  }
.LBB2_4:
0x125: {  	s9 =	sshra.s32 s7, $0x2  }
0x126: {  	v16 =	vld [tilespmem:s9+$0x680]  }
0x127: {  	v17 =	vld [tilespmem:s9+$0x1380];
	_ =	sdelay $0x3  }
0x128: {  	v16 =	vshrl.u32 v16, $0x3  }
0x129: {  	v17 =	vshll.u32 v17, $0x3;
	v16 =	vmul.u32 $0xC3800, v16  }
0x12a: {  	(v2sf) =	vpush v17, $0x0  }
0x12b: {  	(v2sf) =	vpush v16, $0x0;
	_ =	sdelay $0x2  }
0x12c: {  	(v2sf) =	vpush v17, $0x1;
	_ =	sdelay $0x1  }
0x12d: {  	(v2sf) =	vpush v16, $0x1;
	_ =	sdelay $0x2  }
0x12e: {  	(v2sf) =	vpush v17, $0x2;
	_ =	sdelay $0x1  }
0x12f: {  	(v2sf) =	vpush v16, $0x2;
	_ =	sdelay $0x3  }
0x130: {  	s10 =	spop (v2sf)  }
0x131: {  	(v2sf) =	vpush v17, $0x3;
	s10 =	sand.u32 $0x7FFFFC00, s10;
	s11 =	spop (v2sf)  }
0x132: {  	(v2sf) =	vpush v16, $0x3;
	s10 =	sadd.s32 s11, s10  }
0x133: {  	s10 =	sshrl.u32 s10, $0x3  }
0x134: {  	s11 =	spop (v2sf);
	s10 =	sadd.s32 s2, s10  }
0x135: {  	(v2sf) =	vpush v17, $0x4;
	[tilespmem:s21], [sflag:$0x1] =	stream.strided.gather [hbm4b:s10+s19], $0x800, s20, s19, $0x38;
	[tilespmem:$0x1F900] =	vst v63  }
0x136: {  	s10 =	sand.u32 $0x7FFFFC00, s11;
	s11 =	spop (v2sf)  }
0x137: {  	(v2sf) =	vpush v16, $0x4;
	s10 =	sadd.s32 s11, s10  }
0x138: {  	s10 =	sshrl.u32 s10, $0x3  }
0x139: {  	s11 =	spop (v2sf);
	s10 =	sadd.s32 s2, s10  }
0x13a: {  	(v2sf) =	vpush v17, $0x5;
	[tilespmem:s22], [sflag:$0x1] =	stream.strided.gather [hbm4b:s10+s19], $0x800, s20, s19, $0x38;
	[tilespmem:$0x1F900] =	vst v63  }
0x13b: {  	s10 =	sand.u32 $0x7FFFFC00, s11;
	s11 =	spop (v2sf)  }
0x13c: {  	(v2sf) =	vpush v16, $0x5;
	s10 =	sadd.s32 s11, s10  }
0x13d: {  	s10 =	sshrl.u32 s10, $0x3  }
0x13e: {  	s10 =	sadd.s32 s2, s10  }
0x13f: {  	[tilespmem:s23], [sflag:$0x1] =	stream.strided.gather [hbm4b:s10+s19], $0x800, s20, s19, $0x38;
	[tilespmem:$0x1F900] =	vst v63  }
0x140: {  	s11 =	spop (v2sf)  }
0x141: {  	(v2sf) =	vpush v17, $0x6;
	s10 =	sand.u32 $0x7FFFFC00, s11;
	s11 =	spop (v2sf)  }
0x142: {  	(v2sf) =	vpush v16, $0x6;
	s10 =	sadd.s32 s11, s10  }
0x143: {  	s10 =	sshrl.u32 s10, $0x3  }
0x144: {  	s11 =	spop (v2sf);
	s10 =	sadd.s32 s2, s10  }
0x145: {  	(v2sf) =	vpush v17, $0x7;
	[tilespmem:s24], [sflag:$0x1] =	stream.strided.gather [hbm4b:s10+s19], $0x800, s20, s19, $0x38;
	[tilespmem:$0x1F900] =	vst v63  }
0x146: {  	s10 =	sand.u32 $0x7FFFFC00, s11;
	s11 =	spop (v2sf)  }
0x147: {  	(v2sf) =	vpush v16, $0x7;
	s10 =	sadd.s32 s11, s10  }
0x148: {  	s10 =	sshrl.u32 s10, $0x3  }
0x149: {  	s11 =	spop (v2sf);
	s10 =	sadd.s32 s2, s10  }
0x14a: {  	(v2sf) =	vpush v17, $0x8;
	[tilespmem:s25], [sflag:$0x1] =	stream.strided.gather [hbm4b:s10+s19], $0x800, s20, s19, $0x38;
	[tilespmem:$0x1F900] =	vst v63  }
0x14b: {  	s10 =	sand.u32 $0x7FFFFC00, s11;
	s11 =	spop (v2sf)  }
0x14c: {  	(v2sf) =	vpush v16, $0x8;
	s10 =	sadd.s32 s11, s10  }
0x14d: {  	s10 =	sshrl.u32 s10, $0x3  }
0x14e: {  	s10 =	sadd.s32 s2, s10  }
0x14f: {  	[tilespmem:s26], [sflag:$0x1] =	stream.strided.gather [hbm4b:s10+s19], $0x800, s20, s19, $0x38;
	[tilespmem:$0x1F900] =	vst v63  }
0x150: {  	s11 =	spop (v2sf)  }
0x151: {  	(v2sf) =	vpush v17, $0x9;
	s10 =	sand.u32 $0x7FFFFC00, s11;
	s11 =	spop (v2sf)  }
0x152: {  	(v2sf) =	vpush v16, $0x9;
	s10 =	sadd.s32 s11, s10  }
0x153: {  	s10 =	sshrl.u32 s10, $0x3  }
0x154: {  	s11 =	spop (v2sf);
	s10 =	sadd.s32 s2, s10  }
0x155: {  	(v2sf) =	vpush v17, $0xA;
	[tilespmem:s28], [sflag:$0x1] =	stream.strided.gather [hbm4b:s10+s19], $0x800, s20, s19, $0x38;
	[tilespmem:$0x1F900] =	vst v63  }
0x156: {  	s10 =	sand.u32 $0x7FFFFC00, s11;
	s11 =	spop (v2sf)  }
0x157: {  	(v2sf) =	vpush v16, $0xA;
	s10 =	sadd.s32 s11, s10  }
0x158: {  	s10 =	sshrl.u32 s10, $0x3  }
0x159: {  	s11 =	spop (v2sf);
	s10 =	sadd.s32 s2, s10  }
0x15a: {  	(v2sf) =	vpush v17, $0xB;
	[tilespmem:s29], [sflag:$0x1] =	stream.strided.gather [hbm4b:s10+s19], $0x800, s20, s19, $0x38;
	[tilespmem:$0x1F900] =	vst v63  }
0x15b: {  	s10 =	sand.u32 $0x7FFFFC00, s11;
	s11 =	spop (v2sf)  }
0x15c: {  	(v2sf) =	vpush v16, $0xB;
	s10 =	sadd.s32 s11, s10  }
0x15d: {  	s10 =	sshrl.u32 s10, $0x3  }
0x15e: {  	s10 =	sadd.s32 s2, s10  }
0x15f: {  	[tilespmem:s30], [sflag:$0x1] =	stream.strided.gather [hbm4b:s10+s19], $0x800, s20, s19, $0x38;
	[tilespmem:$0x1F900] =	vst v63  }
0x160: {  	s11 =	spop (v2sf)  }
0x161: {  	(v2sf) =	vpush v17, $0xC;
	s10 =	sand.u32 $0x7FFFFC00, s11;
	s11 =	spop (v2sf)  }
0x162: {  	(v2sf) =	vpush v16, $0xC;
	s10 =	sadd.s32 s11, s10  }
0x163: {  	s10 =	sshrl.u32 s10, $0x3  }
0x164: {  	s11 =	spop (v2sf);
	s10 =	sadd.s32 s2, s10  }
0x165: {  	(v2sf) =	vpush v17, $0xD;
	[tilespmem:s31], [sflag:$0x1] =	stream.strided.gather [hbm4b:s10+s19], $0x800, s20, s19, $0x38;
	[tilespmem:$0x1F900] =	vst v63  }
0x166: {  	s10 =	sand.u32 $0x7FFFFC00, s11;
	s11 =	spop (v2sf)  }
0x167: {  	(v2sf) =	vpush v16, $0xD;
	s10 =	sadd.s32 s11, s10  }
0x168: {  	s10 =	sshrl.u32 s10, $0x3  }
0x169: {  	s11 =	spop (v2sf);
	s10 =	sadd.s32 s2, s10  }
0x16a: {  	(v2sf) =	vpush v17, $0xE;
	[tilespmem:s1], [sflag:$0x1] =	stream.strided.gather [hbm4b:s10+s19], $0x800, s20, s19, $0x38;
	[tilespmem:$0x1F900] =	vst v63  }
0x16b: {  	s10 =	sand.u32 $0x7FFFFC00, s11;
	s11 =	spop (v2sf)  }
0x16c: {  	(v2sf) =	vpush v16, $0xE;
	s10 =	sadd.s32 s11, s10  }
0x16d: {  	s10 =	sshrl.u32 s10, $0x3  }
0x16e: {  	s10 =	sadd.s32 s2, s10  }
0x16f: {  	[tilespmem:s0], [sflag:$0x1] =	stream.strided.gather [hbm4b:s10+s19], $0x800, s20, s19, $0x38;
	[tilespmem:$0x1F900] =	vst v63  }
0x170: {  	s11 =	spop (v2sf)  }
0x171: {  	(v2sf) =	vpush v16, $0xF;
	s10 =	sand.u32 $0x7FFFFC00, s11;
	s11 =	spop (v2sf)  }
0x172: {  	(v2sf) =	vpush v17, $0xF;
	s10 =	sadd.s32 s11, s10  }
0x173: {  	s10 =	sshrl.u32 s10, $0x3  }
0x174: {  	s11 =	spop (v2sf);
	s10 =	sadd.s32 s2, s10  }
0x175: {  	[tilespmem:s15], [sflag:$0x1] =	stream.strided.gather [hbm4b:s10+s19], $0x800, s20, s19, $0x38;
	[tilespmem:$0x1F900] =	vst v63  }
0x176: {  	s11 =	sand.u32 $0x7FFFFC00, s11;
	s10 =	spop (v2sf)  }
0x177: {  	s10 =	sadd.s32 s10, s11  }
0x178: {  	s10 =	sshrl.u32 s10, $0x3  }
0x179: {  	s11 =	spop (v2sf);
	s10 =	sadd.s32 s2, s10  }
0x17a: {  	[tilespmem:s16], [sflag:$0x1] =	stream.strided.gather [hbm4b:s10+s19], $0x800, s20, s19, $0x38;
	[tilespmem:$0x1F900] =	vst v63  }
0x17b: {  	s11 =	sand.u32 $0x7FFFFC00, s11;
	s10 =	spop (v2sf)  }
0x17c: {  	s10 =	sadd.s32 s10, s11  }
0x17d: {  	s10 =	sshrl.u32 s10, $0x3  }
0x17e: {  	s10 =	sadd.s32 s2, s10  }
0x17f: {  	[tilespmem:s17], [sflag:$0x1] =	stream.strided.gather [hbm4b:s10+s19], $0x800, s20, s19, $0x38;
	[tilespmem:$0x1F900] =	vst v63  }
0x180: {  	s10 =	spop (v2sf)  }
0x181: {  	s11 =	spop (v2sf)  }
0x182: {  	s11 =	sand.u32 $0x7FFFFC00, s11  }
0x183: {  	s10 =	sadd.s32 s10, s11  }
0x184: {  	s10 =	sshrl.u32 s10, $0x3  }
0x185: {  	s10 =	sadd.s32 s2, s10  }
0x186: {  	[tilespmem:s18], [sflag:$0x1] =	stream.strided.gather [hbm4b:s10+s19], $0x800, s20, s19, $0x38;
	[tilespmem:$0x1F900] =	vst v63  }
0x187: {  	_ =	swait.ge [sflag:s4], $0x8000  }
0x188: {  	[sflag:s4] =	ssyncset.done $0x0  }
0x189: {  	[sflag:s4] =	ssyncadd.s32 $0xFFFF8000  }
0x18a: {  	v18 =	vld [tilespmem:s9+$0x2D80]  }
0x18b: {  	v19 =	vld [tilespmem:s9+$0x680]  }
0x18c: {  	v17 =	vld [tilespmem:s9+$0x3A80];
	_ =	sdelay $0x1  }
0x18d: {  	v16 =	vld [tilespmem:s9+$0x2080]  }
0x18e: {  	(v2sf) =	vpush v18, $0x0;
	_ =	sdelay $0x1  }
0x18f: {  	v19 =	vshll.u32 v19, $0x7;
	v20 =	vbroadcast v17, $0x0  }
0x190: {  	v21 =	vbroadcast v19, $0x0  }
0x191: {  	v22 =	vbroadcast v16, $0x0;
	v23 =	vand.u32 $0xFFFFFF80, v20  }
0x192: {  	v20 =	vand.u32 $0x7F, v20;
	v21 =	vadd.s32 v23, v21  }
0x193: {  	v22 =	vadd.s32 v0, v22;
	v20 =	vor.u32 v20, v21  }
0x194: {  	v20 =	vadd.s32 v0, v20  }
0x195: {  	(v2sf) =	vpush v18, $0x1;
	_ =	sdelay $0x1  }
0x196: {  	v30 =	vbroadcast v17, $0x1  }
0x197: {  	v31 =	vbroadcast v19, $0x1;
	v22 =	vld.idx.msk [tilespmem:v22+s21+$0x0], $0xffff  }
0x198: {  	v24 =	vbroadcast v16, $0x1;
	v25 =	vand.u32 $0xFFFFFF80, v30;
	v20 =	vld.idx.msk [tilespmem:v20+s13+$0x0], $0xffff  }
0x199: {  	v23 =	vadd.s32 v25, v31;
	v21 =	vand.u32 $0x7F, v30  }
0x19a: {  	v24 =	vadd.s32 v1, v24;
	v21 =	vor.u32 v21, v23  }
0x19b: {  	v21 =	vadd.s32 v0, v21;
	s10 =	spop (v2sf)  }
0x19c: {  	(v2sf) =	vpush v18, $0x2;
	p0 =	seq.s32 s10, $0x0  }
0x19d: {  	v20 =	vpsel p0, v22, v20  }
0x19e: {  	v32 =	vbroadcast v17, $0x2;
	[tilespmem:s8+$0xFFFFFF80] =	vst v20  }
0x19f: {  	v34 =	vbroadcast v19, $0x2;
	v33 =	vld.idx.msk [tilespmem:v24+s21+$0x0], $0xffff  }
0x1a0: {  	v35 =	vbroadcast v16, $0x2;
	v36 =	vand.u32 $0xFFFFFF80, v32;
	v21 =	vld.idx.msk [tilespmem:v21+s13+$0x0], $0xffff  }
0x1a1: {  	v23 =	vadd.s32 v36, v34;
	v20 =	vand.u32 $0x7F, v32  }
0x1a2: {  	v24 =	vadd.s32 v2, v35;
	v20 =	vor.u32 v20, v23  }
0x1a3: {  	s11 =	spop (v2sf);
	v20 =	vadd.s32 v0, v20  }
0x1a4: {  	(v2sf) =	vpush v18, $0x3;
	p4 =	seq.s32 s11, $0x0  }
0x1a5: {  	v21 =	vpsel p4, v33, v21  }
0x1a6: {  	v37 =	vbroadcast v17, $0x3;
	[tilespmem:s8+$0xFFFFFF90] =	vst v21  }
0x1a7: {  	v39 =	vbroadcast v19, $0x3;
	v38 =	vld.idx.msk [tilespmem:v24+s21+$0x0], $0xffff  }
0x1a8: {  	v40 =	vbroadcast v16, $0x3;
	v41 =	vand.u32 $0xFFFFFF80, v37;
	v20 =	vld.idx.msk [tilespmem:v20+s13+$0x0], $0xffff  }
0x1a9: {  	v23 =	vadd.s32 v41, v39;
	v21 =	vand.u32 $0x7F, v37  }
0x1aa: {  	v24 =	vadd.s32 v3, v40;
	v21 =	vor.u32 v21, v23  }
0x1ab: {  	v21 =	vadd.s32 v0, v21;
	s10 =	spop (v2sf)  }
0x1ac: {  	(v2sf) =	vpush v18, $0x4;
	p5 =	seq.s32 s10, $0x0  }
0x1ad: {  	v20 =	vpsel p5, v38, v20  }
0x1ae: {  	v42 =	vbroadcast v17, $0x4;
	[tilespmem:s8+$0xFFFFFFA0] =	vst v20  }
0x1af: {  	v44 =	vbroadcast v19, $0x4;
	v43 =	vld.idx.msk [tilespmem:v24+s21+$0x0], $0xffff  }
0x1b0: {  	v45 =	vbroadcast v16, $0x4;
	v46 =	vand.u32 $0xFFFFFF80, v42;
	v21 =	vld.idx.msk [tilespmem:v21+s13+$0x0], $0xffff  }
0x1b1: {  	v23 =	vadd.s32 v46, v44;
	v20 =	vand.u32 $0x7F, v42  }
0x1b2: {  	v24 =	vadd.s32 v4, v45;
	v20 =	vor.u32 v20, v23  }
0x1b3: {  	s11 =	spop (v2sf);
	v20 =	vadd.s32 v0, v20  }
0x1b4: {  	(v2sf) =	vpush v18, $0x5;
	p6 =	seq.s32 s11, $0x0  }
0x1b5: {  	v21 =	vpsel p6, v43, v21  }
0x1b6: {  	v47 =	vbroadcast v17, $0x5;
	[tilespmem:s8+$0xFFFFFFB0] =	vst v21  }
0x1b7: {  	v49 =	vbroadcast v19, $0x5;
	v48 =	vld.idx.msk [tilespmem:v24+s21+$0x0], $0xffff  }
0x1b8: {  	v50 =	vbroadcast v16, $0x5;
	v51 =	vand.u32 $0xFFFFFF80, v47;
	v20 =	vld.idx.msk [tilespmem:v20+s13+$0x0], $0xffff  }
0x1b9: {  	v23 =	vadd.s32 v51, v49;
	v21 =	vand.u32 $0x7F, v47  }
0x1ba: {  	v24 =	vadd.s32 v5, v50;
	v21 =	vor.u32 v21, v23  }
0x1bb: {  	v21 =	vadd.s32 v0, v21;
	s10 =	spop (v2sf)  }
0x1bc: {  	(v2sf) =	vpush v18, $0x6;
	p1 =	seq.s32 s10, $0x0  }
0x1bd: {  	v20 =	vpsel p1, v48, v20  }
0x1be: {  	v52 =	vbroadcast v17, $0x6;
	[tilespmem:s8+$0xFFFFFFC0] =	vst v20  }
0x1bf: {  	v54 =	vbroadcast v19, $0x6;
	v53 =	vld.idx.msk [tilespmem:v24+s21+$0x0], $0xffff  }
0x1c0: {  	v55 =	vbroadcast v16, $0x6;
	v56 =	vand.u32 $0xFFFFFF80, v52;
	v21 =	vld.idx.msk [tilespmem:v21+s13+$0x0], $0xffff  }
0x1c1: {  	v23 =	vadd.s32 v56, v54;
	v20 =	vand.u32 $0x7F, v52  }
0x1c2: {  	v24 =	vadd.s32 v6, v55;
	v20 =	vor.u32 v20, v23  }
0x1c3: {  	s11 =	spop (v2sf);
	v20 =	vadd.s32 v0, v20  }
0x1c4: {  	(v2sf) =	vpush v18, $0x7;
	p2 =	seq.s32 s11, $0x0  }
0x1c5: {  	v21 =	vpsel p2, v53, v21  }
0x1c6: {  	v57 =	vbroadcast v17, $0x7;
	[tilespmem:s8+$0xFFFFFFD0] =	vst v21  }
0x1c7: {  	v59 =	vbroadcast v19, $0x7;
	v58 =	vld.idx.msk [tilespmem:v24+s21+$0x0], $0xffff  }
0x1c8: {  	v60 =	vbroadcast v16, $0x7;
	v61 =	vand.u32 $0xFFFFFF80, v57;
	v20 =	vld.idx.msk [tilespmem:v20+s13+$0x0], $0xffff  }
0x1c9: {  	v23 =	vadd.s32 v61, v59;
	v21 =	vand.u32 $0x7F, v57  }
0x1ca: {  	v24 =	vadd.s32 v7, v60;
	v21 =	vor.u32 v21, v23  }
0x1cb: {  	v21 =	vadd.s32 v0, v21;
	s10 =	spop (v2sf)  }
0x1cc: {  	(v2sf) =	vpush v18, $0x8;
	p3 =	seq.s32 s10, $0x0  }
0x1cd: {  	v20 =	vpsel p3, v58, v20  }
0x1ce: {  	v62 =	vbroadcast v17, $0x8;
	[tilespmem:s8+$0xFFFFFFE0] =	vst v20  }
0x1cf: {  	v28 =	vbroadcast v19, $0x8;
	v63 =	vld.idx.msk [tilespmem:v24+s21+$0x0], $0xffff  }
0x1d0: {  	v29 =	vbroadcast v16, $0x8;
	v30 =	vand.u32 $0xFFFFFF80, v62;
	v21 =	vld.idx.msk [tilespmem:v21+s13+$0x0], $0xffff  }
0x1d1: {  	v23 =	vadd.s32 v30, v28;
	v20 =	vand.u32 $0x7F, v62  }
0x1d2: {  	v24 =	vadd.s32 v8, v29;
	v20 =	vor.u32 v20, v23  }
0x1d3: {  	s11 =	spop (v2sf);
	v20 =	vadd.s32 v0, v20  }
0x1d4: {  	(v2sf) =	vpush v18, $0x9;
	p4 =	seq.s32 s11, $0x0  }
0x1d5: {  	v21 =	vpsel p4, v63, v21  }
0x1d6: {  	v31 =	vbroadcast v17, $0x9;
	[tilespmem:s8+$0xFFFFFFF0] =	vst v21  }
0x1d7: {  	v33 =	vbroadcast v19, $0x9;
	v32 =	vld.idx.msk [tilespmem:v24+s21+$0x0], $0xffff  }
0x1d8: {  	v34 =	vbroadcast v16, $0x9;
	v35 =	vand.u32 $0xFFFFFF80, v31;
	v20 =	vld.idx.msk [tilespmem:v20+s13+$0x0], $0xffff  }
0x1d9: {  	v23 =	vadd.s32 v35, v33;
	v21 =	vand.u32 $0x7F, v31  }
0x1da: {  	v24 =	vadd.s32 v9, v34;
	v21 =	vor.u32 v21, v23  }
0x1db: {  	v21 =	vadd.s32 v0, v21;
	s10 =	spop (v2sf)  }
0x1dc: {  	(v2sf) =	vpush v18, $0xA;
	p5 =	seq.s32 s10, $0x0  }
0x1dd: {  	v20 =	vpsel p5, v32, v20  }
0x1de: {  	v36 =	vbroadcast v17, $0xA;
	[tilespmem:s8+$0x0] =	vst v20  }
0x1df: {  	v38 =	vbroadcast v19, $0xA;
	v37 =	vld.idx.msk [tilespmem:v24+s21+$0x0], $0xffff  }
0x1e0: {  	v39 =	vbroadcast v16, $0xA;
	v40 =	vand.u32 $0xFFFFFF80, v36;
	v21 =	vld.idx.msk [tilespmem:v21+s13+$0x0], $0xffff  }
0x1e1: {  	v23 =	vadd.s32 v40, v38;
	v20 =	vand.u32 $0x7F, v36  }
0x1e2: {  	v24 =	vadd.s32 v10, v39;
	v20 =	vor.u32 v20, v23  }
0x1e3: {  	s11 =	spop (v2sf);
	v20 =	vadd.s32 v0, v20  }
0x1e4: {  	(v2sf) =	vpush v18, $0xB;
	p6 =	seq.s32 s11, $0x0  }
0x1e5: {  	v21 =	vpsel p6, v37, v21  }
0x1e6: {  	v41 =	vbroadcast v17, $0xB;
	[tilespmem:s8+$0x10] =	vst v21  }
0x1e7: {  	v43 =	vbroadcast v19, $0xB;
	v42 =	vld.idx.msk [tilespmem:v24+s21+$0x0], $0xffff  }
0x1e8: {  	v44 =	vbroadcast v16, $0xB;
	v45 =	vand.u32 $0xFFFFFF80, v41;
	v20 =	vld.idx.msk [tilespmem:v20+s13+$0x0], $0xffff  }
0x1e9: {  	v23 =	vadd.s32 v45, v43;
	v21 =	vand.u32 $0x7F, v41  }
0x1ea: {  	v24 =	vadd.s32 v11, v44;
	v21 =	vor.u32 v21, v23  }
0x1eb: {  	v21 =	vadd.s32 v0, v21;
	s10 =	spop (v2sf)  }
0x1ec: {  	(v2sf) =	vpush v18, $0xC;
	p1 =	seq.s32 s10, $0x0  }
0x1ed: {  	v20 =	vpsel p1, v42, v20  }
0x1ee: {  	v46 =	vbroadcast v17, $0xC;
	[tilespmem:s8+$0x20] =	vst v20  }
0x1ef: {  	v48 =	vbroadcast v19, $0xC;
	v47 =	vld.idx.msk [tilespmem:v24+s21+$0x0], $0xffff  }
0x1f0: {  	v49 =	vbroadcast v16, $0xC;
	v50 =	vand.u32 $0xFFFFFF80, v46;
	v21 =	vld.idx.msk [tilespmem:v21+s13+$0x0], $0xffff  }
0x1f1: {  	v23 =	vadd.s32 v50, v48;
	v20 =	vand.u32 $0x7F, v46  }
0x1f2: {  	v24 =	vadd.s32 v12, v49;
	v20 =	vor.u32 v20, v23  }
0x1f3: {  	s11 =	spop (v2sf);
	v20 =	vadd.s32 v0, v20  }
0x1f4: {  	(v2sf) =	vpush v18, $0xD;
	p2 =	seq.s32 s11, $0x0  }
0x1f5: {  	v21 =	vpsel p2, v47, v21  }
0x1f6: {  	v51 =	vbroadcast v17, $0xD;
	[tilespmem:s8+$0x30] =	vst v21  }
0x1f7: {  	v53 =	vbroadcast v19, $0xD;
	v52 =	vld.idx.msk [tilespmem:v24+s21+$0x0], $0xffff  }
0x1f8: {  	v54 =	vbroadcast v16, $0xD;
	v55 =	vand.u32 $0xFFFFFF80, v51;
	v20 =	vld.idx.msk [tilespmem:v20+s13+$0x0], $0xffff  }
0x1f9: {  	v23 =	vadd.s32 v55, v53;
	v21 =	vand.u32 $0x7F, v51  }
0x1fa: {  	v24 =	vadd.s32 v13, v54;
	v21 =	vor.u32 v21, v23  }
0x1fb: {  	v21 =	vadd.s32 v0, v21;
	s10 =	spop (v2sf)  }
0x1fc: {  	(v2sf) =	vpush v18, $0xE;
	p3 =	seq.s32 s10, $0x0  }
0x1fd: {  	v20 =	vpsel p3, v52, v20  }
0x1fe: {  	v56 =	vbroadcast v17, $0xE;
	[tilespmem:s8+$0x40] =	vst v20  }
0x1ff: {  	v58 =	vbroadcast v19, $0xE;
	v57 =	vld.idx.msk [tilespmem:v24+s21+$0x0], $0xffff  }
0x200: {  	v59 =	vbroadcast v16, $0xE;
	v60 =	vand.u32 $0xFFFFFF80, v56;
	v21 =	vld.idx.msk [tilespmem:v21+s13+$0x0], $0xffff  }
0x201: {  	v23 =	vadd.s32 v60, v58;
	v20 =	vand.u32 $0x7F, v56  }
0x202: {  	v61 =	vadd.s32 v14, v59;
	v20 =	vor.u32 v20, v23  }
0x203: {  	s11 =	spop (v2sf);
	v20 =	vadd.s32 v0, v20  }
0x204: {  	(v2sf) =	vpush v18, $0xF;
	p4 =	seq.s32 s11, $0x0  }
0x205: {  	v62 =	vpsel p4, v57, v21  }
0x206: {  	v17 =	vbroadcast v17, $0xF;
	[tilespmem:s8+$0x50] =	vst v62  }
0x207: {  	v19 =	vbroadcast v19, $0xF;
	v18 =	vld.idx.msk [tilespmem:v61+s21+$0x0], $0xffff  }
0x208: {  	v16 =	vbroadcast v16, $0xF;
	v63 =	vand.u32 $0xFFFFFF80, v17;
	v20 =	vld.idx.msk [tilespmem:v20+s13+$0x0], $0xffff  }
0x209: {  	v17 =	vand.u32 $0x7F, v17;
	v19 =	vadd.s32 v63, v19  }
0x20a: {  	v16 =	vadd.s32 v15, v16;
	v17 =	vor.u32 v17, v19  }
0x20b: {  	v17 =	vadd.s32 v0, v17;
	s10 =	spop (v2sf)  }
0x20c: {  	p5 =	seq.s32 s10, $0x0  }
0x20d: {  	v18 =	vpsel p5, v18, v20  }
0x20e: {  	[tilespmem:s8+$0x60] =	vst v18  }
0x20f: {  	v16 =	vld.idx.msk [tilespmem:v16+s21+$0x0], $0xffff  }
0x210: {  	v17 =	vld.idx.msk [tilespmem:v17+s13+$0x0], $0xffff  }
0x211: {  	p0 =	sne.s32 s7, $0x19C0  }
.Ltmp1:
0x212: {  	_ = 	snop;
	(pc) =	sbr.rel @p0 .LBB2_4-.Ltmp1, $4  }
0x213: {  	s11 =	spop (v2sf)  }
0x214: {  	p6 =	seq.s32 s11, $0x0  }
0x215: {  	v16 =	vpsel p6, v16, v17  }
0x216: {  	s7 =	sadd.s32 $0x40, s7;
	[tilespmem:s8+$0x70] =	vst v16;
	s8 =	sadd.s32 $0x100, s8  }
0x217: {  	s6 =	sadd.s32 $0x1, s6  }
0x218: {  	p0 =	sne.s32 s6, s12  }
.Ltmp2:
0x219: {  	s7 =	rddreg [dreg:$0xa];
	(pc) =	sbr.rel @p0 .LBB2_1-.Ltmp2, $4  }
0x21a: {  	[hbm4b:s7+s3] =	stream.linear.scatter [tilespmem:s5], [sflag:$0x2], $0x6800, $0x38;
	[tilespmem:$0x1F900] =	vst v63  }
0x21b: {  	_ =	swait.ge [sflag:s14], $0x6800  }
0x21c: {  	[sflag:s14] =	ssyncset.done $0x0  }
0x21d: {  	[sflag:s14] =	ssyncadd.s32 $0xFFFF9800  }
0x21e: {  	_ =	sfence.sel $0x180000  }
0x21f: {  	[bflag:$0x0] =	sbarrier.arrive $0xFFFF  }
0x220: {  	_ =	strace $0x90000047  }
0x221: {  	s0 =	stileid.u32;
	[bflag:$0x2] =	sbarrier.arrive $0xFFFF  }
0x222: {  	p0 =	sne.s32 s0, $0x0;
	s0 =	rddreg [dreg:$0x2]  }
0x223: {  	s0 =	sadd.s32 @!p0 $0x100000, s0  }
0x224: {  	[sflag:s0] =	ssyncadd.tile.s32 @!p0 $0x1;
	_ =	shalt  }
.Lfunc_end2:
_tile_overlayer_lowered:
.L_overlay_start_2:
0x225: {  	(tag) =	ssettag $0x2  }
0x226: {  	s0 =	rddreg [dreg:$0x0];
	s2 =	stileid.u32  }
0x227: {  	s1 =	rddreg [dreg:$0x1];
	p0 =	sne.s32 s2, $0x0  }
0x228: {  	s3 =	rddreg [dreg:$0x2];
	[bflag:$0x3] =	sbarrier.arrive $0xFFFF;
	s2 =	simm.s32 @!p0 $0x1C02  }
0x229: {  	[timem:s3], [sflag:s2] =	dma.local @!p0 [hbm:s0], s1  }
0x22a: {  	s0 =	simm.s32 @!p0 $0x2  }
0x22b: {  	_ =	swait.ge @!p0 [sflag:s0], s1  }
0x22c: {  	s1 =	ssub.s32 @!p0 $0x0, s1;
	[sflag:s0] =	ssyncset.done @!p0 $0x0  }
0x22d: {  	[sflag:s0] =	ssyncadd.s32 @!p0 s1  }
0x22e: {  	[bflag:$0x3] =	sbarrier.arrive $0xFFFF  }
0x22f: {  	_ =	shalt  }

// kernel: kernel.8.cloned.1.call-start
scs
__scs_entry_jumppad:
0x0: {  	(pc) =	sbr.rel $0x88, $3  }
0x1: {  	(tag) =	ssettag $0x0;
	lr =	simm.s32 $0x1  }
0x2: {  	[smem:$0x3F9C] =	sst lr;
	_ =	strace $0xD0000000  }
0x3: {  	_ = 	snop  }
0x4: {  	_ = 	snop  }
0x5: {  	_ = 	snop  }
0x6: {  	_ = 	snop  }
0x7: {  	_ = 	snop  }
__scs_overlays_trampoline_lowered:
0x8: {  	[smem:$0x3FAB] =	sst s0  }
0x9: {  	[smem:$0x3FAC] =	sst s1  }
0xa: {  	[smem:$0x3FAD] =	sst s2  }
0xb: {  	[smem:$0x3FAE] =	sst s3  }
0xc: {  	[smem:$0x3FAF] =	sst s4  }
0xd: {  	[smem:$0x3FB0] =	sst s5  }
0xe: {  	[smem:$0x3FB1] =	sst s6  }
0xf: {  	[smem:$0x3FB2] =	sst s7  }
0x10: {  	[smem:$0x3FB3] =	sst s8  }
0x11: {  	[smem:$0x3FB4] =	sst s9;
	s0 =	simm.s32 @!p0 $0x0  }
0x12: {  	s1 =	sld [smem:$0x3F9A];
	s0 =	simm.s32 @p0 $0x1  }
0x13: {  	[smem:$0x3FB5] =	sst s0;
	s0 =	simm.s32 @!p1 $0x0  }
0x14: {  	s2 =	sld [smem:$0x3F99];
	s0 =	simm.s32 @p1 $0x1  }
0x15: {  	[smem:$0x3FB6] =	sst s0;
	s0 =	simm.s32 @!p2 $0x0  }
0x16: {  	s3 =	sld [smem:$0x3FDB];
	s0 =	simm.s32 @p2 $0x1  }
0x17: {  	s4 =	simm.s32 $0x1BF5;
	[smem:$0x3FB8] =	sst s0  }
0x18: {  	s0 =	sld [smem:$0x3F9B];
	_ =	swait.ge [sflag:s4], $0x0  }
0x19: {  	s7 =	sld [smem:$0x3F9C]  }
0x1a: {  	s8 =	sadd.s32 $0xFFFFE003, lr  }
0x1b: {  	s9 =	sadd.s32 $0xFFFFFEF7, lr;
	s5 =	simm.s32 $0xFFFFFFFF;
	p2 =	slt.u32 s8, $0xFFFFF086  }
0x1c: {  	p1 =	slt.u32 s9, $0xF7A;
	s5 =	simm.s32 @!p2 $0x0  }
0x1d: {  	s5 =	simm.s32 @p1 $0x1;
	p0 =	seq.s32 s7, s2  }
0x1e: {  	s7 =	smul.u32 @!p0 $0xF7A, s2;
	p2 =	seq.s32 @!p0 s5, $0x0  }
0x1f: {  	s9 =	smul.u32 $0xF7A, s1;
	s8 =	simm.s32 @!p0 $0x1BF5;
	p2 =	por !p2, p0  }
0x20: {  	[sflag:s8] =	ssyncset.s32 @!p0 $0xFFFFF086;
	s6 =	sadd.s32 @!p0 s3, s7;
	s7 =	simm.s32 @!p0 $0x108  }
0x21: {  	s3 =	sadd.s32 s3, s9;
	s6 =	sadd.s32 @!p0 $0x88, s6;
	s7 =	simm.s32 @p2 $0x1082  }
0x22: {  	[simem:s7], [sflag:s8] =	dma.local @!p0 [hbm:s6], $0xF7A  }
0x23: {  	s9 =	sor.u32 $0xD0000000, s2;
	s6 =	simm.s32 $0x108;
	_ =	swait.ge @!p0 [sflag:s8], $0x0  }
0x24: {  	s3 =	sadd.s32 $0x88, s3;
	s6 =	simm.s32 @!p1 $0x1082;
	[sflag:s4] =	ssyncset.s32 $0xFFFFF086  }
0x25: {  	[simem:s6], [sflag:s4] =	dma.local [hbm:s3], $0xF7A  }
0x26: {  	[smem:$0x3F9C] =	sst s1;
	(tag) =	ssettag s2;
	_ =	strace s9  }
0x27: {  	s1 =	sld [smem:$0x3FAC]  }
0x28: {  	s2 =	sld [smem:$0x3FAD]  }
0x29: {  	s4 =	sld [smem:$0x3FAF]  }
0x2a: {  	p0 =	seq.s32 s5, $0x0;
	s5 =	sld [smem:$0x3FB0]  }
0x2b: {  	s6 =	sld [smem:$0x3FB1]  }
0x2c: {  	s7 =	sld [smem:$0x3FB2]  }
0x2d: {  	s3 =	simm.s32 $0x108;
	s8 =	sld [smem:$0x3FB3]  }
0x2e: {  	s3 =	simm.s32 @!p0 $0x1082;
	s9 =	sld [smem:$0x3FB4]  }
0x2f: {  	lr =	sadd.s32 s0, s3;
	s0 =	sld [smem:$0x3FAB]  }
0x30: {  	s3 =	sld [smem:$0x3FAE]  }
0x31: {  	[smem:$0x3FB7] =	sst s10  }
0x32: {  	s10 =	sld [smem:$0x3FB5];
	_ =	sdelay $0x3  }
0x33: {  	p0 =	seq.s32 s10, $0x1;
	s10 =	sld [smem:$0x3FB7];
	_ =	sdelay $0x3  }
0x34: {  	[smem:$0x3FB7] =	sst s10  }
0x35: {  	s10 =	sld [smem:$0x3FB6];
	_ =	sdelay $0x3  }
0x36: {  	p1 =	seq.s32 s10, $0x1;
	s10 =	sld [smem:$0x3FB7];
	_ =	sdelay $0x3  }
0x37: {  	[smem:$0x3FB7] =	sst s10  }
0x38: {  	s10 =	sld [smem:$0x3FB8]  }
0x39: {  	_ = 	snop;
	(pc) =	sbr.ind lr, $3  }
0x3a: {  	_ = 	snop  }
0x3b: {  	_ = 	snop  }
0x3c: {  	p2 =	seq.s32 s10, $0x1;
	s10 =	sld [smem:$0x3FB7]  }
0x3d: {  	_ =	shalt  }
0x3e: {  	_ =	shalt  }
0x3f: {  	_ =	shalt  }
0x40: {  	_ =	shalt  }
0x41: {  	_ =	shalt  }
0x42: {  	_ =	shalt  }
0x43: {  	_ =	shalt  }
0x44: {  	_ =	shalt  }
0x45: {  	_ =	shalt  }
0x46: {  	_ =	shalt  }
0x47: {  	_ =	shalt  }
0x48: {  	_ =	shalt  }
0x49: {  	_ =	shalt  }
0x4a: {  	_ =	shalt  }
0x4b: {  	_ =	shalt  }
0x4c: {  	_ =	shalt  }
0x4d: {  	_ =	shalt  }
0x4e: {  	_ =	shalt  }
0x4f: {  	_ =	shalt  }
0x50: {  	_ =	shalt  }
0x51: {  	_ =	shalt  }
0x52: {  	_ =	shalt  }
0x53: {  	_ =	shalt  }
0x54: {  	_ =	shalt  }
0x55: {  	_ =	shalt  }
0x56: {  	_ =	shalt  }
0x57: {  	_ =	shalt  }
0x58: {  	_ =	shalt  }
0x59: {  	_ =	shalt  }
0x5a: {  	_ =	shalt  }
0x5b: {  	_ =	shalt  }
0x5c: {  	_ =	shalt  }
0x5d: {  	_ =	shalt  }
0x5e: {  	_ =	shalt  }
0x5f: {  	_ =	shalt  }
0x60: {  	_ =	shalt  }
0x61: {  	_ =	shalt  }
0x62: {  	_ =	shalt  }
0x63: {  	_ =	shalt  }
0x64: {  	_ =	shalt  }
0x65: {  	_ =	shalt  }
0x66: {  	_ =	shalt  }
0x67: {  	_ =	shalt  }
0x68: {  	_ =	shalt  }
0x69: {  	_ =	shalt  }
0x6a: {  	_ =	shalt  }
0x6b: {  	_ =	shalt  }
0x6c: {  	_ =	shalt  }
0x6d: {  	_ =	shalt  }
0x6e: {  	_ =	shalt  }
0x6f: {  	_ =	shalt  }
0x70: {  	_ =	shalt  }
0x71: {  	_ =	shalt  }
0x72: {  	_ =	shalt  }
0x73: {  	_ =	shalt  }
0x74: {  	_ =	shalt  }
0x75: {  	_ =	shalt  }
0x76: {  	_ =	shalt  }
0x77: {  	_ =	shalt  }
0x78: {  	_ =	shalt  }
0x79: {  	_ =	shalt  }
0x7a: {  	_ =	shalt  }
0x7b: {  	_ =	shalt  }
0x7c: {  	_ =	shalt  }
0x7d: {  	_ =	shalt  }
0x7e: {  	_ =	shalt  }
0x7f: {  	_ =	shalt  }
0x80: {  	_ =	shalt  }
0x81: {  	_ =	shalt  }
0x82: {  	_ =	shalt  }
0x83: {  	_ =	shalt  }
0x84: {  	_ =	shalt  }
0x85: {  	_ =	shalt  }
0x86: {  	_ =	shalt  }
0x87: {  	_ =	shalt  }
.Lfunc_end0:
.L_simem_size_0:
called_computation.1_lowered:
.L_overlay_start_0:
0x88: {  	s2 =	sld [smem:$0x3FD9]  }
0x89: {  	s3 =	sld [smem:$0x3FFE];
	_ =	sdelay $0x1  }
0x8a: {  	s1 =	srdreg.scid  }
0x8b: {  	s0 =	sand.u32 $0x1, s1  }
0x8c: {  	s17 =	sshll.u32 s0, $0xA;
	s2 =	sadd.s32 s3, s2  }
0x8d: {  	s2 =	sadd.s32 s2, s17  }
0x8e: {  	[smem:$0x3FC3] =	sst s2  }
0x8f: {  	_ = 	snop  }
0x90: {  	s18 =	sld [smem:$0x3FC9];
	(tm) =	ssettm $0x1  }
0x91: {  	s19 =	sld [smem:$0x3FFB];
	_ =	sdelay $0x3  }
0x92: {  	_ =	strace s19  }
0x93: {  	s2 =	sld [smem:$0x3FFC];
	_ =	sdelay $0x3  }
0x94: {  	_ =	strace s2  }
0x95: {  	s2 =	sld [smem:$0x3FFD];
	_ =	sdelay $0x3  }
0x96: {  	_ =	strace s2  }
0x97: {  	_ =	strace $0x8FFFFFFF  }
0x98: {  	s20 =	sld [smem:$0x3FDB];
	_ =	sdelay $0x1  }
0x99: {  	s4 =	simm.s32 $_scs_section_size  }
0x9a: {  	s5 =	simm.s32 $_size__tile_overlayer_lowered;
	s6 =	simm.s32 $_tile_overlayer_lowered  }
0x9b: {  	s7 =	simm.s32 $0x1BFF;
	s21 =	sshll.u32 s6, $0x1;
	s4 =	sadd.s32 s4, s20  }
0x9c: {  	s22 =	simm.s32 $0x0;
	s5 =	sshll.u32 s5, $0x1;
	s6 =	sadd.s32 s21, s4  }
0x9d: {  	[timem:s22], [sflag:s7] =	dma.local [hbm:s6], s5  }
0x9e: {  	_ =	swait.ge [sflag:s7], s5  }
0x9f: {  	s5 =	ssub.s32 $0x0, s5;
	[sflag:s7] =	ssyncset.done $0x0  }
0xa0: {  	[sflag:s7] =	ssyncadd.s32 s5;
	_ =	sdelay $0x1  }
0xa1: {  	s23 =	simm.s32 $0x1B8B  }
0xa2: {  	_ =	swait.ge [sflag:s23], $0x1  }
0xa3: {  	[sflag:s23] =	ssyncset.done $0x0  }
0xa4: {  	[sflag:s23] =	ssyncadd.s32 $0xFFFFFFFF  }
0xa5: {  	s5 =	sld [smem:$0x0]  }
0xa6: {  	s6 =	sand.u32 $0xFFFFFFFE, s1  }
0xa7: {  	p0 =	sne.s32 s1, s6  }
0xa8: {  	s6 =	sshll.u32 @p0 s6, $0xE  }
0xa9: {  	s6 =	sadd.s32 @p0 $0x11B8D, s6;
	s7 =	sshll.u32 @p0 s5, $0x11  }
0xaa: {  	s6 =	sor.u32 @p0 s7, s6  }
0xab: {  	[sflag:s6] =	ssyncadd.remote.s32 @p0 $0x1;
	_ =	sdelay $0x1  }
0xac: {  	s6 =	simm.s32 @p0 $0x1B8D  }
0xad: {  	_ =	swait.eq @p0 [sflag:s6], $0x1  }
0xae: {  	[sflag:s6] =	ssyncadd.s32 @p0 $0xFFFFFFFF  }
0xaf: {  	s7 =	sshll.u32 @!p0 s1, $0xE  }
0xb0: {  	s7 =	sor.u32 @!p0 $0x4000, s7;
	s6 =	simm.s32 @!p0 $0x1B8D  }
0xb1: {  	s5 =	sshll.u32 @!p0 s5, $0x11;
	s7 =	sadd.s32 @!p0 $0x11B8D, s7;
	_ =	swait.eq @!p0 [sflag:s6], $0x1  }
0xb2: {  	s5 =	sor.u32 @!p0 s5, s7;
	[sflag:s6] =	ssyncadd.s32 @!p0 $0xFFFFFFFF  }
0xb3: {  	s25 =	simm.s32 $0x1B8E;
	s24 =	sld [smem:$0x3FFE];
	[sflag:s5] =	ssyncadd.remote.s32 @!p0 $0x1  }
0xb4: {  	s26 =	simm.s32 $execute0_lowered;
	[smem:$0x3FD2] =	sst s25  }
0xb5: {  	s6 =	sshll.u32 s26, $0x1;
	_ =	strace $0x80000049;
	[dreg:$0x1] =	wrdreg $0xFFFFFFFF  }
0xb6: {  	s28 =	simm.s32 $_size_execute0_lowered;
	s4 =	sadd.s32 s4, s6;
	[dreg:$0x0] =	wrdreg $0x0  }
0xb7: {  	s6 =	sshll.u32 s28, $0x1;
	[dreg:$0x2] =	wrdreg s4  }
0xb8: {  	[dreg:$0x3] =	wrdreg s6  }
0xb9: {  	[dreg:$0x4] =	wrdreg $0xC0  }
0xba: {  	_ =	task [dreg:s22], $0x5FFFF  }
0xbb: {  	[dreg:$0x1] =	wrdreg $0xFFFFFFFF  }
0xbc: {  	[dreg:$0x0] =	wrdreg $0x60  }
0xbd: {  	[dreg:$0x2] =	wrdreg s24  }
0xbe: {  	[dreg:$0x3] =	wrdreg s18  }
0xbf: {  	[dreg:$0x4] =	wrdreg $0xA  }
0xc0: {  	_ =	task.clear_ibuf [dreg:s22], $0x5FFFF;
	_ =	strace $0x90000049  }
0xc1: {  	s29 =	simm.s32 $0xA;
	_ =	strace $0x8000004B  }
0xc2: {  	_ =	swait.ge [sflag:s29], $0x1  }
0xc3: {  	[sflag:s29] =	ssyncadd.s32 $0xFFFFFFFF  }
0xc4: {  	_ =	strace $0x9000004B  }
0xc5: {  	_ =	sfence  }
0xc6: {  	s30 =	sld [smem:$0x0];
	_ =	sdelay $0x2  }
0xc7: {  	s31 =	sshll.u32 s1, $0xD;
	s1 =	sshrl.u32 s1, $0x2  }
0xc8: {  	s4 =	sand.u32 $0x4000, s31;
	s1 =	sadd.s32 s1, s30  }
0xc9: {  	s0 =	sor.u32 s4, s0;
	s1 =	sshll.u32 s1, $0x11  }
0xca: {  	s0 =	sor.u32 s1, s0  }
0xcb: {  	s0 =	sadd.s32 $0x8F2B, s0  }
0xcc: {  	[sflag:s0] =	ssyncadd.remote.s32 $0x1  }
0xcd: {  	_ =	sfence.sel $0xFFFF  }
0xce: {  	[dreg:$0x0] =	wrdreg $0xFFFFFFFF;
	(pc) =	sbr.abs _section_cstart, $3  }
0xcf: {  	[dreg:$0x1] =	wrdreg $0xFFFFFFFF  }
0xd0: {  	_ =	task.clear_ibuf [dreg:s22], $0x2FFFF;
	_ =	strace $0x9FFFFFFF  }
0xd1: {  	(tm) =	ssettm $0x7FFFFFFF  }
tec
execute0_lowered:
.L_overlay_start_1:
0x0: {  	(tag) =	ssettag $0x1  }
0x1: {  	s1 =	stileid.u32  }
0x2: {  	p0 =	sgt.u32 s1, $0xC  }
.Ltmp0:
0x3: {  	_ = 	snop;
	(pc) =	sbr.rel @p0 .LBB2_5-.Ltmp0, $4  }
0x4: {  	s3 =	rddreg [dreg:$0x0]  }
0x5: {  	s4 =	rddreg [dreg:$0x1];
	s2 =	simm.s32 $0x0  }
0x6: {  	[smem:$0x7FF] =	sst s2  }
0x7: {  	s0 =	rddreg [dreg:$0x2];
	_ =	strace $0x8000004A  }
0x8: {  	s5 =	srdreg.scid;
	s6 =	sshll.u32 s1, $0x1  }
0x9: {  	s7 =	sadd.s32 $0x46E00, s3;
	s9 =	sshll.u32 s1, $0xA;
	s11 =	simm.s32 $0x19800  }
0xa: {  	s12 =	simm.s32 $0x0;
	s5 =	sand.u32 $0x1, s5;
	s9 =	sand.u32 $0x3000, s9  }
0xb: {  	s6 =	sor.u32 s5, s6;
	s5 =	ssub.s32 $0x2, s5;
	s4 =	sadd.s32 s4, s9  }
0xc: {  	s8 =	sshll.u32 s6, $0x9;
	s10 =	sshll.u32 s6, $0x4;
	s31 =	sshrl.u32 s5, $0x1  }
0xd: {  	s6 =	smul.u32 $0x3100, s6;
	s10 =	sand.u32 $0x70, s10;
	s8 =	sadd.s32 s8, s3  }
0xe: {  	s9 =	ssub.s32 s5, s31;
	s3 =	sadd.s32 s10, s4;
	s4 =	sadd.s32 $0x96800, s8  }
0xf: {  	s5 =	sadd.s32 s7, s6;
	s6 =	smax.u32 s9, $0x1;
	s7 =	simm.s32 $0x1  }
0x10: {  	s8 =	simm.s32 $0x80;
	s9 =	simm.s32 $0x400;
	s10 =	simm.s32 $0x18800  }
.LBB2_2:
0x11: {  	s13 =	simm.s32 $0x0  }
0x12: {  	[tilespmem:s13], [sflag:$0x1] =	stream.linear.gather [hbm4b:s5+s13], $0x18800, $0x38;
	[tilespmem:$0x1A800] =	vst v63  }
0x13: {  	_ =	swait.ge [sflag:s7], $0x18800  }
0x14: {  	[sflag:s7] =	ssyncset.done $0x0  }
0x15: {  	[sflag:s7] =	ssyncadd.s32 $0xFFFE7800  }
0x16: {  	[tilespmem:s10], [sflag:$0x1] =	stream.strided.gather [hbm4b:s3+s8], $0x1000, s9, s8, $0x38;
	[tilespmem:$0x1A800] =	vst v63  }
0x17: {  	_ =	swait.ge [sflag:s7], $0x1000  }
0x18: {  	[sflag:s7] =	ssyncset.done $0x0  }
0x19: {  	s13 =	simm.s32 $0x0;
	[sflag:s7] =	ssyncadd.s32 $0xFFFFF000  }
0x1a: {  	v0 =	vld [tilespmem:s13+$0x18800];
	_ =	sdelay $0x7  }
0x1b: {  	s14 =	simm.s32 $0x10;
	s15 =	simm.s32 $0x80;
	v0 =	vld.idx.msk [tilespmem:v0+s2+$0x0], $0xffff  }
.LBB2_3:
0x1c: {  	p0 =	sne.s32 s15, $0x3FC0;
	v1 =	vld [tilespmem:s14+$0x18800];
	_ =	sdelay $0x3  }
.Ltmp1:
0x1d: {  	(pc) =	sbr.rel @p0 .LBB2_3-.Ltmp1, $2  }
0x1e: {  	[tilespmem:s13+$0x19800] =	vst v0;
	s13 =	smov.u32 s14;
	_ =	sdelay $0x2  }
0x1f: {  	s14 =	sshra.s32 s15, $0x2;
	s15 =	sadd.s32 $0x40, s15;
	v0 =	vld.idx.msk [tilespmem:v1+s2+$0x0], $0xffff  }
0x20: {  	v1 =	vld [tilespmem:s14+$0x18800];
	_ =	sdelay $0x6  }
0x21: {  	[tilespmem:s13+$0x19800] =	vst v0  }
0x22: {  	v0 =	vld.idx.msk [tilespmem:v1+s2+$0x0], $0xffff;
	_ =	sdelay $0x2  }
0x23: {  	s12 =	sadd.s32 $0x1, s12  }
0x24: {  	p0 =	sne.s32 s12, s6  }
.Ltmp2:
0x25: {  	[tilespmem:s14+$0x19800] =	vst v0;
	(pc) =	sbr.rel @p0 .LBB2_2-.Ltmp2, $4  }
0x26: {  	[hbm4b:s4+s2] =	stream.linear.scatter [tilespmem:s11], [sflag:$0x1], $0x1000, $0x38;
	[tilespmem:$0x1A800] =	vst v63  }
0x27: {  	_ =	swait.ge [sflag:s7], $0x1000  }
0x28: {  	[sflag:s7] =	ssyncset.done $0x0  }
0x29: {  	[sflag:s7] =	ssyncadd.s32 $0xFFFFF000  }
.LBB2_5:
0x2a: {  	_ =	sfence.sel $0x180000  }
0x2b: {  	[bflag:$0x0] =	sbarrier.arrive $0xFFFF  }
0x2c: {  	p0 =	sne.s32 s1, $0x0;
	_ =	strace $0x9000004A  }
0x2d: {  	s0 =	sadd.s32 @!p0 $0x100000, s0;
	[bflag:$0x2] =	sbarrier.arrive $0xFFFF  }
0x2e: {  	[sflag:s0] =	ssyncadd.tile.s32 @!p0 $0x1;
	_ =	shalt  }
.Lfunc_end2:
_tile_overlayer_lowered:
.L_overlay_start_2:
0x2f: {  	(tag) =	ssettag $0x2  }
0x30: {  	s0 =	rddreg [dreg:$0x0];
	s2 =	stileid.u32  }
0x31: {  	s1 =	rddreg [dreg:$0x1];
	p0 =	sne.s32 s2, $0x0  }
0x32: {  	s3 =	rddreg [dreg:$0x2];
	[bflag:$0x3] =	sbarrier.arrive $0xFFFF;
	s2 =	simm.s32 @!p0 $0x1C01  }
0x33: {  	[timem:s3], [sflag:s2] =	dma.local @!p0 [hbm:s0], s1  }
0x34: {  	s0 =	simm.s32 @!p0 $0x1  }
0x35: {  	_ =	swait.ge @!p0 [sflag:s0], s1  }
0x36: {  	s1 =	ssub.s32 @!p0 $0x0, s1;
	[sflag:s0] =	ssyncset.done @!p0 $0x0  }
0x37: {  	[sflag:s0] =	ssyncadd.s32 @!p0 s1  }
0x38: {  	[bflag:$0x3] =	sbarrier.arrive $0xFFFF  }
0x39: {  	_ =	shalt  }

</sc_bundles>
